<compile_context>
chip_gen: v7x
topology: tpu7x:2x2x1
jax: 0.10.2.dev20260603
libtpu: 0.0.44.dev20260713+nightly
codegen_flags: <defaults>
</compile_context>

<pallas_src>
import functools

import jax
import jax.numpy as jnp
from jax import lax
from jax.experimental import pallas as pl
from jax.experimental.pallas import tpu as pltpu
from jax.experimental.pallas import tpu_sc as plsc

N = 10000
E = 320000
D_FEAT = 128
D_EDGE = 16
HID = 64
TENC = 32
OUT = 64
NACT = 50

NC, NS, LANES = 2, 16, 16
NW = NC * NS
CHUNK = 64
NCHUNKS = E // CHUNK
FULL = NCHUNKS // NW
REM = NCHUNKS - FULL * NW
CHUNK2 = 128
NCHUNKS2 = E // CHUNK2
FULL2 = NCHUNKS2 // NW
REM2 = NCHUNKS2 - FULL2 * NW
AGG_W = 128
TAB_W = 2 * HID
ROWS_PER_TILE = 624
TAIL_ROW0 = NS * ROWS_PER_TILE
TAIL_ROWS = N - TAIL_ROW0
ZCHUNKS = tuple((k * CHUNK, CHUNK) for k in range(ROWS_PER_TILE // CHUNK)) + (
    (ROWS_PER_TILE - ROWS_PER_TILE % CHUNK, ROWS_PER_TILE % CHUNK),
) if ROWS_PER_TILE % CHUNK else tuple(
    (k * CHUNK, CHUNK) for k in range(ROWS_PER_TILE // CHUNK))

_mesh = plsc.VectorSubcoreMesh(
    core_axis_name="c", subcore_axis_name="s", num_cores=NC, num_subcores=NS
)



_COS_POLY = (0.99999999994488, -0.4999999985174111, 0.04166666348459491,
             -0.0013888863060936606, 2.4800554073532125e-05,
             -2.753480677587447e-07, 2.0603612843617114e-09,
             -9.722556093549883e-12)
_INV_2PI = 0.15915494309189535
_MAGIC = 12582912.0
_PI_HI = 6.28125
_PI_LO = 2.0 * 3.141592653589793 - 6.28125


def _fast_cos(x):
    k = (x * _INV_2PI + _MAGIC) - _MAGIC
    r = (x - k * _PI_HI) - k * _PI_LO
    u = r * r
    p = jnp.float32(_COS_POLY[-1])
    for c in _COS_POLY[-2::-1]:
        p = p * u + jnp.float32(c)
    return p


def _edge_pre_body(time_ref, attrt_ref, wt_ref, bt_ref, w4_ref, w3_ref,
                   bm_ref, c_ref):
    t = time_ref[...]
    rows = t.shape[0]
    trow = jnp.concatenate([t[i:i + 1, :] for i in range(rows)], axis=1)
    z = wt_ref[...] * trow + bt_ref[...]
    tenc_t = _fast_cos(z)
    contract0 = (((0,), (0,)), ((), ()))
    c_ref[...] = (
        lax.dot_general(tenc_t, w4_ref[...], contract0,
                        preferred_element_type=jnp.float32)
        + lax.dot_general(attrt_ref[...], w3_ref[...], contract0,
                          preferred_element_type=jnp.float32)
        + bm_ref[...]
    )


def _edge_pre(edge_time, edge_attr, w_t, b_t, w34, b_msg):
    eb = 8192
    erows = eb // 128
    return pl.pallas_call(
        _edge_pre_body,
        grid=(pl.cdiv(E, eb),),
        in_specs=[
            pl.BlockSpec((erows, 128), lambda i: (i, 0)),
            pl.BlockSpec((D_EDGE, eb), lambda i: (0, i)),
            pl.BlockSpec((TENC, 1), lambda i: (0, 0)),
            pl.BlockSpec((TENC, 1), lambda i: (0, 0)),
            pl.BlockSpec((TENC, HID), lambda i: (0, 0)),
            pl.BlockSpec((D_EDGE, HID), lambda i: (0, 0)),
            pl.BlockSpec((1, HID), lambda i: (0, 0)),
        ],
        out_specs=pl.BlockSpec((eb, HID), lambda i: (i, 0)),
        out_shape=jax.ShapeDtypeStruct((E, HID), jnp.float32),
    )(
        edge_time.reshape(E // 128, 128),
        edge_attr.T,
        w_t.reshape(TENC, 1),
        b_t.reshape(TENC, 1),
        w34[D_EDGE:],
        w34[:D_EDGE],
        b_msg.reshape(1, HID),
    )


def _ab_body(mem_ref, w12_ref, ab_ref):
    ab_ref[...] = jnp.dot(
        mem_ref[...], w12_ref[...], preferred_element_type=jnp.float32
    )


def _ab(mem, w12):
    return pl.pallas_call(
        _ab_body,
        out_shape=jax.ShapeDtypeStruct((N, TAB_W), jnp.float32),
    )(mem, w12)


def _node_body(
    aggp_ref, mem_ref, x_ref, wz_ref, uz_ref, bz_ref, wr_ref, ur_ref, br_ref,
    wh_ref, uh_ref, bh_ref, wex_ref, wem_ref, bemb_ref, wout_ref, bout_ref,
    wcls_ref, bcls_ref, cls_ref,
):
    dot = functools.partial(jnp.dot, preferred_element_type=jnp.float32)
    ap = aggp_ref[...]
    ssum = ap[0] + ap[1]
    cnt = jnp.maximum(ssum[:, HID:HID + 1], 1.0)
    agg = ssum[:, :HID] / cnt
    mem = mem_ref[...]
    z = jax.nn.sigmoid(dot(agg, wz_ref[...]) + dot(mem, uz_ref[...]) + bz_ref[...])
    r = jax.nn.sigmoid(dot(agg, wr_ref[...]) + dot(mem, ur_ref[...]) + br_ref[...])
    h = jnp.tanh(dot(agg, wh_ref[...]) + dot(r * mem, uh_ref[...]) + bh_ref[...])
    mem_new = (1.0 - z) * mem + z * h
    emb = jax.nn.relu(
        dot(x_ref[...], wex_ref[...]) + dot(mem_new, wem_ref[...]) + bemb_ref[...]
    )
    node_out = dot(emb, wout_ref[...]) + bout_ref[...]
    cls_ref[...] = dot(node_out, wcls_ref[...]) + bcls_ref[...]


def _node(aggp, mem, x, wz, uz, bz, wr, ur, br, wh, uh, bh,
          wex, wem, bemb, wout, bout, wcls_pad, bcls_pad):
    nb = 2000
    full = lambda shape: pl.BlockSpec(shape, lambda i: tuple(0 for _ in shape))
    return pl.pallas_call(
        _node_body,
        grid=(N // nb,),
        in_specs=[
            pl.BlockSpec((NC, nb, AGG_W), lambda i: (0, i, 0)),
            pl.BlockSpec((nb, HID), lambda i: (i, 0)),
            pl.BlockSpec((nb, D_FEAT), lambda i: (i, 0)),
            full((HID, HID)), full((HID, HID)), full((1, HID)),
            full((HID, HID)), full((HID, HID)), full((1, HID)),
            full((HID, HID)), full((HID, HID)), full((1, HID)),
            full((D_FEAT, HID)), full((HID, HID)), full((1, HID)),
            full((HID, OUT)), full((1, OUT)),
            full((OUT, AGG_W)), full((1, AGG_W)),
        ],
        out_specs=pl.BlockSpec((nb, AGG_W), lambda i: (i, 0)),
        out_shape=jax.ShapeDtypeStruct((N, AGG_W), jnp.float32),
    )(
        aggp, mem, x,
        wz, uz, bz.reshape(1, HID),
        wr, ur, br.reshape(1, HID),
        wh, uh, bh.reshape(1, HID),
        wex, wem, bemb.reshape(1, HID),
        wout, bout.reshape(1, OUT),
        wcls_pad, bcls_pad.reshape(1, AGG_W),
    )



@functools.partial(
    pl.kernel,
    mesh=_mesh,
    out_type=jax.ShapeDtypeStruct((NC, N, AGG_W), jnp.float32),
    scratch_types=[
        pltpu.VMEM((2, CHUNK), jnp.int32),
        pltpu.VMEM((CHUNK, TAB_W), jnp.float32),
        pltpu.VMEM((CHUNK, HID), jnp.float32),
        pltpu.VMEM((CHUNK, AGG_W), jnp.float32),
        pltpu.VMEM((2, CHUNK), jnp.int32),
        pltpu.VMEM((CHUNK, TAB_W), jnp.float32),
        pltpu.VMEM((CHUNK, HID), jnp.float32),
        pltpu.VMEM((CHUNK, AGG_W), jnp.float32),
        pltpu.VMEM_SHARED((N, AGG_W), jnp.float32),
        pltpu.SemaphoreType.DMA,
        pltpu.SemaphoreType.DMA,
        pltpu.SemaphoreType.DMA,
        pltpu.SemaphoreType.DMA,
    ],
)
def _msg_kernel(src_hbm, dst_hbm, ab_hbm, c_hbm, out_hbm,
                idx0, buf_a0, buf_c0, buf_m0,
                idx1, buf_a1, buf_c1, buf_m1,
                agg_sh, sem0, sem1, semi0, semi1):
    cid = lax.axis_index("c")
    sid = lax.axis_index("s")
    wid = cid * NS + sid
    slots = (
        (idx0, buf_a0, buf_c0, buf_m0, sem0, semi0),
        (idx1, buf_a1, buf_c1, buf_m1, sem1, semi1),
    )

    zeros = jnp.zeros((LANES,), jnp.float32)

    @plsc.parallel_loop(0, CHUNK, unroll=4)
    def _(i):
        for j in range(AGG_W // LANES):
            buf_m0[i, pl.ds(j * LANES, LANES)] = zeros

    for off, nr in ZCHUNKS:
        pltpu.sync_copy(
            buf_m0.at[pl.ds(0, nr), :],
            agg_sh.at[pl.ds(sid * ROWS_PER_TILE + off, nr), :],
        )

    @pl.when(sid == NS - 1)
    def _():
        pltpu.sync_copy(
            buf_m0.at[pl.ds(0, TAIL_ROWS), :],
            agg_sh.at[pl.ds(TAIL_ROW0, TAIL_ROWS), :],
        )

    pat = jnp.where(lax.iota(jnp.int32, LANES) == 0, 1.0, 0.0)

    plsc.subcore_barrier()

    start = wid * FULL + jnp.minimum(wid, REM)
    n_c = FULL + (wid < REM)

    def fetch_idx(slot, k):
        idx, buf_a, buf_c, buf_m, sem, semi = slots[slot]
        base = (start + k) * CHUNK
        pltpu.async_copy(src_hbm.at[pl.ds(base, CHUNK)], idx.at[0], semi)
        pltpu.async_copy(dst_hbm.at[pl.ds(base, CHUNK)], idx.at[1], semi)

    def fetch_data(slot, k):
        idx, buf_a, buf_c, buf_m, sem, semi = slots[slot]
        base = (start + k) * CHUNK
        pltpu.make_async_copy(src_hbm.at[pl.ds(0, CHUNK)], idx.at[0],
                              semi).wait()
        pltpu.make_async_copy(src_hbm.at[pl.ds(0, CHUNK)], idx.at[1],
                              semi).wait()
        pltpu.async_copy(ab_hbm.at[idx.at[0]], buf_a, sem)
        pltpu.async_copy(ab_hbm.at[idx.at[1]], buf_m, sem)
        pltpu.async_copy(c_hbm.at[pl.ds(base, CHUNK), :], buf_c, sem)

    def process(slot):
        idx, buf_a, buf_c, buf_m, sem, semi = slots[slot]
        pltpu.make_async_copy(ab_hbm.at[idx.at[0]], buf_a, sem).wait()
        pltpu.make_async_copy(ab_hbm.at[idx.at[0]], buf_m, sem).wait()
        pltpu.make_async_copy(c_hbm.at[pl.ds(0, CHUNK), :], buf_c, sem).wait()

        @plsc.parallel_loop(0, CHUNK, unroll=4)
        def _(i):
            for jj in range(HID // LANES):
                sl = pl.ds(jj * LANES, LANES)
                v = buf_a[i, sl] + buf_m[i, pl.ds(HID + jj * LANES, LANES)] \
                    + buf_c[i, sl]
                buf_m[i, sl] = jnp.maximum(v, 0.0)

        @plsc.parallel_loop(0, CHUNK, unroll=8)
        def _(i):
            buf_m[i, pl.ds(HID, LANES)] = pat

        pltpu.sync_copy(buf_m, agg_sh.at[idx.at[1]], add=True)

    fetch_idx(0, 0)
    fetch_idx(1, 1)
    fetch_data(0, 0)

    def pair(p, _):
        fetch_data(1, 2 * p + 1)
        process(0)

        @pl.when(2 * p + 2 < n_c)
        def _():
            fetch_idx(0, 2 * p + 2)

        process(1)

        @pl.when(2 * p + 3 < n_c)
        def _():
            fetch_idx(1, 2 * p + 3)

        @pl.when(2 * p + 2 < n_c)
        def _():
            fetch_data(0, 2 * p + 2)

        return 0

    lax.fori_loop(0, FULL // 2, pair, 0)

    @pl.when(wid < REM)
    def _():
        process(0)

    plsc.subcore_barrier()

    for off, nr in ZCHUNKS:
        r0 = sid * ROWS_PER_TILE + off
        pltpu.sync_copy(
            agg_sh.at[pl.ds(r0, nr), :],
            out_hbm.at[cid, pl.ds(r0, nr), :],
        )

    @pl.when(sid == NS - 1)
    def _():
        pltpu.sync_copy(
            agg_sh.at[pl.ds(TAIL_ROW0, TAIL_ROWS), :],
            out_hbm.at[cid, pl.ds(TAIL_ROW0, TAIL_ROWS), :],
        )


@functools.partial(
    pl.kernel,
    mesh=_mesh,
    out_type=jax.ShapeDtypeStruct((E, AGG_W), jnp.float32),
    scratch_types=[
        pltpu.VMEM((1, CHUNK2), jnp.int32),
        pltpu.VMEM((CHUNK2, AGG_W), jnp.float32),
        pltpu.VMEM((1, CHUNK2), jnp.int32),
        pltpu.VMEM((CHUNK2, AGG_W), jnp.float32),
        pltpu.SemaphoreType.DMA,
        pltpu.SemaphoreType.DMA,
        pltpu.SemaphoreType.DMA,
        pltpu.SemaphoreType.DMA,
    ],
)
def _cls_kernel(dst_hbm, cls_hbm, out_hbm,
                idx0, rows0, idx1, rows1, sem0, sem1, semi0, semi1):
    cid = lax.axis_index("c")
    sid = lax.axis_index("s")
    wid = cid * NS + sid
    slots = ((idx0, rows0, sem0, semi0), (idx1, rows1, sem1, semi1))

    start = wid * FULL2 + jnp.minimum(wid, REM2)
    n2 = FULL2 + (wid < REM2)

    def fetch_idx(slot, k):
        idx, rows, sem, semi = slots[slot]
        pltpu.async_copy(dst_hbm.at[pl.ds((start + k) * CHUNK2, CHUNK2)],
                         idx.at[0], semi)

    def fetch_data(slot):
        idx, rows, sem, semi = slots[slot]
        pltpu.make_async_copy(dst_hbm.at[pl.ds(0, CHUNK2)], idx.at[0],
                              semi).wait()
        pltpu.async_copy(cls_hbm.at[idx.at[0]], rows, sem)

    def process(slot, k):
        idx, rows, sem, semi = slots[slot]
        pltpu.make_async_copy(cls_hbm.at[idx.at[0]], rows, sem).wait()
        pltpu.sync_copy(rows, out_hbm.at[pl.ds((start + k) * CHUNK2, CHUNK2), :])

    fetch_idx(0, 0)
    fetch_idx(1, 1)
    fetch_data(0)

    def pair(p, _):
        fetch_data(1)
        process(0, 2 * p)

        @pl.when(2 * p + 2 < n2)
        def _():
            fetch_idx(0, 2 * p + 2)

        process(1, 2 * p + 1)

        @pl.when(2 * p + 3 < n2)
        def _():
            fetch_idx(1, 2 * p + 3)

        @pl.when(2 * p + 2 < n2)
        def _():
            fetch_data(0)

        return 0

    lax.fori_loop(0, FULL2 // 2, pair, 0)

    @pl.when(wid < REM2)
    def _():
        process(0, FULL2)



def kernel(x, edge_index, edge_attr, edge_time, w_t, b_t, mem, W_msg, b_msg,
           Wz, Uz, bz, Wr, Ur, br, Wh, Uh, bh, W_emb, b_emb, W_out, b_out,
           W_cls, b_cls):
    dst = edge_index[1]

    c_e = _edge_pre(edge_time, edge_attr, w_t, b_t, W_msg[2 * HID:], b_msg)
    w12 = jnp.concatenate([W_msg[:HID], W_msg[HID:2 * HID]], axis=1)
    ab_tab = _ab(mem, w12)

    src = edge_index[0]
    aggp = _msg_kernel(src, dst, ab_tab, c_e)

    wcls_pad = jnp.pad(W_cls, ((0, 0), (0, AGG_W - NACT)))
    bcls_pad = jnp.pad(b_cls, (0, AGG_W - NACT))
    cls_all = _node(
        aggp, mem, x, Wz, Uz, bz, Wr, Ur, br, Wh, Uh, bh,
        W_emb[:D_FEAT], W_emb[D_FEAT:], b_emb, W_out, b_out,
        wcls_pad, bcls_pad,
    )

    return _cls_kernel(dst, cls_all)[:, :NACT]

# --- scband reference (transcript-rebuilt; emitter-appended) ---
"""Pipeline reference for scband-tgnmodel-62362925138543 (READ-ONLY COPY).

The authoritative reference and input builder live on the scoring server;
editing this copy changes nothing except your own understanding.
"""

import jax, jax.numpy as jnp
import numpy as np

N = 10000
E = 320000
D_FEAT = 128
D_EDGE = 16
HID = 64
TENC = 32
OUT = 64
NACT = 50


def setup_inputs(seed: int = 0) -> dict:
    key = jax.random.key(seed)
    ks = jax.random.split(key, 26)
    x = jax.random.normal(ks[0], (N, D_FEAT), dtype=jnp.float32)
    edge_index = jax.random.randint(ks[1], (2, E), 0, N, dtype=jnp.int32)
    edge_attr = jax.random.normal(ks[2], (E, D_EDGE), dtype=jnp.float32)
    edge_time = jax.random.uniform(ks[3], (E,), dtype=jnp.float32) * 10000.0
    s = 0.05
    msg_in = 2 * HID + D_EDGE + TENC
    params = dict(
        w_t=jax.random.normal(ks[4], (TENC,), dtype=jnp.float32) * s,
        b_t=jnp.zeros((TENC,), dtype=jnp.float32),
        mem=jax.random.normal(ks[5], (N, HID), dtype=jnp.float32) * s,
        W_msg=jax.random.normal(ks[6], (msg_in, HID), dtype=jnp.float32) * s,
        b_msg=jnp.zeros((HID,), dtype=jnp.float32),
        Wz=jax.random.normal(ks[7], (HID, HID), dtype=jnp.float32) * s,
        Uz=jax.random.normal(ks[8], (HID, HID), dtype=jnp.float32) * s,
        bz=jnp.zeros((HID,), dtype=jnp.float32),
        Wr=jax.random.normal(ks[9], (HID, HID), dtype=jnp.float32) * s,
        Ur=jax.random.normal(ks[10], (HID, HID), dtype=jnp.float32) * s,
        br=jnp.zeros((HID,), dtype=jnp.float32),
        Wh=jax.random.normal(ks[11], (HID, HID), dtype=jnp.float32) * s,
        Uh=jax.random.normal(ks[12], (HID, HID), dtype=jnp.float32) * s,
        bh=jnp.zeros((HID,), dtype=jnp.float32),
        W_emb=jax.random.normal(ks[13], (D_FEAT + HID, HID), dtype=jnp.float32) * s,
        b_emb=jnp.zeros((HID,), dtype=jnp.float32),
        W_out=jax.random.normal(ks[14], (HID, OUT), dtype=jnp.float32) * s,
        b_out=jnp.zeros((OUT,), dtype=jnp.float32),
        W_cls=jax.random.normal(ks[15], (OUT, NACT), dtype=jnp.float32) * s,
        b_cls=jnp.zeros((NACT,), dtype=jnp.float32),
    )
    out = dict(x=x, edge_index=edge_index, edge_attr=edge_attr, edge_time=edge_time)
    out.update(params)
    return out


def reference(x, edge_index, edge_attr, edge_time, w_t, b_t, mem, W_msg, b_msg, Wz, Uz, bz, Wr, Ur, br, Wh, Uh, bh, W_emb, b_emb, W_out, b_out, W_cls, b_cls):
    src = edge_index[0]
    dst = edge_index[1]
    # time encoding
    t_enc = jnp.cos(edge_time[:, None] * w_t[None, :] + b_t[None, :])
    # per-edge message: gather memory of src/dst nodes (SparseCore gather)
    m_raw = jnp.concatenate([mem[src], mem[dst], edge_attr, t_enc], axis=1)
    msg = jax.nn.relu(m_raw @ W_msg + b_msg)
    # aggregate messages per destination node (SparseCore scatter-add)
    agg = jax.ops.segment_sum(msg, dst, num_segments=N)
    cnt = jax.ops.segment_sum(jnp.ones((msg.shape[0], 1), msg.dtype), dst, num_segments=N)
    agg = agg / jnp.maximum(cnt, 1.0)
    # GRU-style memory update
    z = jax.nn.sigmoid(agg @ Wz + mem @ Uz + bz)
    r = jax.nn.sigmoid(agg @ Wr + mem @ Ur + br)
    h = jnp.tanh(agg @ Wh + (r * mem) @ Uh + bh)
    mem_new = (1.0 - z) * mem + z * h
    # node embedding from raw features + updated memory
    emb = jax.nn.relu(jnp.concatenate([x, mem_new], axis=1) @ W_emb + b_emb)
    node_out = emb @ W_out + b_out
    # classifier on destination-node embeddings (gather per edge)
    logits = node_out[dst] @ W_cls + b_cls
    return logits

if __name__ == "__main__":
    import jax
    _d = setup_inputs()
    print(jax.jit(kernel)(*tuple(_d.values())))

</pallas_src>

<mosaic_0001>
#map = affine_map<(d0, d1) -> (0)>
#map1 = affine_map<(d0, d1) -> (0, 0)>
module attributes {stable_mosaic.version = 14 : i64} {
  func.func @_cls_kernel(%arg0: i32, %arg1: i32, %arg2: memref<320000xi32, #tpu.memory_space<hbm>>, %arg3: memref<10000x128xf32, #tpu.memory_space<hbm>>, %arg4: memref<320000x128xf32, #tpu.memory_space<hbm>>, %arg5: memref<1x128xi32, #tpu.memory_space<vmem>>, %arg6: memref<128x128xf32, #tpu.memory_space<vmem>>, %arg7: memref<1x128xi32, #tpu.memory_space<vmem>>, %arg8: memref<128x128xf32, #tpu.memory_space<vmem>>, %arg9: memref<!tpu.dma_semaphore, #tpu.memory_space<semaphore_mem>>, %arg10: memref<!tpu.dma_semaphore, #tpu.memory_space<semaphore_mem>>, %arg11: memref<!tpu.dma_semaphore, #tpu.memory_space<semaphore_mem>>, %arg12: memref<!tpu.dma_semaphore, #tpu.memory_space<semaphore_mem>>) attributes {dimension_semantics = [#tpu.dimension_semantics<core_parallel>, #tpu.dimension_semantics<subcore_parallel>], iteration_bounds = array<i64: 2, 16>, scalar_prefetch = 0 : i64, scratch_operands = 8 : i64, tpu.core_type = #tpu.core_type<sc_vector_subcore>, window_params = [{transform_indices = #map}, {transform_indices = #map1}, {transform_indices = #map1}]} {
    %mul3A = arith.constant 16 : i32
    %mul3A_0 = arith.muli %arg0, %mul3A : i32
    %add3A = arith.addi %mul3A_0, %arg1 : i32
    %mul3A_1 = arith.constant 78 : i32
    %mul3A_2 = arith.muli %add3A, %mul3A_1 : i32
    %min3A = arith.constant 4 : i32
    %min3A_3 = arith.minsi %add3A, %min3A : i32
    %add3A_4 = arith.addi %mul3A_2, %min3A_3 : i32
    %lt3A = arith.constant 4 : i32
    %lt3A_5 = arith.cmpi slt, %add3A, %lt3A : i32
    %convert_element_type3A = arith.extui %lt3A_5 : i1 to i32
    %add3A_6 = arith.constant 78 : i32
    %add3A_7 = arith.addi %add3A_6, %convert_element_type3A : i32
    %add3A_8 = arith.constant 0 : i32
    %add3A_9 = arith.addi %add3A_4, %add3A_8 : i32
    %mul3A_10 = arith.constant 128 : i32
    %mul3A_11 = arith.muli %add3A_9, %mul3A_10 : i32
    %dma_start3A = arith.constant 0 : i32
    %dma_start3A_12 = arith.constant 0 : i32
    %dma_start3A_13 = tpu.memref_slice %arg5[%dma_start3A, %dma_start3A_12] : memref<1x128xi32, #tpu.memory_space<vmem>> -> memref<1x128xi32, #tpu.memory_space<vmem>>
    %dma_start3A_14 = tpu.memref_squeeze %dma_start3A_13 : memref<1x128xi32, #tpu.memory_space<vmem>> -> memref<128xi32, #tpu.memory_space<vmem>>
    %dma_start3A_15 = tpu.memref_slice %arg2[%mul3A_11] : memref<320000xi32, #tpu.memory_space<hbm>> -> memref<128xi32, #tpu.memory_space<hbm>>
    %dma_start3A_16 = arith.constant 0 : i32
    %dma_start3A_17 = tpu.memref_slice %arg5[%dma_start3A, %dma_start3A_16] : memref<1x128xi32, #tpu.memory_space<vmem>> -> memref<1x128xi32, #tpu.memory_space<vmem>>
    %dma_start3A_18 = tpu.memref_squeeze %dma_start3A_17 : memref<1x128xi32, #tpu.memory_space<vmem>> -> memref<128xi32, #tpu.memory_space<vmem>>
    %dma_start3A_19 = tpu.memref_slice %arg2[%mul3A_11] : memref<320000xi32, #tpu.memory_space<hbm>> -> memref<128xi32, #tpu.memory_space<hbm>>
    tpu.enqueue_dma source(%dma_start3A_19 : memref<128xi32, #tpu.memory_space<hbm>>) target(%dma_start3A_18 : memref<128xi32, #tpu.memory_space<vmem>>) target_semaphore(%arg11 : memref<!tpu.dma_semaphore, #tpu.memory_space<semaphore_mem>>)
    %add3A_20 = arith.constant 1 : i32
    %add3A_21 = arith.addi %add3A_4, %add3A_20 : i32
    %mul3A_22 = arith.constant 128 : i32
    %mul3A_23 = arith.muli %add3A_21, %mul3A_22 : i32
    %dma_start3A_24 = arith.constant 0 : i32
    %dma_start3A_25 = arith.constant 0 : i32
    %dma_start3A_26 = tpu.memref_slice %arg7[%dma_start3A_24, %dma_start3A_25] : memref<1x128xi32, #tpu.memory_space<vmem>> -> memref<1x128xi32, #tpu.memory_space<vmem>>
    %dma_start3A_27 = tpu.memref_squeeze %dma_start3A_26 : memref<1x128xi32, #tpu.memory_space<vmem>> -> memref<128xi32, #tpu.memory_space<vmem>>
    %dma_start3A_28 = tpu.memref_slice %arg2[%mul3A_23] : memref<320000xi32, #tpu.memory_space<hbm>> -> memref<128xi32, #tpu.memory_space<hbm>>
    %dma_start3A_29 = arith.constant 0 : i32
    %dma_start3A_30 = tpu.memref_slice %arg7[%dma_start3A_24, %dma_start3A_29] : memref<1x128xi32, #tpu.memory_space<vmem>> -> memref<1x128xi32, #tpu.memory_space<vmem>>
    %dma_start3A_31 = tpu.memref_squeeze %dma_start3A_30 : memref<1x128xi32, #tpu.memory_space<vmem>> -> memref<128xi32, #tpu.memory_space<vmem>>
    %dma_start3A_32 = tpu.memref_slice %arg2[%mul3A_23] : memref<320000xi32, #tpu.memory_space<hbm>> -> memref<128xi32, #tpu.memory_space<hbm>>
    tpu.enqueue_dma source(%dma_start3A_32 : memref<128xi32, #tpu.memory_space<hbm>>) target(%dma_start3A_31 : memref<128xi32, #tpu.memory_space<vmem>>) target_semaphore(%arg12 : memref<!tpu.dma_semaphore, #tpu.memory_space<semaphore_mem>>)
    %dma_wait3A = arith.constant 0 : i32
    %dma_wait3A_33 = arith.constant 0 : i32
    %dma_wait3A_34 = tpu.memref_slice %arg5[%dma_wait3A, %dma_wait3A_33] : memref<1x128xi32, #tpu.memory_space<vmem>> -> memref<1x128xi32, #tpu.memory_space<vmem>>
    %dma_wait3A_35 = tpu.memref_squeeze %dma_wait3A_34 : memref<1x128xi32, #tpu.memory_space<vmem>> -> memref<128xi32, #tpu.memory_space<vmem>>
    %dma_wait3A_36 = arith.constant 0 : i32
    %dma_wait3A_37 = tpu.memref_slice %arg2[%dma_wait3A_36] : memref<320000xi32, #tpu.memory_space<hbm>> -> memref<128xi32, #tpu.memory_space<hbm>>
    %dma_wait3A_38 = arith.constant 0 : i32
    %dma_wait3A_39 = tpu.memref_slice %arg5[%dma_wait3A, %dma_wait3A_38] : memref<1x128xi32, #tpu.memory_space<vmem>> -> memref<1x128xi32, #tpu.memory_space<vmem>>
    %dma_wait3A_40 = tpu.memref_squeeze %dma_wait3A_39 : memref<1x128xi32, #tpu.memory_space<vmem>> -> memref<128xi32, #tpu.memory_space<vmem>>
    %dma_wait3A_41 = arith.constant 0 : i32
    %dma_wait3A_42 = tpu.memref_slice %arg2[%dma_wait3A_41] : memref<320000xi32, #tpu.memory_space<hbm>> -> memref<128xi32, #tpu.memory_space<hbm>>
    tpu.wait_dma2 semaphore(%arg11 : memref<!tpu.dma_semaphore, #tpu.memory_space<semaphore_mem>>) src(%dma_wait3A_42 : memref<128xi32, #tpu.memory_space<hbm>>) dst(%dma_wait3A_40 : memref<128xi32, #tpu.memory_space<vmem>>)
    %dma_start3A_43 = arith.constant 0 : i32
    %dma_start3A_44 = arith.constant 0 : i32
    %dma_start3A_45 = tpu.memref_slice %arg5[%dma_start3A_43, %dma_start3A_44] : memref<1x128xi32, #tpu.memory_space<vmem>> -> memref<1x128xi32, #tpu.memory_space<vmem>>
    %dma_start3A_46 = tpu.memref_squeeze %dma_start3A_45 : memref<1x128xi32, #tpu.memory_space<vmem>> -> memref<128xi32, #tpu.memory_space<vmem>>
    %dma_start3A_47 = arith.constant 0 : i32
    %dma_start3A_48 = arith.constant 0 : i32
    %dma_start3A_49 = tpu.memref_slice %arg3[%dma_start3A_47, %dma_start3A_48] : memref<10000x128xf32, #tpu.memory_space<hbm>> -> memref<10000x128xf32, #tpu.memory_space<hbm>>
    tpu.enqueue_indirect_dma source(%dma_start3A_49 : memref<10000x128xf32, #tpu.memory_space<hbm>>) target(%arg6 : memref<128x128xf32, #tpu.memory_space<vmem>>) offsets(%dma_start3A_46 : memref<128xi32, #tpu.memory_space<vmem>>) semaphore(%arg9 : memref<!tpu.dma_semaphore, #tpu.memory_space<semaphore_mem>>)
    %scan3A = arith.constant 0 : i32
    %scan3A_50 = arith.constant 0 : i32
    %scan3A_51 = arith.constant 39 : i32
    %scan3A_52 = arith.addi %scan3A_50, %scan3A_51 : i32
    %scan3A_53 = arith.constant 1 : i32
    %scan3A_54 = scf.for %scan3A_60 = %scan3A_50 to %scan3A_52 step %scan3A_53 iter_args(%scan3A_61 = %scan3A) -> (i32)  : i32 {
      %dma_wait3A_62 = arith.constant 0 : i32
      %dma_wait3A_63 = arith.constant 0 : i32
      %dma_wait3A_64 = tpu.memref_slice %arg7[%dma_wait3A_62, %dma_wait3A_63] : memref<1x128xi32, #tpu.memory_space<vmem>> -> memref<1x128xi32, #tpu.memory_space<vmem>>
      %dma_wait3A_65 = tpu.memref_squeeze %dma_wait3A_64 : memref<1x128xi32, #tpu.memory_space<vmem>> -> memref<128xi32, #tpu.memory_space<vmem>>
      %dma_wait3A_66 = arith.constant 0 : i32
      %dma_wait3A_67 = tpu.memref_slice %arg2[%dma_wait3A_66] : memref<320000xi32, #tpu.memory_space<hbm>> -> memref<128xi32, #tpu.memory_space<hbm>>
      %dma_wait3A_68 = arith.constant 0 : i32
      %dma_wait3A_69 = tpu.memref_slice %arg7[%dma_wait3A_62, %dma_wait3A_68] : memref<1x128xi32, #tpu.memory_space<vmem>> -> memref<1x128xi32, #tpu.memory_space<vmem>>
      %dma_wait3A_70 = tpu.memref_squeeze %dma_wait3A_69 : memref<1x128xi32, #tpu.memory_space<vmem>> -> memref<128xi32, #tpu.memory_space<vmem>>
      %dma_wait3A_71 = arith.constant 0 : i32
      %dma_wait3A_72 = tpu.memref_slice %arg2[%dma_wait3A_71] : memref<320000xi32, #tpu.memory_space<hbm>> -> memref<128xi32, #tpu.memory_space<hbm>>
      tpu.wait_dma2 semaphore(%arg12 : memref<!tpu.dma_semaphore, #tpu.memory_space<semaphore_mem>>) src(%dma_wait3A_72 : memref<128xi32, #tpu.memory_space<hbm>>) dst(%dma_wait3A_70 : memref<128xi32, #tpu.memory_space<vmem>>)
      %dma_start3A_73 = arith.constant 0 : i32
      %dma_start3A_74 = arith.constant 0 : i32
      %dma_start3A_75 = tpu.memref_slice %arg7[%dma_start3A_73, %dma_start3A_74] : memref<1x128xi32, #tpu.memory_space<vmem>> -> memref<1x128xi32, #tpu.memory_space<vmem>>
      %dma_start3A_76 = tpu.memref_squeeze %dma_start3A_75 : memref<1x128xi32, #tpu.memory_space<vmem>> -> memref<128xi32, #tpu.memory_space<vmem>>
      %dma_start3A_77 = arith.constant 0 : i32
      %dma_start3A_78 = arith.constant 0 : i32
      %dma_start3A_79 = tpu.memref_slice %arg3[%dma_start3A_77, %dma_start3A_78] : memref<10000x128xf32, #tpu.memory_space<hbm>> -> memref<10000x128xf32, #tpu.memory_space<hbm>>
      tpu.enqueue_indirect_dma source(%dma_start3A_79 : memref<10000x128xf32, #tpu.memory_space<hbm>>) target(%arg8 : memref<128x128xf32, #tpu.memory_space<vmem>>) offsets(%dma_start3A_76 : memref<128xi32, #tpu.memory_space<vmem>>) semaphore(%arg10 : memref<!tpu.dma_semaphore, #tpu.memory_space<semaphore_mem>>)
      %mul3A_80 = arith.constant 2 : i32
      %mul3A_81 = arith.muli %mul3A_80, %scan3A_60 : i32
      %dma_wait3A_82 = arith.constant 0 : i32
      %dma_wait3A_83 = arith.constant 0 : i32
      %dma_wait3A_84 = tpu.memref_slice %arg5[%dma_wait3A_82, %dma_wait3A_83] : memref<1x128xi32, #tpu.memory_space<vmem>> -> memref<1x128xi32, #tpu.memory_space<vmem>>
      %dma_wait3A_85 = tpu.memref_squeeze %dma_wait3A_84 : memref<1x128xi32, #tpu.memory_space<vmem>> -> memref<128xi32, #tpu.memory_space<vmem>>
      %dma_wait3A_86 = arith.constant 0 : i32
      %dma_wait3A_87 = arith.constant 0 : i32
      %dma_wait3A_88 = tpu.memref_slice %arg3[%dma_wait3A_86, %dma_wait3A_87] : memref<10000x128xf32, #tpu.memory_space<hbm>> -> memref<10000x128xf32, #tpu.memory_space<hbm>>
      tpu.wait_indirect_dma semaphore(%arg9 : memref<!tpu.dma_semaphore, #tpu.memory_space<semaphore_mem>>) src(%dma_wait3A_88 : memref<10000x128xf32, #tpu.memory_space<hbm>>) dst(%arg6 : memref<128x128xf32, #tpu.memory_space<vmem>>)
      %add3A_89 = arith.addi %add3A_4, %mul3A_81 : i32
      %mul3A_90 = arith.constant 128 : i32
      %mul3A_91 = arith.muli %add3A_89, %mul3A_90 : i32
      "tpu.region"() ({
        %run_scoped3A = tpu.sem_alloc : memref<!tpu.dma_semaphore, #tpu.memory_space<semaphore_mem>>
        %dma_start3A_131 = arith.constant 0 : i32
        %dma_start3A_132 = tpu.memref_slice %arg4[%mul3A_91, %dma_start3A_131] : memref<320000x128xf32, #tpu.memory_space<hbm>> -> memref<128x128xf32, #tpu.memory_space<hbm>>
        %dma_start3A_133 = arith.constant 0 : i32
        %dma_start3A_134 = tpu.memref_slice %arg4[%mul3A_91, %dma_start3A_133] : memref<320000x128xf32, #tpu.memory_space<hbm>> -> memref<128x128xf32, #tpu.memory_space<hbm>>
        tpu.enqueue_dma source(%arg6 : memref<128x128xf32, #tpu.memory_space<vmem>>) target(%dma_start3A_134 : memref<128x128xf32, #tpu.memory_space<hbm>>) target_semaphore(%run_scoped3A : memref<!tpu.dma_semaphore, #tpu.memory_space<semaphore_mem>>)
        %dma_wait3A_135 = arith.constant 0 : i32
        %dma_wait3A_136 = tpu.memref_slice %arg4[%mul3A_91, %dma_wait3A_135] : memref<320000x128xf32, #tpu.memory_space<hbm>> -> memref<128x128xf32, #tpu.memory_space<hbm>>
        %dma_wait3A_137 = arith.constant 0 : i32
        %dma_wait3A_138 = tpu.memref_slice %arg4[%mul3A_91, %dma_wait3A_137] : memref<320000x128xf32, #tpu.memory_space<hbm>> -> memref<128x128xf32, #tpu.memory_space<hbm>>
        tpu.wait_dma2 semaphore(%run_scoped3A : memref<!tpu.dma_semaphore, #tpu.memory_space<semaphore_mem>>) src(%arg6 : memref<128x128xf32, #tpu.memory_space<vmem>>) dst(%dma_wait3A_138 : memref<128x128xf32, #tpu.memory_space<hbm>>)
        tpu.yield
      }) : () -> ()
      %mul3A_92 = arith.constant 2 : i32
      %mul3A_93 = arith.muli %mul3A_92, %scan3A_60 : i32
      %add3A_94 = arith.constant 2 : i32
      %add3A_95 = arith.addi %mul3A_93, %add3A_94 : i32
      %lt3A_96 = arith.cmpi slt, %add3A_95, %add3A_7 : i32
      %convert_element_type3A_97 = arith.extui %lt3A_96 : i1 to i32
      %cond3A_98 = arith.constant 0 : i32
      %cond3A_99 = arith.cmpi ne, %convert_element_type3A_97, %cond3A_98 : i32
      scf.if %cond3A_99 {
        %mul3A_131 = arith.constant 2 : i32
        %mul3A_132 = arith.muli %mul3A_131, %scan3A_60 : i32
        %add3A_133 = arith.constant 2 : i32
        %add3A_134 = arith.addi %mul3A_132, %add3A_133 : i32
        %add3A_135 = arith.addi %add3A_4, %add3A_134 : i32
        %mul3A_136 = arith.constant 128 : i32
        %mul3A_137 = arith.muli %add3A_135, %mul3A_136 : i32
        %dma_start3A_138 = arith.constant 0 : i32
        %dma_start3A_139 = arith.constant 0 : i32
        %dma_start3A_140 = tpu.memref_slice %arg5[%dma_start3A_138, %dma_start3A_139] : memref<1x128xi32, #tpu.memory_space<vmem>> -> memref<1x128xi32, #tpu.memory_space<vmem>>
        %dma_start3A_141 = tpu.memref_squeeze %dma_start3A_140 : memref<1x128xi32, #tpu.memory_space<vmem>> -> memref<128xi32, #tpu.memory_space<vmem>>
        %dma_start3A_142 = tpu.memref_slice %arg2[%mul3A_137] : memref<320000xi32, #tpu.memory_space<hbm>> -> memref<128xi32, #tpu.memory_space<hbm>>
        %dma_start3A_143 = arith.constant 0 : i32
        %dma_start3A_144 = tpu.memref_slice %arg5[%dma_start3A_138, %dma_start3A_143] : memref<1x128xi32, #tpu.memory_space<vmem>> -> memref<1x128xi32, #tpu.memory_space<vmem>>
        %dma_start3A_145 = tpu.memref_squeeze %dma_start3A_144 : memref<1x128xi32, #tpu.memory_space<vmem>> -> memref<128xi32, #tpu.memory_space<vmem>>
        %dma_start3A_146 = tpu.memref_slice %arg2[%mul3A_137] : memref<320000xi32, #tpu.memory_space<hbm>> -> memref<128xi32, #tpu.memory_space<hbm>>
        tpu.enqueue_dma source(%dma_start3A_146 : memref<128xi32, #tpu.memory_space<hbm>>) target(%dma_start3A_145 : memref<128xi32, #tpu.memory_space<vmem>>) target_semaphore(%arg11 : memref<!tpu.dma_semaphore, #tpu.memory_space<semaphore_mem>>)
      } else {
      }
      %mul3A_100 = arith.constant 2 : i32
      %mul3A_101 = arith.muli %mul3A_100, %scan3A_60 : i32
      %add3A_102 = arith.constant 1 : i32
      %add3A_103 = arith.addi %mul3A_101, %add3A_102 : i32
      %dma_wait3A_104 = arith.constant 0 : i32
      %dma_wait3A_105 = arith.constant 0 : i32
      %dma_wait3A_106 = tpu.memref_slice %arg7[%dma_wait3A_104, %dma_wait3A_105] : memref<1x128xi32, #tpu.memory_space<vmem>> -> memref<1x128xi32, #tpu.memory_space<vmem>>
      %dma_wait3A_107 = tpu.memref_squeeze %dma_wait3A_106 : memref<1x128xi32, #tpu.memory_space<vmem>> -> memref<128xi32, #tpu.memory_space<vmem>>
      %dma_wait3A_108 = arith.constant 0 : i32
      %dma_wait3A_109 = arith.constant 0 : i32
      %dma_wait3A_110 = tpu.memref_slice %arg3[%dma_wait3A_108, %dma_wait3A_109] : memref<10000x128xf32, #tpu.memory_space<hbm>> -> memref<10000x128xf32, #tpu.memory_space<hbm>>
      tpu.wait_indirect_dma semaphore(%arg10 : memref<!tpu.dma_semaphore, #tpu.memory_space<semaphore_mem>>) src(%dma_wait3A_110 : memref<10000x128xf32, #tpu.memory_space<hbm>>) dst(%arg8 : memref<128x128xf32, #tpu.memory_space<vmem>>)
      %add3A_111 = arith.addi %add3A_4, %add3A_103 : i32
      %mul3A_112 = arith.constant 128 : i32
      %mul3A_113 = arith.muli %add3A_111, %mul3A_112 : i32
      "tpu.region"() ({
        %run_scoped3A = tpu.sem_alloc : memref<!tpu.dma_semaphore, #tpu.memory_space<semaphore_mem>>
        %dma_start3A_131 = arith.constant 0 : i32
        %dma_start3A_132 = tpu.memref_slice %arg4[%mul3A_113, %dma_start3A_131] : memref<320000x128xf32, #tpu.memory_space<hbm>> -> memref<128x128xf32, #tpu.memory_space<hbm>>
        %dma_start3A_133 = arith.constant 0 : i32
        %dma_start3A_134 = tpu.memref_slice %arg4[%mul3A_113, %dma_start3A_133] : memref<320000x128xf32, #tpu.memory_space<hbm>> -> memref<128x128xf32, #tpu.memory_space<hbm>>
        tpu.enqueue_dma source(%arg8 : memref<128x128xf32, #tpu.memory_space<vmem>>) target(%dma_start3A_134 : memref<128x128xf32, #tpu.memory_space<hbm>>) target_semaphore(%run_scoped3A : memref<!tpu.dma_semaphore, #tpu.memory_space<semaphore_mem>>)
        %dma_wait3A_135 = arith.constant 0 : i32
        %dma_wait3A_136 = tpu.memref_slice %arg4[%mul3A_113, %dma_wait3A_135] : memref<320000x128xf32, #tpu.memory_space<hbm>> -> memref<128x128xf32, #tpu.memory_space<hbm>>
        %dma_wait3A_137 = arith.constant 0 : i32
        %dma_wait3A_138 = tpu.memref_slice %arg4[%mul3A_113, %dma_wait3A_137] : memref<320000x128xf32, #tpu.memory_space<hbm>> -> memref<128x128xf32, #tpu.memory_space<hbm>>
        tpu.wait_dma2 semaphore(%run_scoped3A : memref<!tpu.dma_semaphore, #tpu.memory_space<semaphore_mem>>) src(%arg8 : memref<128x128xf32, #tpu.memory_space<vmem>>) dst(%dma_wait3A_138 : memref<128x128xf32, #tpu.memory_space<hbm>>)
        tpu.yield
      }) : () -> ()
      %mul3A_114 = arith.constant 2 : i32
      %mul3A_115 = arith.muli %mul3A_114, %scan3A_60 : i32
      %add3A_116 = arith.constant 3 : i32
      %add3A_117 = arith.addi %mul3A_115, %add3A_116 : i32
      %lt3A_118 = arith.cmpi slt, %add3A_117, %add3A_7 : i32
      %convert_element_type3A_119 = arith.extui %lt3A_118 : i1 to i32
      %cond3A_120 = arith.constant 0 : i32
      %cond3A_121 = arith.cmpi ne, %convert_element_type3A_119, %cond3A_120 : i32
      scf.if %cond3A_121 {
        %mul3A_131 = arith.constant 2 : i32
        %mul3A_132 = arith.muli %mul3A_131, %scan3A_60 : i32
        %add3A_133 = arith.constant 3 : i32
        %add3A_134 = arith.addi %mul3A_132, %add3A_133 : i32
        %add3A_135 = arith.addi %add3A_4, %add3A_134 : i32
        %mul3A_136 = arith.constant 128 : i32
        %mul3A_137 = arith.muli %add3A_135, %mul3A_136 : i32
        %dma_start3A_138 = arith.constant 0 : i32
        %dma_start3A_139 = arith.constant 0 : i32
        %dma_start3A_140 = tpu.memref_slice %arg7[%dma_start3A_138, %dma_start3A_139] : memref<1x128xi32, #tpu.memory_space<vmem>> -> memref<1x128xi32, #tpu.memory_space<vmem>>
        %dma_start3A_141 = tpu.memref_squeeze %dma_start3A_140 : memref<1x128xi32, #tpu.memory_space<vmem>> -> memref<128xi32, #tpu.memory_space<vmem>>
        %dma_start3A_142 = tpu.memref_slice %arg2[%mul3A_137] : memref<320000xi32, #tpu.memory_space<hbm>> -> memref<128xi32, #tpu.memory_space<hbm>>
        %dma_start3A_143 = arith.constant 0 : i32
        %dma_start3A_144 = tpu.memref_slice %arg7[%dma_start3A_138, %dma_start3A_143] : memref<1x128xi32, #tpu.memory_space<vmem>> -> memref<1x128xi32, #tpu.memory_space<vmem>>
        %dma_start3A_145 = tpu.memref_squeeze %dma_start3A_144 : memref<1x128xi32, #tpu.memory_space<vmem>> -> memref<128xi32, #tpu.memory_space<vmem>>
        %dma_start3A_146 = tpu.memref_slice %arg2[%mul3A_137] : memref<320000xi32, #tpu.memory_space<hbm>> -> memref<128xi32, #tpu.memory_space<hbm>>
        tpu.enqueue_dma source(%dma_start3A_146 : memref<128xi32, #tpu.memory_space<hbm>>) target(%dma_start3A_145 : memref<128xi32, #tpu.memory_space<vmem>>) target_semaphore(%arg12 : memref<!tpu.dma_semaphore, #tpu.memory_space<semaphore_mem>>)
      } else {
      }
      %mul3A_122 = arith.constant 2 : i32
      %mul3A_123 = arith.muli %mul3A_122, %scan3A_60 : i32
      %add3A_124 = arith.constant 2 : i32
      %add3A_125 = arith.addi %mul3A_123, %add3A_124 : i32
      %lt3A_126 = arith.cmpi slt, %add3A_125, %add3A_7 : i32
      %convert_element_type3A_127 = arith.extui %lt3A_126 : i1 to i32
      %cond3A_128 = arith.constant 0 : i32
      %cond3A_129 = arith.cmpi ne, %convert_element_type3A_127, %cond3A_128 : i32
      scf.if %cond3A_129 {
        %dma_wait3A_131 = arith.constant 0 : i32
        %dma_wait3A_132 = arith.constant 0 : i32
        %dma_wait3A_133 = tpu.memref_slice %arg5[%dma_wait3A_131, %dma_wait3A_132] : memref<1x128xi32, #tpu.memory_space<vmem>> -> memref<1x128xi32, #tpu.memory_space<vmem>>
        %dma_wait3A_134 = tpu.memref_squeeze %dma_wait3A_133 : memref<1x128xi32, #tpu.memory_space<vmem>> -> memref<128xi32, #tpu.memory_space<vmem>>
        %dma_wait3A_135 = arith.constant 0 : i32
        %dma_wait3A_136 = tpu.memref_slice %arg2[%dma_wait3A_135] : memref<320000xi32, #tpu.memory_space<hbm>> -> memref<128xi32, #tpu.memory_space<hbm>>
        %dma_wait3A_137 = arith.constant 0 : i32
        %dma_wait3A_138 = tpu.memref_slice %arg5[%dma_wait3A_131, %dma_wait3A_137] : memref<1x128xi32, #tpu.memory_space<vmem>> -> memref<1x128xi32, #tpu.memory_space<vmem>>
        %dma_wait3A_139 = tpu.memref_squeeze %dma_wait3A_138 : memref<1x128xi32, #tpu.memory_space<vmem>> -> memref<128xi32, #tpu.memory_space<vmem>>
        %dma_wait3A_140 = arith.constant 0 : i32
        %dma_wait3A_141 = tpu.memref_slice %arg2[%dma_wait3A_140] : memref<320000xi32, #tpu.memory_space<hbm>> -> memref<128xi32, #tpu.memory_space<hbm>>
        tpu.wait_dma2 semaphore(%arg11 : memref<!tpu.dma_semaphore, #tpu.memory_space<semaphore_mem>>) src(%dma_wait3A_141 : memref<128xi32, #tpu.memory_space<hbm>>) dst(%dma_wait3A_139 : memref<128xi32, #tpu.memory_space<vmem>>)
        %dma_start3A_142 = arith.constant 0 : i32
        %dma_start3A_143 = arith.constant 0 : i32
        %dma_start3A_144 = tpu.memref_slice %arg5[%dma_start3A_142, %dma_start3A_143] : memref<1x128xi32, #tpu.memory_space<vmem>> -> memref<1x128xi32, #tpu.memory_space<vmem>>
        %dma_start3A_145 = tpu.memref_squeeze %dma_start3A_144 : memref<1x128xi32, #tpu.memory_space<vmem>> -> memref<128xi32, #tpu.memory_space<vmem>>
        %dma_start3A_146 = arith.constant 0 : i32
        %dma_start3A_147 = arith.constant 0 : i32
        %dma_start3A_148 = tpu.memref_slice %arg3[%dma_start3A_146, %dma_start3A_147] : memref<10000x128xf32, #tpu.memory_space<hbm>> -> memref<10000x128xf32, #tpu.memory_space<hbm>>
        tpu.enqueue_indirect_dma source(%dma_start3A_148 : memref<10000x128xf32, #tpu.memory_space<hbm>>) target(%arg6 : memref<128x128xf32, #tpu.memory_space<vmem>>) offsets(%dma_start3A_145 : memref<128xi32, #tpu.memory_space<vmem>>) semaphore(%arg9 : memref<!tpu.dma_semaphore, #tpu.memory_space<semaphore_mem>>)
      } else {
      }
      %scan3A_130 = arith.constant 0 : i32
      scf.yield %scan3A_130 : i32
    }
    %scan3A_55 = arith.constant 39 : i32
    %lt3A_56 = arith.constant 4 : i32
    %lt3A_57 = arith.cmpi slt, %add3A, %lt3A_56 : i32
    %convert_element_type3A_58 = arith.extui %lt3A_57 : i1 to i32
    %cond3A = arith.constant 0 : i32
    %cond3A_59 = arith.cmpi ne, %convert_element_type3A_58, %cond3A : i32
    scf.if %cond3A_59 {
      %dma_wait3A_60 = arith.constant 0 : i32
      %dma_wait3A_61 = arith.constant 0 : i32
      %dma_wait3A_62 = tpu.memref_slice %arg5[%dma_wait3A_60, %dma_wait3A_61] : memref<1x128xi32, #tpu.memory_space<vmem>> -> memref<1x128xi32, #tpu.memory_space<vmem>>
      %dma_wait3A_63 = tpu.memref_squeeze %dma_wait3A_62 : memref<1x128xi32, #tpu.memory_space<vmem>> -> memref<128xi32, #tpu.memory_space<vmem>>
      %dma_wait3A_64 = arith.constant 0 : i32
      %dma_wait3A_65 = arith.constant 0 : i32
      %dma_wait3A_66 = tpu.memref_slice %arg3[%dma_wait3A_64, %dma_wait3A_65] : memref<10000x128xf32, #tpu.memory_space<hbm>> -> memref<10000x128xf32, #tpu.memory_space<hbm>>
      tpu.wait_indirect_dma semaphore(%arg9 : memref<!tpu.dma_semaphore, #tpu.memory_space<semaphore_mem>>) src(%dma_wait3A_66 : memref<10000x128xf32, #tpu.memory_space<hbm>>) dst(%arg6 : memref<128x128xf32, #tpu.memory_space<vmem>>)
      %add3A_67 = arith.constant 78 : i32
      %add3A_68 = arith.addi %add3A_4, %add3A_67 : i32
      %mul3A_69 = arith.constant 128 : i32
      %mul3A_70 = arith.muli %add3A_68, %mul3A_69 : i32
      "tpu.region"() ({
        %run_scoped3A = tpu.sem_alloc : memref<!tpu.dma_semaphore, #tpu.memory_space<semaphore_mem>>
        %dma_start3A_71 = arith.constant 0 : i32
        %dma_start3A_72 = tpu.memref_slice %arg4[%mul3A_70, %dma_start3A_71] : memref<320000x128xf32, #tpu.memory_space<hbm>> -> memref<128x128xf32, #tpu.memory_space<hbm>>
        %dma_start3A_73 = arith.constant 0 : i32
        %dma_start3A_74 = tpu.memref_slice %arg4[%mul3A_70, %dma_start3A_73] : memref<320000x128xf32, #tpu.memory_space<hbm>> -> memref<128x128xf32, #tpu.memory_space<hbm>>
        tpu.enqueue_dma source(%arg6 : memref<128x128xf32, #tpu.memory_space<vmem>>) target(%dma_start3A_74 : memref<128x128xf32, #tpu.memory_space<hbm>>) target_semaphore(%run_scoped3A : memref<!tpu.dma_semaphore, #tpu.memory_space<semaphore_mem>>)
        %dma_wait3A_75 = arith.constant 0 : i32
        %dma_wait3A_76 = tpu.memref_slice %arg4[%mul3A_70, %dma_wait3A_75] : memref<320000x128xf32, #tpu.memory_space<hbm>> -> memref<128x128xf32, #tpu.memory_space<hbm>>
        %dma_wait3A_77 = arith.constant 0 : i32
        %dma_wait3A_78 = tpu.memref_slice %arg4[%mul3A_70, %dma_wait3A_77] : memref<320000x128xf32, #tpu.memory_space<hbm>> -> memref<128x128xf32, #tpu.memory_space<hbm>>
        tpu.wait_dma2 semaphore(%run_scoped3A : memref<!tpu.dma_semaphore, #tpu.memory_space<semaphore_mem>>) src(%arg6 : memref<128x128xf32, #tpu.memory_space<vmem>>) dst(%dma_wait3A_78 : memref<128x128xf32, #tpu.memory_space<hbm>>)
        tpu.yield
      }) : () -> ()
    } else {
    }
    return
  }
}

#map = affine_map<(d0, d1) -> (0)>
#map1 = affine_map<(d0, d1) -> (0, 0)>
#map2 = affine_map<(d0, d1) -> (0, 0, 0)>
module attributes {stable_mosaic.version = 14 : i64} {
  func.func @_msg_kernel(%arg0: i32, %arg1: i32, %arg2: memref<320000xi32, #tpu.memory_space<hbm>>, %arg3: memref<320000xi32, #tpu.memory_space<hbm>>, %arg4: memref<10000x128xf32, #tpu.memory_space<hbm>>, %arg5: memref<320000x64xf32, #tpu.memory_space<hbm>>, %arg6: memref<2x10000x128xf32, #tpu.memory_space<hbm>>, %arg7: memref<2x64xi32, #tpu.memory_space<vmem>>, %arg8: memref<64x128xf32, #tpu.memory_space<vmem>>, %arg9: memref<64x64xf32, #tpu.memory_space<vmem>>, %arg10: memref<64x128xf32, #tpu.memory_space<vmem>>, %arg11: memref<2x64xi32, #tpu.memory_space<vmem>>, %arg12: memref<64x128xf32, #tpu.memory_space<vmem>>, %arg13: memref<64x64xf32, #tpu.memory_space<vmem>>, %arg14: memref<64x128xf32, #tpu.memory_space<vmem>>, %arg15: memref<10000x128xf32, #tpu.memory_space<vmem_shared>>, %arg16: memref<!tpu.dma_semaphore, #tpu.memory_space<semaphore_mem>>, %arg17: memref<!tpu.dma_semaphore, #tpu.memory_space<semaphore_mem>>, %arg18: memref<!tpu.dma_semaphore, #tpu.memory_space<semaphore_mem>>, %arg19: memref<!tpu.dma_semaphore, #tpu.memory_space<semaphore_mem>>) attributes {dimension_semantics = [#tpu.dimension_semantics<core_parallel>, #tpu.dimension_semantics<subcore_parallel>], iteration_bounds = array<i64: 2, 16>, scalar_prefetch = 0 : i64, scratch_operands = 13 : i64, tpu.core_type = #tpu.core_type<sc_vector_subcore>, window_params = [{transform_indices = #map}, {transform_indices = #map}, {transform_indices = #map1}, {transform_indices = #map1}, {transform_indices = #map2}]} {
    %mul3A = arith.constant 16 : i32
    %mul3A_0 = arith.muli %arg0, %mul3A : i32
    %add3A = arith.addi %mul3A_0, %arg1 : i32
    %broadcast_in_dim3A = arith.constant 0.000000e+00 : f32
    %broadcast_in_dim3A_1 = vector.broadcast %broadcast_in_dim3A : f32 to vector<16xf32>
    %parallel_loop3A = arith.constant 0 : i32
    %parallel_loop3A_2 = arith.constant 64 : i32
    %parallel_loop3A_3 = arith.constant 1 : i32
    scf.for %parallel_loop3A_203 = %parallel_loop3A to %parallel_loop3A_2 step %parallel_loop3A_3  : i32 {
      %parallel_loop3A_204 = arith.index_cast %parallel_loop3A_203 : i32 to index
      %parallel_loop3A_205 = arith.constant 0 : index
      %parallel_loop3A_206 = tpu.vector_load %arg10[%parallel_loop3A_204, %parallel_loop3A_205] {strides = array<i32>} : memref<64x128xf32, #tpu.memory_space<vmem>>, vector<1x16xf32>,
      %parallel_loop3A_207 = vector.shape_cast %parallel_loop3A_206 : vector<1x16xf32> to vector<16xf32>
      %parallel_loop3A_208 = vector.shape_cast %broadcast_in_dim3A_1 : vector<16xf32> to vector<1x16xf32>
      tpu.vector_store %arg10[%parallel_loop3A_204, %parallel_loop3A_205], %parallel_loop3A_208 {strides = array<i32>} : memref<64x128xf32, #tpu.memory_space<vmem>>, vector<1x16xf32>,
      %parallel_loop3A_209 = arith.index_cast %parallel_loop3A_203 : i32 to index
      %parallel_loop3A_210 = arith.constant 16 : index
      %parallel_loop3A_211 = tpu.vector_load %arg10[%parallel_loop3A_209, %parallel_loop3A_210] {strides = array<i32>} : memref<64x128xf32, #tpu.memory_space<vmem>>, vector<1x16xf32>,
      %parallel_loop3A_212 = vector.shape_cast %parallel_loop3A_211 : vector<1x16xf32> to vector<16xf32>
      %parallel_loop3A_213 = vector.shape_cast %broadcast_in_dim3A_1 : vector<16xf32> to vector<1x16xf32>
      tpu.vector_store %arg10[%parallel_loop3A_209, %parallel_loop3A_210], %parallel_loop3A_213 {strides = array<i32>} : memref<64x128xf32, #tpu.memory_space<vmem>>, vector<1x16xf32>,
      %parallel_loop3A_214 = arith.index_cast %parallel_loop3A_203 : i32 to index
      %parallel_loop3A_215 = arith.constant 32 : index
      %parallel_loop3A_216 = tpu.vector_load %arg10[%parallel_loop3A_214, %parallel_loop3A_215] {strides = array<i32>} : memref<64x128xf32, #tpu.memory_space<vmem>>, vector<1x16xf32>,
      %parallel_loop3A_217 = vector.shape_cast %parallel_loop3A_216 : vector<1x16xf32> to vector<16xf32>
      %parallel_loop3A_218 = vector.shape_cast %broadcast_in_dim3A_1 : vector<16xf32> to vector<1x16xf32>
      tpu.vector_store %arg10[%parallel_loop3A_214, %parallel_loop3A_215], %parallel_loop3A_218 {strides = array<i32>} : memref<64x128xf32, #tpu.memory_space<vmem>>, vector<1x16xf32>,
      %parallel_loop3A_219 = arith.index_cast %parallel_loop3A_203 : i32 to index
      %parallel_loop3A_220 = arith.constant 48 : index
      %parallel_loop3A_221 = tpu.vector_load %arg10[%parallel_loop3A_219, %parallel_loop3A_220] {strides = array<i32>} : memref<64x128xf32, #tpu.memory_space<vmem>>, vector<1x16xf32>,
      %parallel_loop3A_222 = vector.shape_cast %parallel_loop3A_221 : vector<1x16xf32> to vector<16xf32>
      %parallel_loop3A_223 = vector.shape_cast %broadcast_in_dim3A_1 : vector<16xf32> to vector<1x16xf32>
      tpu.vector_store %arg10[%parallel_loop3A_219, %parallel_loop3A_220], %parallel_loop3A_223 {strides = array<i32>} : memref<64x128xf32, #tpu.memory_space<vmem>>, vector<1x16xf32>,
      %parallel_loop3A_224 = arith.index_cast %parallel_loop3A_203 : i32 to index
      %parallel_loop3A_225 = arith.constant 64 : index
      %parallel_loop3A_226 = tpu.vector_load %arg10[%parallel_loop3A_224, %parallel_loop3A_225] {strides = array<i32>} : memref<64x128xf32, #tpu.memory_space<vmem>>, vector<1x16xf32>,
      %parallel_loop3A_227 = vector.shape_cast %parallel_loop3A_226 : vector<1x16xf32> to vector<16xf32>
      %parallel_loop3A_228 = vector.shape_cast %broadcast_in_dim3A_1 : vector<16xf32> to vector<1x16xf32>
      tpu.vector_store %arg10[%parallel_loop3A_224, %parallel_loop3A_225], %parallel_loop3A_228 {strides = array<i32>} : memref<64x128xf32, #tpu.memory_space<vmem>>, vector<1x16xf32>,
      %parallel_loop3A_229 = arith.index_cast %parallel_loop3A_203 : i32 to index
      %parallel_loop3A_230 = arith.constant 80 : index
      %parallel_loop3A_231 = tpu.vector_load %arg10[%parallel_loop3A_229, %parallel_loop3A_230] {strides = array<i32>} : memref<64x128xf32, #tpu.memory_space<vmem>>, vector<1x16xf32>,
      %parallel_loop3A_232 = vector.shape_cast %parallel_loop3A_231 : vector<1x16xf32> to vector<16xf32>
      %parallel_loop3A_233 = vector.shape_cast %broadcast_in_dim3A_1 : vector<16xf32> to vector<1x16xf32>
      tpu.vector_store %arg10[%parallel_loop3A_229, %parallel_loop3A_230], %parallel_loop3A_233 {strides = array<i32>} : memref<64x128xf32, #tpu.memory_space<vmem>>, vector<1x16xf32>,
      %parallel_loop3A_234 = arith.index_cast %parallel_loop3A_203 : i32 to index
      %parallel_loop3A_235 = arith.constant 96 : index
      %parallel_loop3A_236 = tpu.vector_load %arg10[%parallel_loop3A_234, %parallel_loop3A_235] {strides = array<i32>} : memref<64x128xf32, #tpu.memory_space<vmem>>, vector<1x16xf32>,
      %parallel_loop3A_237 = vector.shape_cast %parallel_loop3A_236 : vector<1x16xf32> to vector<16xf32>
      %parallel_loop3A_238 = vector.shape_cast %broadcast_in_dim3A_1 : vector<16xf32> to vector<1x16xf32>
      tpu.vector_store %arg10[%parallel_loop3A_234, %parallel_loop3A_235], %parallel_loop3A_238 {strides = array<i32>} : memref<64x128xf32, #tpu.memory_space<vmem>>, vector<1x16xf32>,
      %parallel_loop3A_239 = arith.index_cast %parallel_loop3A_203 : i32 to index
      %parallel_loop3A_240 = arith.constant 112 : index
      %parallel_loop3A_241 = tpu.vector_load %arg10[%parallel_loop3A_239, %parallel_loop3A_240] {strides = array<i32>} : memref<64x128xf32, #tpu.memory_space<vmem>>, vector<1x16xf32>,
      %parallel_loop3A_242 = vector.shape_cast %parallel_loop3A_241 : vector<1x16xf32> to vector<16xf32>
      %parallel_loop3A_243 = vector.shape_cast %broadcast_in_dim3A_1 : vector<16xf32> to vector<1x16xf32>
      tpu.vector_store %arg10[%parallel_loop3A_239, %parallel_loop3A_240], %parallel_loop3A_243 {strides = array<i32>} : memref<64x128xf32, #tpu.memory_space<vmem>>, vector<1x16xf32>,
    } {sc.loop_unroll_factor = 4 : i64, sc.parallel_access}
    %mul3A_4 = arith.constant 624 : i32
    %mul3A_5 = arith.muli %arg1, %mul3A_4 : i32
    %add3A_6 = arith.constant 0 : i32
    %add3A_7 = arith.addi %mul3A_5, %add3A_6 : i32
    "tpu.region"() ({
      %run_scoped3A = tpu.sem_alloc : memref<!tpu.dma_semaphore, #tpu.memory_space<semaphore_mem>>
      %dma_start3A_203 = arith.constant 0 : i32
      %dma_start3A_204 = arith.constant 0 : i32
      %dma_start3A_205 = tpu.memref_slice %arg10[%dma_start3A_203, %dma_start3A_204] : memref<64x128xf32, #tpu.memory_space<vmem>> -> memref<64x128xf32, #tpu.memory_space<vmem>>
      %dma_start3A_206 = arith.constant 0 : i32
      %dma_start3A_207 = tpu.memref_slice %arg15[%add3A_7, %dma_start3A_206] : memref<10000x128xf32, #tpu.memory_space<vmem_shared>> -> memref<64x128xf32, #tpu.memory_space<vmem_shared>>
      %dma_start3A_208 = arith.constant 0 : i32
      %dma_start3A_209 = tpu.memref_slice %arg15[%add3A_7, %dma_start3A_208] : memref<10000x128xf32, #tpu.memory_space<vmem_shared>> -> memref<64x128xf32, #tpu.memory_space<vmem_shared>>
      %dma_start3A_210 = arith.constant 0 : i32
      %dma_start3A_211 = arith.constant 0 : i32
      %dma_start3A_212 = tpu.memref_slice %arg10[%dma_start3A_210, %dma_start3A_211] : memref<64x128xf32, #tpu.memory_space<vmem>> -> memref<64x128xf32, #tpu.memory_space<vmem>>
      tpu.enqueue_dma source(%dma_start3A_212 : memref<64x128xf32, #tpu.memory_space<vmem>>) target(%dma_start3A_209 : memref<64x128xf32, #tpu.memory_space<vmem_shared>>) target_semaphore(%run_scoped3A : memref<!tpu.dma_semaphore, #tpu.memory_space<semaphore_mem>>)
      %dma_wait3A_213 = arith.constant 0 : i32
      %dma_wait3A_214 = arith.constant 0 : i32
      %dma_wait3A_215 = tpu.memref_slice %arg10[%dma_wait3A_213, %dma_wait3A_214] : memref<64x128xf32, #tpu.memory_space<vmem>> -> memref<64x128xf32, #tpu.memory_space<vmem>>
      %dma_wait3A_216 = arith.constant 0 : i32
      %dma_wait3A_217 = tpu.memref_slice %arg15[%add3A_7, %dma_wait3A_216] : memref<10000x128xf32, #tpu.memory_space<vmem_shared>> -> memref<64x128xf32, #tpu.memory_space<vmem_shared>>
      %dma_wait3A_218 = arith.constant 0 : i32
      %dma_wait3A_219 = tpu.memref_slice %arg15[%add3A_7, %dma_wait3A_218] : memref<10000x128xf32, #tpu.memory_space<vmem_shared>> -> memref<64x128xf32, #tpu.memory_space<vmem_shared>>
      %dma_wait3A_220 = arith.constant 0 : i32
      %dma_wait3A_221 = arith.constant 0 : i32
      %dma_wait3A_222 = tpu.memref_slice %arg10[%dma_wait3A_220, %dma_wait3A_221] : memref<64x128xf32, #tpu.memory_space<vmem>> -> memref<64x128xf32, #tpu.memory_space<vmem>>
      tpu.wait_dma2 semaphore(%run_scoped3A : memref<!tpu.dma_semaphore, #tpu.memory_space<semaphore_mem>>) src(%dma_wait3A_222 : memref<64x128xf32, #tpu.memory_space<vmem>>) dst(%dma_wait3A_219 : memref<64x128xf32, #tpu.memory_space<vmem_shared>>)
      tpu.yield
    }) : () -> ()
    %mul3A_8 = arith.constant 624 : i32
    %mul3A_9 = arith.muli %arg1, %mul3A_8 : i32
    %add3A_10 = arith.constant 64 : i32
    %add3A_11 = arith.addi %mul3A_9, %add3A_10 : i32
    "tpu.region"() ({
      %run_scoped3A = tpu.sem_alloc : memref<!tpu.dma_semaphore, #tpu.memory_space<semaphore_mem>>
      %dma_start3A_203 = arith.constant 0 : i32
      %dma_start3A_204 = arith.constant 0 : i32
      %dma_start3A_205 = tpu.memref_slice %arg10[%dma_start3A_203, %dma_start3A_204] : memref<64x128xf32, #tpu.memory_space<vmem>> -> memref<64x128xf32, #tpu.memory_space<vmem>>
      %dma_start3A_206 = arith.constant 0 : i32
      %dma_start3A_207 = tpu.memref_slice %arg15[%add3A_11, %dma_start3A_206] : memref<10000x128xf32, #tpu.memory_space<vmem_shared>> -> memref<64x128xf32, #tpu.memory_space<vmem_shared>>
      %dma_start3A_208 = arith.constant 0 : i32
      %dma_start3A_209 = tpu.memref_slice %arg15[%add3A_11, %dma_start3A_208] : memref<10000x128xf32, #tpu.memory_space<vmem_shared>> -> memref<64x128xf32, #tpu.memory_space<vmem_shared>>
      %dma_start3A_210 = arith.constant 0 : i32
      %dma_start3A_211 = arith.constant 0 : i32
      %dma_start3A_212 = tpu.memref_slice %arg10[%dma_start3A_210, %dma_start3A_211] : memref<64x128xf32, #tpu.memory_space<vmem>> -> memref<64x128xf32, #tpu.memory_space<vmem>>
      tpu.enqueue_dma source(%dma_start3A_212 : memref<64x128xf32, #tpu.memory_space<vmem>>) target(%dma_start3A_209 : memref<64x128xf32, #tpu.memory_space<vmem_shared>>) target_semaphore(%run_scoped3A : memref<!tpu.dma_semaphore, #tpu.memory_space<semaphore_mem>>)
      %dma_wait3A_213 = arith.constant 0 : i32
      %dma_wait3A_214 = arith.constant 0 : i32
      %dma_wait3A_215 = tpu.memref_slice %arg10[%dma_wait3A_213, %dma_wait3A_214] : memref<64x128xf32, #tpu.memory_space<vmem>> -> memref<64x128xf32, #tpu.memory_space<vmem>>
      %dma_wait3A_216 = arith.constant 0 : i32
      %dma_wait3A_217 = tpu.memref_slice %arg15[%add3A_11, %dma_wait3A_216] : memref<10000x128xf32, #tpu.memory_space<vmem_shared>> -> memref<64x128xf32, #tpu.memory_space<vmem_shared>>
      %dma_wait3A_218 = arith.constant 0 : i32
      %dma_wait3A_219 = tpu.memref_slice %arg15[%add3A_11, %dma_wait3A_218] : memref<10000x128xf32, #tpu.memory_space<vmem_shared>> -> memref<64x128xf32, #tpu.memory_space<vmem_shared>>
      %dma_wait3A_220 = arith.constant 0 : i32
      %dma_wait3A_221 = arith.constant 0 : i32
      %dma_wait3A_222 = tpu.memref_slice %arg10[%dma_wait3A_220, %dma_wait3A_221] : memref<64x128xf32, #tpu.memory_space<vmem>> -> memref<64x128xf32, #tpu.memory_space<vmem>>
      tpu.wait_dma2 semaphore(%run_scoped3A : memref<!tpu.dma_semaphore, #tpu.memory_space<semaphore_mem>>) src(%dma_wait3A_222 : memref<64x128xf32, #tpu.memory_space<vmem>>) dst(%dma_wait3A_219 : memref<64x128xf32, #tpu.memory_space<vmem_shared>>)
      tpu.yield
    }) : () -> ()
    %mul3A_12 = arith.constant 624 : i32
    %mul3A_13 = arith.muli %arg1, %mul3A_12 : i32
    %add3A_14 = arith.constant 128 : i32
    %add3A_15 = arith.addi %mul3A_13, %add3A_14 : i32
    "tpu.region"() ({
      %run_scoped3A = tpu.sem_alloc : memref<!tpu.dma_semaphore, #tpu.memory_space<semaphore_mem>>
      %dma_start3A_203 = arith.constant 0 : i32
      %dma_start3A_204 = arith.constant 0 : i32
      %dma_start3A_205 = tpu.memref_slice %arg10[%dma_start3A_203, %dma_start3A_204] : memref<64x128xf32, #tpu.memory_space<vmem>> -> memref<64x128xf32, #tpu.memory_space<vmem>>
      %dma_start3A_206 = arith.constant 0 : i32
      %dma_start3A_207 = tpu.memref_slice %arg15[%add3A_15, %dma_start3A_206] : memref<10000x128xf32, #tpu.memory_space<vmem_shared>> -> memref<64x128xf32, #tpu.memory_space<vmem_shared>>
      %dma_start3A_208 = arith.constant 0 : i32
      %dma_start3A_209 = tpu.memref_slice %arg15[%add3A_15, %dma_start3A_208] : memref<10000x128xf32, #tpu.memory_space<vmem_shared>> -> memref<64x128xf32, #tpu.memory_space<vmem_shared>>
      %dma_start3A_210 = arith.constant 0 : i32
      %dma_start3A_211 = arith.constant 0 : i32
      %dma_start3A_212 = tpu.memref_slice %arg10[%dma_start3A_210, %dma_start3A_211] : memref<64x128xf32, #tpu.memory_space<vmem>> -> memref<64x128xf32, #tpu.memory_space<vmem>>
      tpu.enqueue_dma source(%dma_start3A_212 : memref<64x128xf32, #tpu.memory_space<vmem>>) target(%dma_start3A_209 : memref<64x128xf32, #tpu.memory_space<vmem_shared>>) target_semaphore(%run_scoped3A : memref<!tpu.dma_semaphore, #tpu.memory_space<semaphore_mem>>)
      %dma_wait3A_213 = arith.constant 0 : i32
      %dma_wait3A_214 = arith.constant 0 : i32
      %dma_wait3A_215 = tpu.memref_slice %arg10[%dma_wait3A_213, %dma_wait3A_214] : memref<64x128xf32, #tpu.memory_space<vmem>> -> memref<64x128xf32, #tpu.memory_space<vmem>>
      %dma_wait3A_216 = arith.constant 0 : i32
      %dma_wait3A_217 = tpu.memref_slice %arg15[%add3A_15, %dma_wait3A_216] : memref<10000x128xf32, #tpu.memory_space<vmem_shared>> -> memref<64x128xf32, #tpu.memory_space<vmem_shared>>
      %dma_wait3A_218 = arith.constant 0 : i32
      %dma_wait3A_219 = tpu.memref_slice %arg15[%add3A_15, %dma_wait3A_218] : memref<10000x128xf32, #tpu.memory_space<vmem_shared>> -> memref<64x128xf32, #tpu.memory_space<vmem_shared>>
      %dma_wait3A_220 = arith.constant 0 : i32
      %dma_wait3A_221 = arith.constant 0 : i32
      %dma_wait3A_222 = tpu.memref_slice %arg10[%dma_wait3A_220, %dma_wait3A_221] : memref<64x128xf32, #tpu.memory_space<vmem>> -> memref<64x128xf32, #tpu.memory_space<vmem>>
      tpu.wait_dma2 semaphore(%run_scoped3A : memref<!tpu.dma_semaphore, #tpu.memory_space<semaphore_mem>>) src(%dma_wait3A_222 : memref<64x128xf32, #tpu.memory_space<vmem>>) dst(%dma_wait3A_219 : memref<64x128xf32, #tpu.memory_space<vmem_shared>>)
      tpu.yield
    }) : () -> ()
    %mul3A_16 = arith.constant 624 : i32
    %mul3A_17 = arith.muli %arg1, %mul3A_16 : i32
    %add3A_18 = arith.constant 192 : i32
    %add3A_19 = arith.addi %mul3A_17, %add3A_18 : i32
    "tpu.region"() ({
      %run_scoped3A = tpu.sem_alloc : memref<!tpu.dma_semaphore, #tpu.memory_space<semaphore_mem>>
      %dma_start3A_203 = arith.constant 0 : i32
      %dma_start3A_204 = arith.constant 0 : i32
      %dma_start3A_205 = tpu.memref_slice %arg10[%dma_start3A_203, %dma_start3A_204] : memref<64x128xf32, #tpu.memory_space<vmem>> -> memref<64x128xf32, #tpu.memory_space<vmem>>
      %dma_start3A_206 = arith.constant 0 : i32
      %dma_start3A_207 = tpu.memref_slice %arg15[%add3A_19, %dma_start3A_206] : memref<10000x128xf32, #tpu.memory_space<vmem_shared>> -> memref<64x128xf32, #tpu.memory_space<vmem_shared>>
      %dma_start3A_208 = arith.constant 0 : i32
      %dma_start3A_209 = tpu.memref_slice %arg15[%add3A_19, %dma_start3A_208] : memref<10000x128xf32, #tpu.memory_space<vmem_shared>> -> memref<64x128xf32, #tpu.memory_space<vmem_shared>>
      %dma_start3A_210 = arith.constant 0 : i32
      %dma_start3A_211 = arith.constant 0 : i32
      %dma_start3A_212 = tpu.memref_slice %arg10[%dma_start3A_210, %dma_start3A_211] : memref<64x128xf32, #tpu.memory_space<vmem>> -> memref<64x128xf32, #tpu.memory_space<vmem>>
      tpu.enqueue_dma source(%dma_start3A_212 : memref<64x128xf32, #tpu.memory_space<vmem>>) target(%dma_start3A_209 : memref<64x128xf32, #tpu.memory_space<vmem_shared>>) target_semaphore(%run_scoped3A : memref<!tpu.dma_semaphore, #tpu.memory_space<semaphore_mem>>)
      %dma_wait3A_213 = arith.constant 0 : i32
      %dma_wait3A_214 = arith.constant 0 : i32
      %dma_wait3A_215 = tpu.memref_slice %arg10[%dma_wait3A_213, %dma_wait3A_214] : memref<64x128xf32, #tpu.memory_space<vmem>> -> memref<64x128xf32, #tpu.memory_space<vmem>>
      %dma_wait3A_216 = arith.constant 0 : i32
      %dma_wait3A_217 = tpu.memref_slice %arg15[%add3A_19, %dma_wait3A_216] : memref<10000x128xf32, #tpu.memory_space<vmem_shared>> -> memref<64x128xf32, #tpu.memory_space<vmem_shared>>
      %dma_wait3A_218 = arith.constant 0 : i32
      %dma_wait3A_219 = tpu.memref_slice %arg15[%add3A_19, %dma_wait3A_218] : memref<10000x128xf32, #tpu.memory_space<vmem_shared>> -> memref<64x128xf32, #tpu.memory_space<vmem_shared>>
      %dma_wait3A_220 = arith.constant 0 : i32
      %dma_wait3A_221 = arith.constant 0 : i32
      %dma_wait3A_222 = tpu.memref_slice %arg10[%dma_wait3A_220, %dma_wait3A_221] : memref<64x128xf32, #tpu.memory_space<vmem>> -> memref<64x128xf32, #tpu.memory_space<vmem>>
      tpu.wait_dma2 semaphore(%run_scoped3A : memref<!tpu.dma_semaphore, #tpu.memory_space<semaphore_mem>>) src(%dma_wait3A_222 : memref<64x128xf32, #tpu.memory_space<vmem>>) dst(%dma_wait3A_219 : memref<64x128xf32, #tpu.memory_space<vmem_shared>>)
      tpu.yield
    }) : () -> ()
    %mul3A_20 = arith.constant 624 : i32
    %mul3A_21 = arith.muli %arg1, %mul3A_20 : i32
    %add3A_22 = arith.constant 256 : i32
    %add3A_23 = arith.addi %mul3A_21, %add3A_22 : i32
    "tpu.region"() ({
      %run_scoped3A = tpu.sem_alloc : memref<!tpu.dma_semaphore, #tpu.memory_space<semaphore_mem>>
      %dma_start3A_203 = arith.constant 0 : i32
      %dma_start3A_204 = arith.constant 0 : i32
      %dma_start3A_205 = tpu.memref_slice %arg10[%dma_start3A_203, %dma_start3A_204] : memref<64x128xf32, #tpu.memory_space<vmem>> -> memref<64x128xf32, #tpu.memory_space<vmem>>
      %dma_start3A_206 = arith.constant 0 : i32
      %dma_start3A_207 = tpu.memref_slice %arg15[%add3A_23, %dma_start3A_206] : memref<10000x128xf32, #tpu.memory_space<vmem_shared>> -> memref<64x128xf32, #tpu.memory_space<vmem_shared>>
      %dma_start3A_208 = arith.constant 0 : i32
      %dma_start3A_209 = tpu.memref_slice %arg15[%add3A_23, %dma_start3A_208] : memref<10000x128xf32, #tpu.memory_space<vmem_shared>> -> memref<64x128xf32, #tpu.memory_space<vmem_shared>>
      %dma_start3A_210 = arith.constant 0 : i32
      %dma_start3A_211 = arith.constant 0 : i32
      %dma_start3A_212 = tpu.memref_slice %arg10[%dma_start3A_210, %dma_start3A_211] : memref<64x128xf32, #tpu.memory_space<vmem>> -> memref<64x128xf32, #tpu.memory_space<vmem>>
      tpu.enqueue_dma source(%dma_start3A_212 : memref<64x128xf32, #tpu.memory_space<vmem>>) target(%dma_start3A_209 : memref<64x128xf32, #tpu.memory_space<vmem_shared>>) target_semaphore(%run_scoped3A : memref<!tpu.dma_semaphore, #tpu.memory_space<semaphore_mem>>)
      %dma_wait3A_213 = arith.constant 0 : i32
      %dma_wait3A_214 = arith.constant 0 : i32
      %dma_wait3A_215 = tpu.memref_slice %arg10[%dma_wait3A_213, %dma_wait3A_214] : memref<64x128xf32, #tpu.memory_space<vmem>> -> memref<64x128xf32, #tpu.memory_space<vmem>>
      %dma_wait3A_216 = arith.constant 0 : i32
      %dma_wait3A_217 = tpu.memref_slice %arg15[%add3A_23, %dma_wait3A_216] : memref<10000x128xf32, #tpu.memory_space<vmem_shared>> -> memref<64x128xf32, #tpu.memory_space<vmem_shared>>
      %dma_wait3A_218 = arith.constant 0 : i32
      %dma_wait3A_219 = tpu.memref_slice %arg15[%add3A_23, %dma_wait3A_218] : memref<10000x128xf32, #tpu.memory_space<vmem_shared>> -> memref<64x128xf32, #tpu.memory_space<vmem_shared>>
      %dma_wait3A_220 = arith.constant 0 : i32
      %dma_wait3A_221 = arith.constant 0 : i32
      %dma_wait3A_222 = tpu.memref_slice %arg10[%dma_wait3A_220, %dma_wait3A_221] : memref<64x128xf32, #tpu.memory_space<vmem>> -> memref<64x128xf32, #tpu.memory_space<vmem>>
      tpu.wait_dma2 semaphore(%run_scoped3A : memref<!tpu.dma_semaphore, #tpu.memory_space<semaphore_mem>>) src(%dma_wait3A_222 : memref<64x128xf32, #tpu.memory_space<vmem>>) dst(%dma_wait3A_219 : memref<64x128xf32, #tpu.memory_space<vmem_shared>>)
      tpu.yield
    }) : () -> ()
    %mul3A_24 = arith.constant 624 : i32
    %mul3A_25 = arith.muli %arg1, %mul3A_24 : i32
    %add3A_26 = arith.constant 320 : i32
    %add3A_27 = arith.addi %mul3A_25, %add3A_26 : i32
    "tpu.region"() ({
      %run_scoped3A = tpu.sem_alloc : memref<!tpu.dma_semaphore, #tpu.memory_space<semaphore_mem>>
      %dma_start3A_203 = arith.constant 0 : i32
      %dma_start3A_204 = arith.constant 0 : i32
      %dma_start3A_205 = tpu.memref_slice %arg10[%dma_start3A_203, %dma_start3A_204] : memref<64x128xf32, #tpu.memory_space<vmem>> -> memref<64x128xf32, #tpu.memory_space<vmem>>
      %dma_start3A_206 = arith.constant 0 : i32
      %dma_start3A_207 = tpu.memref_slice %arg15[%add3A_27, %dma_start3A_206] : memref<10000x128xf32, #tpu.memory_space<vmem_shared>> -> memref<64x128xf32, #tpu.memory_space<vmem_shared>>
      %dma_start3A_208 = arith.constant 0 : i32
      %dma_start3A_209 = tpu.memref_slice %arg15[%add3A_27, %dma_start3A_208] : memref<10000x128xf32, #tpu.memory_space<vmem_shared>> -> memref<64x128xf32, #tpu.memory_space<vmem_shared>>
      %dma_start3A_210 = arith.constant 0 : i32
      %dma_start3A_211 = arith.constant 0 : i32
      %dma_start3A_212 = tpu.memref_slice %arg10[%dma_start3A_210, %dma_start3A_211] : memref<64x128xf32, #tpu.memory_space<vmem>> -> memref<64x128xf32, #tpu.memory_space<vmem>>
      tpu.enqueue_dma source(%dma_start3A_212 : memref<64x128xf32, #tpu.memory_space<vmem>>) target(%dma_start3A_209 : memref<64x128xf32, #tpu.memory_space<vmem_shared>>) target_semaphore(%run_scoped3A : memref<!tpu.dma_semaphore, #tpu.memory_space<semaphore_mem>>)
      %dma_wait3A_213 = arith.constant 0 : i32
      %dma_wait3A_214 = arith.constant 0 : i32
      %dma_wait3A_215 = tpu.memref_slice %arg10[%dma_wait3A_213, %dma_wait3A_214] : memref<64x128xf32, #tpu.memory_space<vmem>> -> memref<64x128xf32, #tpu.memory_space<vmem>>
      %dma_wait3A_216 = arith.constant 0 : i32
      %dma_wait3A_217 = tpu.memref_slice %arg15[%add3A_27, %dma_wait3A_216] : memref<10000x128xf32, #tpu.memory_space<vmem_shared>> -> memref<64x128xf32, #tpu.memory_space<vmem_shared>>
      %dma_wait3A_218 = arith.constant 0 : i32
      %dma_wait3A_219 = tpu.memref_slice %arg15[%add3A_27, %dma_wait3A_218] : memref<10000x128xf32, #tpu.memory_space<vmem_shared>> -> memref<64x128xf32, #tpu.memory_space<vmem_shared>>
      %dma_wait3A_220 = arith.constant 0 : i32
      %dma_wait3A_221 = arith.constant 0 : i32
      %dma_wait3A_222 = tpu.memref_slice %arg10[%dma_wait3A_220, %dma_wait3A_221] : memref<64x128xf32, #tpu.memory_space<vmem>> -> memref<64x128xf32, #tpu.memory_space<vmem>>
      tpu.wait_dma2 semaphore(%run_scoped3A : memref<!tpu.dma_semaphore, #tpu.memory_space<semaphore_mem>>) src(%dma_wait3A_222 : memref<64x128xf32, #tpu.memory_space<vmem>>) dst(%dma_wait3A_219 : memref<64x128xf32, #tpu.memory_space<vmem_shared>>)
      tpu.yield
    }) : () -> ()
    %mul3A_28 = arith.constant 624 : i32
    %mul3A_29 = arith.muli %arg1, %mul3A_28 : i32
    %add3A_30 = arith.constant 384 : i32
    %add3A_31 = arith.addi %mul3A_29, %add3A_30 : i32
    "tpu.region"() ({
      %run_scoped3A = tpu.sem_alloc : memref<!tpu.dma_semaphore, #tpu.memory_space<semaphore_mem>>
      %dma_start3A_203 = arith.constant 0 : i32
      %dma_start3A_204 = arith.constant 0 : i32
      %dma_start3A_205 = tpu.memref_slice %arg10[%dma_start3A_203, %dma_start3A_204] : memref<64x128xf32, #tpu.memory_space<vmem>> -> memref<64x128xf32, #tpu.memory_space<vmem>>
      %dma_start3A_206 = arith.constant 0 : i32
      %dma_start3A_207 = tpu.memref_slice %arg15[%add3A_31, %dma_start3A_206] : memref<10000x128xf32, #tpu.memory_space<vmem_shared>> -> memref<64x128xf32, #tpu.memory_space<vmem_shared>>
      %dma_start3A_208 = arith.constant 0 : i32
      %dma_start3A_209 = tpu.memref_slice %arg15[%add3A_31, %dma_start3A_208] : memref<10000x128xf32, #tpu.memory_space<vmem_shared>> -> memref<64x128xf32, #tpu.memory_space<vmem_shared>>
      %dma_start3A_210 = arith.constant 0 : i32
      %dma_start3A_211 = arith.constant 0 : i32
      %dma_start3A_212 = tpu.memref_slice %arg10[%dma_start3A_210, %dma_start3A_211] : memref<64x128xf32, #tpu.memory_space<vmem>> -> memref<64x128xf32, #tpu.memory_space<vmem>>
      tpu.enqueue_dma source(%dma_start3A_212 : memref<64x128xf32, #tpu.memory_space<vmem>>) target(%dma_start3A_209 : memref<64x128xf32, #tpu.memory_space<vmem_shared>>) target_semaphore(%run_scoped3A : memref<!tpu.dma_semaphore, #tpu.memory_space<semaphore_mem>>)
      %dma_wait3A_213 = arith.constant 0 : i32
      %dma_wait3A_214 = arith.constant 0 : i32
      %dma_wait3A_215 = tpu.memref_slice %arg10[%dma_wait3A_213, %dma_wait3A_214] : memref<64x128xf32, #tpu.memory_space<vmem>> -> memref<64x128xf32, #tpu.memory_space<vmem>>
      %dma_wait3A_216 = arith.constant 0 : i32
      %dma_wait3A_217 = tpu.memref_slice %arg15[%add3A_31, %dma_wait3A_216] : memref<10000x128xf32, #tpu.memory_space<vmem_shared>> -> memref<64x128xf32, #tpu.memory_space<vmem_shared>>
      %dma_wait3A_218 = arith.constant 0 : i32
      %dma_wait3A_219 = tpu.memref_slice %arg15[%add3A_31, %dma_wait3A_218] : memref<10000x128xf32, #tpu.memory_space<vmem_shared>> -> memref<64x128xf32, #tpu.memory_space<vmem_shared>>
      %dma_wait3A_220 = arith.constant 0 : i32
      %dma_wait3A_221 = arith.constant 0 : i32
      %dma_wait3A_222 = tpu.memref_slice %arg10[%dma_wait3A_220, %dma_wait3A_221] : memref<64x128xf32, #tpu.memory_space<vmem>> -> memref<64x128xf32, #tpu.memory_space<vmem>>
      tpu.wait_dma2 semaphore(%run_scoped3A : memref<!tpu.dma_semaphore, #tpu.memory_space<semaphore_mem>>) src(%dma_wait3A_222 : memref<64x128xf32, #tpu.memory_space<vmem>>) dst(%dma_wait3A_219 : memref<64x128xf32, #tpu.memory_space<vmem_shared>>)
      tpu.yield
    }) : () -> ()
    %mul3A_32 = arith.constant 624 : i32
    %mul3A_33 = arith.muli %arg1, %mul3A_32 : i32
    %add3A_34 = arith.constant 448 : i32
    %add3A_35 = arith.addi %mul3A_33, %add3A_34 : i32
    "tpu.region"() ({
      %run_scoped3A = tpu.sem_alloc : memref<!tpu.dma_semaphore, #tpu.memory_space<semaphore_mem>>
      %dma_start3A_203 = arith.constant 0 : i32
      %dma_start3A_204 = arith.constant 0 : i32
      %dma_start3A_205 = tpu.memref_slice %arg10[%dma_start3A_203, %dma_start3A_204] : memref<64x128xf32, #tpu.memory_space<vmem>> -> memref<64x128xf32, #tpu.memory_space<vmem>>
      %dma_start3A_206 = arith.constant 0 : i32
      %dma_start3A_207 = tpu.memref_slice %arg15[%add3A_35, %dma_start3A_206] : memref<10000x128xf32, #tpu.memory_space<vmem_shared>> -> memref<64x128xf32, #tpu.memory_space<vmem_shared>>
      %dma_start3A_208 = arith.constant 0 : i32
      %dma_start3A_209 = tpu.memref_slice %arg15[%add3A_35, %dma_start3A_208] : memref<10000x128xf32, #tpu.memory_space<vmem_shared>> -> memref<64x128xf32, #tpu.memory_space<vmem_shared>>
      %dma_start3A_210 = arith.constant 0 : i32
      %dma_start3A_211 = arith.constant 0 : i32
      %dma_start3A_212 = tpu.memref_slice %arg10[%dma_start3A_210, %dma_start3A_211] : memref<64x128xf32, #tpu.memory_space<vmem>> -> memref<64x128xf32, #tpu.memory_space<vmem>>
      tpu.enqueue_dma source(%dma_start3A_212 : memref<64x128xf32, #tpu.memory_space<vmem>>) target(%dma_start3A_209 : memref<64x128xf32, #tpu.memory_space<vmem_shared>>) target_semaphore(%run_scoped3A : memref<!tpu.dma_semaphore, #tpu.memory_space<semaphore_mem>>)
      %dma_wait3A_213 = arith.constant 0 : i32
      %dma_wait3A_214 = arith.constant 0 : i32
      %dma_wait3A_215 = tpu.memref_slice %arg10[%dma_wait3A_213, %dma_wait3A_214] : memref<64x128xf32, #tpu.memory_space<vmem>> -> memref<64x128xf32, #tpu.memory_space<vmem>>
      %dma_wait3A_216 = arith.constant 0 : i32
      %dma_wait3A_217 = tpu.memref_slice %arg15[%add3A_35, %dma_wait3A_216] : memref<10000x128xf32, #tpu.memory_space<vmem_shared>> -> memref<64x128xf32, #tpu.memory_space<vmem_shared>>
      %dma_wait3A_218 = arith.constant 0 : i32
      %dma_wait3A_219 = tpu.memref_slice %arg15[%add3A_35, %dma_wait3A_218] : memref<10000x128xf32, #tpu.memory_space<vmem_shared>> -> memref<64x128xf32, #tpu.memory_space<vmem_shared>>
      %dma_wait3A_220 = arith.constant 0 : i32
      %dma_wait3A_221 = arith.constant 0 : i32
      %dma_wait3A_222 = tpu.memref_slice %arg10[%dma_wait3A_220, %dma_wait3A_221] : memref<64x128xf32, #tpu.memory_space<vmem>> -> memref<64x128xf32, #tpu.memory_space<vmem>>
      tpu.wait_dma2 semaphore(%run_scoped3A : memref<!tpu.dma_semaphore, #tpu.memory_space<semaphore_mem>>) src(%dma_wait3A_222 : memref<64x128xf32, #tpu.memory_space<vmem>>) dst(%dma_wait3A_219 : memref<64x128xf32, #tpu.memory_space<vmem_shared>>)
      tpu.yield
    }) : () -> ()
    %mul3A_36 = arith.constant 624 : i32
    %mul3A_37 = arith.muli %arg1, %mul3A_36 : i32
    %add3A_38 = arith.constant 512 : i32
    %add3A_39 = arith.addi %mul3A_37, %add3A_38 : i32
    "tpu.region"() ({
      %run_scoped3A = tpu.sem_alloc : memref<!tpu.dma_semaphore, #tpu.memory_space<semaphore_mem>>
      %dma_start3A_203 = arith.constant 0 : i32
      %dma_start3A_204 = arith.constant 0 : i32
      %dma_start3A_205 = tpu.memref_slice %arg10[%dma_start3A_203, %dma_start3A_204] : memref<64x128xf32, #tpu.memory_space<vmem>> -> memref<64x128xf32, #tpu.memory_space<vmem>>
      %dma_start3A_206 = arith.constant 0 : i32
      %dma_start3A_207 = tpu.memref_slice %arg15[%add3A_39, %dma_start3A_206] : memref<10000x128xf32, #tpu.memory_space<vmem_shared>> -> memref<64x128xf32, #tpu.memory_space<vmem_shared>>
      %dma_start3A_208 = arith.constant 0 : i32
      %dma_start3A_209 = tpu.memref_slice %arg15[%add3A_39, %dma_start3A_208] : memref<10000x128xf32, #tpu.memory_space<vmem_shared>> -> memref<64x128xf32, #tpu.memory_space<vmem_shared>>
      %dma_start3A_210 = arith.constant 0 : i32
      %dma_start3A_211 = arith.constant 0 : i32
      %dma_start3A_212 = tpu.memref_slice %arg10[%dma_start3A_210, %dma_start3A_211] : memref<64x128xf32, #tpu.memory_space<vmem>> -> memref<64x128xf32, #tpu.memory_space<vmem>>
      tpu.enqueue_dma source(%dma_start3A_212 : memref<64x128xf32, #tpu.memory_space<vmem>>) target(%dma_start3A_209 : memref<64x128xf32, #tpu.memory_space<vmem_shared>>) target_semaphore(%run_scoped3A : memref<!tpu.dma_semaphore, #tpu.memory_space<semaphore_mem>>)
      %dma_wait3A_213 = arith.constant 0 : i32
      %dma_wait3A_214 = arith.constant 0 : i32
      %dma_wait3A_215 = tpu.memref_slice %arg10[%dma_wait3A_213, %dma_wait3A_214] : memref<64x128xf32, #tpu.memory_space<vmem>> -> memref<64x128xf32, #tpu.memory_space<vmem>>
      %dma_wait3A_216 = arith.constant 0 : i32
      %dma_wait3A_217 = tpu.memref_slice %arg15[%add3A_39, %dma_wait3A_216] : memref<10000x128xf32, #tpu.memory_space<vmem_shared>> -> memref<64x128xf32, #tpu.memory_space<vmem_shared>>
      %dma_wait3A_218 = arith.constant 0 : i32
      %dma_wait3A_219 = tpu.memref_slice %arg15[%add3A_39, %dma_wait3A_218] : memref<10000x128xf32, #tpu.memory_space<vmem_shared>> -> memref<64x128xf32, #tpu.memory_space<vmem_shared>>
      %dma_wait3A_220 = arith.constant 0 : i32
      %dma_wait3A_221 = arith.constant 0 : i32
      %dma_wait3A_222 = tpu.memref_slice %arg10[%dma_wait3A_220, %dma_wait3A_221] : memref<64x128xf32, #tpu.memory_space<vmem>> -> memref<64x128xf32, #tpu.memory_space<vmem>>
      tpu.wait_dma2 semaphore(%run_scoped3A : memref<!tpu.dma_semaphore, #tpu.memory_space<semaphore_mem>>) src(%dma_wait3A_222 : memref<64x128xf32, #tpu.memory_space<vmem>>) dst(%dma_wait3A_219 : memref<64x128xf32, #tpu.memory_space<vmem_shared>>)
      tpu.yield
    }) : () -> ()
    %mul3A_40 = arith.constant 624 : i32
    %mul3A_41 = arith.muli %arg1, %mul3A_40 : i32
    %add3A_42 = arith.constant 576 : i32
    %add3A_43 = arith.addi %mul3A_41, %add3A_42 : i32
    "tpu.region"() ({
      %run_scoped3A = tpu.sem_alloc : memref<!tpu.dma_semaphore, #tpu.memory_space<semaphore_mem>>
      %dma_start3A_203 = arith.constant 0 : i32
      %dma_start3A_204 = arith.constant 0 : i32
      %dma_start3A_205 = tpu.memref_slice %arg10[%dma_start3A_203, %dma_start3A_204] : memref<64x128xf32, #tpu.memory_space<vmem>> -> memref<48x128xf32, #tpu.memory_space<vmem>>
      %dma_start3A_206 = arith.constant 0 : i32
      %dma_start3A_207 = tpu.memref_slice %arg15[%add3A_43, %dma_start3A_206] : memref<10000x128xf32, #tpu.memory_space<vmem_shared>> -> memref<48x128xf32, #tpu.memory_space<vmem_shared>>
      %dma_start3A_208 = arith.constant 0 : i32
      %dma_start3A_209 = tpu.memref_slice %arg15[%add3A_43, %dma_start3A_208] : memref<10000x128xf32, #tpu.memory_space<vmem_shared>> -> memref<48x128xf32, #tpu.memory_space<vmem_shared>>
      %dma_start3A_210 = arith.constant 0 : i32
      %dma_start3A_211 = arith.constant 0 : i32
      %dma_start3A_212 = tpu.memref_slice %arg10[%dma_start3A_210, %dma_start3A_211] : memref<64x128xf32, #tpu.memory_space<vmem>> -> memref<48x128xf32, #tpu.memory_space<vmem>>
      tpu.enqueue_dma source(%dma_start3A_212 : memref<48x128xf32, #tpu.memory_space<vmem>>) target(%dma_start3A_209 : memref<48x128xf32, #tpu.memory_space<vmem_shared>>) target_semaphore(%run_scoped3A : memref<!tpu.dma_semaphore, #tpu.memory_space<semaphore_mem>>)
      %dma_wait3A_213 = arith.constant 0 : i32
      %dma_wait3A_214 = arith.constant 0 : i32
      %dma_wait3A_215 = tpu.memref_slice %arg10[%dma_wait3A_213, %dma_wait3A_214] : memref<64x128xf32, #tpu.memory_space<vmem>> -> memref<48x128xf32, #tpu.memory_space<vmem>>
      %dma_wait3A_216 = arith.constant 0 : i32
      %dma_wait3A_217 = tpu.memref_slice %arg15[%add3A_43, %dma_wait3A_216] : memref<10000x128xf32, #tpu.memory_space<vmem_shared>> -> memref<48x128xf32, #tpu.memory_space<vmem_shared>>
      %dma_wait3A_218 = arith.constant 0 : i32
      %dma_wait3A_219 = tpu.memref_slice %arg15[%add3A_43, %dma_wait3A_218] : memref<10000x128xf32, #tpu.memory_space<vmem_shared>> -> memref<48x128xf32, #tpu.memory_space<vmem_shared>>
      %dma_wait3A_220 = arith.constant 0 : i32
      %dma_wait3A_221 = arith.constant 0 : i32
      %dma_wait3A_222 = tpu.memref_slice %arg10[%dma_wait3A_220, %dma_wait3A_221] : memref<64x128xf32, #tpu.memory_space<vmem>> -> memref<48x128xf32, #tpu.memory_space<vmem>>
      tpu.wait_dma2 semaphore(%run_scoped3A : memref<!tpu.dma_semaphore, #tpu.memory_space<semaphore_mem>>) src(%dma_wait3A_222 : memref<48x128xf32, #tpu.memory_space<vmem>>) dst(%dma_wait3A_219 : memref<48x128xf32, #tpu.memory_space<vmem_shared>>)
      tpu.yield
    }) : () -> ()
    %eq3A = arith.constant 15 : i32
    %eq3A_44 = arith.cmpi eq, %arg1, %eq3A : i32
    %convert_element_type3A = arith.extui %eq3A_44 : i1 to i32
    %cond3A = arith.constant 0 : i32
    %cond3A_45 = arith.cmpi ne, %convert_element_type3A, %cond3A : i32
    scf.if %cond3A_45 {
      "tpu.region"() ({
        %run_scoped3A = tpu.sem_alloc : memref<!tpu.dma_semaphore, #tpu.memory_space<semaphore_mem>>
        %dma_start3A_203 = arith.constant 0 : i32
        %dma_start3A_204 = arith.constant 0 : i32
        %dma_start3A_205 = tpu.memref_slice %arg10[%dma_start3A_203, %dma_start3A_204] : memref<64x128xf32, #tpu.memory_space<vmem>> -> memref<16x128xf32, #tpu.memory_space<vmem>>
        %dma_start3A_206 = arith.constant 9984 : i32
        %dma_start3A_207 = arith.constant 0 : i32
        %dma_start3A_208 = tpu.memref_slice %arg15[%dma_start3A_206, %dma_start3A_207] : memref<10000x128xf32, #tpu.memory_space<vmem_shared>> -> memref<16x128xf32, #tpu.memory_space<vmem_shared>>
        %dma_start3A_209 = arith.constant 9984 : i32
        %dma_start3A_210 = arith.constant 0 : i32
        %dma_start3A_211 = tpu.memref_slice %arg15[%dma_start3A_209, %dma_start3A_210] : memref<10000x128xf32, #tpu.memory_space<vmem_shared>> -> memref<16x128xf32, #tpu.memory_space<vmem_shared>>
        %dma_start3A_212 = arith.constant 0 : i32
        %dma_start3A_213 = arith.constant 0 : i32
        %dma_start3A_214 = tpu.memref_slice %arg10[%dma_start3A_212, %dma_start3A_213] : memref<64x128xf32, #tpu.memory_space<vmem>> -> memref<16x128xf32, #tpu.memory_space<vmem>>
        tpu.enqueue_dma source(%dma_start3A_214 : memref<16x128xf32, #tpu.memory_space<vmem>>) target(%dma_start3A_211 : memref<16x128xf32, #tpu.memory_space<vmem_shared>>) target_semaphore(%run_scoped3A : memref<!tpu.dma_semaphore, #tpu.memory_space<semaphore_mem>>)
        %dma_wait3A_215 = arith.constant 0 : i32
        %dma_wait3A_216 = arith.constant 0 : i32
        %dma_wait3A_217 = tpu.memref_slice %arg10[%dma_wait3A_215, %dma_wait3A_216] : memref<64x128xf32, #tpu.memory_space<vmem>> -> memref<16x128xf32, #tpu.memory_space<vmem>>
        %dma_wait3A_218 = arith.constant 9984 : i32
        %dma_wait3A_219 = arith.constant 0 : i32
        %dma_wait3A_220 = tpu.memref_slice %arg15[%dma_wait3A_218, %dma_wait3A_219] : memref<10000x128xf32, #tpu.memory_space<vmem_shared>> -> memref<16x128xf32, #tpu.memory_space<vmem_shared>>
        %dma_wait3A_221 = arith.constant 9984 : i32
        %dma_wait3A_222 = arith.constant 0 : i32
        %dma_wait3A_223 = tpu.memref_slice %arg15[%dma_wait3A_221, %dma_wait3A_222] : memref<10000x128xf32, #tpu.memory_space<vmem_shared>> -> memref<16x128xf32, #tpu.memory_space<vmem_shared>>
        %dma_wait3A_224 = arith.constant 0 : i32
        %dma_wait3A_225 = arith.constant 0 : i32
        %dma_wait3A_226 = tpu.memref_slice %arg10[%dma_wait3A_224, %dma_wait3A_225] : memref<64x128xf32, #tpu.memory_space<vmem>> -> memref<16x128xf32, #tpu.memory_space<vmem>>
        tpu.wait_dma2 semaphore(%run_scoped3A : memref<!tpu.dma_semaphore, #tpu.memory_space<semaphore_mem>>) src(%dma_wait3A_226 : memref<16x128xf32, #tpu.memory_space<vmem>>) dst(%dma_wait3A_223 : memref<16x128xf32, #tpu.memory_space<vmem_shared>>)
        tpu.yield
      }) : () -> ()
    } else {
    }
    %iota3A = tpu.iota {dimensions = array<i32: 0>} : vector<16xi32>
    %eq3A_46 = arith.constant 0 : i32
    %eq3A_47 = vector.broadcast %eq3A_46 : i32 to vector<16xi32>
    %eq3A_48 = arith.cmpi eq, %iota3A, %eq3A_47 : vector<16xi32>
    %jit3A = arith.constant 1.000000e+00 : f32
    %jit3A_49 = arith.constant 0.000000e+00 : f32
    %broadcast_in_dim3A_50 = vector.broadcast %jit3A : f32 to vector<16xf32>
    %broadcast_in_dim3A_51 = vector.broadcast %jit3A_49 : f32 to vector<16xf32>
    %select_n3A = arith.select %eq3A_48, %broadcast_in_dim3A_50, %broadcast_in_dim3A_51 : vector<16xi1>, vector<16xf32>
    %barrier3A = arith.constant 0 : index
    tpu.barrier barrier_id(%barrier3A)
    %mul3A_52 = arith.constant 156 : i32
    %mul3A_53 = arith.muli %add3A, %mul3A_52 : i32
    %min3A = arith.constant 8 : i32
    %min3A_54 = arith.minsi %add3A, %min3A : i32
    %add3A_55 = arith.addi %mul3A_53, %min3A_54 : i32
    %lt3A = arith.constant 8 : i32
    %lt3A_56 = arith.cmpi slt, %add3A, %lt3A : i32
    %convert_element_type3A_57 = arith.extui %lt3A_56 : i1 to i32
    %add3A_58 = arith.constant 156 : i32
    %add3A_59 = arith.addi %add3A_58, %convert_element_type3A_57 : i32
    %add3A_60 = arith.constant 0 : i32
    %add3A_61 = arith.addi %add3A_55, %add3A_60 : i32
    %mul3A_62 = arith.constant 64 : i32
    %mul3A_63 = arith.muli %add3A_61, %mul3A_62 : i32
    %dma_start3A = arith.constant 0 : i32
    %dma_start3A_64 = arith.constant 0 : i32
    %dma_start3A_65 = tpu.memref_slice %arg7[%dma_start3A, %dma_start3A_64] : memref<2x64xi32, #tpu.memory_space<vmem>> -> memref<1x64xi32, #tpu.memory_space<vmem>>
    %dma_start3A_66 = tpu.memref_squeeze %dma_start3A_65 : memref<1x64xi32, #tpu.memory_space<vmem>> -> memref<64xi32, #tpu.memory_space<vmem>>
    %dma_start3A_67 = tpu.memref_slice %arg2[%mul3A_63] : memref<320000xi32, #tpu.memory_space<hbm>> -> memref<64xi32, #tpu.memory_space<hbm>>
    %dma_start3A_68 = arith.constant 0 : i32
    %dma_start3A_69 = tpu.memref_slice %arg7[%dma_start3A, %dma_start3A_68] : memref<2x64xi32, #tpu.memory_space<vmem>> -> memref<1x64xi32, #tpu.memory_space<vmem>>
    %dma_start3A_70 = tpu.memref_squeeze %dma_start3A_69 : memref<1x64xi32, #tpu.memory_space<vmem>> -> memref<64xi32, #tpu.memory_space<vmem>>
    %dma_start3A_71 = tpu.memref_slice %arg2[%mul3A_63] : memref<320000xi32, #tpu.memory_space<hbm>> -> memref<64xi32, #tpu.memory_space<hbm>>
    tpu.enqueue_dma source(%dma_start3A_71 : memref<64xi32, #tpu.memory_space<hbm>>) target(%dma_start3A_70 : memref<64xi32, #tpu.memory_space<vmem>>) target_semaphore(%arg18 : memref<!tpu.dma_semaphore, #tpu.memory_space<semaphore_mem>>)
    %dma_start3A_72 = arith.constant 1 : i32
    %dma_start3A_73 = arith.constant 0 : i32
    %dma_start3A_74 = tpu.memref_slice %arg7[%dma_start3A_72, %dma_start3A_73] : memref<2x64xi32, #tpu.memory_space<vmem>> -> memref<1x64xi32, #tpu.memory_space<vmem>>
    %dma_start3A_75 = tpu.memref_squeeze %dma_start3A_74 : memref<1x64xi32, #tpu.memory_space<vmem>> -> memref<64xi32, #tpu.memory_space<vmem>>
    %dma_start3A_76 = tpu.memref_slice %arg3[%mul3A_63] : memref<320000xi32, #tpu.memory_space<hbm>> -> memref<64xi32, #tpu.memory_space<hbm>>
    %dma_start3A_77 = arith.constant 0 : i32
    %dma_start3A_78 = tpu.memref_slice %arg7[%dma_start3A_72, %dma_start3A_77] : memref<2x64xi32, #tpu.memory_space<vmem>> -> memref<1x64xi32, #tpu.memory_space<vmem>>
    %dma_start3A_79 = tpu.memref_squeeze %dma_start3A_78 : memref<1x64xi32, #tpu.memory_space<vmem>> -> memref<64xi32, #tpu.memory_space<vmem>>
    %dma_start3A_80 = tpu.memref_slice %arg3[%mul3A_63] : memref<320000xi32, #tpu.memory_space<hbm>> -> memref<64xi32, #tpu.memory_space<hbm>>
    tpu.enqueue_dma source(%dma_start3A_80 : memref<64xi32, #tpu.memory_space<hbm>>) target(%dma_start3A_79 : memref<64xi32, #tpu.memory_space<vmem>>) target_semaphore(%arg18 : memref<!tpu.dma_semaphore, #tpu.memory_space<semaphore_mem>>)
    %add3A_81 = arith.constant 1 : i32
    %add3A_82 = arith.addi %add3A_55, %add3A_81 : i32
    %mul3A_83 = arith.constant 64 : i32
    %mul3A_84 = arith.muli %add3A_82, %mul3A_83 : i32
    %dma_start3A_85 = arith.constant 0 : i32
    %dma_start3A_86 = arith.constant 0 : i32
    %dma_start3A_87 = tpu.memref_slice %arg11[%dma_start3A_85, %dma_start3A_86] : memref<2x64xi32, #tpu.memory_space<vmem>> -> memref<1x64xi32, #tpu.memory_space<vmem>>
    %dma_start3A_88 = tpu.memref_squeeze %dma_start3A_87 : memref<1x64xi32, #tpu.memory_space<vmem>> -> memref<64xi32, #tpu.memory_space<vmem>>
    %dma_start3A_89 = tpu.memref_slice %arg2[%mul3A_84] : memref<320000xi32, #tpu.memory_space<hbm>> -> memref<64xi32, #tpu.memory_space<hbm>>
    %dma_start3A_90 = arith.constant 0 : i32
    %dma_start3A_91 = tpu.memref_slice %arg11[%dma_start3A_85, %dma_start3A_90] : memref<2x64xi32, #tpu.memory_space<vmem>> -> memref<1x64xi32, #tpu.memory_space<vmem>>
    %dma_start3A_92 = tpu.memref_squeeze %dma_start3A_91 : memref<1x64xi32, #tpu.memory_space<vmem>> -> memref<64xi32, #tpu.memory_space<vmem>>
    %dma_start3A_93 = tpu.memref_slice %arg2[%mul3A_84] : memref<320000xi32, #tpu.memory_space<hbm>> -> memref<64xi32, #tpu.memory_space<hbm>>
    tpu.enqueue_dma source(%dma_start3A_93 : memref<64xi32, #tpu.memory_space<hbm>>) target(%dma_start3A_92 : memref<64xi32, #tpu.memory_space<vmem>>) target_semaphore(%arg19 : memref<!tpu.dma_semaphore, #tpu.memory_space<semaphore_mem>>)
    %dma_start3A_94 = arith.constant 1 : i32
    %dma_start3A_95 = arith.constant 0 : i32
    %dma_start3A_96 = tpu.memref_slice %arg11[%dma_start3A_94, %dma_start3A_95] : memref<2x64xi32, #tpu.memory_space<vmem>> -> memref<1x64xi32, #tpu.memory_space<vmem>>
    %dma_start3A_97 = tpu.memref_squeeze %dma_start3A_96 : memref<1x64xi32, #tpu.memory_space<vmem>> -> memref<64xi32, #tpu.memory_space<vmem>>
    %dma_start3A_98 = tpu.memref_slice %arg3[%mul3A_84] : memref<320000xi32, #tpu.memory_space<hbm>> -> memref<64xi32, #tpu.memory_space<hbm>>
    %dma_start3A_99 = arith.constant 0 : i32
    %dma_start3A_100 = tpu.memref_slice %arg11[%dma_start3A_94, %dma_start3A_99] : memref<2x64xi32, #tpu.memory_space<vmem>> -> memref<1x64xi32, #tpu.memory_space<vmem>>
    %dma_start3A_101 = tpu.memref_squeeze %dma_start3A_100 : memref<1x64xi32, #tpu.memory_space<vmem>> -> memref<64xi32, #tpu.memory_space<vmem>>
    %dma_start3A_102 = tpu.memref_slice %arg3[%mul3A_84] : memref<320000xi32, #tpu.memory_space<hbm>> -> memref<64xi32, #tpu.memory_space<hbm>>
    tpu.enqueue_dma source(%dma_start3A_102 : memref<64xi32, #tpu.memory_space<hbm>>) target(%dma_start3A_101 : memref<64xi32, #tpu.memory_space<vmem>>) target_semaphore(%arg19 : memref<!tpu.dma_semaphore, #tpu.memory_space<semaphore_mem>>)
    %add3A_103 = arith.constant 0 : i32
    %add3A_104 = arith.addi %add3A_55, %add3A_103 : i32
    %mul3A_105 = arith.constant 64 : i32
    %mul3A_106 = arith.muli %add3A_104, %mul3A_105 : i32
    %dma_wait3A = arith.constant 0 : i32
    %dma_wait3A_107 = arith.constant 0 : i32
    %dma_wait3A_108 = tpu.memref_slice %arg7[%dma_wait3A, %dma_wait3A_107] : memref<2x64xi32, #tpu.memory_space<vmem>> -> memref<1x64xi32, #tpu.memory_space<vmem>>
    %dma_wait3A_109 = tpu.memref_squeeze %dma_wait3A_108 : memref<1x64xi32, #tpu.memory_space<vmem>> -> memref<64xi32, #tpu.memory_space<vmem>>
    %dma_wait3A_110 = arith.constant 0 : i32
    %dma_wait3A_111 = tpu.memref_slice %arg2[%dma_wait3A_110] : memref<320000xi32, #tpu.memory_space<hbm>> -> memref<64xi32, #tpu.memory_space<hbm>>
    %dma_wait3A_112 = arith.constant 0 : i32
    %dma_wait3A_113 = tpu.memref_slice %arg7[%dma_wait3A, %dma_wait3A_112] : memref<2x64xi32, #tpu.memory_space<vmem>> -> memref<1x64xi32, #tpu.memory_space<vmem>>
    %dma_wait3A_114 = tpu.memref_squeeze %dma_wait3A_113 : memref<1x64xi32, #tpu.memory_space<vmem>> -> memref<64xi32, #tpu.memory_space<vmem>>
    %dma_wait3A_115 = arith.constant 0 : i32
    %dma_wait3A_116 = tpu.memref_slice %arg2[%dma_wait3A_115] : memref<320000xi32, #tpu.memory_space<hbm>> -> memref<64xi32, #tpu.memory_space<hbm>>
    tpu.wait_dma2 semaphore(%arg18 : memref<!tpu.dma_semaphore, #tpu.memory_space<semaphore_mem>>) src(%dma_wait3A_116 : memref<64xi32, #tpu.memory_space<hbm>>) dst(%dma_wait3A_114 : memref<64xi32, #tpu.memory_space<vmem>>)
    %dma_wait3A_117 = arith.constant 1 : i32
    %dma_wait3A_118 = arith.constant 0 : i32
    %dma_wait3A_119 = tpu.memref_slice %arg7[%dma_wait3A_117, %dma_wait3A_118] : memref<2x64xi32, #tpu.memory_space<vmem>> -> memref<1x64xi32, #tpu.memory_space<vmem>>
    %dma_wait3A_120 = tpu.memref_squeeze %dma_wait3A_119 : memref<1x64xi32, #tpu.memory_space<vmem>> -> memref<64xi32, #tpu.memory_space<vmem>>
    %dma_wait3A_121 = arith.constant 0 : i32
    %dma_wait3A_122 = tpu.memref_slice %arg2[%dma_wait3A_121] : memref<320000xi32, #tpu.memory_space<hbm>> -> memref<64xi32, #tpu.memory_space<hbm>>
    %dma_wait3A_123 = arith.constant 0 : i32
    %dma_wait3A_124 = tpu.memref_slice %arg7[%dma_wait3A_117, %dma_wait3A_123] : memref<2x64xi32, #tpu.memory_space<vmem>> -> memref<1x64xi32, #tpu.memory_space<vmem>>
    %dma_wait3A_125 = tpu.memref_squeeze %dma_wait3A_124 : memref<1x64xi32, #tpu.memory_space<vmem>> -> memref<64xi32, #tpu.memory_space<vmem>>
    %dma_wait3A_126 = arith.constant 0 : i32
    %dma_wait3A_127 = tpu.memref_slice %arg2[%dma_wait3A_126] : memref<320000xi32, #tpu.memory_space<hbm>> -> memref<64xi32, #tpu.memory_space<hbm>>
    tpu.wait_dma2 semaphore(%arg18 : memref<!tpu.dma_semaphore, #tpu.memory_space<semaphore_mem>>) src(%dma_wait3A_127 : memref<64xi32, #tpu.memory_space<hbm>>) dst(%dma_wait3A_125 : memref<64xi32, #tpu.memory_space<vmem>>)
    %dma_start3A_128 = arith.constant 0 : i32
    %dma_start3A_129 = arith.constant 0 : i32
    %dma_start3A_130 = tpu.memref_slice %arg7[%dma_start3A_128, %dma_start3A_129] : memref<2x64xi32, #tpu.memory_space<vmem>> -> memref<1x64xi32, #tpu.memory_space<vmem>>
    %dma_start3A_131 = tpu.memref_squeeze %dma_start3A_130 : memref<1x64xi32, #tpu.memory_space<vmem>> -> memref<64xi32, #tpu.memory_space<vmem>>
    %dma_start3A_132 = arith.constant 0 : i32
    %dma_start3A_133 = arith.constant 0 : i32
    %dma_start3A_134 = tpu.memref_slice %arg4[%dma_start3A_132, %dma_start3A_133] : memref<10000x128xf32, #tpu.memory_space<hbm>> -> memref<10000x128xf32, #tpu.memory_space<hbm>>
    tpu.enqueue_indirect_dma source(%dma_start3A_134 : memref<10000x128xf32, #tpu.memory_space<hbm>>) target(%arg8 : memref<64x128xf32, #tpu.memory_space<vmem>>) offsets(%dma_start3A_131 : memref<64xi32, #tpu.memory_space<vmem>>) semaphore(%arg16 : memref<!tpu.dma_semaphore, #tpu.memory_space<semaphore_mem>>)
    %dma_start3A_135 = arith.constant 1 : i32
    %dma_start3A_136 = arith.constant 0 : i32
    %dma_start3A_137 = tpu.memref_slice %arg7[%dma_start3A_135, %dma_start3A_136] : memref<2x64xi32, #tpu.memory_space<vmem>> -> memref<1x64xi32, #tpu.memory_space<vmem>>
    %dma_start3A_138 = tpu.memref_squeeze %dma_start3A_137 : memref<1x64xi32, #tpu.memory_space<vmem>> -> memref<64xi32, #tpu.memory_space<vmem>>
    %dma_start3A_139 = arith.constant 0 : i32
    %dma_start3A_140 = arith.constant 0 : i32
    %dma_start3A_141 = tpu.memref_slice %arg4[%dma_start3A_139, %dma_start3A_140] : memref<10000x128xf32, #tpu.memory_space<hbm>> -> memref<10000x128xf32, #tpu.memory_space<hbm>>
    tpu.enqueue_indirect_dma source(%dma_start3A_141 : memref<10000x128xf32, #tpu.memory_space<hbm>>) target(%arg10 : memref<64x128xf32, #tpu.memory_space<vmem>>) offsets(%dma_start3A_138 : memref<64xi32, #tpu.memory_space<vmem>>) semaphore(%arg16 : memref<!tpu.dma_semaphore, #tpu.memory_space<semaphore_mem>>)
    %dma_start3A_142 = arith.constant 0 : i32
    %dma_start3A_143 = tpu.memref_slice %arg5[%mul3A_106, %dma_start3A_142] : memref<320000x64xf32, #tpu.memory_space<hbm>> -> memref<64x64xf32, #tpu.memory_space<hbm>>
    %dma_start3A_144 = arith.constant 0 : i32
    %dma_start3A_145 = tpu.memref_slice %arg5[%mul3A_106, %dma_start3A_144] : memref<320000x64xf32, #tpu.memory_space<hbm>> -> memref<64x64xf32, #tpu.memory_space<hbm>>
    tpu.enqueue_dma source(%dma_start3A_145 : memref<64x64xf32, #tpu.memory_space<hbm>>) target(%arg9 : memref<64x64xf32, #tpu.memory_space<vmem>>) target_semaphore(%arg16 : memref<!tpu.dma_semaphore, #tpu.memory_space<semaphore_mem>>)
    %scan3A = arith.constant 0 : i32
    %scan3A_146 = arith.constant 0 : i32
    %scan3A_147 = arith.constant 78 : i32
    %scan3A_148 = arith.addi %scan3A_146, %scan3A_147 : i32
    %scan3A_149 = arith.constant 1 : i32
    %scan3A_150 = scf.for %scan3A_203 = %scan3A_146 to %scan3A_148 step %scan3A_149 iter_args(%scan3A_204 = %scan3A) -> (i32)  : i32 {
      %mul3A_205 = arith.constant 2 : i32
      %mul3A_206 = arith.muli %mul3A_205, %scan3A_203 : i32
      %add3A_207 = arith.constant 1 : i32
      %add3A_208 = arith.addi %mul3A_206, %add3A_207 : i32
      %add3A_209 = arith.addi %add3A_55, %add3A_208 : i32
      %mul3A_210 = arith.constant 64 : i32
      %mul3A_211 = arith.muli %add3A_209, %mul3A_210 : i32
      %dma_wait3A_212 = arith.constant 0 : i32
      %dma_wait3A_213 = arith.constant 0 : i32
      %dma_wait3A_214 = tpu.memref_slice %arg11[%dma_wait3A_212, %dma_wait3A_213] : memref<2x64xi32, #tpu.memory_space<vmem>> -> memref<1x64xi32, #tpu.memory_space<vmem>>
      %dma_wait3A_215 = tpu.memref_squeeze %dma_wait3A_214 : memref<1x64xi32, #tpu.memory_space<vmem>> -> memref<64xi32, #tpu.memory_space<vmem>>
      %dma_wait3A_216 = arith.constant 0 : i32
      %dma_wait3A_217 = tpu.memref_slice %arg2[%dma_wait3A_216] : memref<320000xi32, #tpu.memory_space<hbm>> -> memref<64xi32, #tpu.memory_space<hbm>>
      %dma_wait3A_218 = arith.constant 0 : i32
      %dma_wait3A_219 = tpu.memref_slice %arg11[%dma_wait3A_212, %dma_wait3A_218] : memref<2x64xi32, #tpu.memory_space<vmem>> -> memref<1x64xi32, #tpu.memory_space<vmem>>
      %dma_wait3A_220 = tpu.memref_squeeze %dma_wait3A_219 : memref<1x64xi32, #tpu.memory_space<vmem>> -> memref<64xi32, #tpu.memory_space<vmem>>
      %dma_wait3A_221 = arith.constant 0 : i32
      %dma_wait3A_222 = tpu.memref_slice %arg2[%dma_wait3A_221] : memref<320000xi32, #tpu.memory_space<hbm>> -> memref<64xi32, #tpu.memory_space<hbm>>
      tpu.wait_dma2 semaphore(%arg19 : memref<!tpu.dma_semaphore, #tpu.memory_space<semaphore_mem>>) src(%dma_wait3A_222 : memref<64xi32, #tpu.memory_space<hbm>>) dst(%dma_wait3A_220 : memref<64xi32, #tpu.memory_space<vmem>>)
      %dma_wait3A_223 = arith.constant 1 : i32
      %dma_wait3A_224 = arith.constant 0 : i32
      %dma_wait3A_225 = tpu.memref_slice %arg11[%dma_wait3A_223, %dma_wait3A_224] : memref<2x64xi32, #tpu.memory_space<vmem>> -> memref<1x64xi32, #tpu.memory_space<vmem>>
      %dma_wait3A_226 = tpu.memref_squeeze %dma_wait3A_225 : memref<1x64xi32, #tpu.memory_space<vmem>> -> memref<64xi32, #tpu.memory_space<vmem>>
      %dma_wait3A_227 = arith.constant 0 : i32
      %dma_wait3A_228 = tpu.memref_slice %arg2[%dma_wait3A_227] : memref<320000xi32, #tpu.memory_space<hbm>> -> memref<64xi32, #tpu.memory_space<hbm>>
      %dma_wait3A_229 = arith.constant 0 : i32
      %dma_wait3A_230 = tpu.memref_slice %arg11[%dma_wait3A_223, %dma_wait3A_229] : memref<2x64xi32, #tpu.memory_space<vmem>> -> memref<1x64xi32, #tpu.memory_space<vmem>>
      %dma_wait3A_231 = tpu.memref_squeeze %dma_wait3A_230 : memref<1x64xi32, #tpu.memory_space<vmem>> -> memref<64xi32, #tpu.memory_space<vmem>>
      %dma_wait3A_232 = arith.constant 0 : i32
      %dma_wait3A_233 = tpu.memref_slice %arg2[%dma_wait3A_232] : memref<320000xi32, #tpu.memory_space<hbm>> -> memref<64xi32, #tpu.memory_space<hbm>>
      tpu.wait_dma2 semaphore(%arg19 : memref<!tpu.dma_semaphore, #tpu.memory_space<semaphore_mem>>) src(%dma_wait3A_233 : memref<64xi32, #tpu.memory_space<hbm>>) dst(%dma_wait3A_231 : memref<64xi32, #tpu.memory_space<vmem>>)
      %dma_start3A_234 = arith.constant 0 : i32
      %dma_start3A_235 = arith.constant 0 : i32
      %dma_start3A_236 = tpu.memref_slice %arg11[%dma_start3A_234, %dma_start3A_235] : memref<2x64xi32, #tpu.memory_space<vmem>> -> memref<1x64xi32, #tpu.memory_space<vmem>>
      %dma_start3A_237 = tpu.memref_squeeze %dma_start3A_236 : memref<1x64xi32, #tpu.memory_space<vmem>> -> memref<64xi32, #tpu.memory_space<vmem>>
      %dma_start3A_238 = arith.constant 0 : i32
      %dma_start3A_239 = arith.constant 0 : i32
      %dma_start3A_240 = tpu.memref_slice %arg4[%dma_start3A_238, %dma_start3A_239] : memref<10000x128xf32, #tpu.memory_space<hbm>> -> memref<10000x128xf32, #tpu.memory_space<hbm>>
      tpu.enqueue_indirect_dma source(%dma_start3A_240 : memref<10000x128xf32, #tpu.memory_space<hbm>>) target(%arg12 : memref<64x128xf32, #tpu.memory_space<vmem>>) offsets(%dma_start3A_237 : memref<64xi32, #tpu.memory_space<vmem>>) semaphore(%arg17 : memref<!tpu.dma_semaphore, #tpu.memory_space<semaphore_mem>>)
      %dma_start3A_241 = arith.constant 1 : i32
      %dma_start3A_242 = arith.constant 0 : i32
      %dma_start3A_243 = tpu.memref_slice %arg11[%dma_start3A_241, %dma_start3A_242] : memref<2x64xi32, #tpu.memory_space<vmem>> -> memref<1x64xi32, #tpu.memory_space<vmem>>
      %dma_start3A_244 = tpu.memref_squeeze %dma_start3A_243 : memref<1x64xi32, #tpu.memory_space<vmem>> -> memref<64xi32, #tpu.memory_space<vmem>>
      %dma_start3A_245 = arith.constant 0 : i32
      %dma_start3A_246 = arith.constant 0 : i32
      %dma_start3A_247 = tpu.memref_slice %arg4[%dma_start3A_245, %dma_start3A_246] : memref<10000x128xf32, #tpu.memory_space<hbm>> -> memref<10000x128xf32, #tpu.memory_space<hbm>>
      tpu.enqueue_indirect_dma source(%dma_start3A_247 : memref<10000x128xf32, #tpu.memory_space<hbm>>) target(%arg14 : memref<64x128xf32, #tpu.memory_space<vmem>>) offsets(%dma_start3A_244 : memref<64xi32, #tpu.memory_space<vmem>>) semaphore(%arg17 : memref<!tpu.dma_semaphore, #tpu.memory_space<semaphore_mem>>)
      %dma_start3A_248 = arith.constant 0 : i32
      %dma_start3A_249 = tpu.memref_slice %arg5[%mul3A_211, %dma_start3A_248] : memref<320000x64xf32, #tpu.memory_space<hbm>> -> memref<64x64xf32, #tpu.memory_space<hbm>>
      %dma_start3A_250 = arith.constant 0 : i32
      %dma_start3A_251 = tpu.memref_slice %arg5[%mul3A_211, %dma_start3A_250] : memref<320000x64xf32, #tpu.memory_space<hbm>> -> memref<64x64xf32, #tpu.memory_space<hbm>>
      tpu.enqueue_dma source(%dma_start3A_251 : memref<64x64xf32, #tpu.memory_space<hbm>>) target(%arg13 : memref<64x64xf32, #tpu.memory_space<vmem>>) target_semaphore(%arg17 : memref<!tpu.dma_semaphore, #tpu.memory_space<semaphore_mem>>)
      %dma_wait3A_252 = arith.constant 0 : i32
      %dma_wait3A_253 = arith.constant 0 : i32
      %dma_wait3A_254 = tpu.memref_slice %arg7[%dma_wait3A_252, %dma_wait3A_253] : memref<2x64xi32, #tpu.memory_space<vmem>> -> memref<1x64xi32, #tpu.memory_space<vmem>>
      %dma_wait3A_255 = tpu.memref_squeeze %dma_wait3A_254 : memref<1x64xi32, #tpu.memory_space<vmem>> -> memref<64xi32, #tpu.memory_space<vmem>>
      %dma_wait3A_256 = arith.constant 0 : i32
      %dma_wait3A_257 = arith.constant 0 : i32
      %dma_wait3A_258 = tpu.memref_slice %arg4[%dma_wait3A_256, %dma_wait3A_257] : memref<10000x128xf32, #tpu.memory_space<hbm>> -> memref<10000x128xf32, #tpu.memory_space<hbm>>
      tpu.wait_indirect_dma semaphore(%arg16 : memref<!tpu.dma_semaphore, #tpu.memory_space<semaphore_mem>>) src(%dma_wait3A_258 : memref<10000x128xf32, #tpu.memory_space<hbm>>) dst(%arg8 : memref<64x128xf32, #tpu.memory_space<vmem>>)
      %dma_wait3A_259 = arith.constant 0 : i32
      %dma_wait3A_260 = arith.constant 0 : i32
      %dma_wait3A_261 = tpu.memref_slice %arg7[%dma_wait3A_259, %dma_wait3A_260] : memref<2x64xi32, #tpu.memory_space<vmem>> -> memref<1x64xi32, #tpu.memory_space<vmem>>
      %dma_wait3A_262 = tpu.memref_squeeze %dma_wait3A_261 : memref<1x64xi32, #tpu.memory_space<vmem>> -> memref<64xi32, #tpu.memory_space<vmem>>
      %dma_wait3A_263 = arith.constant 0 : i32
      %dma_wait3A_264 = arith.constant 0 : i32
      %dma_wait3A_265 = tpu.memref_slice %arg4[%dma_wait3A_263, %dma_wait3A_264] : memref<10000x128xf32, #tpu.memory_space<hbm>> -> memref<10000x128xf32, #tpu.memory_space<hbm>>
      tpu.wait_indirect_dma semaphore(%arg16 : memref<!tpu.dma_semaphore, #tpu.memory_space<semaphore_mem>>) src(%dma_wait3A_265 : memref<10000x128xf32, #tpu.memory_space<hbm>>) dst(%arg10 : memref<64x128xf32, #tpu.memory_space<vmem>>)
      %dma_wait3A_266 = arith.constant 0 : i32
      %dma_wait3A_267 = arith.constant 0 : i32
      %dma_wait3A_268 = tpu.memref_slice %arg5[%dma_wait3A_266, %dma_wait3A_267] : memref<320000x64xf32, #tpu.memory_space<hbm>> -> memref<64x64xf32, #tpu.memory_space<hbm>>
      %dma_wait3A_269 = arith.constant 0 : i32
      %dma_wait3A_270 = arith.constant 0 : i32
      %dma_wait3A_271 = tpu.memref_slice %arg5[%dma_wait3A_269, %dma_wait3A_270] : memref<320000x64xf32, #tpu.memory_space<hbm>> -> memref<64x64xf32, #tpu.memory_space<hbm>>
      tpu.wait_dma2 semaphore(%arg16 : memref<!tpu.dma_semaphore, #tpu.memory_space<semaphore_mem>>) src(%dma_wait3A_271 : memref<64x64xf32, #tpu.memory_space<hbm>>) dst(%arg9 : memref<64x64xf32, #tpu.memory_space<vmem>>)
      %parallel_loop3A_272 = arith.constant 0 : i32
      %parallel_loop3A_273 = arith.constant 64 : i32
      %parallel_loop3A_274 = arith.constant 1 : i32
      scf.for %parallel_loop3A_330 = %parallel_loop3A_272 to %parallel_loop3A_273 step %parallel_loop3A_274  : i32 {
        %parallel_loop3A_331 = arith.index_cast %parallel_loop3A_330 : i32 to index
        %parallel_loop3A_332 = arith.constant 0 : index
        %parallel_loop3A_333 = tpu.vector_load %arg8[%parallel_loop3A_331, %parallel_loop3A_332] {strides = array<i32>} : memref<64x128xf32, #tpu.memory_space<vmem>>, vector<1x16xf32>,
        %parallel_loop3A_334 = vector.shape_cast %parallel_loop3A_333 : vector<1x16xf32> to vector<16xf32>
        %parallel_loop3A_335 = arith.index_cast %parallel_loop3A_330 : i32 to index
        %parallel_loop3A_336 = arith.constant 64 : index
        %parallel_loop3A_337 = tpu.vector_load %arg10[%parallel_loop3A_335, %parallel_loop3A_336] {strides = array<i32>} : memref<64x128xf32, #tpu.memory_space<vmem>>, vector<1x16xf32>,
        %parallel_loop3A_338 = vector.shape_cast %parallel_loop3A_337 : vector<1x16xf32> to vector<16xf32>
        %parallel_loop3A_339 = arith.addf %parallel_loop3A_334, %parallel_loop3A_338 : vector<16xf32>
        %parallel_loop3A_340 = arith.index_cast %parallel_loop3A_330 : i32 to index
        %parallel_loop3A_341 = arith.constant 0 : index
        %parallel_loop3A_342 = tpu.vector_load %arg9[%parallel_loop3A_340, %parallel_loop3A_341] {strides = array<i32>} : memref<64x64xf32, #tpu.memory_space<vmem>>, vector<1x16xf32>,
        %parallel_loop3A_343 = vector.shape_cast %parallel_loop3A_342 : vector<1x16xf32> to vector<16xf32>
        %parallel_loop3A_344 = arith.addf %parallel_loop3A_339, %parallel_loop3A_343 : vector<16xf32>
        %parallel_loop3A_345 = arith.constant 0.000000e+00 : f32
        %parallel_loop3A_346 = vector.broadcast %parallel_loop3A_345 : f32 to vector<16xf32>
        %parallel_loop3A_347 = arith.maximumf %parallel_loop3A_344, %parallel_loop3A_346 : vector<16xf32>
        %parallel_loop3A_348 = arith.index_cast %parallel_loop3A_330 : i32 to index
        %parallel_loop3A_349 = arith.constant 0 : index
        %parallel_loop3A_350 = tpu.vector_load %arg10[%parallel_loop3A_348, %parallel_loop3A_349] {strides = array<i32>} : memref<64x128xf32, #tpu.memory_space<vmem>>, vector<1x16xf32>,
        %parallel_loop3A_351 = vector.shape_cast %parallel_loop3A_350 : vector<1x16xf32> to vector<16xf32>
        %parallel_loop3A_352 = vector.shape_cast %parallel_loop3A_347 : vector<16xf32> to vector<1x16xf32>
        tpu.vector_store %arg10[%parallel_loop3A_348, %parallel_loop3A_349], %parallel_loop3A_352 {strides = array<i32>} : memref<64x128xf32, #tpu.memory_space<vmem>>, vector<1x16xf32>,
        %parallel_loop3A_353 = arith.index_cast %parallel_loop3A_330 : i32 to index
        %parallel_loop3A_354 = arith.constant 16 : index
        %parallel_loop3A_355 = tpu.vector_load %arg8[%parallel_loop3A_353, %parallel_loop3A_354] {strides = array<i32>} : memref<64x128xf32, #tpu.memory_space<vmem>>, vector<1x16xf32>,
        %parallel_loop3A_356 = vector.shape_cast %parallel_loop3A_355 : vector<1x16xf32> to vector<16xf32>
        %parallel_loop3A_357 = arith.index_cast %parallel_loop3A_330 : i32 to index
        %parallel_loop3A_358 = arith.constant 80 : index
        %parallel_loop3A_359 = tpu.vector_load %arg10[%parallel_loop3A_357, %parallel_loop3A_358] {strides = array<i32>} : memref<64x128xf32, #tpu.memory_space<vmem>>, vector<1x16xf32>,
        %parallel_loop3A_360 = vector.shape_cast %parallel_loop3A_359 : vector<1x16xf32> to vector<16xf32>
        %parallel_loop3A_361 = arith.addf %parallel_loop3A_356, %parallel_loop3A_360 : vector<16xf32>
        %parallel_loop3A_362 = arith.index_cast %parallel_loop3A_330 : i32 to index
        %parallel_loop3A_363 = arith.constant 16 : index
        %parallel_loop3A_364 = tpu.vector_load %arg9[%parallel_loop3A_362, %parallel_loop3A_363] {strides = array<i32>} : memref<64x64xf32, #tpu.memory_space<vmem>>, vector<1x16xf32>,
        %parallel_loop3A_365 = vector.shape_cast %parallel_loop3A_364 : vector<1x16xf32> to vector<16xf32>
        %parallel_loop3A_366 = arith.addf %parallel_loop3A_361, %parallel_loop3A_365 : vector<16xf32>
        %parallel_loop3A_367 = arith.constant 0.000000e+00 : f32
        %parallel_loop3A_368 = vector.broadcast %parallel_loop3A_367 : f32 to vector<16xf32>
        %parallel_loop3A_369 = arith.maximumf %parallel_loop3A_366, %parallel_loop3A_368 : vector<16xf32>
        %parallel_loop3A_370 = arith.index_cast %parallel_loop3A_330 : i32 to index
        %parallel_loop3A_371 = arith.constant 16 : index
        %parallel_loop3A_372 = tpu.vector_load %arg10[%parallel_loop3A_370, %parallel_loop3A_371] {strides = array<i32>} : memref<64x128xf32, #tpu.memory_space<vmem>>, vector<1x16xf32>,
        %parallel_loop3A_373 = vector.shape_cast %parallel_loop3A_372 : vector<1x16xf32> to vector<16xf32>
        %parallel_loop3A_374 = vector.shape_cast %parallel_loop3A_369 : vector<16xf32> to vector<1x16xf32>
        tpu.vector_store %arg10[%parallel_loop3A_370, %parallel_loop3A_371], %parallel_loop3A_374 {strides = array<i32>} : memref<64x128xf32, #tpu.memory_space<vmem>>, vector<1x16xf32>,
        %parallel_loop3A_375 = arith.index_cast %parallel_loop3A_330 : i32 to index
        %parallel_loop3A_376 = arith.constant 32 : index
        %parallel_loop3A_377 = tpu.vector_load %arg8[%parallel_loop3A_375, %parallel_loop3A_376] {strides = array<i32>} : memref<64x128xf32, #tpu.memory_space<vmem>>, vector<1x16xf32>,
        %parallel_loop3A_378 = vector.shape_cast %parallel_loop3A_377 : vector<1x16xf32> to vector<16xf32>
        %parallel_loop3A_379 = arith.index_cast %parallel_loop3A_330 : i32 to index
        %parallel_loop3A_380 = arith.constant 96 : index
        %parallel_loop3A_381 = tpu.vector_load %arg10[%parallel_loop3A_379, %parallel_loop3A_380] {strides = array<i32>} : memref<64x128xf32, #tpu.memory_space<vmem>>, vector<1x16xf32>,
        %parallel_loop3A_382 = vector.shape_cast %parallel_loop3A_381 : vector<1x16xf32> to vector<16xf32>
        %parallel_loop3A_383 = arith.addf %parallel_loop3A_378, %parallel_loop3A_382 : vector<16xf32>
        %parallel_loop3A_384 = arith.index_cast %parallel_loop3A_330 : i32 to index
        %parallel_loop3A_385 = arith.constant 32 : index
        %parallel_loop3A_386 = tpu.vector_load %arg9[%parallel_loop3A_384, %parallel_loop3A_385] {strides = array<i32>} : memref<64x64xf32, #tpu.memory_space<vmem>>, vector<1x16xf32>,
        %parallel_loop3A_387 = vector.shape_cast %parallel_loop3A_386 : vector<1x16xf32> to vector<16xf32>
        %parallel_loop3A_388 = arith.addf %parallel_loop3A_383, %parallel_loop3A_387 : vector<16xf32>
        %parallel_loop3A_389 = arith.constant 0.000000e+00 : f32
        %parallel_loop3A_390 = vector.broadcast %parallel_loop3A_389 : f32 to vector<16xf32>
        %parallel_loop3A_391 = arith.maximumf %parallel_loop3A_388, %parallel_loop3A_390 : vector<16xf32>
        %parallel_loop3A_392 = arith.index_cast %parallel_loop3A_330 : i32 to index
        %parallel_loop3A_393 = arith.constant 32 : index
        %parallel_loop3A_394 = tpu.vector_load %arg10[%parallel_loop3A_392, %parallel_loop3A_393] {strides = array<i32>} : memref<64x128xf32, #tpu.memory_space<vmem>>, vector<1x16xf32>,
        %parallel_loop3A_395 = vector.shape_cast %parallel_loop3A_394 : vector<1x16xf32> to vector<16xf32>
        %parallel_loop3A_396 = vector.shape_cast %parallel_loop3A_391 : vector<16xf32> to vector<1x16xf32>
        tpu.vector_store %arg10[%parallel_loop3A_392, %parallel_loop3A_393], %parallel_loop3A_396 {strides = array<i32>} : memref<64x128xf32, #tpu.memory_space<vmem>>, vector<1x16xf32>,
        %parallel_loop3A_397 = arith.index_cast %parallel_loop3A_330 : i32 to index
        %parallel_loop3A_398 = arith.constant 48 : index
        %parallel_loop3A_399 = tpu.vector_load %arg8[%parallel_loop3A_397, %parallel_loop3A_398] {strides = array<i32>} : memref<64x128xf32, #tpu.memory_space<vmem>>, vector<1x16xf32>,
        %parallel_loop3A_400 = vector.shape_cast %parallel_loop3A_399 : vector<1x16xf32> to vector<16xf32>
        %parallel_loop3A_401 = arith.index_cast %parallel_loop3A_330 : i32 to index
        %parallel_loop3A_402 = arith.constant 112 : index
        %parallel_loop3A_403 = tpu.vector_load %arg10[%parallel_loop3A_401, %parallel_loop3A_402] {strides = array<i32>} : memref<64x128xf32, #tpu.memory_space<vmem>>, vector<1x16xf32>,
        %parallel_loop3A_404 = vector.shape_cast %parallel_loop3A_403 : vector<1x16xf32> to vector<16xf32>
        %parallel_loop3A_405 = arith.addf %parallel_loop3A_400, %parallel_loop3A_404 : vector<16xf32>
        %parallel_loop3A_406 = arith.index_cast %parallel_loop3A_330 : i32 to index
        %parallel_loop3A_407 = arith.constant 48 : index
        %parallel_loop3A_408 = tpu.vector_load %arg9[%parallel_loop3A_406, %parallel_loop3A_407] {strides = array<i32>} : memref<64x64xf32, #tpu.memory_space<vmem>>, vector<1x16xf32>,
        %parallel_loop3A_409 = vector.shape_cast %parallel_loop3A_408 : vector<1x16xf32> to vector<16xf32>
        %parallel_loop3A_410 = arith.addf %parallel_loop3A_405, %parallel_loop3A_409 : vector<16xf32>
        %parallel_loop3A_411 = arith.constant 0.000000e+00 : f32
        %parallel_loop3A_412 = vector.broadcast %parallel_loop3A_411 : f32 to vector<16xf32>
        %parallel_loop3A_413 = arith.maximumf %parallel_loop3A_410, %parallel_loop3A_412 : vector<16xf32>
        %parallel_loop3A_414 = arith.index_cast %parallel_loop3A_330 : i32 to index
        %parallel_loop3A_415 = arith.constant 48 : index
        %parallel_loop3A_416 = tpu.vector_load %arg10[%parallel_loop3A_414, %parallel_loop3A_415] {strides = array<i32>} : memref<64x128xf32, #tpu.memory_space<vmem>>, vector<1x16xf32>,
        %parallel_loop3A_417 = vector.shape_cast %parallel_loop3A_416 : vector<1x16xf32> to vector<16xf32>
        %parallel_loop3A_418 = vector.shape_cast %parallel_loop3A_413 : vector<16xf32> to vector<1x16xf32>
        tpu.vector_store %arg10[%parallel_loop3A_414, %parallel_loop3A_415], %parallel_loop3A_418 {strides = array<i32>} : memref<64x128xf32, #tpu.memory_space<vmem>>, vector<1x16xf32>,
      } {sc.loop_unroll_factor = 4 : i64, sc.parallel_access}
      %parallel_loop3A_275 = arith.constant 0 : i32
      %parallel_loop3A_276 = arith.constant 64 : i32
      %parallel_loop3A_277 = arith.constant 1 : i32
      scf.for %parallel_loop3A_330 = %parallel_loop3A_275 to %parallel_loop3A_276 step %parallel_loop3A_277  : i32 {
        %parallel_loop3A_331 = arith.index_cast %parallel_loop3A_330 : i32 to index
        %parallel_loop3A_332 = arith.constant 64 : index
        %parallel_loop3A_333 = tpu.vector_load %arg10[%parallel_loop3A_331, %parallel_loop3A_332] {strides = array<i32>} : memref<64x128xf32, #tpu.memory_space<vmem>>, vector<1x16xf32>,
        %parallel_loop3A_334 = vector.shape_cast %parallel_loop3A_333 : vector<1x16xf32> to vector<16xf32>
        %parallel_loop3A_335 = vector.shape_cast %select_n3A : vector<16xf32> to vector<1x16xf32>
        tpu.vector_store %arg10[%parallel_loop3A_331, %parallel_loop3A_332], %parallel_loop3A_335 {strides = array<i32>} : memref<64x128xf32, #tpu.memory_space<vmem>>, vector<1x16xf32>,
      } {sc.loop_unroll_factor = 8 : i64, sc.parallel_access}
      %run_scoped3A = arith.constant 1 : i32
      "tpu.region"() ({
        %run_scoped3A_330 = tpu.sem_alloc : memref<!tpu.dma_semaphore, #tpu.memory_space<semaphore_mem>>
        %dma_start3A_331 = arith.constant 0 : i32
        %dma_start3A_332 = tpu.memref_slice %arg7[%run_scoped3A, %dma_start3A_331] : memref<2x64xi32, #tpu.memory_space<vmem>> -> memref<1x64xi32, #tpu.memory_space<vmem>>
        %dma_start3A_333 = tpu.memref_squeeze %dma_start3A_332 : memref<1x64xi32, #tpu.memory_space<vmem>> -> memref<64xi32, #tpu.memory_space<vmem>>
        %dma_start3A_334 = arith.constant 0 : i32
        %dma_start3A_335 = arith.constant 0 : i32
        %dma_start3A_336 = tpu.memref_slice %arg15[%dma_start3A_334, %dma_start3A_335] : memref<10000x128xf32, #tpu.memory_space<vmem_shared>> -> memref<10000x128xf32, #tpu.memory_space<vmem_shared>>
        tpu.enqueue_indirect_dma source(%arg10 : memref<64x128xf32, #tpu.memory_space<vmem>>) target(%dma_start3A_336 : memref<10000x128xf32, #tpu.memory_space<vmem_shared>>) offsets(%dma_start3A_333 : memref<64xi32, #tpu.memory_space<vmem>>) semaphore(%run_scoped3A_330 : memref<!tpu.dma_semaphore, #tpu.memory_space<semaphore_mem>>) {add = true}
        %dma_wait3A_337 = arith.constant 0 : i32
        %dma_wait3A_338 = tpu.memref_slice %arg7[%run_scoped3A, %dma_wait3A_337] : memref<2x64xi32, #tpu.memory_space<vmem>> -> memref<1x64xi32, #tpu.memory_space<vmem>>
        %dma_wait3A_339 = tpu.memref_squeeze %dma_wait3A_338 : memref<1x64xi32, #tpu.memory_space<vmem>> -> memref<64xi32, #tpu.memory_space<vmem>>
        %dma_wait3A_340 = arith.constant 0 : i32
        %dma_wait3A_341 = arith.constant 0 : i32
        %dma_wait3A_342 = tpu.memref_slice %arg15[%dma_wait3A_340, %dma_wait3A_341] : memref<10000x128xf32, #tpu.memory_space<vmem_shared>> -> memref<10000x128xf32, #tpu.memory_space<vmem_shared>>
        tpu.wait_indirect_dma semaphore(%run_scoped3A_330 : memref<!tpu.dma_semaphore, #tpu.memory_space<semaphore_mem>>) src(%arg10 : memref<64x128xf32, #tpu.memory_space<vmem>>) dst(%dma_wait3A_342 : memref<10000x128xf32, #tpu.memory_space<vmem_shared>>)
        tpu.yield
      }) : () -> ()
      %mul3A_278 = arith.constant 2 : i32
      %mul3A_279 = arith.muli %mul3A_278, %scan3A_203 : i32
      %add3A_280 = arith.constant 2 : i32
      %add3A_281 = arith.addi %mul3A_279, %add3A_280 : i32
      %lt3A_282 = arith.cmpi slt, %add3A_281, %add3A_59 : i32
      %convert_element_type3A_283 = arith.extui %lt3A_282 : i1 to i32
      %cond3A_284 = arith.constant 0 : i32
      %cond3A_285 = arith.cmpi ne, %convert_element_type3A_283, %cond3A_284 : i32
      scf.if %cond3A_285 {
        %mul3A_330 = arith.constant 2 : i32
        %mul3A_331 = arith.muli %mul3A_330, %scan3A_203 : i32
        %add3A_332 = arith.constant 2 : i32
        %add3A_333 = arith.addi %mul3A_331, %add3A_332 : i32
        %add3A_334 = arith.addi %add3A_55, %add3A_333 : i32
        %mul3A_335 = arith.constant 64 : i32
        %mul3A_336 = arith.muli %add3A_334, %mul3A_335 : i32
        %dma_start3A_337 = arith.constant 0 : i32
        %dma_start3A_338 = arith.constant 0 : i32
        %dma_start3A_339 = tpu.memref_slice %arg7[%dma_start3A_337, %dma_start3A_338] : memref<2x64xi32, #tpu.memory_space<vmem>> -> memref<1x64xi32, #tpu.memory_space<vmem>>
        %dma_start3A_340 = tpu.memref_squeeze %dma_start3A_339 : memref<1x64xi32, #tpu.memory_space<vmem>> -> memref<64xi32, #tpu.memory_space<vmem>>
        %dma_start3A_341 = tpu.memref_slice %arg2[%mul3A_336] : memref<320000xi32, #tpu.memory_space<hbm>> -> memref<64xi32, #tpu.memory_space<hbm>>
        %dma_start3A_342 = arith.constant 0 : i32
        %dma_start3A_343 = tpu.memref_slice %arg7[%dma_start3A_337, %dma_start3A_342] : memref<2x64xi32, #tpu.memory_space<vmem>> -> memref<1x64xi32, #tpu.memory_space<vmem>>
        %dma_start3A_344 = tpu.memref_squeeze %dma_start3A_343 : memref<1x64xi32, #tpu.memory_space<vmem>> -> memref<64xi32, #tpu.memory_space<vmem>>
        %dma_start3A_345 = tpu.memref_slice %arg2[%mul3A_336] : memref<320000xi32, #tpu.memory_space<hbm>> -> memref<64xi32, #tpu.memory_space<hbm>>
        tpu.enqueue_dma source(%dma_start3A_345 : memref<64xi32, #tpu.memory_space<hbm>>) target(%dma_start3A_344 : memref<64xi32, #tpu.memory_space<vmem>>) target_semaphore(%arg18 : memref<!tpu.dma_semaphore, #tpu.memory_space<semaphore_mem>>)
        %dma_start3A_346 = arith.constant 1 : i32
        %dma_start3A_347 = arith.constant 0 : i32
        %dma_start3A_348 = tpu.memref_slice %arg7[%dma_start3A_346, %dma_start3A_347] : memref<2x64xi32, #tpu.memory_space<vmem>> -> memref<1x64xi32, #tpu.memory_space<vmem>>
        %dma_start3A_349 = tpu.memref_squeeze %dma_start3A_348 : memref<1x64xi32, #tpu.memory_space<vmem>> -> memref<64xi32, #tpu.memory_space<vmem>>
        %dma_start3A_350 = tpu.memref_slice %arg3[%mul3A_336] : memref<320000xi32, #tpu.memory_space<hbm>> -> memref<64xi32, #tpu.memory_space<hbm>>
        %dma_start3A_351 = arith.constant 0 : i32
        %dma_start3A_352 = tpu.memref_slice %arg7[%dma_start3A_346, %dma_start3A_351] : memref<2x64xi32, #tpu.memory_space<vmem>> -> memref<1x64xi32, #tpu.memory_space<vmem>>
        %dma_start3A_353 = tpu.memref_squeeze %dma_start3A_352 : memref<1x64xi32, #tpu.memory_space<vmem>> -> memref<64xi32, #tpu.memory_space<vmem>>
        %dma_start3A_354 = tpu.memref_slice %arg3[%mul3A_336] : memref<320000xi32, #tpu.memory_space<hbm>> -> memref<64xi32, #tpu.memory_space<hbm>>
        tpu.enqueue_dma source(%dma_start3A_354 : memref<64xi32, #tpu.memory_space<hbm>>) target(%dma_start3A_353 : memref<64xi32, #tpu.memory_space<vmem>>) target_semaphore(%arg18 : memref<!tpu.dma_semaphore, #tpu.memory_space<semaphore_mem>>)
      } else {
      }
      %dma_wait3A_286 = arith.constant 0 : i32
      %dma_wait3A_287 = arith.constant 0 : i32
      %dma_wait3A_288 = tpu.memref_slice %arg11[%dma_wait3A_286, %dma_wait3A_287] : memref<2x64xi32, #tpu.memory_space<vmem>> -> memref<1x64xi32, #tpu.memory_space<vmem>>
      %dma_wait3A_289 = tpu.memref_squeeze %dma_wait3A_288 : memref<1x64xi32, #tpu.memory_space<vmem>> -> memref<64xi32, #tpu.memory_space<vmem>>
      %dma_wait3A_290 = arith.constant 0 : i32
      %dma_wait3A_291 = arith.constant 0 : i32
      %dma_wait3A_292 = tpu.memref_slice %arg4[%dma_wait3A_290, %dma_wait3A_291] : memref<10000x128xf32, #tpu.memory_space<hbm>> -> memref<10000x128xf32, #tpu.memory_space<hbm>>
      tpu.wait_indirect_dma semaphore(%arg17 : memref<!tpu.dma_semaphore, #tpu.memory_space<semaphore_mem>>) src(%dma_wait3A_292 : memref<10000x128xf32, #tpu.memory_space<hbm>>) dst(%arg12 : memref<64x128xf32, #tpu.memory_space<vmem>>)
      %dma_wait3A_293 = arith.constant 0 : i32
      %dma_wait3A_294 = arith.constant 0 : i32
      %dma_wait3A_295 = tpu.memref_slice %arg11[%dma_wait3A_293, %dma_wait3A_294] : memref<2x64xi32, #tpu.memory_space<vmem>> -> memref<1x64xi32, #tpu.memory_space<vmem>>
      %dma_wait3A_296 = tpu.memref_squeeze %dma_wait3A_295 : memref<1x64xi32, #tpu.memory_space<vmem>> -> memref<64xi32, #tpu.memory_space<vmem>>
      %dma_wait3A_297 = arith.constant 0 : i32
      %dma_wait3A_298 = arith.constant 0 : i32
      %dma_wait3A_299 = tpu.memref_slice %arg4[%dma_wait3A_297, %dma_wait3A_298] : memref<10000x128xf32, #tpu.memory_space<hbm>> -> memref<10000x128xf32, #tpu.memory_space<hbm>>
      tpu.wait_indirect_dma semaphore(%arg17 : memref<!tpu.dma_semaphore, #tpu.memory_space<semaphore_mem>>) src(%dma_wait3A_299 : memref<10000x128xf32, #tpu.memory_space<hbm>>) dst(%arg14 : memref<64x128xf32, #tpu.memory_space<vmem>>)
      %dma_wait3A_300 = arith.constant 0 : i32
      %dma_wait3A_301 = arith.constant 0 : i32
      %dma_wait3A_302 = tpu.memref_slice %arg5[%dma_wait3A_300, %dma_wait3A_301] : memref<320000x64xf32, #tpu.memory_space<hbm>> -> memref<64x64xf32, #tpu.memory_space<hbm>>
      %dma_wait3A_303 = arith.constant 0 : i32
      %dma_wait3A_304 = arith.constant 0 : i32
      %dma_wait3A_305 = tpu.memref_slice %arg5[%dma_wait3A_303, %dma_wait3A_304] : memref<320000x64xf32, #tpu.memory_space<hbm>> -> memref<64x64xf32, #tpu.memory_space<hbm>>
      tpu.wait_dma2 semaphore(%arg17 : memref<!tpu.dma_semaphore, #tpu.memory_space<semaphore_mem>>) src(%dma_wait3A_305 : memref<64x64xf32, #tpu.memory_space<hbm>>) dst(%arg13 : memref<64x64xf32, #tpu.memory_space<vmem>>)
      %parallel_loop3A_306 = arith.constant 0 : i32
      %parallel_loop3A_307 = arith.constant 64 : i32
      %parallel_loop3A_308 = arith.constant 1 : i32
      scf.for %parallel_loop3A_330 = %parallel_loop3A_306 to %parallel_loop3A_307 step %parallel_loop3A_308  : i32 {
        %parallel_loop3A_331 = arith.index_cast %parallel_loop3A_330 : i32 to index
        %parallel_loop3A_332 = arith.constant 0 : index
        %parallel_loop3A_333 = tpu.vector_load %arg12[%parallel_loop3A_331, %parallel_loop3A_332] {strides = array<i32>} : memref<64x128xf32, #tpu.memory_space<vmem>>, vector<1x16xf32>,
        %parallel_loop3A_334 = vector.shape_cast %parallel_loop3A_333 : vector<1x16xf32> to vector<16xf32>
        %parallel_loop3A_335 = arith.index_cast %parallel_loop3A_330 : i32 to index
        %parallel_loop3A_336 = arith.constant 64 : index
        %parallel_loop3A_337 = tpu.vector_load %arg14[%parallel_loop3A_335, %parallel_loop3A_336] {strides = array<i32>} : memref<64x128xf32, #tpu.memory_space<vmem>>, vector<1x16xf32>,
        %parallel_loop3A_338 = vector.shape_cast %parallel_loop3A_337 : vector<1x16xf32> to vector<16xf32>
        %parallel_loop3A_339 = arith.addf %parallel_loop3A_334, %parallel_loop3A_338 : vector<16xf32>
        %parallel_loop3A_340 = arith.index_cast %parallel_loop3A_330 : i32 to index
        %parallel_loop3A_341 = arith.constant 0 : index
        %parallel_loop3A_342 = tpu.vector_load %arg13[%parallel_loop3A_340, %parallel_loop3A_341] {strides = array<i32>} : memref<64x64xf32, #tpu.memory_space<vmem>>, vector<1x16xf32>,
        %parallel_loop3A_343 = vector.shape_cast %parallel_loop3A_342 : vector<1x16xf32> to vector<16xf32>
        %parallel_loop3A_344 = arith.addf %parallel_loop3A_339, %parallel_loop3A_343 : vector<16xf32>
        %parallel_loop3A_345 = arith.constant 0.000000e+00 : f32
        %parallel_loop3A_346 = vector.broadcast %parallel_loop3A_345 : f32 to vector<16xf32>
        %parallel_loop3A_347 = arith.maximumf %parallel_loop3A_344, %parallel_loop3A_346 : vector<16xf32>
        %parallel_loop3A_348 = arith.index_cast %parallel_loop3A_330 : i32 to index
        %parallel_loop3A_349 = arith.constant 0 : index
        %parallel_loop3A_350 = tpu.vector_load %arg14[%parallel_loop3A_348, %parallel_loop3A_349] {strides = array<i32>} : memref<64x128xf32, #tpu.memory_space<vmem>>, vector<1x16xf32>,
        %parallel_loop3A_351 = vector.shape_cast %parallel_loop3A_350 : vector<1x16xf32> to vector<16xf32>
        %parallel_loop3A_352 = vector.shape_cast %parallel_loop3A_347 : vector<16xf32> to vector<1x16xf32>
        tpu.vector_store %arg14[%parallel_loop3A_348, %parallel_loop3A_349], %parallel_loop3A_352 {strides = array<i32>} : memref<64x128xf32, #tpu.memory_space<vmem>>, vector<1x16xf32>,
        %parallel_loop3A_353 = arith.index_cast %parallel_loop3A_330 : i32 to index
        %parallel_loop3A_354 = arith.constant 16 : index
        %parallel_loop3A_355 = tpu.vector_load %arg12[%parallel_loop3A_353, %parallel_loop3A_354] {strides = array<i32>} : memref<64x128xf32, #tpu.memory_space<vmem>>, vector<1x16xf32>,
        %parallel_loop3A_356 = vector.shape_cast %parallel_loop3A_355 : vector<1x16xf32> to vector<16xf32>
        %parallel_loop3A_357 = arith.index_cast %parallel_loop3A_330 : i32 to index
        %parallel_loop3A_358 = arith.constant 80 : index
        %parallel_loop3A_359 = tpu.vector_load %arg14[%parallel_loop3A_357, %parallel_loop3A_358] {strides = array<i32>} : memref<64x128xf32, #tpu.memory_space<vmem>>, vector<1x16xf32>,
        %parallel_loop3A_360 = vector.shape_cast %parallel_loop3A_359 : vector<1x16xf32> to vector<16xf32>
        %parallel_loop3A_361 = arith.addf %parallel_loop3A_356, %parallel_loop3A_360 : vector<16xf32>
        %parallel_loop3A_362 = arith.index_cast %parallel_loop3A_330 : i32 to index
        %parallel_loop3A_363 = arith.constant 16 : index
        %parallel_loop3A_364 = tpu.vector_load %arg13[%parallel_loop3A_362, %parallel_loop3A_363] {strides = array<i32>} : memref<64x64xf32, #tpu.memory_space<vmem>>, vector<1x16xf32>,
        %parallel_loop3A_365 = vector.shape_cast %parallel_loop3A_364 : vector<1x16xf32> to vector<16xf32>
        %parallel_loop3A_366 = arith.addf %parallel_loop3A_361, %parallel_loop3A_365 : vector<16xf32>
        %parallel_loop3A_367 = arith.constant 0.000000e+00 : f32
        %parallel_loop3A_368 = vector.broadcast %parallel_loop3A_367 : f32 to vector<16xf32>
        %parallel_loop3A_369 = arith.maximumf %parallel_loop3A_366, %parallel_loop3A_368 : vector<16xf32>
        %parallel_loop3A_370 = arith.index_cast %parallel_loop3A_330 : i32 to index
        %parallel_loop3A_371 = arith.constant 16 : index
        %parallel_loop3A_372 = tpu.vector_load %arg14[%parallel_loop3A_370, %parallel_loop3A_371] {strides = array<i32>} : memref<64x128xf32, #tpu.memory_space<vmem>>, vector<1x16xf32>,
        %parallel_loop3A_373 = vector.shape_cast %parallel_loop3A_372 : vector<1x16xf32> to vector<16xf32>
        %parallel_loop3A_374 = vector.shape_cast %parallel_loop3A_369 : vector<16xf32> to vector<1x16xf32>
        tpu.vector_store %arg14[%parallel_loop3A_370, %parallel_loop3A_371], %parallel_loop3A_374 {strides = array<i32>} : memref<64x128xf32, #tpu.memory_space<vmem>>, vector<1x16xf32>,
        %parallel_loop3A_375 = arith.index_cast %parallel_loop3A_330 : i32 to index
        %parallel_loop3A_376 = arith.constant 32 : index
        %parallel_loop3A_377 = tpu.vector_load %arg12[%parallel_loop3A_375, %parallel_loop3A_376] {strides = array<i32>} : memref<64x128xf32, #tpu.memory_space<vmem>>, vector<1x16xf32>,
        %parallel_loop3A_378 = vector.shape_cast %parallel_loop3A_377 : vector<1x16xf32> to vector<16xf32>
        %parallel_loop3A_379 = arith.index_cast %parallel_loop3A_330 : i32 to index
        %parallel_loop3A_380 = arith.constant 96 : index
        %parallel_loop3A_381 = tpu.vector_load %arg14[%parallel_loop3A_379, %parallel_loop3A_380] {strides = array<i32>} : memref<64x128xf32, #tpu.memory_space<vmem>>, vector<1x16xf32>,
        %parallel_loop3A_382 = vector.shape_cast %parallel_loop3A_381 : vector<1x16xf32> to vector<16xf32>
        %parallel_loop3A_383 = arith.addf %parallel_loop3A_378, %parallel_loop3A_382 : vector<16xf32>
        %parallel_loop3A_384 = arith.index_cast %parallel_loop3A_330 : i32 to index
        %parallel_loop3A_385 = arith.constant 32 : index
        %parallel_loop3A_386 = tpu.vector_load %arg13[%parallel_loop3A_384, %parallel_loop3A_385] {strides = array<i32>} : memref<64x64xf32, #tpu.memory_space<vmem>>, vector<1x16xf32>,
        %parallel_loop3A_387 = vector.shape_cast %parallel_loop3A_386 : vector<1x16xf32> to vector<16xf32>
        %parallel_loop3A_388 = arith.addf %parallel_loop3A_383, %parallel_loop3A_387 : vector<16xf32>
        %parallel_loop3A_389 = arith.constant 0.000000e+00 : f32
        %parallel_loop3A_390 = vector.broadcast %parallel_loop3A_389 : f32 to vector<16xf32>
        %parallel_loop3A_391 = arith.maximumf %parallel_loop3A_388, %parallel_loop3A_390 : vector<16xf32>
        %parallel_loop3A_392 = arith.index_cast %parallel_loop3A_330 : i32 to index
        %parallel_loop3A_393 = arith.constant 32 : index
        %parallel_loop3A_394 = tpu.vector_load %arg14[%parallel_loop3A_392, %parallel_loop3A_393] {strides = array<i32>} : memref<64x128xf32, #tpu.memory_space<vmem>>, vector<1x16xf32>,
        %parallel_loop3A_395 = vector.shape_cast %parallel_loop3A_394 : vector<1x16xf32> to vector<16xf32>
        %parallel_loop3A_396 = vector.shape_cast %parallel_loop3A_391 : vector<16xf32> to vector<1x16xf32>
        tpu.vector_store %arg14[%parallel_loop3A_392, %parallel_loop3A_393], %parallel_loop3A_396 {strides = array<i32>} : memref<64x128xf32, #tpu.memory_space<vmem>>, vector<1x16xf32>,
        %parallel_loop3A_397 = arith.index_cast %parallel_loop3A_330 : i32 to index
        %parallel_loop3A_398 = arith.constant 48 : index
        %parallel_loop3A_399 = tpu.vector_load %arg12[%parallel_loop3A_397, %parallel_loop3A_398] {strides = array<i32>} : memref<64x128xf32, #tpu.memory_space<vmem>>, vector<1x16xf32>,
        %parallel_loop3A_400 = vector.shape_cast %parallel_loop3A_399 : vector<1x16xf32> to vector<16xf32>
        %parallel_loop3A_401 = arith.index_cast %parallel_loop3A_330 : i32 to index
        %parallel_loop3A_402 = arith.constant 112 : index
        %parallel_loop3A_403 = tpu.vector_load %arg14[%parallel_loop3A_401, %parallel_loop3A_402] {strides = array<i32>} : memref<64x128xf32, #tpu.memory_space<vmem>>, vector<1x16xf32>,
        %parallel_loop3A_404 = vector.shape_cast %parallel_loop3A_403 : vector<1x16xf32> to vector<16xf32>
        %parallel_loop3A_405 = arith.addf %parallel_loop3A_400, %parallel_loop3A_404 : vector<16xf32>
        %parallel_loop3A_406 = arith.index_cast %parallel_loop3A_330 : i32 to index
        %parallel_loop3A_407 = arith.constant 48 : index
        %parallel_loop3A_408 = tpu.vector_load %arg13[%parallel_loop3A_406, %parallel_loop3A_407] {strides = array<i32>} : memref<64x64xf32, #tpu.memory_space<vmem>>, vector<1x16xf32>,
        %parallel_loop3A_409 = vector.shape_cast %parallel_loop3A_408 : vector<1x16xf32> to vector<16xf32>
        %parallel_loop3A_410 = arith.addf %parallel_loop3A_405, %parallel_loop3A_409 : vector<16xf32>
        %parallel_loop3A_411 = arith.constant 0.000000e+00 : f32
        %parallel_loop3A_412 = vector.broadcast %parallel_loop3A_411 : f32 to vector<16xf32>
        %parallel_loop3A_413 = arith.maximumf %parallel_loop3A_410, %parallel_loop3A_412 : vector<16xf32>
        %parallel_loop3A_414 = arith.index_cast %parallel_loop3A_330 : i32 to index
        %parallel_loop3A_415 = arith.constant 48 : index
        %parallel_loop3A_416 = tpu.vector_load %arg14[%parallel_loop3A_414, %parallel_loop3A_415] {strides = array<i32>} : memref<64x128xf32, #tpu.memory_space<vmem>>, vector<1x16xf32>,
        %parallel_loop3A_417 = vector.shape_cast %parallel_loop3A_416 : vector<1x16xf32> to vector<16xf32>
        %parallel_loop3A_418 = vector.shape_cast %parallel_loop3A_413 : vector<16xf32> to vector<1x16xf32>
        tpu.vector_store %arg14[%parallel_loop3A_414, %parallel_loop3A_415], %parallel_loop3A_418 {strides = array<i32>} : memref<64x128xf32, #tpu.memory_space<vmem>>, vector<1x16xf32>,
      } {sc.loop_unroll_factor = 4 : i64, sc.parallel_access}
      %parallel_loop3A_309 = arith.constant 0 : i32
      %parallel_loop3A_310 = arith.constant 64 : i32
      %parallel_loop3A_311 = arith.constant 1 : i32
      scf.for %parallel_loop3A_330 = %parallel_loop3A_309 to %parallel_loop3A_310 step %parallel_loop3A_311  : i32 {
        %parallel_loop3A_331 = arith.index_cast %parallel_loop3A_330 : i32 to index
        %parallel_loop3A_332 = arith.constant 64 : index
        %parallel_loop3A_333 = tpu.vector_load %arg14[%parallel_loop3A_331, %parallel_loop3A_332] {strides = array<i32>} : memref<64x128xf32, #tpu.memory_space<vmem>>, vector<1x16xf32>,
        %parallel_loop3A_334 = vector.shape_cast %parallel_loop3A_333 : vector<1x16xf32> to vector<16xf32>
        %parallel_loop3A_335 = vector.shape_cast %select_n3A : vector<16xf32> to vector<1x16xf32>
        tpu.vector_store %arg14[%parallel_loop3A_331, %parallel_loop3A_332], %parallel_loop3A_335 {strides = array<i32>} : memref<64x128xf32, #tpu.memory_space<vmem>>, vector<1x16xf32>,
      } {sc.loop_unroll_factor = 8 : i64, sc.parallel_access}
      %run_scoped3A_312 = arith.constant 1 : i32
      "tpu.region"() ({
        %run_scoped3A_330 = tpu.sem_alloc : memref<!tpu.dma_semaphore, #tpu.memory_space<semaphore_mem>>
        %dma_start3A_331 = arith.constant 0 : i32
        %dma_start3A_332 = tpu.memref_slice %arg11[%run_scoped3A_312, %dma_start3A_331] : memref<2x64xi32, #tpu.memory_space<vmem>> -> memref<1x64xi32, #tpu.memory_space<vmem>>
        %dma_start3A_333 = tpu.memref_squeeze %dma_start3A_332 : memref<1x64xi32, #tpu.memory_space<vmem>> -> memref<64xi32, #tpu.memory_space<vmem>>
        %dma_start3A_334 = arith.constant 0 : i32
        %dma_start3A_335 = arith.constant 0 : i32
        %dma_start3A_336 = tpu.memref_slice %arg15[%dma_start3A_334, %dma_start3A_335] : memref<10000x128xf32, #tpu.memory_space<vmem_shared>> -> memref<10000x128xf32, #tpu.memory_space<vmem_shared>>
        tpu.enqueue_indirect_dma source(%arg14 : memref<64x128xf32, #tpu.memory_space<vmem>>) target(%dma_start3A_336 : memref<10000x128xf32, #tpu.memory_space<vmem_shared>>) offsets(%dma_start3A_333 : memref<64xi32, #tpu.memory_space<vmem>>) semaphore(%run_scoped3A_330 : memref<!tpu.dma_semaphore, #tpu.memory_space<semaphore_mem>>) {add = true}
        %dma_wait3A_337 = arith.constant 0 : i32
        %dma_wait3A_338 = tpu.memref_slice %arg11[%run_scoped3A_312, %dma_wait3A_337] : memref<2x64xi32, #tpu.memory_space<vmem>> -> memref<1x64xi32, #tpu.memory_space<vmem>>
        %dma_wait3A_339 = tpu.memref_squeeze %dma_wait3A_338 : memref<1x64xi32, #tpu.memory_space<vmem>> -> memref<64xi32, #tpu.memory_space<vmem>>
        %dma_wait3A_340 = arith.constant 0 : i32
        %dma_wait3A_341 = arith.constant 0 : i32
        %dma_wait3A_342 = tpu.memref_slice %arg15[%dma_wait3A_340, %dma_wait3A_341] : memref<10000x128xf32, #tpu.memory_space<vmem_shared>> -> memref<10000x128xf32, #tpu.memory_space<vmem_shared>>
        tpu.wait_indirect_dma semaphore(%run_scoped3A_330 : memref<!tpu.dma_semaphore, #tpu.memory_space<semaphore_mem>>) src(%arg14 : memref<64x128xf32, #tpu.memory_space<vmem>>) dst(%dma_wait3A_342 : memref<10000x128xf32, #tpu.memory_space<vmem_shared>>)
        tpu.yield
      }) : () -> ()
      %mul3A_313 = arith.constant 2 : i32
      %mul3A_314 = arith.muli %mul3A_313, %scan3A_203 : i32
      %add3A_315 = arith.constant 3 : i32
      %add3A_316 = arith.addi %mul3A_314, %add3A_315 : i32
      %lt3A_317 = arith.cmpi slt, %add3A_316, %add3A_59 : i32
      %convert_element_type3A_318 = arith.extui %lt3A_317 : i1 to i32
      %cond3A_319 = arith.constant 0 : i32
      %cond3A_320 = arith.cmpi ne, %convert_element_type3A_318, %cond3A_319 : i32
      scf.if %cond3A_320 {
        %mul3A_330 = arith.constant 2 : i32
        %mul3A_331 = arith.muli %mul3A_330, %scan3A_203 : i32
        %add3A_332 = arith.constant 3 : i32
        %add3A_333 = arith.addi %mul3A_331, %add3A_332 : i32
        %add3A_334 = arith.addi %add3A_55, %add3A_333 : i32
        %mul3A_335 = arith.constant 64 : i32
        %mul3A_336 = arith.muli %add3A_334, %mul3A_335 : i32
        %dma_start3A_337 = arith.constant 0 : i32
        %dma_start3A_338 = arith.constant 0 : i32
        %dma_start3A_339 = tpu.memref_slice %arg11[%dma_start3A_337, %dma_start3A_338] : memref<2x64xi32, #tpu.memory_space<vmem>> -> memref<1x64xi32, #tpu.memory_space<vmem>>
        %dma_start3A_340 = tpu.memref_squeeze %dma_start3A_339 : memref<1x64xi32, #tpu.memory_space<vmem>> -> memref<64xi32, #tpu.memory_space<vmem>>
        %dma_start3A_341 = tpu.memref_slice %arg2[%mul3A_336] : memref<320000xi32, #tpu.memory_space<hbm>> -> memref<64xi32, #tpu.memory_space<hbm>>
        %dma_start3A_342 = arith.constant 0 : i32
        %dma_start3A_343 = tpu.memref_slice %arg11[%dma_start3A_337, %dma_start3A_342] : memref<2x64xi32, #tpu.memory_space<vmem>> -> memref<1x64xi32, #tpu.memory_space<vmem>>
        %dma_start3A_344 = tpu.memref_squeeze %dma_start3A_343 : memref<1x64xi32, #tpu.memory_space<vmem>> -> memref<64xi32, #tpu.memory_space<vmem>>
        %dma_start3A_345 = tpu.memref_slice %arg2[%mul3A_336] : memref<320000xi32, #tpu.memory_space<hbm>> -> memref<64xi32, #tpu.memory_space<hbm>>
        tpu.enqueue_dma source(%dma_start3A_345 : memref<64xi32, #tpu.memory_space<hbm>>) target(%dma_start3A_344 : memref<64xi32, #tpu.memory_space<vmem>>) target_semaphore(%arg19 : memref<!tpu.dma_semaphore, #tpu.memory_space<semaphore_mem>>)
        %dma_start3A_346 = arith.constant 1 : i32
        %dma_start3A_347 = arith.constant 0 : i32
        %dma_start3A_348 = tpu.memref_slice %arg11[%dma_start3A_346, %dma_start3A_347] : memref<2x64xi32, #tpu.memory_space<vmem>> -> memref<1x64xi32, #tpu.memory_space<vmem>>
        %dma_start3A_349 = tpu.memref_squeeze %dma_start3A_348 : memref<1x64xi32, #tpu.memory_space<vmem>> -> memref<64xi32, #tpu.memory_space<vmem>>
        %dma_start3A_350 = tpu.memref_slice %arg3[%mul3A_336] : memref<320000xi32, #tpu.memory_space<hbm>> -> memref<64xi32, #tpu.memory_space<hbm>>
        %dma_start3A_351 = arith.constant 0 : i32
        %dma_start3A_352 = tpu.memref_slice %arg11[%dma_start3A_346, %dma_start3A_351] : memref<2x64xi32, #tpu.memory_space<vmem>> -> memref<1x64xi32, #tpu.memory_space<vmem>>
        %dma_start3A_353 = tpu.memref_squeeze %dma_start3A_352 : memref<1x64xi32, #tpu.memory_space<vmem>> -> memref<64xi32, #tpu.memory_space<vmem>>
        %dma_start3A_354 = tpu.memref_slice %arg3[%mul3A_336] : memref<320000xi32, #tpu.memory_space<hbm>> -> memref<64xi32, #tpu.memory_space<hbm>>
        tpu.enqueue_dma source(%dma_start3A_354 : memref<64xi32, #tpu.memory_space<hbm>>) target(%dma_start3A_353 : memref<64xi32, #tpu.memory_space<vmem>>) target_semaphore(%arg19 : memref<!tpu.dma_semaphore, #tpu.memory_space<semaphore_mem>>)
      } else {
      }
      %mul3A_321 = arith.constant 2 : i32
      %mul3A_322 = arith.muli %mul3A_321, %scan3A_203 : i32
      %add3A_323 = arith.constant 2 : i32
      %add3A_324 = arith.addi %mul3A_322, %add3A_323 : i32
      %lt3A_325 = arith.cmpi slt, %add3A_324, %add3A_59 : i32
      %convert_element_type3A_326 = arith.extui %lt3A_325 : i1 to i32
      %cond3A_327 = arith.constant 0 : i32
      %cond3A_328 = arith.cmpi ne, %convert_element_type3A_326, %cond3A_327 : i32
      scf.if %cond3A_328 {
        %mul3A_330 = arith.constant 2 : i32
        %mul3A_331 = arith.muli %mul3A_330, %scan3A_203 : i32
        %add3A_332 = arith.constant 2 : i32
        %add3A_333 = arith.addi %mul3A_331, %add3A_332 : i32
        %add3A_334 = arith.addi %add3A_55, %add3A_333 : i32
        %mul3A_335 = arith.constant 64 : i32
        %mul3A_336 = arith.muli %add3A_334, %mul3A_335 : i32
        %dma_wait3A_337 = arith.constant 0 : i32
        %dma_wait3A_338 = arith.constant 0 : i32
        %dma_wait3A_339 = tpu.memref_slice %arg7[%dma_wait3A_337, %dma_wait3A_338] : memref<2x64xi32, #tpu.memory_space<vmem>> -> memref<1x64xi32, #tpu.memory_space<vmem>>
        %dma_wait3A_340 = tpu.memref_squeeze %dma_wait3A_339 : memref<1x64xi32, #tpu.memory_space<vmem>> -> memref<64xi32, #tpu.memory_space<vmem>>
        %dma_wait3A_341 = arith.constant 0 : i32
        %dma_wait3A_342 = tpu.memref_slice %arg2[%dma_wait3A_341] : memref<320000xi32, #tpu.memory_space<hbm>> -> memref<64xi32, #tpu.memory_space<hbm>>
        %dma_wait3A_343 = arith.constant 0 : i32
        %dma_wait3A_344 = tpu.memref_slice %arg7[%dma_wait3A_337, %dma_wait3A_343] : memref<2x64xi32, #tpu.memory_space<vmem>> -> memref<1x64xi32, #tpu.memory_space<vmem>>
        %dma_wait3A_345 = tpu.memref_squeeze %dma_wait3A_344 : memref<1x64xi32, #tpu.memory_space<vmem>> -> memref<64xi32, #tpu.memory_space<vmem>>
        %dma_wait3A_346 = arith.constant 0 : i32
        %dma_wait3A_347 = tpu.memref_slice %arg2[%dma_wait3A_346] : memref<320000xi32, #tpu.memory_space<hbm>> -> memref<64xi32, #tpu.memory_space<hbm>>
        tpu.wait_dma2 semaphore(%arg18 : memref<!tpu.dma_semaphore, #tpu.memory_space<semaphore_mem>>) src(%dma_wait3A_347 : memref<64xi32, #tpu.memory_space<hbm>>) dst(%dma_wait3A_345 : memref<64xi32, #tpu.memory_space<vmem>>)
        %dma_wait3A_348 = arith.constant 1 : i32
        %dma_wait3A_349 = arith.constant 0 : i32
        %dma_wait3A_350 = tpu.memref_slice %arg7[%dma_wait3A_348, %dma_wait3A_349] : memref<2x64xi32, #tpu.memory_space<vmem>> -> memref<1x64xi32, #tpu.memory_space<vmem>>
        %dma_wait3A_351 = tpu.memref_squeeze %dma_wait3A_350 : memref<1x64xi32, #tpu.memory_space<vmem>> -> memref<64xi32, #tpu.memory_space<vmem>>
        %dma_wait3A_352 = arith.constant 0 : i32
        %dma_wait3A_353 = tpu.memref_slice %arg2[%dma_wait3A_352] : memref<320000xi32, #tpu.memory_space<hbm>> -> memref<64xi32, #tpu.memory_space<hbm>>
        %dma_wait3A_354 = arith.constant 0 : i32
        %dma_wait3A_355 = tpu.memref_slice %arg7[%dma_wait3A_348, %dma_wait3A_354] : memref<2x64xi32, #tpu.memory_space<vmem>> -> memref<1x64xi32, #tpu.memory_space<vmem>>
        %dma_wait3A_356 = tpu.memref_squeeze %dma_wait3A_355 : memref<1x64xi32, #tpu.memory_space<vmem>> -> memref<64xi32, #tpu.memory_space<vmem>>
        %dma_wait3A_357 = arith.constant 0 : i32
        %dma_wait3A_358 = tpu.memref_slice %arg2[%dma_wait3A_357] : memref<320000xi32, #tpu.memory_space<hbm>> -> memref<64xi32, #tpu.memory_space<hbm>>
        tpu.wait_dma2 semaphore(%arg18 : memref<!tpu.dma_semaphore, #tpu.memory_space<semaphore_mem>>) src(%dma_wait3A_358 : memref<64xi32, #tpu.memory_space<hbm>>) dst(%dma_wait3A_356 : memref<64xi32, #tpu.memory_space<vmem>>)
        %dma_start3A_359 = arith.constant 0 : i32
        %dma_start3A_360 = arith.constant 0 : i32
        %dma_start3A_361 = tpu.memref_slice %arg7[%dma_start3A_359, %dma_start3A_360] : memref<2x64xi32, #tpu.memory_space<vmem>> -> memref<1x64xi32, #tpu.memory_space<vmem>>
        %dma_start3A_362 = tpu.memref_squeeze %dma_start3A_361 : memref<1x64xi32, #tpu.memory_space<vmem>> -> memref<64xi32, #tpu.memory_space<vmem>>
        %dma_start3A_363 = arith.constant 0 : i32
        %dma_start3A_364 = arith.constant 0 : i32
        %dma_start3A_365 = tpu.memref_slice %arg4[%dma_start3A_363, %dma_start3A_364] : memref<10000x128xf32, #tpu.memory_space<hbm>> -> memref<10000x128xf32, #tpu.memory_space<hbm>>
        tpu.enqueue_indirect_dma source(%dma_start3A_365 : memref<10000x128xf32, #tpu.memory_space<hbm>>) target(%arg8 : memref<64x128xf32, #tpu.memory_space<vmem>>) offsets(%dma_start3A_362 : memref<64xi32, #tpu.memory_space<vmem>>) semaphore(%arg16 : memref<!tpu.dma_semaphore, #tpu.memory_space<semaphore_mem>>)
        %dma_start3A_366 = arith.constant 1 : i32
        %dma_start3A_367 = arith.constant 0 : i32
        %dma_start3A_368 = tpu.memref_slice %arg7[%dma_start3A_366, %dma_start3A_367] : memref<2x64xi32, #tpu.memory_space<vmem>> -> memref<1x64xi32, #tpu.memory_space<vmem>>
        %dma_start3A_369 = tpu.memref_squeeze %dma_start3A_368 : memref<1x64xi32, #tpu.memory_space<vmem>> -> memref<64xi32, #tpu.memory_space<vmem>>
        %dma_start3A_370 = arith.constant 0 : i32
        %dma_start3A_371 = arith.constant 0 : i32
        %dma_start3A_372 = tpu.memref_slice %arg4[%dma_start3A_370, %dma_start3A_371] : memref<10000x128xf32, #tpu.memory_space<hbm>> -> memref<10000x128xf32, #tpu.memory_space<hbm>>
        tpu.enqueue_indirect_dma source(%dma_start3A_372 : memref<10000x128xf32, #tpu.memory_space<hbm>>) target(%arg10 : memref<64x128xf32, #tpu.memory_space<vmem>>) offsets(%dma_start3A_369 : memref<64xi32, #tpu.memory_space<vmem>>) semaphore(%arg16 : memref<!tpu.dma_semaphore, #tpu.memory_space<semaphore_mem>>)
        %dma_start3A_373 = arith.constant 0 : i32
        %dma_start3A_374 = tpu.memref_slice %arg5[%mul3A_336, %dma_start3A_373] : memref<320000x64xf32, #tpu.memory_space<hbm>> -> memref<64x64xf32, #tpu.memory_space<hbm>>
        %dma_start3A_375 = arith.constant 0 : i32
        %dma_start3A_376 = tpu.memref_slice %arg5[%mul3A_336, %dma_start3A_375] : memref<320000x64xf32, #tpu.memory_space<hbm>> -> memref<64x64xf32, #tpu.memory_space<hbm>>
        tpu.enqueue_dma source(%dma_start3A_376 : memref<64x64xf32, #tpu.memory_space<hbm>>) target(%arg9 : memref<64x64xf32, #tpu.memory_space<vmem>>) target_semaphore(%arg16 : memref<!tpu.dma_semaphore, #tpu.memory_space<semaphore_mem>>)
      } else {
      }
      %scan3A_329 = arith.constant 0 : i32
      scf.yield %scan3A_329 : i32
    }
    %scan3A_151 = arith.constant 78 : i32
    %lt3A_152 = arith.constant 8 : i32
    %lt3A_153 = arith.cmpi slt, %add3A, %lt3A_152 : i32
    %convert_element_type3A_154 = arith.extui %lt3A_153 : i1 to i32
    %cond3A_155 = arith.constant 0 : i32
    %cond3A_156 = arith.cmpi ne, %convert_element_type3A_154, %cond3A_155 : i32
    scf.if %cond3A_156 {
      %dma_wait3A_203 = arith.constant 0 : i32
      %dma_wait3A_204 = arith.constant 0 : i32
      %dma_wait3A_205 = tpu.memref_slice %arg7[%dma_wait3A_203, %dma_wait3A_204] : memref<2x64xi32, #tpu.memory_space<vmem>> -> memref<1x64xi32, #tpu.memory_space<vmem>>
      %dma_wait3A_206 = tpu.memref_squeeze %dma_wait3A_205 : memref<1x64xi32, #tpu.memory_space<vmem>> -> memref<64xi32, #tpu.memory_space<vmem>>
      %dma_wait3A_207 = arith.constant 0 : i32
      %dma_wait3A_208 = arith.constant 0 : i32
      %dma_wait3A_209 = tpu.memref_slice %arg4[%dma_wait3A_207, %dma_wait3A_208] : memref<10000x128xf32, #tpu.memory_space<hbm>> -> memref<10000x128xf32, #tpu.memory_space<hbm>>
      tpu.wait_indirect_dma semaphore(%arg16 : memref<!tpu.dma_semaphore, #tpu.memory_space<semaphore_mem>>) src(%dma_wait3A_209 : memref<10000x128xf32, #tpu.memory_space<hbm>>) dst(%arg8 : memref<64x128xf32, #tpu.memory_space<vmem>>)
      %dma_wait3A_210 = arith.constant 0 : i32
      %dma_wait3A_211 = arith.constant 0 : i32
      %dma_wait3A_212 = tpu.memref_slice %arg7[%dma_wait3A_210, %dma_wait3A_211] : memref<2x64xi32, #tpu.memory_space<vmem>> -> memref<1x64xi32, #tpu.memory_space<vmem>>
      %dma_wait3A_213 = tpu.memref_squeeze %dma_wait3A_212 : memref<1x64xi32, #tpu.memory_space<vmem>> -> memref<64xi32, #tpu.memory_space<vmem>>
      %dma_wait3A_214 = arith.constant 0 : i32
      %dma_wait3A_215 = arith.constant 0 : i32
      %dma_wait3A_216 = tpu.memref_slice %arg4[%dma_wait3A_214, %dma_wait3A_215] : memref<10000x128xf32, #tpu.memory_space<hbm>> -> memref<10000x128xf32, #tpu.memory_space<hbm>>
      tpu.wait_indirect_dma semaphore(%arg16 : memref<!tpu.dma_semaphore, #tpu.memory_space<semaphore_mem>>) src(%dma_wait3A_216 : memref<10000x128xf32, #tpu.memory_space<hbm>>) dst(%arg10 : memref<64x128xf32, #tpu.memory_space<vmem>>)
      %dma_wait3A_217 = arith.constant 0 : i32
      %dma_wait3A_218 = arith.constant 0 : i32
      %dma_wait3A_219 = tpu.memref_slice %arg5[%dma_wait3A_217, %dma_wait3A_218] : memref<320000x64xf32, #tpu.memory_space<hbm>> -> memref<64x64xf32, #tpu.memory_space<hbm>>
      %dma_wait3A_220 = arith.constant 0 : i32
      %dma_wait3A_221 = arith.constant 0 : i32
      %dma_wait3A_222 = tpu.memref_slice %arg5[%dma_wait3A_220, %dma_wait3A_221] : memref<320000x64xf32, #tpu.memory_space<hbm>> -> memref<64x64xf32, #tpu.memory_space<hbm>>
      tpu.wait_dma2 semaphore(%arg16 : memref<!tpu.dma_semaphore, #tpu.memory_space<semaphore_mem>>) src(%dma_wait3A_222 : memref<64x64xf32, #tpu.memory_space<hbm>>) dst(%arg9 : memref<64x64xf32, #tpu.memory_space<vmem>>)
      %parallel_loop3A_223 = arith.constant 0 : i32
      %parallel_loop3A_224 = arith.constant 64 : i32
      %parallel_loop3A_225 = arith.constant 1 : i32
      scf.for %parallel_loop3A_229 = %parallel_loop3A_223 to %parallel_loop3A_224 step %parallel_loop3A_225  : i32 {
        %parallel_loop3A_230 = arith.index_cast %parallel_loop3A_229 : i32 to index
        %parallel_loop3A_231 = arith.constant 0 : index
        %parallel_loop3A_232 = tpu.vector_load %arg8[%parallel_loop3A_230, %parallel_loop3A_231] {strides = array<i32>} : memref<64x128xf32, #tpu.memory_space<vmem>>, vector<1x16xf32>,
        %parallel_loop3A_233 = vector.shape_cast %parallel_loop3A_232 : vector<1x16xf32> to vector<16xf32>
        %parallel_loop3A_234 = arith.index_cast %parallel_loop3A_229 : i32 to index
        %parallel_loop3A_235 = arith.constant 64 : index
        %parallel_loop3A_236 = tpu.vector_load %arg10[%parallel_loop3A_234, %parallel_loop3A_235] {strides = array<i32>} : memref<64x128xf32, #tpu.memory_space<vmem>>, vector<1x16xf32>,
        %parallel_loop3A_237 = vector.shape_cast %parallel_loop3A_236 : vector<1x16xf32> to vector<16xf32>
        %parallel_loop3A_238 = arith.addf %parallel_loop3A_233, %parallel_loop3A_237 : vector<16xf32>
        %parallel_loop3A_239 = arith.index_cast %parallel_loop3A_229 : i32 to index
        %parallel_loop3A_240 = arith.constant 0 : index
        %parallel_loop3A_241 = tpu.vector_load %arg9[%parallel_loop3A_239, %parallel_loop3A_240] {strides = array<i32>} : memref<64x64xf32, #tpu.memory_space<vmem>>, vector<1x16xf32>,
        %parallel_loop3A_242 = vector.shape_cast %parallel_loop3A_241 : vector<1x16xf32> to vector<16xf32>
        %parallel_loop3A_243 = arith.addf %parallel_loop3A_238, %parallel_loop3A_242 : vector<16xf32>
        %parallel_loop3A_244 = arith.constant 0.000000e+00 : f32
        %parallel_loop3A_245 = vector.broadcast %parallel_loop3A_244 : f32 to vector<16xf32>
        %parallel_loop3A_246 = arith.maximumf %parallel_loop3A_243, %parallel_loop3A_245 : vector<16xf32>
        %parallel_loop3A_247 = arith.index_cast %parallel_loop3A_229 : i32 to index
        %parallel_loop3A_248 = arith.constant 0 : index
        %parallel_loop3A_249 = tpu.vector_load %arg10[%parallel_loop3A_247, %parallel_loop3A_248] {strides = array<i32>} : memref<64x128xf32, #tpu.memory_space<vmem>>, vector<1x16xf32>,
        %parallel_loop3A_250 = vector.shape_cast %parallel_loop3A_249 : vector<1x16xf32> to vector<16xf32>
        %parallel_loop3A_251 = vector.shape_cast %parallel_loop3A_246 : vector<16xf32> to vector<1x16xf32>
        tpu.vector_store %arg10[%parallel_loop3A_247, %parallel_loop3A_248], %parallel_loop3A_251 {strides = array<i32>} : memref<64x128xf32, #tpu.memory_space<vmem>>, vector<1x16xf32>,
        %parallel_loop3A_252 = arith.index_cast %parallel_loop3A_229 : i32 to index
        %parallel_loop3A_253 = arith.constant 16 : index
        %parallel_loop3A_254 = tpu.vector_load %arg8[%parallel_loop3A_252, %parallel_loop3A_253] {strides = array<i32>} : memref<64x128xf32, #tpu.memory_space<vmem>>, vector<1x16xf32>,
        %parallel_loop3A_255 = vector.shape_cast %parallel_loop3A_254 : vector<1x16xf32> to vector<16xf32>
        %parallel_loop3A_256 = arith.index_cast %parallel_loop3A_229 : i32 to index
        %parallel_loop3A_257 = arith.constant 80 : index
        %parallel_loop3A_258 = tpu.vector_load %arg10[%parallel_loop3A_256, %parallel_loop3A_257] {strides = array<i32>} : memref<64x128xf32, #tpu.memory_space<vmem>>, vector<1x16xf32>,
        %parallel_loop3A_259 = vector.shape_cast %parallel_loop3A_258 : vector<1x16xf32> to vector<16xf32>
        %parallel_loop3A_260 = arith.addf %parallel_loop3A_255, %parallel_loop3A_259 : vector<16xf32>
        %parallel_loop3A_261 = arith.index_cast %parallel_loop3A_229 : i32 to index
        %parallel_loop3A_262 = arith.constant 16 : index
        %parallel_loop3A_263 = tpu.vector_load %arg9[%parallel_loop3A_261, %parallel_loop3A_262] {strides = array<i32>} : memref<64x64xf32, #tpu.memory_space<vmem>>, vector<1x16xf32>,
        %parallel_loop3A_264 = vector.shape_cast %parallel_loop3A_263 : vector<1x16xf32> to vector<16xf32>
        %parallel_loop3A_265 = arith.addf %parallel_loop3A_260, %parallel_loop3A_264 : vector<16xf32>
        %parallel_loop3A_266 = arith.constant 0.000000e+00 : f32
        %parallel_loop3A_267 = vector.broadcast %parallel_loop3A_266 : f32 to vector<16xf32>
        %parallel_loop3A_268 = arith.maximumf %parallel_loop3A_265, %parallel_loop3A_267 : vector<16xf32>
        %parallel_loop3A_269 = arith.index_cast %parallel_loop3A_229 : i32 to index
        %parallel_loop3A_270 = arith.constant 16 : index
        %parallel_loop3A_271 = tpu.vector_load %arg10[%parallel_loop3A_269, %parallel_loop3A_270] {strides = array<i32>} : memref<64x128xf32, #tpu.memory_space<vmem>>, vector<1x16xf32>,
        %parallel_loop3A_272 = vector.shape_cast %parallel_loop3A_271 : vector<1x16xf32> to vector<16xf32>
        %parallel_loop3A_273 = vector.shape_cast %parallel_loop3A_268 : vector<16xf32> to vector<1x16xf32>
        tpu.vector_store %arg10[%parallel_loop3A_269, %parallel_loop3A_270], %parallel_loop3A_273 {strides = array<i32>} : memref<64x128xf32, #tpu.memory_space<vmem>>, vector<1x16xf32>,
        %parallel_loop3A_274 = arith.index_cast %parallel_loop3A_229 : i32 to index
        %parallel_loop3A_275 = arith.constant 32 : index
        %parallel_loop3A_276 = tpu.vector_load %arg8[%parallel_loop3A_274, %parallel_loop3A_275] {strides = array<i32>} : memref<64x128xf32, #tpu.memory_space<vmem>>, vector<1x16xf32>,
        %parallel_loop3A_277 = vector.shape_cast %parallel_loop3A_276 : vector<1x16xf32> to vector<16xf32>
        %parallel_loop3A_278 = arith.index_cast %parallel_loop3A_229 : i32 to index
        %parallel_loop3A_279 = arith.constant 96 : index
        %parallel_loop3A_280 = tpu.vector_load %arg10[%parallel_loop3A_278, %parallel_loop3A_279] {strides = array<i32>} : memref<64x128xf32, #tpu.memory_space<vmem>>, vector<1x16xf32>,
        %parallel_loop3A_281 = vector.shape_cast %parallel_loop3A_280 : vector<1x16xf32> to vector<16xf32>
        %parallel_loop3A_282 = arith.addf %parallel_loop3A_277, %parallel_loop3A_281 : vector<16xf32>
        %parallel_loop3A_283 = arith.index_cast %parallel_loop3A_229 : i32 to index
        %parallel_loop3A_284 = arith.constant 32 : index
        %parallel_loop3A_285 = tpu.vector_load %arg9[%parallel_loop3A_283, %parallel_loop3A_284] {strides = array<i32>} : memref<64x64xf32, #tpu.memory_space<vmem>>, vector<1x16xf32>,
        %parallel_loop3A_286 = vector.shape_cast %parallel_loop3A_285 : vector<1x16xf32> to vector<16xf32>
        %parallel_loop3A_287 = arith.addf %parallel_loop3A_282, %parallel_loop3A_286 : vector<16xf32>
        %parallel_loop3A_288 = arith.constant 0.000000e+00 : f32
        %parallel_loop3A_289 = vector.broadcast %parallel_loop3A_288 : f32 to vector<16xf32>
        %parallel_loop3A_290 = arith.maximumf %parallel_loop3A_287, %parallel_loop3A_289 : vector<16xf32>
        %parallel_loop3A_291 = arith.index_cast %parallel_loop3A_229 : i32 to index
        %parallel_loop3A_292 = arith.constant 32 : index
        %parallel_loop3A_293 = tpu.vector_load %arg10[%parallel_loop3A_291, %parallel_loop3A_292] {strides = array<i32>} : memref<64x128xf32, #tpu.memory_space<vmem>>, vector<1x16xf32>,
        %parallel_loop3A_294 = vector.shape_cast %parallel_loop3A_293 : vector<1x16xf32> to vector<16xf32>
        %parallel_loop3A_295 = vector.shape_cast %parallel_loop3A_290 : vector<16xf32> to vector<1x16xf32>
        tpu.vector_store %arg10[%parallel_loop3A_291, %parallel_loop3A_292], %parallel_loop3A_295 {strides = array<i32>} : memref<64x128xf32, #tpu.memory_space<vmem>>, vector<1x16xf32>,
        %parallel_loop3A_296 = arith.index_cast %parallel_loop3A_229 : i32 to index
        %parallel_loop3A_297 = arith.constant 48 : index
        %parallel_loop3A_298 = tpu.vector_load %arg8[%parallel_loop3A_296, %parallel_loop3A_297] {strides = array<i32>} : memref<64x128xf32, #tpu.memory_space<vmem>>, vector<1x16xf32>,
        %parallel_loop3A_299 = vector.shape_cast %parallel_loop3A_298 : vector<1x16xf32> to vector<16xf32>
        %parallel_loop3A_300 = arith.index_cast %parallel_loop3A_229 : i32 to index
        %parallel_loop3A_301 = arith.constant 112 : index
        %parallel_loop3A_302 = tpu.vector_load %arg10[%parallel_loop3A_300, %parallel_loop3A_301] {strides = array<i32>} : memref<64x128xf32, #tpu.memory_space<vmem>>, vector<1x16xf32>,
        %parallel_loop3A_303 = vector.shape_cast %parallel_loop3A_302 : vector<1x16xf32> to vector<16xf32>
        %parallel_loop3A_304 = arith.addf %parallel_loop3A_299, %parallel_loop3A_303 : vector<16xf32>
        %parallel_loop3A_305 = arith.index_cast %parallel_loop3A_229 : i32 to index
        %parallel_loop3A_306 = arith.constant 48 : index
        %parallel_loop3A_307 = tpu.vector_load %arg9[%parallel_loop3A_305, %parallel_loop3A_306] {strides = array<i32>} : memref<64x64xf32, #tpu.memory_space<vmem>>, vector<1x16xf32>,
        %parallel_loop3A_308 = vector.shape_cast %parallel_loop3A_307 : vector<1x16xf32> to vector<16xf32>
        %parallel_loop3A_309 = arith.addf %parallel_loop3A_304, %parallel_loop3A_308 : vector<16xf32>
        %parallel_loop3A_310 = arith.constant 0.000000e+00 : f32
        %parallel_loop3A_311 = vector.broadcast %parallel_loop3A_310 : f32 to vector<16xf32>
        %parallel_loop3A_312 = arith.maximumf %parallel_loop3A_309, %parallel_loop3A_311 : vector<16xf32>
        %parallel_loop3A_313 = arith.index_cast %parallel_loop3A_229 : i32 to index
        %parallel_loop3A_314 = arith.constant 48 : index
        %parallel_loop3A_315 = tpu.vector_load %arg10[%parallel_loop3A_313, %parallel_loop3A_314] {strides = array<i32>} : memref<64x128xf32, #tpu.memory_space<vmem>>, vector<1x16xf32>,
        %parallel_loop3A_316 = vector.shape_cast %parallel_loop3A_315 : vector<1x16xf32> to vector<16xf32>
        %parallel_loop3A_317 = vector.shape_cast %parallel_loop3A_312 : vector<16xf32> to vector<1x16xf32>
        tpu.vector_store %arg10[%parallel_loop3A_313, %parallel_loop3A_314], %parallel_loop3A_317 {strides = array<i32>} : memref<64x128xf32, #tpu.memory_space<vmem>>, vector<1x16xf32>,
      } {sc.loop_unroll_factor = 4 : i64, sc.parallel_access}
      %parallel_loop3A_226 = arith.constant 0 : i32
      %parallel_loop3A_227 = arith.constant 64 : i32
      %parallel_loop3A_228 = arith.constant 1 : i32
      scf.for %parallel_loop3A_229 = %parallel_loop3A_226 to %parallel_loop3A_227 step %parallel_loop3A_228  : i32 {
        %parallel_loop3A_230 = arith.index_cast %parallel_loop3A_229 : i32 to index
        %parallel_loop3A_231 = arith.constant 64 : index
        %parallel_loop3A_232 = tpu.vector_load %arg10[%parallel_loop3A_230, %parallel_loop3A_231] {strides = array<i32>} : memref<64x128xf32, #tpu.memory_space<vmem>>, vector<1x16xf32>,
        %parallel_loop3A_233 = vector.shape_cast %parallel_loop3A_232 : vector<1x16xf32> to vector<16xf32>
        %parallel_loop3A_234 = vector.shape_cast %select_n3A : vector<16xf32> to vector<1x16xf32>
        tpu.vector_store %arg10[%parallel_loop3A_230, %parallel_loop3A_231], %parallel_loop3A_234 {strides = array<i32>} : memref<64x128xf32, #tpu.memory_space<vmem>>, vector<1x16xf32>,
      } {sc.loop_unroll_factor = 8 : i64, sc.parallel_access}
      %run_scoped3A = arith.constant 1 : i32
      "tpu.region"() ({
        %run_scoped3A_229 = tpu.sem_alloc : memref<!tpu.dma_semaphore, #tpu.memory_space<semaphore_mem>>
        %dma_start3A_230 = arith.constant 0 : i32
        %dma_start3A_231 = tpu.memref_slice %arg7[%run_scoped3A, %dma_start3A_230] : memref<2x64xi32, #tpu.memory_space<vmem>> -> memref<1x64xi32, #tpu.memory_space<vmem>>
        %dma_start3A_232 = tpu.memref_squeeze %dma_start3A_231 : memref<1x64xi32, #tpu.memory_space<vmem>> -> memref<64xi32, #tpu.memory_space<vmem>>
        %dma_start3A_233 = arith.constant 0 : i32
        %dma_start3A_234 = arith.constant 0 : i32
        %dma_start3A_235 = tpu.memref_slice %arg15[%dma_start3A_233, %dma_start3A_234] : memref<10000x128xf32, #tpu.memory_space<vmem_shared>> -> memref<10000x128xf32, #tpu.memory_space<vmem_shared>>
        tpu.enqueue_indirect_dma source(%arg10 : memref<64x128xf32, #tpu.memory_space<vmem>>) target(%dma_start3A_235 : memref<10000x128xf32, #tpu.memory_space<vmem_shared>>) offsets(%dma_start3A_232 : memref<64xi32, #tpu.memory_space<vmem>>) semaphore(%run_scoped3A_229 : memref<!tpu.dma_semaphore, #tpu.memory_space<semaphore_mem>>) {add = true}
        %dma_wait3A_236 = arith.constant 0 : i32
        %dma_wait3A_237 = tpu.memref_slice %arg7[%run_scoped3A, %dma_wait3A_236] : memref<2x64xi32, #tpu.memory_space<vmem>> -> memref<1x64xi32, #tpu.memory_space<vmem>>
        %dma_wait3A_238 = tpu.memref_squeeze %dma_wait3A_237 : memref<1x64xi32, #tpu.memory_space<vmem>> -> memref<64xi32, #tpu.memory_space<vmem>>
        %dma_wait3A_239 = arith.constant 0 : i32
        %dma_wait3A_240 = arith.constant 0 : i32
        %dma_wait3A_241 = tpu.memref_slice %arg15[%dma_wait3A_239, %dma_wait3A_240] : memref<10000x128xf32, #tpu.memory_space<vmem_shared>> -> memref<10000x128xf32, #tpu.memory_space<vmem_shared>>
        tpu.wait_indirect_dma semaphore(%run_scoped3A_229 : memref<!tpu.dma_semaphore, #tpu.memory_space<semaphore_mem>>) src(%arg10 : memref<64x128xf32, #tpu.memory_space<vmem>>) dst(%dma_wait3A_241 : memref<10000x128xf32, #tpu.memory_space<vmem_shared>>)
        tpu.yield
      }) : () -> ()
    } else {
    }
    %barrier3A_157 = arith.constant 0 : index
    tpu.barrier barrier_id(%barrier3A_157)
    %mul3A_158 = arith.constant 624 : i32
    %mul3A_159 = arith.muli %arg1, %mul3A_158 : i32
    %add3A_160 = arith.constant 0 : i32
    %add3A_161 = arith.addi %mul3A_159, %add3A_160 : i32
    "tpu.region"() ({
      %run_scoped3A = tpu.sem_alloc : memref<!tpu.dma_semaphore, #tpu.memory_space<semaphore_mem>>
      %dma_start3A_203 = arith.constant 0 : i32
      %dma_start3A_204 = tpu.memref_slice %arg6[%arg0, %add3A_161, %dma_start3A_203] : memref<2x10000x128xf32, #tpu.memory_space<hbm>> -> memref<1x64x128xf32, #tpu.memory_space<hbm>>
      %dma_start3A_205 = tpu.memref_squeeze %dma_start3A_204 : memref<1x64x128xf32, #tpu.memory_space<hbm>> -> memref<64x128xf32, #tpu.memory_space<hbm>>
      %dma_start3A_206 = arith.constant 0 : i32
      %dma_start3A_207 = tpu.memref_slice %arg15[%add3A_161, %dma_start3A_206] : memref<10000x128xf32, #tpu.memory_space<vmem_shared>> -> memref<64x128xf32, #tpu.memory_space<vmem_shared>>
      tpu.enqueue_dma source(%dma_start3A_207 : memref<64x128xf32, #tpu.memory_space<vmem_shared>>) target(%dma_start3A_205 : memref<64x128xf32, #tpu.memory_space<hbm>>) target_semaphore(%run_scoped3A : memref<!tpu.dma_semaphore, #tpu.memory_space<semaphore_mem>>)
      %dma_wait3A_208 = arith.constant 0 : i32
      %dma_wait3A_209 = tpu.memref_slice %arg6[%arg0, %add3A_161, %dma_wait3A_208] : memref<2x10000x128xf32, #tpu.memory_space<hbm>> -> memref<1x64x128xf32, #tpu.memory_space<hbm>>
      %dma_wait3A_210 = tpu.memref_squeeze %dma_wait3A_209 : memref<1x64x128xf32, #tpu.memory_space<hbm>> -> memref<64x128xf32, #tpu.memory_space<hbm>>
      %dma_wait3A_211 = arith.constant 0 : i32
      %dma_wait3A_212 = tpu.memref_slice %arg15[%add3A_161, %dma_wait3A_211] : memref<10000x128xf32, #tpu.memory_space<vmem_shared>> -> memref<64x128xf32, #tpu.memory_space<vmem_shared>>
      tpu.wait_dma2 semaphore(%run_scoped3A : memref<!tpu.dma_semaphore, #tpu.memory_space<semaphore_mem>>) src(%dma_wait3A_212 : memref<64x128xf32, #tpu.memory_space<vmem_shared>>) dst(%dma_wait3A_210 : memref<64x128xf32, #tpu.memory_space<hbm>>)
      tpu.yield
    }) : () -> ()
    %mul3A_162 = arith.constant 624 : i32
    %mul3A_163 = arith.muli %arg1, %mul3A_162 : i32
    %add3A_164 = arith.constant 64 : i32
    %add3A_165 = arith.addi %mul3A_163, %add3A_164 : i32
    "tpu.region"() ({
      %run_scoped3A = tpu.sem_alloc : memref<!tpu.dma_semaphore, #tpu.memory_space<semaphore_mem>>
      %dma_start3A_203 = arith.constant 0 : i32
      %dma_start3A_204 = tpu.memref_slice %arg6[%arg0, %add3A_165, %dma_start3A_203] : memref<2x10000x128xf32, #tpu.memory_space<hbm>> -> memref<1x64x128xf32, #tpu.memory_space<hbm>>
      %dma_start3A_205 = tpu.memref_squeeze %dma_start3A_204 : memref<1x64x128xf32, #tpu.memory_space<hbm>> -> memref<64x128xf32, #tpu.memory_space<hbm>>
      %dma_start3A_206 = arith.constant 0 : i32
      %dma_start3A_207 = tpu.memref_slice %arg15[%add3A_165, %dma_start3A_206] : memref<10000x128xf32, #tpu.memory_space<vmem_shared>> -> memref<64x128xf32, #tpu.memory_space<vmem_shared>>
      tpu.enqueue_dma source(%dma_start3A_207 : memref<64x128xf32, #tpu.memory_space<vmem_shared>>) target(%dma_start3A_205 : memref<64x128xf32, #tpu.memory_space<hbm>>) target_semaphore(%run_scoped3A : memref<!tpu.dma_semaphore, #tpu.memory_space<semaphore_mem>>)
      %dma_wait3A_208 = arith.constant 0 : i32
      %dma_wait3A_209 = tpu.memref_slice %arg6[%arg0, %add3A_165, %dma_wait3A_208] : memref<2x10000x128xf32, #tpu.memory_space<hbm>> -> memref<1x64x128xf32, #tpu.memory_space<hbm>>
      %dma_wait3A_210 = tpu.memref_squeeze %dma_wait3A_209 : memref<1x64x128xf32, #tpu.memory_space<hbm>> -> memref<64x128xf32, #tpu.memory_space<hbm>>
      %dma_wait3A_211 = arith.constant 0 : i32
      %dma_wait3A_212 = tpu.memref_slice %arg15[%add3A_165, %dma_wait3A_211] : memref<10000x128xf32, #tpu.memory_space<vmem_shared>> -> memref<64x128xf32, #tpu.memory_space<vmem_shared>>
      tpu.wait_dma2 semaphore(%run_scoped3A : memref<!tpu.dma_semaphore, #tpu.memory_space<semaphore_mem>>) src(%dma_wait3A_212 : memref<64x128xf32, #tpu.memory_space<vmem_shared>>) dst(%dma_wait3A_210 : memref<64x128xf32, #tpu.memory_space<hbm>>)
      tpu.yield
    }) : () -> ()
    %mul3A_166 = arith.constant 624 : i32
    %mul3A_167 = arith.muli %arg1, %mul3A_166 : i32
    %add3A_168 = arith.constant 128 : i32
    %add3A_169 = arith.addi %mul3A_167, %add3A_168 : i32
    "tpu.region"() ({
      %run_scoped3A = tpu.sem_alloc : memref<!tpu.dma_semaphore, #tpu.memory_space<semaphore_mem>>
      %dma_start3A_203 = arith.constant 0 : i32
      %dma_start3A_204 = tpu.memref_slice %arg6[%arg0, %add3A_169, %dma_start3A_203] : memref<2x10000x128xf32, #tpu.memory_space<hbm>> -> memref<1x64x128xf32, #tpu.memory_space<hbm>>
      %dma_start3A_205 = tpu.memref_squeeze %dma_start3A_204 : memref<1x64x128xf32, #tpu.memory_space<hbm>> -> memref<64x128xf32, #tpu.memory_space<hbm>>
      %dma_start3A_206 = arith.constant 0 : i32
      %dma_start3A_207 = tpu.memref_slice %arg15[%add3A_169, %dma_start3A_206] : memref<10000x128xf32, #tpu.memory_space<vmem_shared>> -> memref<64x128xf32, #tpu.memory_space<vmem_shared>>
      tpu.enqueue_dma source(%dma_start3A_207 : memref<64x128xf32, #tpu.memory_space<vmem_shared>>) target(%dma_start3A_205 : memref<64x128xf32, #tpu.memory_space<hbm>>) target_semaphore(%run_scoped3A : memref<!tpu.dma_semaphore, #tpu.memory_space<semaphore_mem>>)
      %dma_wait3A_208 = arith.constant 0 : i32
      %dma_wait3A_209 = tpu.memref_slice %arg6[%arg0, %add3A_169, %dma_wait3A_208] : memref<2x10000x128xf32, #tpu.memory_space<hbm>> -> memref<1x64x128xf32, #tpu.memory_space<hbm>>
      %dma_wait3A_210 = tpu.memref_squeeze %dma_wait3A_209 : memref<1x64x128xf32, #tpu.memory_space<hbm>> -> memref<64x128xf32, #tpu.memory_space<hbm>>
      %dma_wait3A_211 = arith.constant 0 : i32
      %dma_wait3A_212 = tpu.memref_slice %arg15[%add3A_169, %dma_wait3A_211] : memref<10000x128xf32, #tpu.memory_space<vmem_shared>> -> memref<64x128xf32, #tpu.memory_space<vmem_shared>>
      tpu.wait_dma2 semaphore(%run_scoped3A : memref<!tpu.dma_semaphore, #tpu.memory_space<semaphore_mem>>) src(%dma_wait3A_212 : memref<64x128xf32, #tpu.memory_space<vmem_shared>>) dst(%dma_wait3A_210 : memref<64x128xf32, #tpu.memory_space<hbm>>)
      tpu.yield
    }) : () -> ()
    %mul3A_170 = arith.constant 624 : i32
    %mul3A_171 = arith.muli %arg1, %mul3A_170 : i32
    %add3A_172 = arith.constant 192 : i32
    %add3A_173 = arith.addi %mul3A_171, %add3A_172 : i32
    "tpu.region"() ({
      %run_scoped3A = tpu.sem_alloc : memref<!tpu.dma_semaphore, #tpu.memory_space<semaphore_mem>>
      %dma_start3A_203 = arith.constant 0 : i32
      %dma_start3A_204 = tpu.memref_slice %arg6[%arg0, %add3A_173, %dma_start3A_203] : memref<2x10000x128xf32, #tpu.memory_space<hbm>> -> memref<1x64x128xf32, #tpu.memory_space<hbm>>
      %dma_start3A_205 = tpu.memref_squeeze %dma_start3A_204 : memref<1x64x128xf32, #tpu.memory_space<hbm>> -> memref<64x128xf32, #tpu.memory_space<hbm>>
      %dma_start3A_206 = arith.constant 0 : i32
      %dma_start3A_207 = tpu.memref_slice %arg15[%add3A_173, %dma_start3A_206] : memref<10000x128xf32, #tpu.memory_space<vmem_shared>> -> memref<64x128xf32, #tpu.memory_space<vmem_shared>>
      tpu.enqueue_dma source(%dma_start3A_207 : memref<64x128xf32, #tpu.memory_space<vmem_shared>>) target(%dma_start3A_205 : memref<64x128xf32, #tpu.memory_space<hbm>>) target_semaphore(%run_scoped3A : memref<!tpu.dma_semaphore, #tpu.memory_space<semaphore_mem>>)
      %dma_wait3A_208 = arith.constant 0 : i32
      %dma_wait3A_209 = tpu.memref_slice %arg6[%arg0, %add3A_173, %dma_wait3A_208] : memref<2x10000x128xf32, #tpu.memory_space<hbm>> -> memref<1x64x128xf32, #tpu.memory_space<hbm>>
      %dma_wait3A_210 = tpu.memref_squeeze %dma_wait3A_209 : memref<1x64x128xf32, #tpu.memory_space<hbm>> -> memref<64x128xf32, #tpu.memory_space<hbm>>
      %dma_wait3A_211 = arith.constant 0 : i32
      %dma_wait3A_212 = tpu.memref_slice %arg15[%add3A_173, %dma_wait3A_211] : memref<10000x128xf32, #tpu.memory_space<vmem_shared>> -> memref<64x128xf32, #tpu.memory_space<vmem_shared>>
      tpu.wait_dma2 semaphore(%run_scoped3A : memref<!tpu.dma_semaphore, #tpu.memory_space<semaphore_mem>>) src(%dma_wait3A_212 : memref<64x128xf32, #tpu.memory_space<vmem_shared>>) dst(%dma_wait3A_210 : memref<64x128xf32, #tpu.memory_space<hbm>>)
      tpu.yield
    }) : () -> ()
    %mul3A_174 = arith.constant 624 : i32
    %mul3A_175 = arith.muli %arg1, %mul3A_174 : i32
    %add3A_176 = arith.constant 256 : i32
    %add3A_177 = arith.addi %mul3A_175, %add3A_176 : i32
    "tpu.region"() ({
      %run_scoped3A = tpu.sem_alloc : memref<!tpu.dma_semaphore, #tpu.memory_space<semaphore_mem>>
      %dma_start3A_203 = arith.constant 0 : i32
      %dma_start3A_204 = tpu.memref_slice %arg6[%arg0, %add3A_177, %dma_start3A_203] : memref<2x10000x128xf32, #tpu.memory_space<hbm>> -> memref<1x64x128xf32, #tpu.memory_space<hbm>>
      %dma_start3A_205 = tpu.memref_squeeze %dma_start3A_204 : memref<1x64x128xf32, #tpu.memory_space<hbm>> -> memref<64x128xf32, #tpu.memory_space<hbm>>
      %dma_start3A_206 = arith.constant 0 : i32
      %dma_start3A_207 = tpu.memref_slice %arg15[%add3A_177, %dma_start3A_206] : memref<10000x128xf32, #tpu.memory_space<vmem_shared>> -> memref<64x128xf32, #tpu.memory_space<vmem_shared>>
      tpu.enqueue_dma source(%dma_start3A_207 : memref<64x128xf32, #tpu.memory_space<vmem_shared>>) target(%dma_start3A_205 : memref<64x128xf32, #tpu.memory_space<hbm>>) target_semaphore(%run_scoped3A : memref<!tpu.dma_semaphore, #tpu.memory_space<semaphore_mem>>)
      %dma_wait3A_208 = arith.constant 0 : i32
      %dma_wait3A_209 = tpu.memref_slice %arg6[%arg0, %add3A_177, %dma_wait3A_208] : memref<2x10000x128xf32, #tpu.memory_space<hbm>> -> memref<1x64x128xf32, #tpu.memory_space<hbm>>
      %dma_wait3A_210 = tpu.memref_squeeze %dma_wait3A_209 : memref<1x64x128xf32, #tpu.memory_space<hbm>> -> memref<64x128xf32, #tpu.memory_space<hbm>>
      %dma_wait3A_211 = arith.constant 0 : i32
      %dma_wait3A_212 = tpu.memref_slice %arg15[%add3A_177, %dma_wait3A_211] : memref<10000x128xf32, #tpu.memory_space<vmem_shared>> -> memref<64x128xf32, #tpu.memory_space<vmem_shared>>
      tpu.wait_dma2 semaphore(%run_scoped3A : memref<!tpu.dma_semaphore, #tpu.memory_space<semaphore_mem>>) src(%dma_wait3A_212 : memref<64x128xf32, #tpu.memory_space<vmem_shared>>) dst(%dma_wait3A_210 : memref<64x128xf32, #tpu.memory_space<hbm>>)
      tpu.yield
    }) : () -> ()
    %mul3A_178 = arith.constant 624 : i32
    %mul3A_179 = arith.muli %arg1, %mul3A_178 : i32
    %add3A_180 = arith.constant 320 : i32
    %add3A_181 = arith.addi %mul3A_179, %add3A_180 : i32
    "tpu.region"() ({
      %run_scoped3A = tpu.sem_alloc : memref<!tpu.dma_semaphore, #tpu.memory_space<semaphore_mem>>
      %dma_start3A_203 = arith.constant 0 : i32
      %dma_start3A_204 = tpu.memref_slice %arg6[%arg0, %add3A_181, %dma_start3A_203] : memref<2x10000x128xf32, #tpu.memory_space<hbm>> -> memref<1x64x128xf32, #tpu.memory_space<hbm>>
      %dma_start3A_205 = tpu.memref_squeeze %dma_start3A_204 : memref<1x64x128xf32, #tpu.memory_space<hbm>> -> memref<64x128xf32, #tpu.memory_space<hbm>>
      %dma_start3A_206 = arith.constant 0 : i32
      %dma_start3A_207 = tpu.memref_slice %arg15[%add3A_181, %dma_start3A_206] : memref<10000x128xf32, #tpu.memory_space<vmem_shared>> -> memref<64x128xf32, #tpu.memory_space<vmem_shared>>
      tpu.enqueue_dma source(%dma_start3A_207 : memref<64x128xf32, #tpu.memory_space<vmem_shared>>) target(%dma_start3A_205 : memref<64x128xf32, #tpu.memory_space<hbm>>) target_semaphore(%run_scoped3A : memref<!tpu.dma_semaphore, #tpu.memory_space<semaphore_mem>>)
      %dma_wait3A_208 = arith.constant 0 : i32
      %dma_wait3A_209 = tpu.memref_slice %arg6[%arg0, %add3A_181, %dma_wait3A_208] : memref<2x10000x128xf32, #tpu.memory_space<hbm>> -> memref<1x64x128xf32, #tpu.memory_space<hbm>>
      %dma_wait3A_210 = tpu.memref_squeeze %dma_wait3A_209 : memref<1x64x128xf32, #tpu.memory_space<hbm>> -> memref<64x128xf32, #tpu.memory_space<hbm>>
      %dma_wait3A_211 = arith.constant 0 : i32
      %dma_wait3A_212 = tpu.memref_slice %arg15[%add3A_181, %dma_wait3A_211] : memref<10000x128xf32, #tpu.memory_space<vmem_shared>> -> memref<64x128xf32, #tpu.memory_space<vmem_shared>>
      tpu.wait_dma2 semaphore(%run_scoped3A : memref<!tpu.dma_semaphore, #tpu.memory_space<semaphore_mem>>) src(%dma_wait3A_212 : memref<64x128xf32, #tpu.memory_space<vmem_shared>>) dst(%dma_wait3A_210 : memref<64x128xf32, #tpu.memory_space<hbm>>)
      tpu.yield
    }) : () -> ()
    %mul3A_182 = arith.constant 624 : i32
    %mul3A_183 = arith.muli %arg1, %mul3A_182 : i32
    %add3A_184 = arith.constant 384 : i32
    %add3A_185 = arith.addi %mul3A_183, %add3A_184 : i32
    "tpu.region"() ({
      %run_scoped3A = tpu.sem_alloc : memref<!tpu.dma_semaphore, #tpu.memory_space<semaphore_mem>>
      %dma_start3A_203 = arith.constant 0 : i32
      %dma_start3A_204 = tpu.memref_slice %arg6[%arg0, %add3A_185, %dma_start3A_203] : memref<2x10000x128xf32, #tpu.memory_space<hbm>> -> memref<1x64x128xf32, #tpu.memory_space<hbm>>
      %dma_start3A_205 = tpu.memref_squeeze %dma_start3A_204 : memref<1x64x128xf32, #tpu.memory_space<hbm>> -> memref<64x128xf32, #tpu.memory_space<hbm>>
      %dma_start3A_206 = arith.constant 0 : i32
      %dma_start3A_207 = tpu.memref_slice %arg15[%add3A_185, %dma_start3A_206] : memref<10000x128xf32, #tpu.memory_space<vmem_shared>> -> memref<64x128xf32, #tpu.memory_space<vmem_shared>>
      tpu.enqueue_dma source(%dma_start3A_207 : memref<64x128xf32, #tpu.memory_space<vmem_shared>>) target(%dma_start3A_205 : memref<64x128xf32, #tpu.memory_space<hbm>>) target_semaphore(%run_scoped3A : memref<!tpu.dma_semaphore, #tpu.memory_space<semaphore_mem>>)
      %dma_wait3A_208 = arith.constant 0 : i32
      %dma_wait3A_209 = tpu.memref_slice %arg6[%arg0, %add3A_185, %dma_wait3A_208] : memref<2x10000x128xf32, #tpu.memory_space<hbm>> -> memref<1x64x128xf32, #tpu.memory_space<hbm>>
      %dma_wait3A_210 = tpu.memref_squeeze %dma_wait3A_209 : memref<1x64x128xf32, #tpu.memory_space<hbm>> -> memref<64x128xf32, #tpu.memory_space<hbm>>
      %dma_wait3A_211 = arith.constant 0 : i32
      %dma_wait3A_212 = tpu.memref_slice %arg15[%add3A_185, %dma_wait3A_211] : memref<10000x128xf32, #tpu.memory_space<vmem_shared>> -> memref<64x128xf32, #tpu.memory_space<vmem_shared>>
      tpu.wait_dma2 semaphore(%run_scoped3A : memref<!tpu.dma_semaphore, #tpu.memory_space<semaphore_mem>>) src(%dma_wait3A_212 : memref<64x128xf32, #tpu.memory_space<vmem_shared>>) dst(%dma_wait3A_210 : memref<64x128xf32, #tpu.memory_space<hbm>>)
      tpu.yield
    }) : () -> ()
    %mul3A_186 = arith.constant 624 : i32
    %mul3A_187 = arith.muli %arg1, %mul3A_186 : i32
    %add3A_188 = arith.constant 448 : i32
    %add3A_189 = arith.addi %mul3A_187, %add3A_188 : i32
    "tpu.region"() ({
      %run_scoped3A = tpu.sem_alloc : memref<!tpu.dma_semaphore, #tpu.memory_space<semaphore_mem>>
      %dma_start3A_203 = arith.constant 0 : i32
      %dma_start3A_204 = tpu.memref_slice %arg6[%arg0, %add3A_189, %dma_start3A_203] : memref<2x10000x128xf32, #tpu.memory_space<hbm>> -> memref<1x64x128xf32, #tpu.memory_space<hbm>>
      %dma_start3A_205 = tpu.memref_squeeze %dma_start3A_204 : memref<1x64x128xf32, #tpu.memory_space<hbm>> -> memref<64x128xf32, #tpu.memory_space<hbm>>
      %dma_start3A_206 = arith.constant 0 : i32
      %dma_start3A_207 = tpu.memref_slice %arg15[%add3A_189, %dma_start3A_206] : memref<10000x128xf32, #tpu.memory_space<vmem_shared>> -> memref<64x128xf32, #tpu.memory_space<vmem_shared>>
      tpu.enqueue_dma source(%dma_start3A_207 : memref<64x128xf32, #tpu.memory_space<vmem_shared>>) target(%dma_start3A_205 : memref<64x128xf32, #tpu.memory_space<hbm>>) target_semaphore(%run_scoped3A : memref<!tpu.dma_semaphore, #tpu.memory_space<semaphore_mem>>)
      %dma_wait3A_208 = arith.constant 0 : i32
      %dma_wait3A_209 = tpu.memref_slice %arg6[%arg0, %add3A_189, %dma_wait3A_208] : memref<2x10000x128xf32, #tpu.memory_space<hbm>> -> memref<1x64x128xf32, #tpu.memory_space<hbm>>
      %dma_wait3A_210 = tpu.memref_squeeze %dma_wait3A_209 : memref<1x64x128xf32, #tpu.memory_space<hbm>> -> memref<64x128xf32, #tpu.memory_space<hbm>>
      %dma_wait3A_211 = arith.constant 0 : i32
      %dma_wait3A_212 = tpu.memref_slice %arg15[%add3A_189, %dma_wait3A_211] : memref<10000x128xf32, #tpu.memory_space<vmem_shared>> -> memref<64x128xf32, #tpu.memory_space<vmem_shared>>
      tpu.wait_dma2 semaphore(%run_scoped3A : memref<!tpu.dma_semaphore, #tpu.memory_space<semaphore_mem>>) src(%dma_wait3A_212 : memref<64x128xf32, #tpu.memory_space<vmem_shared>>) dst(%dma_wait3A_210 : memref<64x128xf32, #tpu.memory_space<hbm>>)
      tpu.yield
    }) : () -> ()
    %mul3A_190 = arith.constant 624 : i32
    %mul3A_191 = arith.muli %arg1, %mul3A_190 : i32
    %add3A_192 = arith.constant 512 : i32
    %add3A_193 = arith.addi %mul3A_191, %add3A_192 : i32
    "tpu.region"() ({
      %run_scoped3A = tpu.sem_alloc : memref<!tpu.dma_semaphore, #tpu.memory_space<semaphore_mem>>
      %dma_start3A_203 = arith.constant 0 : i32
      %dma_start3A_204 = tpu.memref_slice %arg6[%arg0, %add3A_193, %dma_start3A_203] : memref<2x10000x128xf32, #tpu.memory_space<hbm>> -> memref<1x64x128xf32, #tpu.memory_space<hbm>>
      %dma_start3A_205 = tpu.memref_squeeze %dma_start3A_204 : memref<1x64x128xf32, #tpu.memory_space<hbm>> -> memref<64x128xf32, #tpu.memory_space<hbm>>
      %dma_start3A_206 = arith.constant 0 : i32
      %dma_start3A_207 = tpu.memref_slice %arg15[%add3A_193, %dma_start3A_206] : memref<10000x128xf32, #tpu.memory_space<vmem_shared>> -> memref<64x128xf32, #tpu.memory_space<vmem_shared>>
      tpu.enqueue_dma source(%dma_start3A_207 : memref<64x128xf32, #tpu.memory_space<vmem_shared>>) target(%dma_start3A_205 : memref<64x128xf32, #tpu.memory_space<hbm>>) target_semaphore(%run_scoped3A : memref<!tpu.dma_semaphore, #tpu.memory_space<semaphore_mem>>)
      %dma_wait3A_208 = arith.constant 0 : i32
      %dma_wait3A_209 = tpu.memref_slice %arg6[%arg0, %add3A_193, %dma_wait3A_208] : memref<2x10000x128xf32, #tpu.memory_space<hbm>> -> memref<1x64x128xf32, #tpu.memory_space<hbm>>
      %dma_wait3A_210 = tpu.memref_squeeze %dma_wait3A_209 : memref<1x64x128xf32, #tpu.memory_space<hbm>> -> memref<64x128xf32, #tpu.memory_space<hbm>>
      %dma_wait3A_211 = arith.constant 0 : i32
      %dma_wait3A_212 = tpu.memref_slice %arg15[%add3A_193, %dma_wait3A_211] : memref<10000x128xf32, #tpu.memory_space<vmem_shared>> -> memref<64x128xf32, #tpu.memory_space<vmem_shared>>
      tpu.wait_dma2 semaphore(%run_scoped3A : memref<!tpu.dma_semaphore, #tpu.memory_space<semaphore_mem>>) src(%dma_wait3A_212 : memref<64x128xf32, #tpu.memory_space<vmem_shared>>) dst(%dma_wait3A_210 : memref<64x128xf32, #tpu.memory_space<hbm>>)
      tpu.yield
    }) : () -> ()
    %mul3A_194 = arith.constant 624 : i32
    %mul3A_195 = arith.muli %arg1, %mul3A_194 : i32
    %add3A_196 = arith.constant 576 : i32
    %add3A_197 = arith.addi %mul3A_195, %add3A_196 : i32
    "tpu.region"() ({
      %run_scoped3A = tpu.sem_alloc : memref<!tpu.dma_semaphore, #tpu.memory_space<semaphore_mem>>
      %dma_start3A_203 = arith.constant 0 : i32
      %dma_start3A_204 = tpu.memref_slice %arg6[%arg0, %add3A_197, %dma_start3A_203] : memref<2x10000x128xf32, #tpu.memory_space<hbm>> -> memref<1x48x128xf32, #tpu.memory_space<hbm>>
      %dma_start3A_205 = tpu.memref_squeeze %dma_start3A_204 : memref<1x48x128xf32, #tpu.memory_space<hbm>> -> memref<48x128xf32, #tpu.memory_space<hbm>>
      %dma_start3A_206 = arith.constant 0 : i32
      %dma_start3A_207 = tpu.memref_slice %arg15[%add3A_197, %dma_start3A_206] : memref<10000x128xf32, #tpu.memory_space<vmem_shared>> -> memref<48x128xf32, #tpu.memory_space<vmem_shared>>
      tpu.enqueue_dma source(%dma_start3A_207 : memref<48x128xf32, #tpu.memory_space<vmem_shared>>) target(%dma_start3A_205 : memref<48x128xf32, #tpu.memory_space<hbm>>) target_semaphore(%run_scoped3A : memref<!tpu.dma_semaphore, #tpu.memory_space<semaphore_mem>>)
      %dma_wait3A_208 = arith.constant 0 : i32
      %dma_wait3A_209 = tpu.memref_slice %arg6[%arg0, %add3A_197, %dma_wait3A_208] : memref<2x10000x128xf32, #tpu.memory_space<hbm>> -> memref<1x48x128xf32, #tpu.memory_space<hbm>>
      %dma_wait3A_210 = tpu.memref_squeeze %dma_wait3A_209 : memref<1x48x128xf32, #tpu.memory_space<hbm>> -> memref<48x128xf32, #tpu.memory_space<hbm>>
      %dma_wait3A_211 = arith.constant 0 : i32
      %dma_wait3A_212 = tpu.memref_slice %arg15[%add3A_197, %dma_wait3A_211] : memref<10000x128xf32, #tpu.memory_space<vmem_shared>> -> memref<48x128xf32, #tpu.memory_space<vmem_shared>>
      tpu.wait_dma2 semaphore(%run_scoped3A : memref<!tpu.dma_semaphore, #tpu.memory_space<semaphore_mem>>) src(%dma_wait3A_212 : memref<48x128xf32, #tpu.memory_space<vmem_shared>>) dst(%dma_wait3A_210 : memref<48x128xf32, #tpu.memory_space<hbm>>)
      tpu.yield
    }) : () -> ()
    %eq3A_198 = arith.constant 15 : i32
    %eq3A_199 = arith.cmpi eq, %arg1, %eq3A_198 : i32
    %convert_element_type3A_200 = arith.extui %eq3A_199 : i1 to i32
    %cond3A_201 = arith.constant 0 : i32
    %cond3A_202 = arith.cmpi ne, %convert_element_type3A_200, %cond3A_201 : i32
    scf.if %cond3A_202 {
      "tpu.region"() ({
        %run_scoped3A = tpu.sem_alloc : memref<!tpu.dma_semaphore, #tpu.memory_space<semaphore_mem>>
        %dma_start3A_203 = arith.constant 9984 : i32
        %dma_start3A_204 = arith.constant 0 : i32
        %dma_start3A_205 = tpu.memref_slice %arg6[%arg0, %dma_start3A_203, %dma_start3A_204] : memref<2x10000x128xf32, #tpu.memory_space<hbm>> -> memref<1x16x128xf32, #tpu.memory_space<hbm>>
        %dma_start3A_206 = tpu.memref_squeeze %dma_start3A_205 : memref<1x16x128xf32, #tpu.memory_space<hbm>> -> memref<16x128xf32, #tpu.memory_space<hbm>>
        %dma_start3A_207 = arith.constant 9984 : i32
        %dma_start3A_208 = arith.constant 0 : i32
        %dma_start3A_209 = tpu.memref_slice %arg15[%dma_start3A_207, %dma_start3A_208] : memref<10000x128xf32, #tpu.memory_space<vmem_shared>> -> memref<16x128xf32, #tpu.memory_space<vmem_shared>>
        tpu.enqueue_dma source(%dma_start3A_209 : memref<16x128xf32, #tpu.memory_space<vmem_shared>>) target(%dma_start3A_206 : memref<16x128xf32, #tpu.memory_space<hbm>>) target_semaphore(%run_scoped3A : memref<!tpu.dma_semaphore, #tpu.memory_space<semaphore_mem>>)
        %dma_wait3A_210 = arith.constant 9984 : i32
        %dma_wait3A_211 = arith.constant 0 : i32
        %dma_wait3A_212 = tpu.memref_slice %arg6[%arg0, %dma_wait3A_210, %dma_wait3A_211] : memref<2x10000x128xf32, #tpu.memory_space<hbm>> -> memref<1x16x128xf32, #tpu.memory_space<hbm>>
        %dma_wait3A_213 = tpu.memref_squeeze %dma_wait3A_212 : memref<1x16x128xf32, #tpu.memory_space<hbm>> -> memref<16x128xf32, #tpu.memory_space<hbm>>
        %dma_wait3A_214 = arith.constant 9984 : i32
        %dma_wait3A_215 = arith.constant 0 : i32
        %dma_wait3A_216 = tpu.memref_slice %arg15[%dma_wait3A_214, %dma_wait3A_215] : memref<10000x128xf32, #tpu.memory_space<vmem_shared>> -> memref<16x128xf32, #tpu.memory_space<vmem_shared>>
        tpu.wait_dma2 semaphore(%run_scoped3A : memref<!tpu.dma_semaphore, #tpu.memory_space<semaphore_mem>>) src(%dma_wait3A_216 : memref<16x128xf32, #tpu.memory_space<vmem_shared>>) dst(%dma_wait3A_213 : memref<16x128xf32, #tpu.memory_space<hbm>>)
        tpu.yield
      }) : () -> ()
    } else {
    }
    return
  }
}

module attributes {stable_mosaic.version = 14 : i64} {
  func.func @_ab_body(%arg0: memref<10000x64xf32, #tpu.memory_space<vmem>>, %arg1: memref<64x128xf32, #tpu.memory_space<vmem>>, %arg2: memref<10000x128xf32, #tpu.memory_space<vmem>>) attributes {dimension_semantics = [], scalar_prefetch = 0 : i64, scratch_operands = 0 : i64, tpu.core_type = #tpu.core_type<tc>} {
    %get3A = arith.constant 0 : index
    %get3A_0 = arith.constant 0 : index
    %get3A_1 = vector.load %arg0[%get3A, %get3A_0] : memref<10000x64xf32, #tpu.memory_space<vmem>>, vector<10000x64xf32>
    %get3A_2 = arith.constant 0 : index
    %get3A_3 = arith.constant 0 : index
    %get3A_4 = vector.load %arg1[%get3A_2, %get3A_3] : memref<64x128xf32, #tpu.memory_space<vmem>>, vector<64x128xf32>
    %dot_general3A = arith.constant dense<0.000000e+00> : vector<10000x128xf32>
    %dot_general3A_5 = tpu.matmul %get3A_1, %get3A_4, %dot_general3A {dimension_numbers = #tpu.dot_dimension_numbers<[1], [0], [0], [1], [0, 0, 1, 1], [], []>, transpose_lhs_hint = false} : vector<10000x64xf32>, vector<64x128xf32>, vector<10000x128xf32> -> vector<10000x128xf32>
    %swap3A = arith.constant 0 : index
    %swap3A_6 = arith.constant 0 : index
    %swap3A_7 = vector.load %arg2[%swap3A, %swap3A_6] : memref<10000x128xf32, #tpu.memory_space<vmem>>, vector<10000x128xf32>
    tpu.vector_store %arg2[%swap3A, %swap3A_6], %dot_general3A_5 {strides = array<i32>} : memref<10000x128xf32, #tpu.memory_space<vmem>>, vector<10000x128xf32>,
    return
  }
}

module attributes {stable_mosaic.version = 14 : i64} {
  func.func @_edge_pre_body(%arg0: i32, %arg1: memref<64x128xf32, #tpu.memory_space<vmem>>, %arg2: memref<16x8192xf32, #tpu.memory_space<vmem>>, %arg3: memref<32x1xf32, #tpu.memory_space<vmem>>, %arg4: memref<32x1xf32, #tpu.memory_space<vmem>>, %arg5: memref<32x64xf32, #tpu.memory_space<vmem>>, %arg6: memref<16x64xf32, #tpu.memory_space<vmem>>, %arg7: memref<1x64xf32, #tpu.memory_space<vmem>>, %arg8: memref<8192x64xf32, #tpu.memory_space<vmem>>) attributes {dimension_semantics = [#tpu.dimension_semantics<arbitrary>], iteration_bounds = array<i64: 40>, scalar_prefetch = 0 : i64, scratch_operands = 0 : i64, tpu.core_type = #tpu.core_type<tc>, window_params = [{transform_indices = @transform_0, window_bounds = array<i64: 64, 128>}, {transform_indices = @transform_1, window_bounds = array<i64: 16, 8192>}, {pipeline_mode = #tpu.pipeline_mode<synchronous>, transform_indices = @transform_2, window_bounds = array<i64: 32, 1>}, {pipeline_mode = #tpu.pipeline_mode<synchronous>, transform_indices = @transform_3, window_bounds = array<i64: 32, 1>}, {pipeline_mode = #tpu.pipeline_mode<synchronous>, transform_indices = @transform_4, window_bounds = array<i64: 32, 64>}, {pipeline_mode = #tpu.pipeline_mode<synchronous>, transform_indices = @transform_5, window_bounds = array<i64: 16, 64>}, {pipeline_mode = #tpu.pipeline_mode<synchronous>, transform_indices = @transform_6, window_bounds = array<i64: 1, 64>}, {transform_indices = @transform_7, window_bounds = array<i64: 8192, 64>}]} {
    %get3A = arith.constant 0 : index
    %get3A_0 = arith.constant 0 : index
    %get3A_1 = vector.load %arg1[%get3A, %get3A_0] : memref<64x128xf32, #tpu.memory_space<vmem>>, vector<64x128xf32>
    %slice3A = vector.extract_strided_slice %get3A_1 {offsets = [0, 0], sizes = [1, 128], strides = [1, 1]} : vector<64x128xf32> to vector<1x128xf32>
    %slice3A_2 = vector.extract_strided_slice %get3A_1 {offsets = [1, 0], sizes = [1, 128], strides = [1, 1]} : vector<64x128xf32> to vector<1x128xf32>
    %slice3A_3 = vector.extract_strided_slice %get3A_1 {offsets = [2, 0], sizes = [1, 128], strides = [1, 1]} : vector<64x128xf32> to vector<1x128xf32>
    %slice3A_4 = vector.extract_strided_slice %get3A_1 {offsets = [3, 0], sizes = [1, 128], strides = [1, 1]} : vector<64x128xf32> to vector<1x128xf32>
    %slice3A_5 = vector.extract_strided_slice %get3A_1 {offsets = [4, 0], sizes = [1, 128], strides = [1, 1]} : vector<64x128xf32> to vector<1x128xf32>
    %slice3A_6 = vector.extract_strided_slice %get3A_1 {offsets = [5, 0], sizes = [1, 128], strides = [1, 1]} : vector<64x128xf32> to vector<1x128xf32>
    %slice3A_7 = vector.extract_strided_slice %get3A_1 {offsets = [6, 0], sizes = [1, 128], strides = [1, 1]} : vector<64x128xf32> to vector<1x128xf32>
    %slice3A_8 = vector.extract_strided_slice %get3A_1 {offsets = [7, 0], sizes = [1, 128], strides = [1, 1]} : vector<64x128xf32> to vector<1x128xf32>
    %slice3A_9 = vector.extract_strided_slice %get3A_1 {offsets = [8, 0], sizes = [1, 128], strides = [1, 1]} : vector<64x128xf32> to vector<1x128xf32>
    %slice3A_10 = vector.extract_strided_slice %get3A_1 {offsets = [9, 0], sizes = [1, 128], strides = [1, 1]} : vector<64x128xf32> to vector<1x128xf32>
    %slice3A_11 = vector.extract_strided_slice %get3A_1 {offsets = [10, 0], sizes = [1, 128], strides = [1, 1]} : vector<64x128xf32> to vector<1x128xf32>
    %slice3A_12 = vector.extract_strided_slice %get3A_1 {offsets = [11, 0], sizes = [1, 128], strides = [1, 1]} : vector<64x128xf32> to vector<1x128xf32>
    %slice3A_13 = vector.extract_strided_slice %get3A_1 {offsets = [12, 0], sizes = [1, 128], strides = [1, 1]} : vector<64x128xf32> to vector<1x128xf32>
    %slice3A_14 = vector.extract_strided_slice %get3A_1 {offsets = [13, 0], sizes = [1, 128], strides = [1, 1]} : vector<64x128xf32> to vector<1x128xf32>
    %slice3A_15 = vector.extract_strided_slice %get3A_1 {offsets = [14, 0], sizes = [1, 128], strides = [1, 1]} : vector<64x128xf32> to vector<1x128xf32>
    %slice3A_16 = vector.extract_strided_slice %get3A_1 {offsets = [15, 0], sizes = [1, 128], strides = [1, 1]} : vector<64x128xf32> to vector<1x128xf32>
    %slice3A_17 = vector.extract_strided_slice %get3A_1 {offsets = [16, 0], sizes = [1, 128], strides = [1, 1]} : vector<64x128xf32> to vector<1x128xf32>
    %slice3A_18 = vector.extract_strided_slice %get3A_1 {offsets = [17, 0], sizes = [1, 128], strides = [1, 1]} : vector<64x128xf32> to vector<1x128xf32>
    %slice3A_19 = vector.extract_strided_slice %get3A_1 {offsets = [18, 0], sizes = [1, 128], strides = [1, 1]} : vector<64x128xf32> to vector<1x128xf32>
    %slice3A_20 = vector.extract_strided_slice %get3A_1 {offsets = [19, 0], sizes = [1, 128], strides = [1, 1]} : vector<64x128xf32> to vector<1x128xf32>
    %slice3A_21 = vector.extract_strided_slice %get3A_1 {offsets = [20, 0], sizes = [1, 128], strides = [1, 1]} : vector<64x128xf32> to vector<1x128xf32>
    %slice3A_22 = vector.extract_strided_slice %get3A_1 {offsets = [21, 0], sizes = [1, 128], strides = [1, 1]} : vector<64x128xf32> to vector<1x128xf32>
    %slice3A_23 = vector.extract_strided_slice %get3A_1 {offsets = [22, 0], sizes = [1, 128], strides = [1, 1]} : vector<64x128xf32> to vector<1x128xf32>
    %slice3A_24 = vector.extract_strided_slice %get3A_1 {offsets = [23, 0], sizes = [1, 128], strides = [1, 1]} : vector<64x128xf32> to vector<1x128xf32>
    %slice3A_25 = vector.extract_strided_slice %get3A_1 {offsets = [24, 0], sizes = [1, 128], strides = [1, 1]} : vector<64x128xf32> to vector<1x128xf32>
    %slice3A_26 = vector.extract_strided_slice %get3A_1 {offsets = [25, 0], sizes = [1, 128], strides = [1, 1]} : vector<64x128xf32> to vector<1x128xf32>
    %slice3A_27 = vector.extract_strided_slice %get3A_1 {offsets = [26, 0], sizes = [1, 128], strides = [1, 1]} : vector<64x128xf32> to vector<1x128xf32>
    %slice3A_28 = vector.extract_strided_slice %get3A_1 {offsets = [27, 0], sizes = [1, 128], strides = [1, 1]} : vector<64x128xf32> to vector<1x128xf32>
    %slice3A_29 = vector.extract_strided_slice %get3A_1 {offsets = [28, 0], sizes = [1, 128], strides = [1, 1]} : vector<64x128xf32> to vector<1x128xf32>
    %slice3A_30 = vector.extract_strided_slice %get3A_1 {offsets = [29, 0], sizes = [1, 128], strides = [1, 1]} : vector<64x128xf32> to vector<1x128xf32>
    %slice3A_31 = vector.extract_strided_slice %get3A_1 {offsets = [30, 0], sizes = [1, 128], strides = [1, 1]} : vector<64x128xf32> to vector<1x128xf32>
    %slice3A_32 = vector.extract_strided_slice %get3A_1 {offsets = [31, 0], sizes = [1, 128], strides = [1, 1]} : vector<64x128xf32> to vector<1x128xf32>
    %slice3A_33 = vector.extract_strided_slice %get3A_1 {offsets = [32, 0], sizes = [1, 128], strides = [1, 1]} : vector<64x128xf32> to vector<1x128xf32>
    %slice3A_34 = vector.extract_strided_slice %get3A_1 {offsets = [33, 0], sizes = [1, 128], strides = [1, 1]} : vector<64x128xf32> to vector<1x128xf32>
    %slice3A_35 = vector.extract_strided_slice %get3A_1 {offsets = [34, 0], sizes = [1, 128], strides = [1, 1]} : vector<64x128xf32> to vector<1x128xf32>
    %slice3A_36 = vector.extract_strided_slice %get3A_1 {offsets = [35, 0], sizes = [1, 128], strides = [1, 1]} : vector<64x128xf32> to vector<1x128xf32>
    %slice3A_37 = vector.extract_strided_slice %get3A_1 {offsets = [36, 0], sizes = [1, 128], strides = [1, 1]} : vector<64x128xf32> to vector<1x128xf32>
    %slice3A_38 = vector.extract_strided_slice %get3A_1 {offsets = [37, 0], sizes = [1, 128], strides = [1, 1]} : vector<64x128xf32> to vector<1x128xf32>
    %slice3A_39 = vector.extract_strided_slice %get3A_1 {offsets = [38, 0], sizes = [1, 128], strides = [1, 1]} : vector<64x128xf32> to vector<1x128xf32>
    %slice3A_40 = vector.extract_strided_slice %get3A_1 {offsets = [39, 0], sizes = [1, 128], strides = [1, 1]} : vector<64x128xf32> to vector<1x128xf32>
    %slice3A_41 = vector.extract_strided_slice %get3A_1 {offsets = [40, 0], sizes = [1, 128], strides = [1, 1]} : vector<64x128xf32> to vector<1x128xf32>
    %slice3A_42 = vector.extract_strided_slice %get3A_1 {offsets = [41, 0], sizes = [1, 128], strides = [1, 1]} : vector<64x128xf32> to vector<1x128xf32>
    %slice3A_43 = vector.extract_strided_slice %get3A_1 {offsets = [42, 0], sizes = [1, 128], strides = [1, 1]} : vector<64x128xf32> to vector<1x128xf32>
    %slice3A_44 = vector.extract_strided_slice %get3A_1 {offsets = [43, 0], sizes = [1, 128], strides = [1, 1]} : vector<64x128xf32> to vector<1x128xf32>
    %slice3A_45 = vector.extract_strided_slice %get3A_1 {offsets = [44, 0], sizes = [1, 128], strides = [1, 1]} : vector<64x128xf32> to vector<1x128xf32>
    %slice3A_46 = vector.extract_strided_slice %get3A_1 {offsets = [45, 0], sizes = [1, 128], strides = [1, 1]} : vector<64x128xf32> to vector<1x128xf32>
    %slice3A_47 = vector.extract_strided_slice %get3A_1 {offsets = [46, 0], sizes = [1, 128], strides = [1, 1]} : vector<64x128xf32> to vector<1x128xf32>
    %slice3A_48 = vector.extract_strided_slice %get3A_1 {offsets = [47, 0], sizes = [1, 128], strides = [1, 1]} : vector<64x128xf32> to vector<1x128xf32>
    %slice3A_49 = vector.extract_strided_slice %get3A_1 {offsets = [48, 0], sizes = [1, 128], strides = [1, 1]} : vector<64x128xf32> to vector<1x128xf32>
    %slice3A_50 = vector.extract_strided_slice %get3A_1 {offsets = [49, 0], sizes = [1, 128], strides = [1, 1]} : vector<64x128xf32> to vector<1x128xf32>
    %slice3A_51 = vector.extract_strided_slice %get3A_1 {offsets = [50, 0], sizes = [1, 128], strides = [1, 1]} : vector<64x128xf32> to vector<1x128xf32>
    %slice3A_52 = vector.extract_strided_slice %get3A_1 {offsets = [51, 0], sizes = [1, 128], strides = [1, 1]} : vector<64x128xf32> to vector<1x128xf32>
    %slice3A_53 = vector.extract_strided_slice %get3A_1 {offsets = [52, 0], sizes = [1, 128], strides = [1, 1]} : vector<64x128xf32> to vector<1x128xf32>
    %slice3A_54 = vector.extract_strided_slice %get3A_1 {offsets = [53, 0], sizes = [1, 128], strides = [1, 1]} : vector<64x128xf32> to vector<1x128xf32>
    %slice3A_55 = vector.extract_strided_slice %get3A_1 {offsets = [54, 0], sizes = [1, 128], strides = [1, 1]} : vector<64x128xf32> to vector<1x128xf32>
    %slice3A_56 = vector.extract_strided_slice %get3A_1 {offsets = [55, 0], sizes = [1, 128], strides = [1, 1]} : vector<64x128xf32> to vector<1x128xf32>
    %slice3A_57 = vector.extract_strided_slice %get3A_1 {offsets = [56, 0], sizes = [1, 128], strides = [1, 1]} : vector<64x128xf32> to vector<1x128xf32>
    %slice3A_58 = vector.extract_strided_slice %get3A_1 {offsets = [57, 0], sizes = [1, 128], strides = [1, 1]} : vector<64x128xf32> to vector<1x128xf32>
    %slice3A_59 = vector.extract_strided_slice %get3A_1 {offsets = [58, 0], sizes = [1, 128], strides = [1, 1]} : vector<64x128xf32> to vector<1x128xf32>
    %slice3A_60 = vector.extract_strided_slice %get3A_1 {offsets = [59, 0], sizes = [1, 128], strides = [1, 1]} : vector<64x128xf32> to vector<1x128xf32>
    %slice3A_61 = vector.extract_strided_slice %get3A_1 {offsets = [60, 0], sizes = [1, 128], strides = [1, 1]} : vector<64x128xf32> to vector<1x128xf32>
    %slice3A_62 = vector.extract_strided_slice %get3A_1 {offsets = [61, 0], sizes = [1, 128], strides = [1, 1]} : vector<64x128xf32> to vector<1x128xf32>
    %slice3A_63 = vector.extract_strided_slice %get3A_1 {offsets = [62, 0], sizes = [1, 128], strides = [1, 1]} : vector<64x128xf32> to vector<1x128xf32>
    %slice3A_64 = vector.extract_strided_slice %get3A_1 {offsets = [63, 0], sizes = [1, 128], strides = [1, 1]} : vector<64x128xf32> to vector<1x128xf32>
    %concatenate3A = tpu.concatenate %slice3A, %slice3A_2, %slice3A_3, %slice3A_4, %slice3A_5, %slice3A_6, %slice3A_7, %slice3A_8, %slice3A_9, %slice3A_10, %slice3A_11, %slice3A_12, %slice3A_13, %slice3A_14, %slice3A_15, %slice3A_16, %slice3A_17, %slice3A_18, %slice3A_19, %slice3A_20, %slice3A_21, %slice3A_22, %slice3A_23, %slice3A_24, %slice3A_25, %slice3A_26, %slice3A_27, %slice3A_28, %slice3A_29, %slice3A_30, %slice3A_31, %slice3A_32, %slice3A_33, %slice3A_34, %slice3A_35, %slice3A_36, %slice3A_37, %slice3A_38, %slice3A_39, %slice3A_40, %slice3A_41, %slice3A_42, %slice3A_43, %slice3A_44, %slice3A_45, %slice3A_46, %slice3A_47, %slice3A_48, %slice3A_49, %slice3A_50, %slice3A_51, %slice3A_52, %slice3A_53, %slice3A_54, %slice3A_55, %slice3A_56, %slice3A_57, %slice3A_58, %slice3A_59, %slice3A_60, %slice3A_61, %slice3A_62, %slice3A_63, %slice3A_64 in 1 : vector<1x128xf32>, vector<1x128xf32>, vector<1x128xf32>, vector<1x128xf32>, vector<1x128xf32>, vector<1x128xf32>, vector<1x128xf32>, vector<1x128xf32>, vector<1x128xf32>, vector<1x128xf32>, vector<1x128xf32>, vector<1x128xf32>, vector<1x128xf32>, vector<1x128xf32>, vector<1x128xf32>, vector<1x128xf32>, vector<1x128xf32>, vector<1x128xf32>, vector<1x128xf32>, vector<1x128xf32>, vector<1x128xf32>, vector<1x128xf32>, vector<1x128xf32>, vector<1x128xf32>, vector<1x128xf32>, vector<1x128xf32>, vector<1x128xf32>, vector<1x128xf32>, vector<1x128xf32>, vector<1x128xf32>, vector<1x128xf32>, vector<1x128xf32>, vector<1x128xf32>, vector<1x128xf32>, vector<1x128xf32>, vector<1x128xf32>, vector<1x128xf32>, vector<1x128xf32>, vector<1x128xf32>, vector<1x128xf32>, vector<1x128xf32>, vector<1x128xf32>, vector<1x128xf32>, vector<1x128xf32>, vector<1x128xf32>, vector<1x128xf32>, vector<1x128xf32>, vector<1x128xf32>, vector<1x128xf32>, vector<1x128xf32>, vector<1x128xf32>, vector<1x128xf32>, vector<1x128xf32>, vector<1x128xf32>, vector<1x128xf32>, vector<1x128xf32>, vector<1x128xf32>, vector<1x128xf32>, vector<1x128xf32>, vector<1x128xf32>, vector<1x128xf32>, vector<1x128xf32>, vector<1x128xf32>, vector<1x128xf32> -> vector<1x8192xf32>
    %get3A_65 = arith.constant 0 : index
    %get3A_66 = arith.constant 0 : index
    %get3A_67 = vector.load %arg3[%get3A_65, %get3A_66] : memref<32x1xf32, #tpu.memory_space<vmem>>, vector<32x1xf32>
    %mul3A = vector.broadcast %get3A_67 : vector<32x1xf32> to vector<32x8192xf32>
    %mul3A_68 = vector.broadcast %concatenate3A : vector<1x8192xf32> to vector<32x8192xf32>
    %mul3A_69 = arith.mulf %mul3A, %mul3A_68 : vector<32x8192xf32>
    %get3A_70 = arith.constant 0 : index
    %get3A_71 = arith.constant 0 : index
    %get3A_72 = vector.load %arg4[%get3A_70, %get3A_71] : memref<32x1xf32, #tpu.memory_space<vmem>>, vector<32x1xf32>
    %add3A = vector.broadcast %get3A_72 : vector<32x1xf32> to vector<32x8192xf32>
    %add3A_73 = arith.addf %mul3A_69, %add3A : vector<32x8192xf32>
    %mul3A_74 = arith.constant 0.159154937 : f32
    %mul3A_75 = vector.broadcast %mul3A_74 : f32 to vector<32x8192xf32>
    %mul3A_76 = arith.mulf %add3A_73, %mul3A_75 : vector<32x8192xf32>
    %add3A_77 = arith.constant 0x4B400000 : f32
    %add3A_78 = vector.broadcast %add3A_77 : f32 to vector<32x8192xf32>
    %add3A_79 = arith.addf %mul3A_76, %add3A_78 : vector<32x8192xf32>
    %sub3A = arith.constant 0x4B400000 : f32
    %sub3A_80 = vector.broadcast %sub3A : f32 to vector<32x8192xf32>
    %sub3A_81 = arith.subf %add3A_79, %sub3A_80 : vector<32x8192xf32>
    %mul3A_82 = arith.constant 6.281250e+00 : f32
    %mul3A_83 = vector.broadcast %mul3A_82 : f32 to vector<32x8192xf32>
    %mul3A_84 = arith.mulf %sub3A_81, %mul3A_83 : vector<32x8192xf32>
    %sub3A_85 = arith.subf %add3A_73, %mul3A_84 : vector<32x8192xf32>
    %mul3A_86 = arith.constant 0.00193530717 : f32
    %mul3A_87 = vector.broadcast %mul3A_86 : f32 to vector<32x8192xf32>
    %mul3A_88 = arith.mulf %sub3A_81, %mul3A_87 : vector<32x8192xf32>
    %sub3A_89 = arith.subf %sub3A_85, %mul3A_88 : vector<32x8192xf32>
    %mul3A_90 = arith.mulf %sub3A_89, %sub3A_89 : vector<32x8192xf32>
    %mul3A_91 = arith.constant -9.72255609E-12 : f32
    %mul3A_92 = vector.broadcast %mul3A_91 : f32 to vector<32x8192xf32>
    %mul3A_93 = arith.mulf %mul3A_92, %mul3A_90 : vector<32x8192xf32>
    %add3A_94 = arith.constant 2.06036121E-9 : f32
    %add3A_95 = vector.broadcast %add3A_94 : f32 to vector<32x8192xf32>
    %add3A_96 = arith.addf %mul3A_93, %add3A_95 : vector<32x8192xf32>
    %mul3A_97 = arith.mulf %add3A_96, %mul3A_90 : vector<32x8192xf32>
    %add3A_98 = arith.constant -2.75348071E-7 : f32
    %add3A_99 = vector.broadcast %add3A_98 : f32 to vector<32x8192xf32>
    %add3A_100 = arith.addf %mul3A_97, %add3A_99 : vector<32x8192xf32>
    %mul3A_101 = arith.mulf %add3A_100, %mul3A_90 : vector<32x8192xf32>
    %add3A_102 = arith.constant 2.48005545E-5 : f32
    %add3A_103 = vector.broadcast %add3A_102 : f32 to vector<32x8192xf32>
    %add3A_104 = arith.addf %mul3A_101, %add3A_103 : vector<32x8192xf32>
    %mul3A_105 = arith.mulf %add3A_104, %mul3A_90 : vector<32x8192xf32>
    %add3A_106 = arith.constant -0.00138888636 : f32
    %add3A_107 = vector.broadcast %add3A_106 : f32 to vector<32x8192xf32>
    %add3A_108 = arith.addf %mul3A_105, %add3A_107 : vector<32x8192xf32>
    %mul3A_109 = arith.mulf %add3A_108, %mul3A_90 : vector<32x8192xf32>
    %add3A_110 = arith.constant 0.0416666642 : f32
    %add3A_111 = vector.broadcast %add3A_110 : f32 to vector<32x8192xf32>
    %add3A_112 = arith.addf %mul3A_109, %add3A_111 : vector<32x8192xf32>
    %mul3A_113 = arith.mulf %add3A_112, %mul3A_90 : vector<32x8192xf32>
    %add3A_114 = arith.constant -5.000000e-01 : f32
    %add3A_115 = vector.broadcast %add3A_114 : f32 to vector<32x8192xf32>
    %add3A_116 = arith.addf %mul3A_113, %add3A_115 : vector<32x8192xf32>
    %mul3A_117 = arith.mulf %add3A_116, %mul3A_90 : vector<32x8192xf32>
    %add3A_118 = arith.constant 1.000000e+00 : f32
    %add3A_119 = vector.broadcast %add3A_118 : f32 to vector<32x8192xf32>
    %add3A_120 = arith.addf %mul3A_117, %add3A_119 : vector<32x8192xf32>
    %get3A_121 = arith.constant 0 : index
    %get3A_122 = arith.constant 0 : index
    %get3A_123 = vector.load %arg5[%get3A_121, %get3A_122] : memref<32x64xf32, #tpu.memory_space<vmem>>, vector<32x64xf32>
    %dot_general3A = arith.constant dense<0.000000e+00> : vector<8192x64xf32>
    %dot_general3A_124 = tpu.matmul %add3A_120, %get3A_123, %dot_general3A {dimension_numbers = #tpu.dot_dimension_numbers<[0], [0], [1], [1], [0, 1, 1, 1], [], []>, transpose_lhs_hint = false} : vector<32x8192xf32>, vector<32x64xf32>, vector<8192x64xf32> -> vector<8192x64xf32>
    %get3A_125 = arith.constant 0 : index
    %get3A_126 = arith.constant 0 : index
    %get3A_127 = vector.load %arg2[%get3A_125, %get3A_126] : memref<16x8192xf32, #tpu.memory_space<vmem>>, vector<16x8192xf32>
    %get3A_128 = arith.constant 0 : index
    %get3A_129 = arith.constant 0 : index
    %get3A_130 = vector.load %arg6[%get3A_128, %get3A_129] : memref<16x64xf32, #tpu.memory_space<vmem>>, vector<16x64xf32>
    %dot_general3A_131 = arith.constant dense<0.000000e+00> : vector<8192x64xf32>
    %dot_general3A_132 = tpu.matmul %get3A_127, %get3A_130, %dot_general3A_131 {dimension_numbers = #tpu.dot_dimension_numbers<[0], [0], [1], [1], [0, 1, 1, 1], [], []>, transpose_lhs_hint = false} : vector<16x8192xf32>, vector<16x64xf32>, vector<8192x64xf32> -> vector<8192x64xf32>
    %add3A_133 = arith.addf %dot_general3A_124, %dot_general3A_132 : vector<8192x64xf32>
    %get3A_134 = arith.constant 0 : index
    %get3A_135 = arith.constant 0 : index
    %get3A_136 = vector.load %arg7[%get3A_134, %get3A_135] : memref<1x64xf32, #tpu.memory_space<vmem>>, vector<1x64xf32>
    %add3A_137 = vector.broadcast %get3A_136 : vector<1x64xf32> to vector<8192x64xf32>
    %add3A_138 = arith.addf %add3A_133, %add3A_137 : vector<8192x64xf32>
    %swap3A = arith.constant 0 : index
    %swap3A_139 = arith.constant 0 : index
    %swap3A_140 = vector.load %arg8[%swap3A, %swap3A_139] : memref<8192x64xf32, #tpu.memory_space<vmem>>, vector<8192x64xf32>
    tpu.vector_store %arg8[%swap3A, %swap3A_139], %add3A_138 {strides = array<i32>} : memref<8192x64xf32, #tpu.memory_space<vmem>>, vector<8192x64xf32>,
    return
  }
  func.func @transform_0(%arg0: i32) -> (i32, i32) {
    %c0_i32 = arith.constant 0 : i32
    %c0_i32_0 = arith.constant 0 : i32
    return %arg0, %c0_i32 : i32, i32
  }
  func.func @transform_1(%arg0: i32) -> (i32, i32) {
    %c0_i32 = arith.constant 0 : i32
    %c0_i32_0 = arith.constant 0 : i32
    return %c0_i32, %arg0 : i32, i32
  }
  func.func @transform_2(%arg0: i32) -> (i32, i32) {
    %c0_i32 = arith.constant 0 : i32
    %c0_i32_0 = arith.constant 0 : i32
    %c0_i32_1 = arith.constant 0 : i32
    return %c0_i32, %c0_i32_0 : i32, i32
  }
  func.func @transform_3(%arg0: i32) -> (i32, i32) {
    %c0_i32 = arith.constant 0 : i32
    %c0_i32_0 = arith.constant 0 : i32
    %c0_i32_1 = arith.constant 0 : i32
    return %c0_i32, %c0_i32_0 : i32, i32
  }
  func.func @transform_4(%arg0: i32) -> (i32, i32) {
    %c0_i32 = arith.constant 0 : i32
    %c0_i32_0 = arith.constant 0 : i32
    %c0_i32_1 = arith.constant 0 : i32
    return %c0_i32, %c0_i32_0 : i32, i32
  }
  func.func @transform_5(%arg0: i32) -> (i32, i32) {
    %c0_i32 = arith.constant 0 : i32
    %c0_i32_0 = arith.constant 0 : i32
    %c0_i32_1 = arith.constant 0 : i32
    return %c0_i32, %c0_i32_0 : i32, i32
  }
  func.func @transform_6(%arg0: i32) -> (i32, i32) {
    %c0_i32 = arith.constant 0 : i32
    %c0_i32_0 = arith.constant 0 : i32
    %c0_i32_1 = arith.constant 0 : i32
    return %c0_i32, %c0_i32_0 : i32, i32
  }
  func.func @transform_7(%arg0: i32) -> (i32, i32) {
    %c0_i32 = arith.constant 0 : i32
    %c0_i32_0 = arith.constant 0 : i32
    return %arg0, %c0_i32 : i32, i32
  }
}

module attributes {stable_mosaic.version = 14 : i64} {
  func.func @_node_body(%arg0: i32, %arg1: memref<2x2000x128xf32, #tpu.memory_space<vmem>>, %arg2: memref<2000x64xf32, #tpu.memory_space<vmem>>, %arg3: memref<2000x128xf32, #tpu.memory_space<vmem>>, %arg4: memref<64x64xf32, #tpu.memory_space<vmem>>, %arg5: memref<64x64xf32, #tpu.memory_space<vmem>>, %arg6: memref<1x64xf32, #tpu.memory_space<vmem>>, %arg7: memref<64x64xf32, #tpu.memory_space<vmem>>, %arg8: memref<64x64xf32, #tpu.memory_space<vmem>>, %arg9: memref<1x64xf32, #tpu.memory_space<vmem>>, %arg10: memref<64x64xf32, #tpu.memory_space<vmem>>, %arg11: memref<64x64xf32, #tpu.memory_space<vmem>>, %arg12: memref<1x64xf32, #tpu.memory_space<vmem>>, %arg13: memref<128x64xf32, #tpu.memory_space<vmem>>, %arg14: memref<64x64xf32, #tpu.memory_space<vmem>>, %arg15: memref<1x64xf32, #tpu.memory_space<vmem>>, %arg16: memref<64x64xf32, #tpu.memory_space<vmem>>, %arg17: memref<1x64xf32, #tpu.memory_space<vmem>>, %arg18: memref<64x128xf32, #tpu.memory_space<vmem>>, %arg19: memref<1x128xf32, #tpu.memory_space<vmem>>, %arg20: memref<2000x128xf32, #tpu.memory_space<vmem>>) attributes {dimension_semantics = [#tpu.dimension_semantics<arbitrary>], iteration_bounds = array<i64: 5>, scalar_prefetch = 0 : i64, scratch_operands = 0 : i64, tpu.core_type = #tpu.core_type<tc>, window_params = [{transform_indices = @transform_0, window_bounds = array<i64: 2, 2000, 128>}, {transform_indices = @transform_1, window_bounds = array<i64: 2000, 64>}, {transform_indices = @transform_2, window_bounds = array<i64: 2000, 128>}, {pipeline_mode = #tpu.pipeline_mode<synchronous>, transform_indices = @transform_3, window_bounds = array<i64: 64, 64>}, {pipeline_mode = #tpu.pipeline_mode<synchronous>, transform_indices = @transform_4, window_bounds = array<i64: 64, 64>}, {pipeline_mode = #tpu.pipeline_mode<synchronous>, transform_indices = @transform_5, window_bounds = array<i64: 1, 64>}, {pipeline_mode = #tpu.pipeline_mode<synchronous>, transform_indices = @transform_6, window_bounds = array<i64: 64, 64>}, {pipeline_mode = #tpu.pipeline_mode<synchronous>, transform_indices = @transform_7, window_bounds = array<i64: 64, 64>}, {pipeline_mode = #tpu.pipeline_mode<synchronous>, transform_indices = @transform_8, window_bounds = array<i64: 1, 64>}, {pipeline_mode = #tpu.pipeline_mode<synchronous>, transform_indices = @transform_9, window_bounds = array<i64: 64, 64>}, {pipeline_mode = #tpu.pipeline_mode<synchronous>, transform_indices = @transform_10, window_bounds = array<i64: 64, 64>}, {pipeline_mode = #tpu.pipeline_mode<synchronous>, transform_indices = @transform_11, window_bounds = array<i64: 1, 64>}, {pipeline_mode = #tpu.pipeline_mode<synchronous>, transform_indices = @transform_12, window_bounds = array<i64: 128, 64>}, {pipeline_mode = #tpu.pipeline_mode<synchronous>, transform_indices = @transform_13, window_bounds = array<i64: 64, 64>}, {pipeline_mode = #tpu.pipeline_mode<synchronous>, transform_indices = @transform_14, window_bounds = array<i64: 1, 64>}, {pipeline_mode = #tpu.pipeline_mode<synchronous>, transform_indices = @transform_15, window_bounds = array<i64: 64, 64>}, {pipeline_mode = #tpu.pipeline_mode<synchronous>, transform_indices = @transform_16, window_bounds = array<i64: 1, 64>}, {pipeline_mode = #tpu.pipeline_mode<synchronous>, transform_indices = @transform_17, window_bounds = array<i64: 64, 128>}, {pipeline_mode = #tpu.pipeline_mode<synchronous>, transform_indices = @transform_18, window_bounds = array<i64: 1, 128>}, {transform_indices = @transform_19, window_bounds = array<i64: 2000, 128>}]} {
    %get3A = arith.constant 0 : index
    %get3A_0 = arith.constant 0 : index
    %get3A_1 = arith.constant 0 : index
    %get3A_2 = vector.load %arg1[%get3A, %get3A_0, %get3A_1] : memref<2x2000x128xf32, #tpu.memory_space<vmem>>, vector<2x2000x128xf32>
    %slice3A = vector.extract_strided_slice %get3A_2 {offsets = [0, 0, 0], sizes = [1, 2000, 128], strides = [1, 1, 1]} : vector<2x2000x128xf32> to vector<1x2000x128xf32>
    %squeeze3A = vector.shape_cast %slice3A : vector<1x2000x128xf32> to vector<2000x128xf32>
    %slice3A_3 = vector.extract_strided_slice %get3A_2 {offsets = [1, 0, 0], sizes = [1, 2000, 128], strides = [1, 1, 1]} : vector<2x2000x128xf32> to vector<1x2000x128xf32>
    %squeeze3A_4 = vector.shape_cast %slice3A_3 : vector<1x2000x128xf32> to vector<2000x128xf32>
    %add3A = arith.addf %squeeze3A, %squeeze3A_4 : vector<2000x128xf32>
    %slice3A_5 = vector.extract_strided_slice %add3A {offsets = [0, 64], sizes = [2000, 1], strides = [1, 1]} : vector<2000x128xf32> to vector<2000x1xf32>
    %max3A = arith.constant 1.000000e+00 : f32
    %max3A_6 = vector.broadcast %max3A : f32 to vector<2000x1xf32>
    %max3A_7 = arith.maximumf %slice3A_5, %max3A_6 : vector<2000x1xf32>
    %slice3A_8 = vector.extract_strided_slice %add3A {offsets = [0, 0], sizes = [2000, 64], strides = [1, 1]} : vector<2000x128xf32> to vector<2000x64xf32>
    %div3A = vector.broadcast %max3A_7 : vector<2000x1xf32> to vector<2000x64xf32>
    %div3A_9 = arith.divf %slice3A_8, %div3A : vector<2000x64xf32>
    %get3A_10 = arith.constant 0 : index
    %get3A_11 = arith.constant 0 : index
    %get3A_12 = vector.load %arg2[%get3A_10, %get3A_11] : memref<2000x64xf32, #tpu.memory_space<vmem>>, vector<2000x64xf32>
    %get3A_13 = arith.constant 0 : index
    %get3A_14 = arith.constant 0 : index
    %get3A_15 = vector.load %arg4[%get3A_13, %get3A_14] : memref<64x64xf32, #tpu.memory_space<vmem>>, vector<64x64xf32>
    %dot_general3A = arith.constant dense<0.000000e+00> : vector<2000x64xf32>
    %dot_general3A_16 = tpu.matmul %div3A_9, %get3A_15, %dot_general3A {dimension_numbers = #tpu.dot_dimension_numbers<[1], [0], [0], [1], [0, 0, 1, 1], [], []>, transpose_lhs_hint = false} : vector<2000x64xf32>, vector<64x64xf32>, vector<2000x64xf32> -> vector<2000x64xf32>
    %get3A_17 = arith.constant 0 : index
    %get3A_18 = arith.constant 0 : index
    %get3A_19 = vector.load %arg5[%get3A_17, %get3A_18] : memref<64x64xf32, #tpu.memory_space<vmem>>, vector<64x64xf32>
    %dot_general3A_20 = arith.constant dense<0.000000e+00> : vector<2000x64xf32>
    %dot_general3A_21 = tpu.matmul %get3A_12, %get3A_19, %dot_general3A_20 {dimension_numbers = #tpu.dot_dimension_numbers<[1], [0], [0], [1], [0, 0, 1, 1], [], []>, transpose_lhs_hint = false} : vector<2000x64xf32>, vector<64x64xf32>, vector<2000x64xf32> -> vector<2000x64xf32>
    %add3A_22 = arith.addf %dot_general3A_16, %dot_general3A_21 : vector<2000x64xf32>
    %get3A_23 = arith.constant 0 : index
    %get3A_24 = arith.constant 0 : index
    %get3A_25 = vector.load %arg6[%get3A_23, %get3A_24] : memref<1x64xf32, #tpu.memory_space<vmem>>, vector<1x64xf32>
    %add3A_26 = vector.broadcast %get3A_25 : vector<1x64xf32> to vector<2000x64xf32>
    %add3A_27 = arith.addf %add3A_22, %add3A_26 : vector<2000x64xf32>
    %logistic3A = arith.negf %add3A_27 : vector<2000x64xf32>
    %logistic3A_28 = math.exp %logistic3A : vector<2000x64xf32>
    %logistic3A_29 = arith.constant 1.000000e+00 : f32
    %logistic3A_30 = vector.broadcast %logistic3A_29 : f32 to vector<2000x64xf32>
    %logistic3A_31 = arith.addf %logistic3A_30, %logistic3A_28 : vector<2000x64xf32>
    %logistic3A_32 = arith.divf %logistic3A_30, %logistic3A_31 : vector<2000x64xf32>
    %get3A_33 = arith.constant 0 : index
    %get3A_34 = arith.constant 0 : index
    %get3A_35 = vector.load %arg7[%get3A_33, %get3A_34] : memref<64x64xf32, #tpu.memory_space<vmem>>, vector<64x64xf32>
    %dot_general3A_36 = arith.constant dense<0.000000e+00> : vector<2000x64xf32>
    %dot_general3A_37 = tpu.matmul %div3A_9, %get3A_35, %dot_general3A_36 {dimension_numbers = #tpu.dot_dimension_numbers<[1], [0], [0], [1], [0, 0, 1, 1], [], []>, transpose_lhs_hint = false} : vector<2000x64xf32>, vector<64x64xf32>, vector<2000x64xf32> -> vector<2000x64xf32>
    %get3A_38 = arith.constant 0 : index
    %get3A_39 = arith.constant 0 : index
    %get3A_40 = vector.load %arg8[%get3A_38, %get3A_39] : memref<64x64xf32, #tpu.memory_space<vmem>>, vector<64x64xf32>
    %dot_general3A_41 = arith.constant dense<0.000000e+00> : vector<2000x64xf32>
    %dot_general3A_42 = tpu.matmul %get3A_12, %get3A_40, %dot_general3A_41 {dimension_numbers = #tpu.dot_dimension_numbers<[1], [0], [0], [1], [0, 0, 1, 1], [], []>, transpose_lhs_hint = false} : vector<2000x64xf32>, vector<64x64xf32>, vector<2000x64xf32> -> vector<2000x64xf32>
    %add3A_43 = arith.addf %dot_general3A_37, %dot_general3A_42 : vector<2000x64xf32>
    %get3A_44 = arith.constant 0 : index
    %get3A_45 = arith.constant 0 : index
    %get3A_46 = vector.load %arg9[%get3A_44, %get3A_45] : memref<1x64xf32, #tpu.memory_space<vmem>>, vector<1x64xf32>
    %add3A_47 = vector.broadcast %get3A_46 : vector<1x64xf32> to vector<2000x64xf32>
    %add3A_48 = arith.addf %add3A_43, %add3A_47 : vector<2000x64xf32>
    %logistic3A_49 = arith.negf %add3A_48 : vector<2000x64xf32>
    %logistic3A_50 = math.exp %logistic3A_49 : vector<2000x64xf32>
    %logistic3A_51 = arith.constant 1.000000e+00 : f32
    %logistic3A_52 = vector.broadcast %logistic3A_51 : f32 to vector<2000x64xf32>
    %logistic3A_53 = arith.addf %logistic3A_52, %logistic3A_50 : vector<2000x64xf32>
    %logistic3A_54 = arith.divf %logistic3A_52, %logistic3A_53 : vector<2000x64xf32>
    %get3A_55 = arith.constant 0 : index
    %get3A_56 = arith.constant 0 : index
    %get3A_57 = vector.load %arg10[%get3A_55, %get3A_56] : memref<64x64xf32, #tpu.memory_space<vmem>>, vector<64x64xf32>
    %dot_general3A_58 = arith.constant dense<0.000000e+00> : vector<2000x64xf32>
    %dot_general3A_59 = tpu.matmul %div3A_9, %get3A_57, %dot_general3A_58 {dimension_numbers = #tpu.dot_dimension_numbers<[1], [0], [0], [1], [0, 0, 1, 1], [], []>, transpose_lhs_hint = false} : vector<2000x64xf32>, vector<64x64xf32>, vector<2000x64xf32> -> vector<2000x64xf32>
    %mul3A = arith.mulf %logistic3A_54, %get3A_12 : vector<2000x64xf32>
    %get3A_60 = arith.constant 0 : index
    %get3A_61 = arith.constant 0 : index
    %get3A_62 = vector.load %arg11[%get3A_60, %get3A_61] : memref<64x64xf32, #tpu.memory_space<vmem>>, vector<64x64xf32>
    %dot_general3A_63 = arith.constant dense<0.000000e+00> : vector<2000x64xf32>
    %dot_general3A_64 = tpu.matmul %mul3A, %get3A_62, %dot_general3A_63 {dimension_numbers = #tpu.dot_dimension_numbers<[1], [0], [0], [1], [0, 0, 1, 1], [], []>, transpose_lhs_hint = false} : vector<2000x64xf32>, vector<64x64xf32>, vector<2000x64xf32> -> vector<2000x64xf32>
    %add3A_65 = arith.addf %dot_general3A_59, %dot_general3A_64 : vector<2000x64xf32>
    %get3A_66 = arith.constant 0 : index
    %get3A_67 = arith.constant 0 : index
    %get3A_68 = vector.load %arg12[%get3A_66, %get3A_67] : memref<1x64xf32, #tpu.memory_space<vmem>>, vector<1x64xf32>
    %add3A_69 = vector.broadcast %get3A_68 : vector<1x64xf32> to vector<2000x64xf32>
    %add3A_70 = arith.addf %add3A_65, %add3A_69 : vector<2000x64xf32>
    %tanh3A = math.tanh %add3A_70 : vector<2000x64xf32>
    %sub3A = arith.constant 1.000000e+00 : f32
    %sub3A_71 = vector.broadcast %sub3A : f32 to vector<2000x64xf32>
    %sub3A_72 = arith.subf %sub3A_71, %logistic3A_32 : vector<2000x64xf32>
    %mul3A_73 = arith.mulf %sub3A_72, %get3A_12 : vector<2000x64xf32>
    %mul3A_74 = arith.mulf %logistic3A_32, %tanh3A : vector<2000x64xf32>
    %add3A_75 = arith.addf %mul3A_73, %mul3A_74 : vector<2000x64xf32>
    %get3A_76 = arith.constant 0 : index
    %get3A_77 = arith.constant 0 : index
    %get3A_78 = vector.load %arg3[%get3A_76, %get3A_77] : memref<2000x128xf32, #tpu.memory_space<vmem>>, vector<2000x128xf32>
    %get3A_79 = arith.constant 0 : index
    %get3A_80 = arith.constant 0 : index
    %get3A_81 = vector.load %arg13[%get3A_79, %get3A_80] : memref<128x64xf32, #tpu.memory_space<vmem>>, vector<128x64xf32>
    %dot_general3A_82 = arith.constant dense<0.000000e+00> : vector<2000x64xf32>
    %dot_general3A_83 = tpu.matmul %get3A_78, %get3A_81, %dot_general3A_82 {dimension_numbers = #tpu.dot_dimension_numbers<[1], [0], [0], [1], [0, 0, 1, 1], [], []>, transpose_lhs_hint = false} : vector<2000x128xf32>, vector<128x64xf32>, vector<2000x64xf32> -> vector<2000x64xf32>
    %get3A_84 = arith.constant 0 : index
    %get3A_85 = arith.constant 0 : index
    %get3A_86 = vector.load %arg14[%get3A_84, %get3A_85] : memref<64x64xf32, #tpu.memory_space<vmem>>, vector<64x64xf32>
    %dot_general3A_87 = arith.constant dense<0.000000e+00> : vector<2000x64xf32>
    %dot_general3A_88 = tpu.matmul %add3A_75, %get3A_86, %dot_general3A_87 {dimension_numbers = #tpu.dot_dimension_numbers<[1], [0], [0], [1], [0, 0, 1, 1], [], []>, transpose_lhs_hint = false} : vector<2000x64xf32>, vector<64x64xf32>, vector<2000x64xf32> -> vector<2000x64xf32>
    %add3A_89 = arith.addf %dot_general3A_83, %dot_general3A_88 : vector<2000x64xf32>
    %get3A_90 = arith.constant 0 : index
    %get3A_91 = arith.constant 0 : index
    %get3A_92 = vector.load %arg15[%get3A_90, %get3A_91] : memref<1x64xf32, #tpu.memory_space<vmem>>, vector<1x64xf32>
    %add3A_93 = vector.broadcast %get3A_92 : vector<1x64xf32> to vector<2000x64xf32>
    %add3A_94 = arith.addf %add3A_89, %add3A_93 : vector<2000x64xf32>
    %max3A_95 = arith.constant 0.000000e+00 : f32
    %max3A_96 = vector.broadcast %max3A_95 : f32 to vector<2000x64xf32>
    %max3A_97 = arith.maximumf %add3A_94, %max3A_96 : vector<2000x64xf32>
    %get3A_98 = arith.constant 0 : index
    %get3A_99 = arith.constant 0 : index
    %get3A_100 = vector.load %arg16[%get3A_98, %get3A_99] : memref<64x64xf32, #tpu.memory_space<vmem>>, vector<64x64xf32>
    %dot_general3A_101 = arith.constant dense<0.000000e+00> : vector<2000x64xf32>
    %dot_general3A_102 = tpu.matmul %max3A_97, %get3A_100, %dot_general3A_101 {dimension_numbers = #tpu.dot_dimension_numbers<[1], [0], [0], [1], [0, 0, 1, 1], [], []>, transpose_lhs_hint = false} : vector<2000x64xf32>, vector<64x64xf32>, vector<2000x64xf32> -> vector<2000x64xf32>
    %get3A_103 = arith.constant 0 : index
    %get3A_104 = arith.constant 0 : index
    %get3A_105 = vector.load %arg17[%get3A_103, %get3A_104] : memref<1x64xf32, #tpu.memory_space<vmem>>, vector<1x64xf32>
    %add3A_106 = vector.broadcast %get3A_105 : vector<1x64xf32> to vector<2000x64xf32>
    %add3A_107 = arith.addf %dot_general3A_102, %add3A_106 : vector<2000x64xf32>
    %get3A_108 = arith.constant 0 : index
    %get3A_109 = arith.constant 0 : index
    %get3A_110 = vector.load %arg18[%get3A_108, %get3A_109] : memref<64x128xf32, #tpu.memory_space<vmem>>, vector<64x128xf32>
    %dot_general3A_111 = arith.constant dense<0.000000e+00> : vector<2000x128xf32>
    %dot_general3A_112 = tpu.matmul %add3A_107, %get3A_110, %dot_general3A_111 {dimension_numbers = #tpu.dot_dimension_numbers<[1], [0], [0], [1], [0, 0, 1, 1], [], []>, transpose_lhs_hint = false} : vector<2000x64xf32>, vector<64x128xf32>, vector<2000x128xf32> -> vector<2000x128xf32>
    %get3A_113 = arith.constant 0 : index
    %get3A_114 = arith.constant 0 : index
    %get3A_115 = vector.load %arg19[%get3A_113, %get3A_114] : memref<1x128xf32, #tpu.memory_space<vmem>>, vector<1x128xf32>
    %add3A_116 = vector.broadcast %get3A_115 : vector<1x128xf32> to vector<2000x128xf32>
    %add3A_117 = arith.addf %dot_general3A_112, %add3A_116 : vector<2000x128xf32>
    %swap3A = arith.constant 0 : index
    %swap3A_118 = arith.constant 0 : index
    %swap3A_119 = vector.load %arg20[%swap3A, %swap3A_118] : memref<2000x128xf32, #tpu.memory_space<vmem>>, vector<2000x128xf32>
    tpu.vector_store %arg20[%swap3A, %swap3A_118], %add3A_117 {strides = array<i32>} : memref<2000x128xf32, #tpu.memory_space<vmem>>, vector<2000x128xf32>,
    return
  }
  func.func @transform_0(%arg0: i32) -> (i32, i32, i32) {
    %c0_i32 = arith.constant 0 : i32
    %c0_i32_0 = arith.constant 0 : i32
    %c0_i32_1 = arith.constant 0 : i32
    return %c0_i32, %arg0, %c0_i32_0 : i32, i32, i32
  }
  func.func @transform_1(%arg0: i32) -> (i32, i32) {
    %c0_i32 = arith.constant 0 : i32
    %c0_i32_0 = arith.constant 0 : i32
    return %arg0, %c0_i32 : i32, i32
  }
  func.func @transform_2(%arg0: i32) -> (i32, i32) {
    %c0_i32 = arith.constant 0 : i32
    %c0_i32_0 = arith.constant 0 : i32
    return %arg0, %c0_i32 : i32, i32
  }
  func.func @transform_3(%arg0: i32) -> (i32, i32) {
    %c0_i32 = arith.constant 0 : i32
    %c0_i32_0 = arith.constant 0 : i32
    %c0_i32_1 = arith.constant 0 : i32
    return %c0_i32, %c0_i32_0 : i32, i32
  }
  func.func @transform_4(%arg0: i32) -> (i32, i32) {
    %c0_i32 = arith.constant 0 : i32
    %c0_i32_0 = arith.constant 0 : i32
    %c0_i32_1 = arith.constant 0 : i32
    return %c0_i32, %c0_i32_0 : i32, i32
  }
  func.func @transform_5(%arg0: i32) -> (i32, i32) {
    %c0_i32 = arith.constant 0 : i32
    %c0_i32_0 = arith.constant 0 : i32
    %c0_i32_1 = arith.constant 0 : i32
    return %c0_i32, %c0_i32_0 : i32, i32
  }
  func.func @transform_6(%arg0: i32) -> (i32, i32) {
    %c0_i32 = arith.constant 0 : i32
    %c0_i32_0 = arith.constant 0 : i32
    %c0_i32_1 = arith.constant 0 : i32
    return %c0_i32, %c0_i32_0 : i32, i32
  }
  func.func @transform_7(%arg0: i32) -> (i32, i32) {
    %c0_i32 = arith.constant 0 : i32
    %c0_i32_0 = arith.constant 0 : i32
    %c0_i32_1 = arith.constant 0 : i32
    return %c0_i32, %c0_i32_0 : i32, i32
  }
  func.func @transform_8(%arg0: i32) -> (i32, i32) {
    %c0_i32 = arith.constant 0 : i32
    %c0_i32_0 = arith.constant 0 : i32
    %c0_i32_1 = arith.constant 0 : i32
    return %c0_i32, %c0_i32_0 : i32, i32
  }
  func.func @transform_9(%arg0: i32) -> (i32, i32) {
    %c0_i32 = arith.constant 0 : i32
    %c0_i32_0 = arith.constant 0 : i32
    %c0_i32_1 = arith.constant 0 : i32
    return %c0_i32, %c0_i32_0 : i32, i32
  }
  func.func @transform_10(%arg0: i32) -> (i32, i32) {
    %c0_i32 = arith.constant 0 : i32
    %c0_i32_0 = arith.constant 0 : i32
    %c0_i32_1 = arith.constant 0 : i32
    return %c0_i32, %c0_i32_0 : i32, i32
  }
  func.func @transform_11(%arg0: i32) -> (i32, i32) {
    %c0_i32 = arith.constant 0 : i32
    %c0_i32_0 = arith.constant 0 : i32
    %c0_i32_1 = arith.constant 0 : i32
    return %c0_i32, %c0_i32_0 : i32, i32
  }
  func.func @transform_12(%arg0: i32) -> (i32, i32) {
    %c0_i32 = arith.constant 0 : i32
    %c0_i32_0 = arith.constant 0 : i32
    %c0_i32_1 = arith.constant 0 : i32
    return %c0_i32, %c0_i32_0 : i32, i32
  }
  func.func @transform_13(%arg0: i32) -> (i32, i32) {
    %c0_i32 = arith.constant 0 : i32
    %c0_i32_0 = arith.constant 0 : i32
    %c0_i32_1 = arith.constant 0 : i32
    return %c0_i32, %c0_i32_0 : i32, i32
  }
  func.func @transform_14(%arg0: i32) -> (i32, i32) {
    %c0_i32 = arith.constant 0 : i32
    %c0_i32_0 = arith.constant 0 : i32
    %c0_i32_1 = arith.constant 0 : i32
    return %c0_i32, %c0_i32_0 : i32, i32
  }
  func.func @transform_15(%arg0: i32) -> (i32, i32) {
    %c0_i32 = arith.constant 0 : i32
    %c0_i32_0 = arith.constant 0 : i32
    %c0_i32_1 = arith.constant 0 : i32
    return %c0_i32, %c0_i32_0 : i32, i32
  }
  func.func @transform_16(%arg0: i32) -> (i32, i32) {
    %c0_i32 = arith.constant 0 : i32
    %c0_i32_0 = arith.constant 0 : i32
    %c0_i32_1 = arith.constant 0 : i32
    return %c0_i32, %c0_i32_0 : i32, i32
  }
  func.func @transform_17(%arg0: i32) -> (i32, i32) {
    %c0_i32 = arith.constant 0 : i32
    %c0_i32_0 = arith.constant 0 : i32
    %c0_i32_1 = arith.constant 0 : i32
    return %c0_i32, %c0_i32_0 : i32, i32
  }
  func.func @transform_18(%arg0: i32) -> (i32, i32) {
    %c0_i32 = arith.constant 0 : i32
    %c0_i32_0 = arith.constant 0 : i32
    %c0_i32_1 = arith.constant 0 : i32
    return %c0_i32, %c0_i32_0 : i32, i32
  }
  func.func @transform_19(%arg0: i32) -> (i32, i32) {
    %c0_i32 = arith.constant 0 : i32
    %c0_i32_0 = arith.constant 0 : i32
    return %arg0, %c0_i32 : i32, i32
  }
}

</mosaic_0001>

<sc_bundles>
// kernel: kernel.10.cloned.1.call-start
scs
__scs_entry_jumppad:
0x0: {  	(pc) =	sbr.rel $0x88, $3  }
0x1: {  	(tag) =	ssettag $0x0;
	lr =	simm.s32 $0x1  }
0x2: {  	[smem:$0x3F89] =	sst lr;
	_ =	strace $0xD0000000  }
0x3: {  	_ = 	snop  }
0x4: {  	_ = 	snop  }
0x5: {  	_ = 	snop  }
0x6: {  	_ = 	snop  }
0x7: {  	_ = 	snop  }
__scs_overlays_trampoline_lowered:
0x8: {  	[smem:$0x3F98] =	sst s0  }
0x9: {  	[smem:$0x3F99] =	sst s1  }
0xa: {  	[smem:$0x3F9A] =	sst s2  }
0xb: {  	[smem:$0x3F9B] =	sst s3  }
0xc: {  	[smem:$0x3F9C] =	sst s4  }
0xd: {  	[smem:$0x3F9D] =	sst s5  }
0xe: {  	[smem:$0x3F9E] =	sst s6  }
0xf: {  	[smem:$0x3F9F] =	sst s7  }
0x10: {  	[smem:$0x3FA0] =	sst s8  }
0x11: {  	[smem:$0x3FA1] =	sst s9;
	s0 =	simm.s32 @!p0 $0x0  }
0x12: {  	s1 =	sld [smem:$0x3F87];
	s0 =	simm.s32 @p0 $0x1  }
0x13: {  	[smem:$0x3FA2] =	sst s0;
	s0 =	simm.s32 @!p1 $0x0  }
0x14: {  	s2 =	sld [smem:$0x3F86];
	s0 =	simm.s32 @p1 $0x1  }
0x15: {  	[smem:$0x3FA3] =	sst s0;
	s0 =	simm.s32 @!p2 $0x0  }
0x16: {  	s3 =	sld [smem:$0x3FDB];
	s0 =	simm.s32 @p2 $0x1  }
0x17: {  	s4 =	simm.s32 $0x1BF5;
	[smem:$0x3FA5] =	sst s0  }
0x18: {  	s0 =	sld [smem:$0x3F88];
	_ =	swait.ge [sflag:s4], $0x0  }
0x19: {  	s7 =	sld [smem:$0x3F89]  }
0x1a: {  	s8 =	sadd.s32 $0xFFFFE003, lr  }
0x1b: {  	s9 =	sadd.s32 $0xFFFFFEF7, lr;
	s5 =	simm.s32 $0xFFFFFFFF;
	p2 =	slt.u32 s8, $0xFFFFF086  }
0x1c: {  	p1 =	slt.u32 s9, $0xF7A;
	s5 =	simm.s32 @!p2 $0x0  }
0x1d: {  	s5 =	simm.s32 @p1 $0x1;
	p0 =	seq.s32 s7, s2  }
0x1e: {  	s7 =	smul.u32 @!p0 $0xF7A, s2;
	p2 =	seq.s32 @!p0 s5, $0x0  }
0x1f: {  	s9 =	smul.u32 $0xF7A, s1;
	s8 =	simm.s32 @!p0 $0x1BF5;
	p2 =	por !p2, p0  }
0x20: {  	[sflag:s8] =	ssyncset.s32 @!p0 $0xFFFFF086;
	s6 =	sadd.s32 @!p0 s3, s7;
	s7 =	simm.s32 @!p0 $0x108  }
0x21: {  	s3 =	sadd.s32 s3, s9;
	s6 =	sadd.s32 @!p0 $0x88, s6;
	s7 =	simm.s32 @p2 $0x1082  }
0x22: {  	[simem:s7], [sflag:s8] =	dma.local @!p0 [hbm:s6], $0xF7A  }
0x23: {  	s9 =	sor.u32 $0xD0000000, s2;
	s6 =	simm.s32 $0x108;
	_ =	swait.ge @!p0 [sflag:s8], $0x0  }
0x24: {  	s3 =	sadd.s32 $0x88, s3;
	s6 =	simm.s32 @!p1 $0x1082;
	[sflag:s4] =	ssyncset.s32 $0xFFFFF086  }
0x25: {  	[simem:s6], [sflag:s4] =	dma.local [hbm:s3], $0xF7A  }
0x26: {  	[smem:$0x3F89] =	sst s1;
	(tag) =	ssettag s2;
	_ =	strace s9  }
0x27: {  	s1 =	sld [smem:$0x3F99]  }
0x28: {  	s2 =	sld [smem:$0x3F9A]  }
0x29: {  	s4 =	sld [smem:$0x3F9C]  }
0x2a: {  	p0 =	seq.s32 s5, $0x0;
	s5 =	sld [smem:$0x3F9D]  }
0x2b: {  	s6 =	sld [smem:$0x3F9E]  }
0x2c: {  	s7 =	sld [smem:$0x3F9F]  }
0x2d: {  	s3 =	simm.s32 $0x108;
	s8 =	sld [smem:$0x3FA0]  }
0x2e: {  	s3 =	simm.s32 @!p0 $0x1082;
	s9 =	sld [smem:$0x3FA1]  }
0x2f: {  	lr =	sadd.s32 s0, s3;
	s0 =	sld [smem:$0x3F98]  }
0x30: {  	s3 =	sld [smem:$0x3F9B]  }
0x31: {  	[smem:$0x3FA4] =	sst s10  }
0x32: {  	s10 =	sld [smem:$0x3FA2];
	_ =	sdelay $0x3  }
0x33: {  	p0 =	seq.s32 s10, $0x1;
	s10 =	sld [smem:$0x3FA4];
	_ =	sdelay $0x3  }
0x34: {  	[smem:$0x3FA4] =	sst s10  }
0x35: {  	s10 =	sld [smem:$0x3FA3];
	_ =	sdelay $0x3  }
0x36: {  	p1 =	seq.s32 s10, $0x1;
	s10 =	sld [smem:$0x3FA4];
	_ =	sdelay $0x3  }
0x37: {  	[smem:$0x3FA4] =	sst s10  }
0x38: {  	s10 =	sld [smem:$0x3FA5]  }
0x39: {  	_ = 	snop;
	(pc) =	sbr.ind lr, $3  }
0x3a: {  	_ = 	snop  }
0x3b: {  	_ = 	snop  }
0x3c: {  	p2 =	seq.s32 s10, $0x1;
	s10 =	sld [smem:$0x3FA4]  }
0x3d: {  	_ =	shalt  }
0x3e: {  	_ =	shalt  }
0x3f: {  	_ =	shalt  }
0x40: {  	_ =	shalt  }
0x41: {  	_ =	shalt  }
0x42: {  	_ =	shalt  }
0x43: {  	_ =	shalt  }
0x44: {  	_ =	shalt  }
0x45: {  	_ =	shalt  }
0x46: {  	_ =	shalt  }
0x47: {  	_ =	shalt  }
0x48: {  	_ =	shalt  }
0x49: {  	_ =	shalt  }
0x4a: {  	_ =	shalt  }
0x4b: {  	_ =	shalt  }
0x4c: {  	_ =	shalt  }
0x4d: {  	_ =	shalt  }
0x4e: {  	_ =	shalt  }
0x4f: {  	_ =	shalt  }
0x50: {  	_ =	shalt  }
0x51: {  	_ =	shalt  }
0x52: {  	_ =	shalt  }
0x53: {  	_ =	shalt  }
0x54: {  	_ =	shalt  }
0x55: {  	_ =	shalt  }
0x56: {  	_ =	shalt  }
0x57: {  	_ =	shalt  }
0x58: {  	_ =	shalt  }
0x59: {  	_ =	shalt  }
0x5a: {  	_ =	shalt  }
0x5b: {  	_ =	shalt  }
0x5c: {  	_ =	shalt  }
0x5d: {  	_ =	shalt  }
0x5e: {  	_ =	shalt  }
0x5f: {  	_ =	shalt  }
0x60: {  	_ =	shalt  }
0x61: {  	_ =	shalt  }
0x62: {  	_ =	shalt  }
0x63: {  	_ =	shalt  }
0x64: {  	_ =	shalt  }
0x65: {  	_ =	shalt  }
0x66: {  	_ =	shalt  }
0x67: {  	_ =	shalt  }
0x68: {  	_ =	shalt  }
0x69: {  	_ =	shalt  }
0x6a: {  	_ =	shalt  }
0x6b: {  	_ =	shalt  }
0x6c: {  	_ =	shalt  }
0x6d: {  	_ =	shalt  }
0x6e: {  	_ =	shalt  }
0x6f: {  	_ =	shalt  }
0x70: {  	_ =	shalt  }
0x71: {  	_ =	shalt  }
0x72: {  	_ =	shalt  }
0x73: {  	_ =	shalt  }
0x74: {  	_ =	shalt  }
0x75: {  	_ =	shalt  }
0x76: {  	_ =	shalt  }
0x77: {  	_ =	shalt  }
0x78: {  	_ =	shalt  }
0x79: {  	_ =	shalt  }
0x7a: {  	_ =	shalt  }
0x7b: {  	_ =	shalt  }
0x7c: {  	_ =	shalt  }
0x7d: {  	_ =	shalt  }
0x7e: {  	_ =	shalt  }
0x7f: {  	_ =	shalt  }
0x80: {  	_ =	shalt  }
0x81: {  	_ =	shalt  }
0x82: {  	_ =	shalt  }
0x83: {  	_ =	shalt  }
0x84: {  	_ =	shalt  }
0x85: {  	_ =	shalt  }
0x86: {  	_ =	shalt  }
0x87: {  	_ =	shalt  }
.Lfunc_end0:
.L_simem_size_0:
called_computation.2_lowered:
.L_overlay_start_0:
0x88: {  	s2 =	sld [smem:$0x3FD9]  }
0x89: {  	s3 =	sld [smem:$0x3FFE];
	_ =	sdelay $0x1  }
0x8a: {  	s1 =	srdreg.scid  }
0x8b: {  	s0 =	sand.u32 $0x1, s1  }
0x8c: {  	s17 =	sshll.u32 s0, $0xA;
	s2 =	sadd.s32 s3, s2  }
0x8d: {  	s2 =	sadd.s32 s2, s17  }
0x8e: {  	[smem:$0x3FB0] =	sst s2  }
0x8f: {  	_ = 	snop  }
0x90: {  	s2 =	sld [smem:$0x3FD0];
	(tm) =	ssettm $0x1  }
0x91: {  	s18 =	sld [smem:$0x3FFB];
	_ =	sdelay $0x3  }
0x92: {  	_ =	strace s18  }
0x93: {  	s3 =	sld [smem:$0x3FFC];
	_ =	sdelay $0x3  }
0x94: {  	_ =	strace s3  }
0x95: {  	s3 =	sld [smem:$0x3FFD];
	_ =	sdelay $0x3  }
0x96: {  	_ =	strace s3  }
0x97: {  	_ =	strace $0x8FFFFFFF  }
0x98: {  	s19 =	sld [smem:$0x3FDB];
	_ =	sdelay $0x1  }
0x99: {  	s4 =	simm.s32 $_scs_section_size  }
0x9a: {  	s5 =	simm.s32 $_size__tile_overlayer_lowered;
	s6 =	simm.s32 $_tile_overlayer_lowered  }
0x9b: {  	s22 =	simm.s32 $0x1BFF;
	s21 =	sshll.u32 s6, $0x1;
	s3 =	sadd.s32 s4, s19  }
0x9c: {  	s7 =	simm.s32 $0x0;
	s20 =	sshll.u32 s5, $0x1;
	s5 =	sadd.s32 s21, s3  }
0x9d: {  	[timem:s7], [sflag:s22] =	dma.local [hbm:s5], s20  }
0x9e: {  	_ =	swait.ge [sflag:s22], s20  }
0x9f: {  	s4 =	ssub.s32 $0x0, s20;
	[sflag:s22] =	ssyncset.done $0x0  }
0xa0: {  	[sflag:s22] =	ssyncadd.s32 s4;
	_ =	sdelay $0x1  }
0xa1: {  	s23 =	simm.s32 $0x1B8B  }
0xa2: {  	_ =	swait.ge [sflag:s23], $0x1  }
0xa3: {  	[sflag:s23] =	ssyncset.done $0x0  }
0xa4: {  	s25 =	simm.s32 $0x1B8E;
	s24 =	sld [smem:$0x3FFE];
	[sflag:s23] =	ssyncadd.s32 $0xFFFFFFFF  }
0xa5: {  	s26 =	simm.s32 $execute0_lowered;
	[smem:$0x3FD2] =	sst s25  }
0xa6: {  	s5 =	sshll.u32 s26, $0x1;
	_ =	strace $0x80000049;
	[dreg:$0x1] =	wrdreg $0xFFFFFFFF  }
0xa7: {  	s28 =	simm.s32 $_size_execute0_lowered;
	s3 =	sadd.s32 s3, s5;
	[dreg:$0x0] =	wrdreg $0x0  }
0xa8: {  	s5 =	sshll.u32 s28, $0x1;
	[dreg:$0x2] =	wrdreg s3  }
0xa9: {  	[dreg:$0x3] =	wrdreg s5  }
0xaa: {  	[dreg:$0x4] =	wrdreg $0xC0  }
0xab: {  	_ =	task [dreg:s7], $0x5FFFF  }
0xac: {  	[dreg:$0x1] =	wrdreg $0xFFFFFFFF  }
0xad: {  	[dreg:$0x0] =	wrdreg $0x60  }
0xae: {  	[dreg:$0x2] =	wrdreg s24  }
0xaf: {  	[dreg:$0x3] =	wrdreg s2  }
0xb0: {  	[dreg:$0x4] =	wrdreg $0x9  }
0xb1: {  	_ =	task.clear_ibuf [dreg:s7], $0x5FFFF;
	_ =	strace $0x90000049  }
0xb2: {  	s29 =	simm.s32 $0x9;
	_ =	strace $0x8000004B  }
0xb3: {  	_ =	swait.ge [sflag:s29], $0x1  }
0xb4: {  	[sflag:s29] =	ssyncadd.s32 $0xFFFFFFFF  }
0xb5: {  	_ =	strace $0x9000004B  }
0xb6: {  	_ =	sfence  }
0xb7: {  	s30 =	sld [smem:$0x0];
	_ =	sdelay $0x2  }
0xb8: {  	s31 =	sshll.u32 s1, $0xD;
	s1 =	sshrl.u32 s1, $0x2  }
0xb9: {  	s3 =	sand.u32 $0x4000, s31;
	s1 =	sadd.s32 s1, s30  }
0xba: {  	s0 =	sor.u32 s3, s0;
	s1 =	sshll.u32 s1, $0x11  }
0xbb: {  	s0 =	sor.u32 s1, s0  }
0xbc: {  	s0 =	sadd.s32 $0x8F2B, s0  }
0xbd: {  	[sflag:s0] =	ssyncadd.remote.s32 $0x1  }
0xbe: {  	_ =	sfence.sel $0xFFFF  }
0xbf: {  	[dreg:$0x0] =	wrdreg $0xFFFFFFFF;
	(pc) =	sbr.abs _section_cstart, $3  }
0xc0: {  	[dreg:$0x1] =	wrdreg $0xFFFFFFFF  }
0xc1: {  	_ =	task.clear_ibuf [dreg:s7], $0x2FFFF;
	_ =	strace $0x9FFFFFFF  }
0xc2: {  	(tm) =	ssettm $0x7FFFFFFF  }
0xc3: {  	_ =	shalt  }
tec
execute0_lowered:
.L_overlay_start_1:
0x0: {  	(tag) =	ssettag $0x1  }
0x1: {  	s4 =	rddreg [dreg:$0x0]  }
0x2: {  	s1 =	rddreg [dreg:$0x1]  }
0x3: {  	s2 =	srdreg.scid;
	s0 =	rddreg [dreg:$0x2]  }
0x4: {  	s3 =	simm.s32 $0x0;
	s16 =	simm.s32 $0x3;
	s17 =	simm.s32 $0x80  }
0x5: {  	s18 =	simm.s32 $0x4;
	s19 =	simm.s32 $0x4100;
	s20 =	simm.s32 $0x1  }
0x6: {  	s21 =	simm.s32 $0x5;
	s23 =	simm.s32 $0x0;
	s5 =	sand.u32 $0x1, s2  }
0x7: {  	s2 =	stileid.u32;
	[smem:$0x7FF] =	sst s3;
	s11 =	sadd.s32 $0xDA00, s4  }
0x8: {  	s13 =	sadd.s32 $0x17800, s4;
	s6 =	sshll.u32 s5, $0x4;
	s12 =	smul.u32 $0x4E, s2  }
0x9: {  	s24 =	ssub.s32 $0x2, s5;
	s14 =	smul.u32 $0x4E0, s5;
	s22 =	sor.u32 s2, s6  }
0xa: {  	_ =	strace $0x8000004A;
	s8 =	sshrl.u32 s24, $0x1;
	s7 =	smul.u32 $0x4E, s22  }
0xb: {  	s9 =	smin.u32 s22, $0x4;
	s8 =	ssub.s32 s24, s8;
	s12 =	sadd.s32 s12, s14  }
0xc: {  	p0 =	sgt.u32 s22, $0x3;
	s22 =	simm.s32 $0x2;
	s12 =	sadd.s32 s9, s12  }
0xd: {  	s25 =	sadd.s32 s9, s7;
	s7 =	smax.u32 s8, $0x1;
	s30 =	sshll.u32 s12, $0x4  }
0xe: {  	s31 =	sshll.u32 s12, $0xB;
	s26 =	sshll.u32 s25, $0x4;
	s10 =	sshll.u32 s25, $0xB  }
0xf: {  	s14 =	sadd.s32 s30, s11;
	s4 =	sadd.s32 s11, s26;
	s28 =	sadd.s32 s10, s13  }
0x10: {  	s15 =	sadd.s32 $0x26000, s10;
	s10 =	sadd.s32 $0x26800, s10;
	s11 =	sadd.s32 $0x30, s14  }
0x11: {  	s12 =	sadd.s32 $0x20, s14;
	s5 =	sadd.s32 $0x10, s4;
	s6 =	sadd.s32 $0x27000, s28  }
0x12: {  	s29 =	sand.u32 $0x1FFFF800, s15;
	s9 =	sadd.s32 $0x4E0, s4;
	s10 =	sand.u32 $0x1FFFF800, s10  }
0x13: {  	s8 =	sadd.s32 s13, s29;
	s10 =	sadd.s32 s13, s10;
	s13 =	sadd.s32 s31, s13  }
0x14: {  	s15 =	simm.s32 $0x4080;
	s14 =	sadd.s32 $0x800, s13;
	s6 =	smov.u32 @p0 s10  }
.LBB2_1:
0x15: {  	[tilespmem:s3], [sflag:$0x3] =	stream.linear.gather [hbm4b:s4+s3], $0x80, $0x38;
	[tilespmem:$0x8100] =	vst v63  }
0x16: {  	_ = 	snop  }
0x17: {  	[tilespmem:s15], [sflag:$0x4] =	stream.linear.gather [hbm4b:s5+s3], $0x80, $0x38;
	[tilespmem:$0x8100] =	vst v63  }
0x18: {  	_ =	swait.ge [sflag:s16], $0x80  }
0x19: {  	[sflag:s16] =	ssyncset.done $0x0  }
0x1a: {  	[sflag:s16] =	ssyncadd.s32 $0xFFFFFF80  }
0x1b: {  	[tilespmem:s17], [sflag:$0x1] =	stream.indirect.gather [hbm4b:s1+s17], $0x80, s3, s17, $0xb8;
	[tilespmem:$0x8100] =	vst v63  }
0x1c: {  	_ =	swait.ge [sflag:s18], $0x80  }
0x1d: {  	[sflag:s18] =	ssyncset.done $0x0  }
0x1e: {  	[sflag:s18] =	ssyncadd.s32 $0xFFFFFF80  }
0x1f: {  	[tilespmem:s19], [sflag:$0x2] =	stream.indirect.gather [hbm4b:s1+s17], $0x80, s15, s17, $0xb8;
	[tilespmem:$0x8100] =	vst v63  }
0x20: {  	_ =	swait.ge [sflag:s20], $0x4000  }
0x21: {  	[sflag:s20] =	ssyncset.done $0x0  }
0x22: {  	[sflag:s20] =	ssyncadd.s32 $0xFFFFC000  }
0x23: {  	[hbm4b:s13+s3] =	stream.linear.scatter [tilespmem:s17], [sflag:$0x5], $0x4000, $0x38;
	[tilespmem:$0x8100] =	vst v63  }
0x24: {  	_ =	swait.ge [sflag:s21], $0x4000  }
0x25: {  	[sflag:s21] =	ssyncset.done $0x0  }
0x26: {  	s24 =	sadd.s32 $0x0, s12;
	[sflag:s21] =	ssyncadd.s32 $0xFFFFC000  }
0x27: {  	[tilespmem:s3], [sflag:$0x3] =	stream.linear.gather [hbm4b:s24+s3], $0x80, $0x38;
	[tilespmem:$0x8100] =	vst v63  }
0x28: {  	_ =	swait.ge [sflag:s22], $0x4000  }
0x29: {  	[sflag:s22] =	ssyncset.done $0x0  }
0x2a: {  	[sflag:s22] =	ssyncadd.s32 $0xFFFFC000  }
0x2b: {  	[hbm4b:s14+s3] =	stream.linear.scatter [tilespmem:s19], [sflag:$0x5], $0x4000, $0x38;
	[tilespmem:$0x8100] =	vst v63  }
0x2c: {  	_ =	swait.ge [sflag:s21], $0x4000  }
0x2d: {  	[sflag:s21] =	ssyncset.done $0x0  }
0x2e: {  	s31 =	sadd.s32 $0x0, s11;
	[sflag:s21] =	ssyncadd.s32 $0xFFFFC000  }
0x2f: {  	[tilespmem:s15], [sflag:$0x4] =	stream.linear.gather [hbm4b:s31+s3], $0x80, $0x38;
	[tilespmem:$0x8100] =	vst v63  }
0x30: {  	_ =	swait.ge [sflag:s16], $0x80  }
0x31: {  	s25 =	sadd.s32 $0x1000, s14;
	[sflag:s16] =	ssyncset.done $0x0  }
0x32: {  	s26 =	sadd.s32 $0x1000, s13;
	s24 =	simm.s32 $0x20;
	[sflag:s16] =	ssyncadd.s32 $0xFFFFFF80  }
.LBB2_2:
0x33: {  	[tilespmem:s17], [sflag:$0x1] =	stream.indirect.gather [hbm4b:s1+s17], $0x80, s3, s17, $0xb8;
	[tilespmem:$0x8100] =	vst v63  }
0x34: {  	s28 =	smov.u32 s24  }
0x35: {  	p1 =	sne.s32 s24, $0x4A0;
	s24 =	sadd.s32 $0x20, s24;
	_ =	swait.ge [sflag:s18], $0x80  }
0x36: {  	[sflag:s18] =	ssyncset.done $0x0  }
0x37: {  	[sflag:s18] =	ssyncadd.s32 $0xFFFFFF80  }
0x38: {  	[tilespmem:s19], [sflag:$0x2] =	stream.indirect.gather [hbm4b:s1+s17], $0x80, s15, s17, $0xb8;
	[tilespmem:$0x8100] =	vst v63  }
0x39: {  	_ =	swait.ge [sflag:s20], $0x4000  }
0x3a: {  	[sflag:s20] =	ssyncset.done $0x0  }
0x3b: {  	[sflag:s20] =	ssyncadd.s32 $0xFFFFC000  }
0x3c: {  	[hbm4b:s26+s3] =	stream.linear.scatter [tilespmem:s17], [sflag:$0x5], $0x4000, $0x38;
	[tilespmem:$0x8100] =	vst v63  }
0x3d: {  	_ =	swait.ge [sflag:s21], $0x4000  }
0x3e: {  	[sflag:s21] =	ssyncset.done $0x0  }
0x3f: {  	s29 =	sadd.s32 s28, s12;
	[sflag:s21] =	ssyncadd.s32 $0xFFFFC000  }
0x40: {  	[tilespmem:s3], [sflag:$0x3] =	stream.linear.gather [hbm4b:s29+s3], $0x80, $0x38;
	[tilespmem:$0x8100] =	vst v63  }
0x41: {  	_ =	swait.ge [sflag:s22], $0x4000  }
0x42: {  	[sflag:s22] =	ssyncset.done $0x0  }
0x43: {  	[sflag:s22] =	ssyncadd.s32 $0xFFFFC000  }
0x44: {  	[hbm4b:s25+s3] =	stream.linear.scatter [tilespmem:s19], [sflag:$0x5], $0x4000, $0x38;
	[tilespmem:$0x8100] =	vst v63  }
0x45: {  	_ =	swait.ge [sflag:s21], $0x4000  }
0x46: {  	[sflag:s21] =	ssyncset.done $0x0  }
.Ltmp0:
0x47: {  	s28 =	sadd.s32 s28, s11;
	[sflag:s21] =	ssyncadd.s32 $0xFFFFC000;
	(pc) =	sbr.rel @p1 .LBB2_2-.Ltmp0, $4  }
0x48: {  	[tilespmem:s15], [sflag:$0x4] =	stream.linear.gather [hbm4b:s28+s3], $0x80, $0x38;
	[tilespmem:$0x8100] =	vst v63  }
0x49: {  	_ =	swait.ge [sflag:s16], $0x80  }
0x4a: {  	[sflag:s16] =	ssyncset.done $0x0  }
0x4b: {  	s26 =	sadd.s32 $0x1000, s26;
	s25 =	sadd.s32 $0x1000, s25;
	[sflag:s16] =	ssyncadd.s32 $0xFFFFFF80  }
0x4c: {  	[tilespmem:s17], [sflag:$0x1] =	stream.indirect.gather [hbm4b:s1+s17], $0x80, s3, s17, $0xb8;
	[tilespmem:$0x8100] =	vst v63  }
0x4d: {  	_ =	swait.ge [sflag:s18], $0x80  }
0x4e: {  	[sflag:s18] =	ssyncset.done $0x0  }
0x4f: {  	[sflag:s18] =	ssyncadd.s32 $0xFFFFFF80  }
0x50: {  	[tilespmem:s19], [sflag:$0x2] =	stream.indirect.gather [hbm4b:s1+s17], $0x80, s15, s17, $0xb8;
	[tilespmem:$0x8100] =	vst v63  }
0x51: {  	_ =	swait.ge [sflag:s20], $0x4000  }
0x52: {  	[sflag:s20] =	ssyncset.done $0x0  }
0x53: {  	[sflag:s20] =	ssyncadd.s32 $0xFFFFC000  }
0x54: {  	[hbm4b:s8+s3] =	stream.linear.scatter [tilespmem:s17], [sflag:$0x5], $0x4000, $0x38;
	[tilespmem:$0x8100] =	vst v63  }
0x55: {  	_ =	swait.ge [sflag:s21], $0x4000  }
0x56: {  	[sflag:s21] =	ssyncset.done $0x0  }
0x57: {  	s24 =	simm.s32 @!p0 $0x0;
	s25 =	simm.s32 @!p0 $0x2;
	[sflag:s21] =	ssyncadd.s32 $0xFFFFC000  }
0x58: {  	[tilespmem:s24], [sflag:$0x3] =	stream.linear.gather @!p0 [hbm4b:s9+s24], $0x80, $0x38;
	[tilespmem:$0x8100] =	vst v63  }
0x59: {  	_ =	swait.ge @!p0 [sflag:s25], $0x4000  }
0x5a: {  	[sflag:s25] =	ssyncset.done @!p0 $0x0  }
0x5b: {  	[sflag:s25] =	ssyncadd.s32 @!p0 $0xFFFFC000;
	s25 =	simm.s32 @!p0 $0x4100  }
0x5c: {  	[hbm4b:s10+s24] =	stream.linear.scatter @!p0 [tilespmem:s25], [sflag:$0x5], $0x4000, $0x38;
	[tilespmem:$0x8100] =	vst v63  }
0x5d: {  	s25 =	simm.s32 @!p0 $0x5  }
0x5e: {  	_ =	swait.ge @!p0 [sflag:s25], $0x4000  }
0x5f: {  	[sflag:s25] =	ssyncset.done @!p0 $0x0  }
0x60: {  	[sflag:s25] =	ssyncadd.s32 @!p0 $0xFFFFC000;
	s25 =	simm.s32 @!p0 $0x3  }
0x61: {  	_ =	swait.ge @!p0 [sflag:s25], $0x80  }
0x62: {  	[sflag:s25] =	ssyncset.done @!p0 $0x0  }
0x63: {  	[sflag:s25] =	ssyncadd.s32 @!p0 $0xFFFFFF80;
	s25 =	simm.s32 @!p0 $0x80  }
0x64: {  	[tilespmem:s25], [sflag:$0x1] =	stream.indirect.gather @!p0 [hbm4b:s1+s25], $0x80, s24, s25, $0xb8;
	[tilespmem:$0x8100] =	vst v63  }
0x65: {  	s24 =	simm.s32 @!p0 $0x1  }
0x66: {  	s24 =	simm.s32 @p0 $0x2  }
0x67: {  	s23 =	sadd.s32 $0x1, s23;
	_ =	swait.ge [sflag:s24], $0x4000  }
0x68: {  	p1 =	sne.s32 s23, s7;
	[sflag:s24] =	ssyncset.done $0x0  }
.Ltmp1:
0x69: {  	s25 =	simm.s32 @p0 $0x4100;
	[sflag:s24] =	ssyncadd.s32 $0xFFFFC000;
	(pc) =	sbr.rel @p1 .LBB2_1-.Ltmp1, $4  }
0x6a: {  	[hbm4b:s6+s3] =	stream.linear.scatter [tilespmem:s25], [sflag:$0x5], $0x4000, $0x38;
	[tilespmem:$0x8100] =	vst v63  }
0x6b: {  	_ =	swait.ge [sflag:s21], $0x4000  }
0x6c: {  	[sflag:s21] =	ssyncset.done $0x0  }
0x6d: {  	[sflag:s21] =	ssyncadd.s32 $0xFFFFC000  }
0x6e: {  	_ =	sfence.sel $0x180000  }
0x6f: {  	[bflag:$0x0] =	sbarrier.arrive $0xFFFF  }
0x70: {  	p0 =	sne.s32 s2, $0x0;
	_ =	strace $0x9000004A  }
0x71: {  	s0 =	sadd.s32 @!p0 $0x100000, s0;
	[bflag:$0x2] =	sbarrier.arrive $0xFFFF  }
0x72: {  	[sflag:s0] =	ssyncadd.tile.s32 @!p0 $0x1;
	_ =	shalt  }
.Lfunc_end2:
_tile_overlayer_lowered:
.L_overlay_start_2:
0x73: {  	(tag) =	ssettag $0x2  }
0x74: {  	s0 =	rddreg [dreg:$0x0];
	s2 =	stileid.u32  }
0x75: {  	s1 =	rddreg [dreg:$0x1];
	p0 =	sne.s32 s2, $0x0  }
0x76: {  	s3 =	rddreg [dreg:$0x2];
	[bflag:$0x3] =	sbarrier.arrive $0xFFFF;
	s2 =	simm.s32 @!p0 $0x1C05  }
0x77: {  	[timem:s3], [sflag:s2] =	dma.local @!p0 [hbm:s0], s1  }
0x78: {  	s0 =	simm.s32 @!p0 $0x5  }
0x79: {  	_ =	swait.ge @!p0 [sflag:s0], s1  }
0x7a: {  	s1 =	ssub.s32 @!p0 $0x0, s1;
	[sflag:s0] =	ssyncset.done @!p0 $0x0  }
0x7b: {  	[sflag:s0] =	ssyncadd.s32 @!p0 s1  }
0x7c: {  	[bflag:$0x3] =	sbarrier.arrive $0xFFFF  }
0x7d: {  	_ =	shalt  }

// kernel: kernel.7.cloned.1.call-start
scs
__scs_entry_jumppad:
0x0: {  	(pc) =	sbr.rel $0x88, $3  }
0x1: {  	(tag) =	ssettag $0x0;
	lr =	simm.s32 $0x1  }
0x2: {  	[smem:$0x3F89] =	sst lr;
	_ =	strace $0xD0000000  }
0x3: {  	_ = 	snop  }
0x4: {  	_ = 	snop  }
0x5: {  	_ = 	snop  }
0x6: {  	_ = 	snop  }
0x7: {  	_ = 	snop  }
__scs_overlays_trampoline_lowered:
0x8: {  	[smem:$0x3F98] =	sst s0  }
0x9: {  	[smem:$0x3F99] =	sst s1  }
0xa: {  	[smem:$0x3F9A] =	sst s2  }
0xb: {  	[smem:$0x3F9B] =	sst s3  }
0xc: {  	[smem:$0x3F9C] =	sst s4  }
0xd: {  	[smem:$0x3F9D] =	sst s5  }
0xe: {  	[smem:$0x3F9E] =	sst s6  }
0xf: {  	[smem:$0x3F9F] =	sst s7  }
0x10: {  	[smem:$0x3FA0] =	sst s8  }
0x11: {  	[smem:$0x3FA1] =	sst s9;
	s0 =	simm.s32 @!p0 $0x0  }
0x12: {  	s1 =	sld [smem:$0x3F87];
	s0 =	simm.s32 @p0 $0x1  }
0x13: {  	[smem:$0x3FA2] =	sst s0;
	s0 =	simm.s32 @!p1 $0x0  }
0x14: {  	s2 =	sld [smem:$0x3F86];
	s0 =	simm.s32 @p1 $0x1  }
0x15: {  	[smem:$0x3FA3] =	sst s0;
	s0 =	simm.s32 @!p2 $0x0  }
0x16: {  	s3 =	sld [smem:$0x3FDB];
	s0 =	simm.s32 @p2 $0x1  }
0x17: {  	s4 =	simm.s32 $0x1BF5;
	[smem:$0x3FA5] =	sst s0  }
0x18: {  	s0 =	sld [smem:$0x3F88];
	_ =	swait.ge [sflag:s4], $0x0  }
0x19: {  	s7 =	sld [smem:$0x3F89]  }
0x1a: {  	s8 =	sadd.s32 $0xFFFFE003, lr  }
0x1b: {  	s9 =	sadd.s32 $0xFFFFFEF7, lr;
	s5 =	simm.s32 $0xFFFFFFFF;
	p2 =	slt.u32 s8, $0xFFFFF086  }
0x1c: {  	p1 =	slt.u32 s9, $0xF7A;
	s5 =	simm.s32 @!p2 $0x0  }
0x1d: {  	s5 =	simm.s32 @p1 $0x1;
	p0 =	seq.s32 s7, s2  }
0x1e: {  	s7 =	smul.u32 @!p0 $0xF7A, s2;
	p2 =	seq.s32 @!p0 s5, $0x0  }
0x1f: {  	s9 =	smul.u32 $0xF7A, s1;
	s8 =	simm.s32 @!p0 $0x1BF5;
	p2 =	por !p2, p0  }
0x20: {  	[sflag:s8] =	ssyncset.s32 @!p0 $0xFFFFF086;
	s6 =	sadd.s32 @!p0 s3, s7;
	s7 =	simm.s32 @!p0 $0x108  }
0x21: {  	s3 =	sadd.s32 s3, s9;
	s6 =	sadd.s32 @!p0 $0x88, s6;
	s7 =	simm.s32 @p2 $0x1082  }
0x22: {  	[simem:s7], [sflag:s8] =	dma.local @!p0 [hbm:s6], $0xF7A  }
0x23: {  	s9 =	sor.u32 $0xD0000000, s2;
	s6 =	simm.s32 $0x108;
	_ =	swait.ge @!p0 [sflag:s8], $0x0  }
0x24: {  	s3 =	sadd.s32 $0x88, s3;
	s6 =	simm.s32 @!p1 $0x1082;
	[sflag:s4] =	ssyncset.s32 $0xFFFFF086  }
0x25: {  	[simem:s6], [sflag:s4] =	dma.local [hbm:s3], $0xF7A  }
0x26: {  	[smem:$0x3F89] =	sst s1;
	(tag) =	ssettag s2;
	_ =	strace s9  }
0x27: {  	s1 =	sld [smem:$0x3F99]  }
0x28: {  	s2 =	sld [smem:$0x3F9A]  }
0x29: {  	s4 =	sld [smem:$0x3F9C]  }
0x2a: {  	p0 =	seq.s32 s5, $0x0;
	s5 =	sld [smem:$0x3F9D]  }
0x2b: {  	s6 =	sld [smem:$0x3F9E]  }
0x2c: {  	s7 =	sld [smem:$0x3F9F]  }
0x2d: {  	s3 =	simm.s32 $0x108;
	s8 =	sld [smem:$0x3FA0]  }
0x2e: {  	s3 =	simm.s32 @!p0 $0x1082;
	s9 =	sld [smem:$0x3FA1]  }
0x2f: {  	lr =	sadd.s32 s0, s3;
	s0 =	sld [smem:$0x3F98]  }
0x30: {  	s3 =	sld [smem:$0x3F9B]  }
0x31: {  	[smem:$0x3FA4] =	sst s10  }
0x32: {  	s10 =	sld [smem:$0x3FA2];
	_ =	sdelay $0x3  }
0x33: {  	p0 =	seq.s32 s10, $0x1;
	s10 =	sld [smem:$0x3FA4];
	_ =	sdelay $0x3  }
0x34: {  	[smem:$0x3FA4] =	sst s10  }
0x35: {  	s10 =	sld [smem:$0x3FA3];
	_ =	sdelay $0x3  }
0x36: {  	p1 =	seq.s32 s10, $0x1;
	s10 =	sld [smem:$0x3FA4];
	_ =	sdelay $0x3  }
0x37: {  	[smem:$0x3FA4] =	sst s10  }
0x38: {  	s10 =	sld [smem:$0x3FA5]  }
0x39: {  	_ = 	snop;
	(pc) =	sbr.ind lr, $3  }
0x3a: {  	_ = 	snop  }
0x3b: {  	_ = 	snop  }
0x3c: {  	p2 =	seq.s32 s10, $0x1;
	s10 =	sld [smem:$0x3FA4]  }
0x3d: {  	_ =	shalt  }
0x3e: {  	_ =	shalt  }
0x3f: {  	_ =	shalt  }
0x40: {  	_ =	shalt  }
0x41: {  	_ =	shalt  }
0x42: {  	_ =	shalt  }
0x43: {  	_ =	shalt  }
0x44: {  	_ =	shalt  }
0x45: {  	_ =	shalt  }
0x46: {  	_ =	shalt  }
0x47: {  	_ =	shalt  }
0x48: {  	_ =	shalt  }
0x49: {  	_ =	shalt  }
0x4a: {  	_ =	shalt  }
0x4b: {  	_ =	shalt  }
0x4c: {  	_ =	shalt  }
0x4d: {  	_ =	shalt  }
0x4e: {  	_ =	shalt  }
0x4f: {  	_ =	shalt  }
0x50: {  	_ =	shalt  }
0x51: {  	_ =	shalt  }
0x52: {  	_ =	shalt  }
0x53: {  	_ =	shalt  }
0x54: {  	_ =	shalt  }
0x55: {  	_ =	shalt  }
0x56: {  	_ =	shalt  }
0x57: {  	_ =	shalt  }
0x58: {  	_ =	shalt  }
0x59: {  	_ =	shalt  }
0x5a: {  	_ =	shalt  }
0x5b: {  	_ =	shalt  }
0x5c: {  	_ =	shalt  }
0x5d: {  	_ =	shalt  }
0x5e: {  	_ =	shalt  }
0x5f: {  	_ =	shalt  }
0x60: {  	_ =	shalt  }
0x61: {  	_ =	shalt  }
0x62: {  	_ =	shalt  }
0x63: {  	_ =	shalt  }
0x64: {  	_ =	shalt  }
0x65: {  	_ =	shalt  }
0x66: {  	_ =	shalt  }
0x67: {  	_ =	shalt  }
0x68: {  	_ =	shalt  }
0x69: {  	_ =	shalt  }
0x6a: {  	_ =	shalt  }
0x6b: {  	_ =	shalt  }
0x6c: {  	_ =	shalt  }
0x6d: {  	_ =	shalt  }
0x6e: {  	_ =	shalt  }
0x6f: {  	_ =	shalt  }
0x70: {  	_ =	shalt  }
0x71: {  	_ =	shalt  }
0x72: {  	_ =	shalt  }
0x73: {  	_ =	shalt  }
0x74: {  	_ =	shalt  }
0x75: {  	_ =	shalt  }
0x76: {  	_ =	shalt  }
0x77: {  	_ =	shalt  }
0x78: {  	_ =	shalt  }
0x79: {  	_ =	shalt  }
0x7a: {  	_ =	shalt  }
0x7b: {  	_ =	shalt  }
0x7c: {  	_ =	shalt  }
0x7d: {  	_ =	shalt  }
0x7e: {  	_ =	shalt  }
0x7f: {  	_ =	shalt  }
0x80: {  	_ =	shalt  }
0x81: {  	_ =	shalt  }
0x82: {  	_ =	shalt  }
0x83: {  	_ =	shalt  }
0x84: {  	_ =	shalt  }
0x85: {  	_ =	shalt  }
0x86: {  	_ =	shalt  }
0x87: {  	_ =	shalt  }
.Lfunc_end0:
.L_simem_size_0:
called_computation.1_lowered:
.L_overlay_start_0:
0x88: {  	s2 =	sld [smem:$0x3FD9]  }
0x89: {  	s3 =	sld [smem:$0x3FFE];
	_ =	sdelay $0x1  }
0x8a: {  	s1 =	srdreg.scid  }
0x8b: {  	s0 =	sand.u32 $0x1, s1  }
0x8c: {  	s17 =	sshll.u32 s0, $0xA;
	s2 =	sadd.s32 s3, s2  }
0x8d: {  	s2 =	sadd.s32 s2, s17  }
0x8e: {  	[smem:$0x3FB0] =	sst s2  }
0x8f: {  	_ = 	snop  }
0x90: {  	s2 =	sld [smem:$0x3FD0];
	(tm) =	ssettm $0x1  }
0x91: {  	s18 =	sld [smem:$0x3FFB];
	_ =	sdelay $0x3  }
0x92: {  	_ =	strace s18  }
0x93: {  	s3 =	sld [smem:$0x3FFC];
	_ =	sdelay $0x3  }
0x94: {  	_ =	strace s3  }
0x95: {  	s3 =	sld [smem:$0x3FFD];
	_ =	sdelay $0x3  }
0x96: {  	_ =	strace s3  }
0x97: {  	_ =	strace $0x8FFFFFFF  }
0x98: {  	s19 =	sld [smem:$0x3FDB];
	_ =	sdelay $0x1  }
0x99: {  	s4 =	simm.s32 $_scs_section_size  }
0x9a: {  	s5 =	simm.s32 $_size__tile_overlayer_lowered;
	s6 =	simm.s32 $_tile_overlayer_lowered  }
0x9b: {  	s22 =	simm.s32 $0x1BFF;
	s21 =	sshll.u32 s6, $0x1;
	s3 =	sadd.s32 s4, s19  }
0x9c: {  	s7 =	simm.s32 $0x0;
	s20 =	sshll.u32 s5, $0x1;
	s5 =	sadd.s32 s21, s3  }
0x9d: {  	[timem:s7], [sflag:s22] =	dma.local [hbm:s5], s20  }
0x9e: {  	_ =	swait.ge [sflag:s22], s20  }
0x9f: {  	s4 =	ssub.s32 $0x0, s20;
	[sflag:s22] =	ssyncset.done $0x0  }
0xa0: {  	[sflag:s22] =	ssyncadd.s32 s4;
	_ =	sdelay $0x1  }
0xa1: {  	s23 =	simm.s32 $0x1B8B  }
0xa2: {  	_ =	swait.ge [sflag:s23], $0x1  }
0xa3: {  	[sflag:s23] =	ssyncset.done $0x0  }
0xa4: {  	s25 =	simm.s32 $0x1B8E;
	s24 =	sld [smem:$0x3FFE];
	[sflag:s23] =	ssyncadd.s32 $0xFFFFFFFF  }
0xa5: {  	s26 =	simm.s32 $execute0_lowered;
	[smem:$0x3FD2] =	sst s25  }
0xa6: {  	s5 =	sshll.u32 s26, $0x1;
	_ =	strace $0x80000046;
	[dreg:$0x1] =	wrdreg $0xFFFFFFFF  }
0xa7: {  	s28 =	simm.s32 $_size_execute0_lowered;
	s3 =	sadd.s32 s3, s5;
	[dreg:$0x0] =	wrdreg $0x0  }
0xa8: {  	s5 =	sshll.u32 s28, $0x1;
	[dreg:$0x2] =	wrdreg s3  }
0xa9: {  	[dreg:$0x3] =	wrdreg s5  }
0xaa: {  	[dreg:$0x4] =	wrdreg $0xC0  }
0xab: {  	_ =	task [dreg:s7], $0x5FFFF  }
0xac: {  	[dreg:$0x1] =	wrdreg $0xFFFFFFFF  }
0xad: {  	[dreg:$0x0] =	wrdreg $0x60  }
0xae: {  	[dreg:$0x2] =	wrdreg s24  }
0xaf: {  	[dreg:$0x3] =	wrdreg s2  }
0xb0: {  	[dreg:$0x4] =	wrdreg $0xC2000  }
0xb1: {  	[dreg:$0x5] =	wrdreg $0x9  }
0xb2: {  	_ =	task.clear_ibuf [dreg:s7], $0x6FFFF;
	_ =	strace $0x90000046  }
0xb3: {  	s29 =	simm.s32 $0x9;
	_ =	strace $0x80000048  }
0xb4: {  	_ =	swait.ge [sflag:s29], $0x1  }
0xb5: {  	[sflag:s29] =	ssyncadd.s32 $0xFFFFFFFF  }
0xb6: {  	_ =	strace $0x90000048  }
0xb7: {  	_ =	sfence  }
0xb8: {  	s30 =	sld [smem:$0x0];
	_ =	sdelay $0x2  }
0xb9: {  	s31 =	sshll.u32 s1, $0xD;
	s1 =	sshrl.u32 s1, $0x2  }
0xba: {  	s3 =	sand.u32 $0x4000, s31;
	s1 =	sadd.s32 s1, s30  }
0xbb: {  	s0 =	sor.u32 s3, s0;
	s1 =	sshll.u32 s1, $0x11  }
0xbc: {  	s0 =	sor.u32 s1, s0  }
0xbd: {  	s0 =	sadd.s32 $0x8F2B, s0  }
0xbe: {  	[sflag:s0] =	ssyncadd.remote.s32 $0x1  }
0xbf: {  	_ =	sfence.sel $0xFFFF  }
0xc0: {  	[dreg:$0x0] =	wrdreg $0xFFFFFFFF;
	(pc) =	sbr.abs _section_cstart, $3  }
0xc1: {  	[dreg:$0x1] =	wrdreg $0xFFFFFFFF  }
0xc2: {  	_ =	task.clear_ibuf [dreg:s7], $0x2FFFF;
	_ =	strace $0x9FFFFFFF  }
0xc3: {  	(tm) =	ssettm $0x7FFFFFFF  }
tec
execute0_lowered:
.L_overlay_start_1:
0x0: {  	(tag) =	ssettag $0x1  }
0x1: {  	s0 =	srdreg.scid;
	s3 =	rddreg [dreg:$0x1]  }
0x2: {  	s19 =	stileid.u32;
	s5 =	simm.s32 $0x0;
	s29 =	simm.s32 $0x9D  }
0x3: {  	s31 =	simm.s32 $0x6180;
	s30 =	simm.s32 $0x0;
	s1 =	sand.u32 $0x1, s0  }
0x4: {  	s4 =	smul.u32 $0x13800, s19;
	[smem:$0x7FF] =	sst s5;
	s0 =	ssub.s32 $0x2, s1  }
0x5: {  	s17 =	sshll.u32 s1, $0x4;
	s1 =	smul.u32 $0x138800, s1;
	s2 =	sshrl.u32 s0, $0x1  }
0x6: {  	s5 =	sor.u32 s19, s17;
	s6 =	sadd.s32 $0x2000, s4;
	s7 =	sadd.s32 $0x4000, s4  }
0x7: {  	s8 =	sadd.s32 $0x6000, s4;
	s9 =	sadd.s32 $0x8000, s4;
	s10 =	sadd.s32 $0xA000, s4  }
0x8: {  	s11 =	sadd.s32 $0xC000, s4;
	s12 =	sadd.s32 $0xE000, s4;
	s13 =	sadd.s32 $0x10000, s4  }
0x9: {  	s0 =	ssub.s32 s0, s2;
	s2 =	smul.u32 $0x9C, s5;
	s14 =	sadd.s32 s4, s1  }
0xa: {  	s4 =	sadd.s32 $0x12000, s4;
	s15 =	smin.u32 s5, $0x8;
	s18 =	sadd.s32 s1, s6  }
0xb: {  	s20 =	sadd.s32 s1, s7;
	s16 =	sadd.s32 s1, s8;
	s24 =	sadd.s32 s1, s9  }
0xc: {  	s25 =	sadd.s32 s1, s10;
	s26 =	sadd.s32 s1, s11;
	p1 =	slt.u32 s5, $0x8  }
0xd: {  	p0 =	sgt.u32 s5, $0x7;
	s14 =	sshrl.u32 s14, $0x3;
	s21 =	sshrl.u32 s20, $0x3  }
0xe: {  	s22 =	sshrl.u32 s16, $0x3;
	s17 =	sshrl.u32 s26, $0x3;
	s20 =	sadd.s32 s1, s12  }
0xf: {  	s26 =	smul.u32 $0x4E000, s19;
	s29 =	simm.s32 @!p1 $0x9C;
	s14 =	sadd.s32 s3, s14  }
0x10: {  	s0 =	smax.u32 s0, $0x1;
	s23 =	sadd.s32 s3, s22;
	[dreg:$0x4] =	wrdreg s14  }
0x11: {  	s14 =	sshrl.u32 s18, $0x3;
	[dreg:$0x7] =	wrdreg s23;
	s18 =	sadd.s32 s3, s17  }
0x12: {  	s2 =	sadd.s32 s15, s2;
	s14 =	sadd.s32 s3, s14;
	[dreg:$0xa] =	wrdreg s18  }
0x13: {  	s15 =	sshrl.u32 s25, $0x3;
	[dreg:$0x5] =	wrdreg s14;
	s14 =	sadd.s32 s3, s21  }
0x14: {  	s22 =	sadd.s32 s1, s4;
	[dreg:$0x6] =	wrdreg s14;
	s14 =	sshrl.u32 s24, $0x3  }
0x15: {  	s18 =	rddreg [dreg:$0x0];
	s21 =	sadd.s32 s1, s13;
	s14 =	sadd.s32 s3, s14  }
0x16: {  	s24 =	sshrl.u32 s22, $0x3;
	[dreg:$0x8] =	wrdreg s14;
	s14 =	sadd.s32 s3, s15  }
0x17: {  	s25 =	sadd.s32 s3, s24;
	[dreg:$0x9] =	wrdreg s14;
	s14 =	sshrl.u32 s20, $0x3  }
0x18: {  	s23 =	sshrl.u32 s21, $0x3;
	[dreg:$0xd] =	wrdreg s25;
	s14 =	sadd.s32 s3, s14  }
0x19: {  	s1 =	sshrl.u32 s1, $0x3;
	[dreg:$0xb] =	wrdreg s14;
	s14 =	sadd.s32 s3, s23  }
0x1a: {  	p1 =	sne.s32 s19, $0xF;
	s1 =	sadd.s32 s3, s1;
	[dreg:$0xc] =	wrdreg s14  }
0x1b: {  	s19 =	simm.s32 $0x1;
	s1 =	sadd.s32 $0x27000, s1;
	s14 =	rddreg [dreg:$0x2]  }
0x1c: {  	s5 =	sshrl.u32 s26, $0x2;
	_ =	strace $0x80000047;
	[dreg:$0x1d] =	wrdreg s1  }
0x1d: {  	s22 =	sadd.s32 s6, s14;
	s6 =	sadd.s32 s12, s14;
	[dreg:$0x1e] =	wrdreg s0  }
0x1e: {  	s16 =	sadd.s32 $0xDA00, s18;
	s4 =	sadd.s32 s4, s14;
	[dreg:$0x15] =	wrdreg s6  }
0x1f: {  	s17 =	sadd.s32 $0x3EA00, s18;
	s20 =	sadd.s32 $0x138000, s14;
	[dreg:$0x17] =	wrdreg s4  }
0x20: {  	s15 =	sadd.s32 $0x3C00, s18;
	s21 =	sadd.s32 s5, s14;
	[dreg:$0x1f] =	wrdreg s20  }
0x21: {  	s18 =	sadd.s32 $0x65C00, s18;
	s23 =	sadd.s32 s7, s14;
	[dreg:$0xe] =	wrdreg s21  }
0x22: {  	s24 =	sadd.s32 s8, s14;
	s25 =	sadd.s32 s9, s14;
	[dreg:$0xf] =	wrdreg s22  }
0x23: {  	s26 =	sadd.s32 s10, s14;
	s28 =	sadd.s32 s11, s14;
	[dreg:$0x10] =	wrdreg s23  }
0x24: {  	s13 =	sadd.s32 s13, s14;
	s7 =	sshll.u32 s2, $0x3;
	[dreg:$0x11] =	wrdreg s24  }
0x25: {  	s10 =	sshll.u32 s2, $0xA;
	s0 =	simm.s32 $0x40;
	[dreg:$0x12] =	wrdreg s25  }
0x26: {  	s5 =	simm.s32 $0xA200;
	s8 =	sadd.s32 s15, s7;
	[dreg:$0x13] =	wrdreg s26  }
0x27: {  	s9 =	sadd.s32 s16, s7;
	s3 =	sadd.s32 $0x8, s7;
	[dreg:$0x14] =	wrdreg s28  }
0x28: {  	s12 =	sadd.s32 s18, s10;
	s10 =	simm.s32 $0x5;
	[dreg:$0x16] =	wrdreg s13  }
.Ltmp0:
0x29: {  	s6 =	simm.s32 $0x8200;
	[dreg:$0x18] =	wrdreg s8;
	(pc) =	sbr.rel .LBB2_1-.Ltmp0, $4  }
0x2a: {  	s20 =	simm.s32 $0x2;
	[dreg:$0x19] =	wrdreg s9;
	s11 =	sadd.s32 s15, s3  }
0x2b: {  	s3 =	sadd.s32 s16, s3;
	[dreg:$0x1c] =	wrdreg s12;
	s8 =	sadd.s32 $0x1, s2  }
0x2c: {  	v0 =	vimm.f32 $0.0e+00;
	vm0 =	vcmask $0x300;
	s9 =	simm.s32 $0x4100;
	s12 =	simm.s32 $0x6100;
	[dreg:$0x1a] =	wrdreg s11  }
0x2d: {  	v1 =	vsel vm0, $0x3F800000, v0;
	[dreg:$0x1b] =	wrdreg s3;
	s11 =	simm.s32 $0x80;
	s3 =	simm.s32 $0x4  }
.LBB2_19:
0x2e: {  	s1 =	stileid.u32;
	[bflag:$0x0] =	sbarrier.arrive $0xFFFF  }
0x2f: {  	s1 =	sshll.u32 s1, $0x6;
	s21 =	rddreg [dreg:$0xe]  }
0x30: {  	s7 =	rddreg [dreg:$0x4];
	s1 =	sor.u32 $0x1C05, s1;
	s4 =	sshrl.u32 s21, $0x3  }
0x31: {  	[hbm:s7], [sflag:s1] =	dma.local [spmem:s4], $0x400  }
0x32: {  	_ =	swait.ge [sflag:s10], $0x400  }
0x33: {  	[sflag:s10] =	ssyncset.done $0x0;
	s22 =	rddreg [dreg:$0xf]  }
0x34: {  	s26 =	rddreg [dreg:$0x5];
	[sflag:s10] =	ssyncadd.s32 $0xFFFFFC00;
	s25 =	sshrl.u32 s22, $0x3  }
0x35: {  	[hbm:s26], [sflag:s1] =	dma.local [spmem:s25], $0x400  }
0x36: {  	_ =	swait.ge [sflag:s10], $0x400  }
0x37: {  	[sflag:s10] =	ssyncset.done $0x0;
	s23 =	rddreg [dreg:$0x10]  }
0x38: {  	s24 =	rddreg [dreg:$0x6];
	[sflag:s10] =	ssyncadd.s32 $0xFFFFFC00;
	s13 =	sshrl.u32 s23, $0x3  }
0x39: {  	[hbm:s24], [sflag:s1] =	dma.local [spmem:s13], $0x400  }
0x3a: {  	_ =	swait.ge [sflag:s10], $0x400  }
0x3b: {  	[sflag:s10] =	ssyncset.done $0x0;
	s24 =	rddreg [dreg:$0x11]  }
0x3c: {  	s26 =	rddreg [dreg:$0x7];
	[sflag:s10] =	ssyncadd.s32 $0xFFFFFC00;
	s25 =	sshrl.u32 s24, $0x3  }
0x3d: {  	[hbm:s26], [sflag:s1] =	dma.local [spmem:s25], $0x400  }
0x3e: {  	_ =	swait.ge [sflag:s10], $0x400  }
0x3f: {  	[sflag:s10] =	ssyncset.done $0x0;
	s25 =	rddreg [dreg:$0x12]  }
0x40: {  	s26 =	rddreg [dreg:$0x8];
	[sflag:s10] =	ssyncadd.s32 $0xFFFFFC00;
	s13 =	sshrl.u32 s25, $0x3  }
0x41: {  	[hbm:s26], [sflag:s1] =	dma.local [spmem:s13], $0x400  }
0x42: {  	_ =	swait.ge [sflag:s10], $0x400  }
0x43: {  	[sflag:s10] =	ssyncset.done $0x0;
	s26 =	rddreg [dreg:$0x13]  }
0x44: {  	s13 =	rddreg [dreg:$0x9];
	[sflag:s10] =	ssyncadd.s32 $0xFFFFFC00;
	s7 =	sshrl.u32 s26, $0x3  }
0x45: {  	[hbm:s13], [sflag:s1] =	dma.local [spmem:s7], $0x400  }
0x46: {  	_ =	swait.ge [sflag:s10], $0x400  }
0x47: {  	[sflag:s10] =	ssyncset.done $0x0  }
0x48: {  	s7 =	sshrl.u32 s28, $0x3;
	s13 =	rddreg [dreg:$0xa];
	[sflag:s10] =	ssyncadd.s32 $0xFFFFFC00  }
0x49: {  	[hbm:s13], [sflag:s1] =	dma.local [spmem:s7], $0x400  }
0x4a: {  	_ =	swait.ge [sflag:s10], $0x400  }
0x4b: {  	[sflag:s10] =	ssyncset.done $0x0;
	s7 =	rddreg [dreg:$0x15]  }
0x4c: {  	s13 =	rddreg [dreg:$0xb];
	[sflag:s10] =	ssyncadd.s32 $0xFFFFFC00;
	s4 =	sshrl.u32 s7, $0x3  }
0x4d: {  	[hbm:s13], [sflag:s1] =	dma.local [spmem:s4], $0x400  }
0x4e: {  	_ =	swait.ge [sflag:s10], $0x400  }
0x4f: {  	[sflag:s10] =	ssyncset.done $0x0;
	s13 =	rddreg [dreg:$0x16]  }
0x50: {  	s7 =	rddreg [dreg:$0xc];
	[sflag:s10] =	ssyncadd.s32 $0xFFFFFC00;
	s4 =	sshrl.u32 s13, $0x3  }
0x51: {  	[hbm:s7], [sflag:s1] =	dma.local [spmem:s4], $0x400  }
0x52: {  	_ =	swait.ge [sflag:s10], $0x400  }
0x53: {  	[sflag:s10] =	ssyncset.done $0x0;
	s7 =	rddreg [dreg:$0x17]  }
0x54: {  	[sflag:s10] =	ssyncadd.s32 $0xFFFFFC00;
	s4 =	sshrl.u32 s7, $0x3;
	s7 =	rddreg [dreg:$0xd]  }
0x55: {  	[hbm:s7], [sflag:s1] =	dma.local [spmem:s4], $0x300  }
0x56: {  	_ =	swait.ge [sflag:s10], $0x300  }
0x57: {  	[sflag:s10] =	ssyncset.done $0x0;
	s4 =	rddreg [dreg:$0x1f]  }
0x58: {  	s7 =	rddreg [dreg:$0x1d];
	[sflag:s10] =	ssyncadd.s32 $0xFFFFFD00;
	s4 =	sshrl.u32 @!p1 s4, $0x3  }
0x59: {  	[hbm:s7], [sflag:s1] =	dma.local @!p1 [spmem:s4], $0x100  }
0x5a: {  	s1 =	simm.s32 @!p1 $0x5  }
0x5b: {  	_ =	swait.ge @!p1 [sflag:s1], $0x100  }
0x5c: {  	s30 =	sadd.s32 $0x1, s30;
	s7 =	rddreg [dreg:$0x1e]  }
0x5d: {  	p2 =	sne.s32 s30, s7  }
.Ltmp1:
0x5e: {  	_ = 	snop;
	(pc) =	sbr.rel @!p2 .LBB2_20-.Ltmp1, $3  }
0x5f: {  	_ =	sdelay $0x1  }
0x60: {  	[sflag:s1] =	ssyncset.done @!p1 $0x0  }
0x61: {  	[sflag:s1] =	ssyncadd.s32 @!p1 $0xFFFFFF00  }
.LBB2_1:
0x62: {  	[smem:$0x7FD] =	sst s30;
	s1 =	simm.s32 $0x4200  }
0x63: {  	[tilespmem:s1+$0xFFFFFF00] =	vst v0  }
0x64: {  	[tilespmem:s1+$0xF0] =	vst v0  }
0x65: {  	[tilespmem:s1+$0xE0] =	vst v0  }
0x66: {  	[tilespmem:s1+$0xD0] =	vst v0  }
0x67: {  	[tilespmem:s1+$0xC0] =	vst v0  }
0x68: {  	[tilespmem:s1+$0xB0] =	vst v0  }
0x69: {  	[tilespmem:s1+$0xA0] =	vst v0  }
0x6a: {  	[tilespmem:s1+$0x90] =	vst v0  }
0x6b: {  	[tilespmem:s1+$0x80] =	vst v0  }
0x6c: {  	[tilespmem:s1+$0x70] =	vst v0  }
0x6d: {  	[tilespmem:s1+$0x60] =	vst v0  }
0x6e: {  	[tilespmem:s1+$0x50] =	vst v0  }
0x6f: {  	[tilespmem:s1+$0x40] =	vst v0  }
0x70: {  	[tilespmem:s1+$0x30] =	vst v0  }
0x71: {  	[tilespmem:s1+$0x20] =	vst v0  }
0x72: {  	[tilespmem:s1+$0x10] =	vst v0  }
0x73: {  	[tilespmem:s1+$0x0] =	vst v0  }
0x74: {  	[tilespmem:s1+$0xFFFFFFF0] =	vst v0  }
0x75: {  	[tilespmem:s1+$0xFFFFFFE0] =	vst v0  }
0x76: {  	[tilespmem:s1+$0xFFFFFFD0] =	vst v0  }
0x77: {  	[tilespmem:s1+$0xFFFFFFC0] =	vst v0  }
0x78: {  	[tilespmem:s1+$0xFFFFFFB0] =	vst v0  }
0x79: {  	[tilespmem:s1+$0xFFFFFFA0] =	vst v0  }
0x7a: {  	[tilespmem:s1+$0xFFFFFF90] =	vst v0  }
0x7b: {  	[tilespmem:s1+$0xFFFFFF80] =	vst v0  }
0x7c: {  	[tilespmem:s1+$0xFFFFFF70] =	vst v0  }
0x7d: {  	[tilespmem:s1+$0xFFFFFF60] =	vst v0  }
0x7e: {  	[tilespmem:s1+$0xFFFFFF50] =	vst v0  }
0x7f: {  	[tilespmem:s1+$0xFFFFFF40] =	vst v0  }
0x80: {  	[tilespmem:s1+$0xFFFFFF30] =	vst v0  }
0x81: {  	s4 =	simm.s32 $0x0;
	[tilespmem:s1+$0xFFFFFF20] =	vst v0  }
.LBB2_2:
0x82: {  	s4 =	sadd.s32 $0x4, s4;
	[tilespmem:s1+$0xFFFFFF10] =	vst v0;
	s1 =	sadd.s32 $0x200, s1  }
0x83: {  	[tilespmem:s1+$0xFFFFFF00] =	vst v0;
	p2 =	slt.u32 s4, $0x3C  }
0x84: {  	[tilespmem:s1+$0xF0] =	vst v0  }
0x85: {  	[tilespmem:s1+$0xE0] =	vst v0  }
0x86: {  	[tilespmem:s1+$0xD0] =	vst v0  }
0x87: {  	[tilespmem:s1+$0xC0] =	vst v0  }
0x88: {  	[tilespmem:s1+$0xB0] =	vst v0  }
0x89: {  	[tilespmem:s1+$0xA0] =	vst v0  }
0x8a: {  	[tilespmem:s1+$0x90] =	vst v0  }
0x8b: {  	[tilespmem:s1+$0x80] =	vst v0  }
0x8c: {  	[tilespmem:s1+$0x70] =	vst v0  }
0x8d: {  	[tilespmem:s1+$0x60] =	vst v0  }
0x8e: {  	[tilespmem:s1+$0x50] =	vst v0  }
0x8f: {  	[tilespmem:s1+$0x40] =	vst v0  }
0x90: {  	[tilespmem:s1+$0x30] =	vst v0  }
0x91: {  	[tilespmem:s1+$0x20] =	vst v0  }
0x92: {  	[tilespmem:s1+$0x10] =	vst v0  }
0x93: {  	[tilespmem:s1+$0x0] =	vst v0  }
0x94: {  	[tilespmem:s1+$0xFFFFFFF0] =	vst v0  }
0x95: {  	[tilespmem:s1+$0xFFFFFFE0] =	vst v0  }
0x96: {  	[tilespmem:s1+$0xFFFFFFD0] =	vst v0  }
0x97: {  	[tilespmem:s1+$0xFFFFFFC0] =	vst v0  }
0x98: {  	[tilespmem:s1+$0xFFFFFFB0] =	vst v0  }
0x99: {  	[tilespmem:s1+$0xFFFFFFA0] =	vst v0  }
0x9a: {  	[tilespmem:s1+$0xFFFFFF90] =	vst v0  }
0x9b: {  	[tilespmem:s1+$0xFFFFFF80] =	vst v0  }
0x9c: {  	[tilespmem:s1+$0xFFFFFF70] =	vst v0  }
.Ltmp2:
0x9d: {  	[tilespmem:s1+$0xFFFFFF60] =	vst v0;
	(pc) =	sbr.rel @p2 .LBB2_2-.Ltmp2, $4  }
0x9e: {  	[tilespmem:s1+$0xFFFFFF50] =	vst v0  }
0x9f: {  	[tilespmem:s1+$0xFFFFFF40] =	vst v0  }
0xa0: {  	[tilespmem:s1+$0xFFFFFF30] =	vst v0  }
0xa1: {  	[tilespmem:s1+$0xFFFFFF20] =	vst v0  }
0xa2: {  	[tilespmem:s1+$0xFFFFFF10] =	vst v0  }
0xa3: {  	[spmem:s21] =	stream.linear.scatter [tilespmem:s9], [sflag:$0x5], $0x2000, $0x38;
	[tilespmem:$0x1FA80] =	vst v63  }
0xa4: {  	_ =	swait.ge [sflag:s10], $0x2000  }
0xa5: {  	[sflag:s10] =	ssyncset.done $0x0  }
0xa6: {  	[sflag:s10] =	ssyncadd.s32 $0xFFFFE000  }
0xa7: {  	[spmem:s22] =	stream.linear.scatter [tilespmem:s9], [sflag:$0x5], $0x2000, $0x38;
	[tilespmem:$0x1FA80] =	vst v63  }
0xa8: {  	_ =	swait.ge [sflag:s10], $0x2000  }
0xa9: {  	[sflag:s10] =	ssyncset.done $0x0  }
0xaa: {  	[sflag:s10] =	ssyncadd.s32 $0xFFFFE000  }
0xab: {  	[spmem:s23] =	stream.linear.scatter [tilespmem:s9], [sflag:$0x5], $0x2000, $0x38;
	[tilespmem:$0x1FA80] =	vst v63  }
0xac: {  	_ =	swait.ge [sflag:s10], $0x2000  }
0xad: {  	[sflag:s10] =	ssyncset.done $0x0  }
0xae: {  	[sflag:s10] =	ssyncadd.s32 $0xFFFFE000  }
0xaf: {  	[spmem:s24] =	stream.linear.scatter [tilespmem:s9], [sflag:$0x5], $0x2000, $0x38;
	[tilespmem:$0x1FA80] =	vst v63  }
0xb0: {  	_ =	swait.ge [sflag:s10], $0x2000  }
0xb1: {  	[sflag:s10] =	ssyncset.done $0x0  }
0xb2: {  	[sflag:s10] =	ssyncadd.s32 $0xFFFFE000  }
0xb3: {  	[spmem:s25] =	stream.linear.scatter [tilespmem:s9], [sflag:$0x5], $0x2000, $0x38;
	[tilespmem:$0x1FA80] =	vst v63  }
0xb4: {  	_ =	swait.ge [sflag:s10], $0x2000  }
0xb5: {  	[sflag:s10] =	ssyncset.done $0x0  }
0xb6: {  	[sflag:s10] =	ssyncadd.s32 $0xFFFFE000  }
0xb7: {  	[spmem:s26] =	stream.linear.scatter [tilespmem:s9], [sflag:$0x5], $0x2000, $0x38;
	[tilespmem:$0x1FA80] =	vst v63  }
0xb8: {  	_ =	swait.ge [sflag:s10], $0x2000  }
0xb9: {  	[sflag:s10] =	ssyncset.done $0x0  }
0xba: {  	[sflag:s10] =	ssyncadd.s32 $0xFFFFE000  }
0xbb: {  	[spmem:s28] =	stream.linear.scatter [tilespmem:s9], [sflag:$0x5], $0x2000, $0x38;
	[tilespmem:$0x1FA80] =	vst v63  }
0xbc: {  	_ =	swait.ge [sflag:s10], $0x2000  }
0xbd: {  	[sflag:s10] =	ssyncset.done $0x0  }
0xbe: {  	s4 =	rddreg [dreg:$0x15];
	[sflag:s10] =	ssyncadd.s32 $0xFFFFE000  }
0xbf: {  	[spmem:s4] =	stream.linear.scatter [tilespmem:s9], [sflag:$0x5], $0x2000, $0x38;
	[tilespmem:$0x1FA80] =	vst v63  }
0xc0: {  	_ =	swait.ge [sflag:s10], $0x2000  }
0xc1: {  	[sflag:s10] =	ssyncset.done $0x0  }
0xc2: {  	[sflag:s10] =	ssyncadd.s32 $0xFFFFE000  }
0xc3: {  	[spmem:s13] =	stream.linear.scatter [tilespmem:s9], [sflag:$0x5], $0x2000, $0x38;
	[tilespmem:$0x1FA80] =	vst v63  }
0xc4: {  	_ =	swait.ge [sflag:s10], $0x2000  }
0xc5: {  	[sflag:s10] =	ssyncset.done $0x0  }
0xc6: {  	s7 =	rddreg [dreg:$0x17];
	[sflag:s10] =	ssyncadd.s32 $0xFFFFE000  }
0xc7: {  	[spmem:s7] =	stream.linear.scatter [tilespmem:s9], [sflag:$0x5], $0x1800, $0x38;
	[tilespmem:$0x1FA80] =	vst v63  }
0xc8: {  	_ =	swait.ge [sflag:s10], $0x1800  }
0xc9: {  	[sflag:s10] =	ssyncset.done $0x0  }
0xca: {  	s1 =	simm.s32 @!p1 $0x4100;
	s4 =	rddreg [dreg:$0x1f];
	[sflag:s10] =	ssyncadd.s32 $0xFFFFE800  }
0xcb: {  	[spmem:s4] =	stream.linear.scatter @!p1 [tilespmem:s1], [sflag:$0x5], $0x800, $0x38;
	[tilespmem:$0x1FA80] =	vst v63  }
0xcc: {  	s1 =	simm.s32 @!p1 $0x5  }
0xcd: {  	_ =	swait.ge @!p1 [sflag:s1], $0x800  }
0xce: {  	[sflag:s1] =	ssyncset.done @!p1 $0x0  }
0xcf: {  	[sflag:s1] =	ssyncadd.s32 @!p1 $0xFFFFF800  }
0xd0: {  	[bflag:$0x0] =	sbarrier.arrive $0xFFFF  }
0xd1: {  	s22 =	simm.s32 $0x0;
	s13 =	rddreg [dreg:$0x18]  }
0xd2: {  	[tilespmem:s22], [sflag:$0x3] =	stream.linear.gather [hbm4b:s13+s22], $0x40, $0x38;
	[tilespmem:$0x1FA80] =	vst v63  }
0xd3: {  	s21 =	rddreg [dreg:$0x19]  }
0xd4: {  	[tilespmem:s11], [sflag:$0x3] =	stream.linear.gather [hbm4b:s21+s22], $0x40, $0x38;
	[tilespmem:$0x1FA80] =	vst v63  }
0xd5: {  	s23 =	rddreg [dreg:$0x1a]  }
0xd6: {  	[tilespmem:s12], [sflag:$0x4] =	stream.linear.gather [hbm4b:s23+s22], $0x40, $0x38;
	[tilespmem:$0x1FA80] =	vst v63  }
0xd7: {  	s25 =	simm.s32 $0x3;
	s24 =	rddreg [dreg:$0x1b]  }
0xd8: {  	[tilespmem:s31], [sflag:$0x4] =	stream.linear.gather [hbm4b:s24+s22], $0x40, $0x38;
	[tilespmem:$0x1FA80] =	vst v63  }
0xd9: {  	_ =	swait.ge [sflag:s25], $0x40  }
0xda: {  	[sflag:s25] =	ssyncset.done $0x0  }
0xdb: {  	[sflag:s25] =	ssyncadd.s32 $0xFFFFFFC0  }
0xdc: {  	_ =	swait.ge [sflag:s25], $0x40  }
0xdd: {  	[sflag:s25] =	ssyncset.done $0x0  }
0xde: {  	s26 =	simm.s32 $0x100;
	[sflag:s25] =	ssyncadd.s32 $0xFFFFFFC0  }
0xdf: {  	[tilespmem:s26], [sflag:$0x1] =	stream.indirect.gather [hbm4b:s17+s0], $0x80, s22, s0, $0xb8;
	[tilespmem:$0x1FA80] =	vst v63  }
0xe0: {  	_ = 	snop  }
0xe1: {  	[tilespmem:s9], [sflag:$0x1] =	stream.indirect.gather [hbm4b:s17+s0], $0x80, s11, s0, $0xb8;
	[tilespmem:$0x1FA80] =	vst v63  }
0xe2: {  	s30 =	simm.s32 $0x2100;
	s28 =	rddreg [dreg:$0x1c]  }
0xe3: {  	[tilespmem:s30], [sflag:$0x1] =	stream.linear.gather [hbm4b:s28+s22], $0x2000, $0x38;
	[tilespmem:$0x1FA80] =	vst v63  }
.LBB2_4:
0xe4: {  	_ =	swait.ge [sflag:s3], $0x40  }
0xe5: {  	[sflag:s3] =	ssyncset.done $0x0  }
0xe6: {  	[sflag:s3] =	ssyncadd.s32 $0xFFFFFFC0  }
0xe7: {  	_ =	swait.ge [sflag:s3], $0x40  }
0xe8: {  	s23 =	sshll.u32 s22, $0x1;
	[sflag:s3] =	ssyncset.done $0x0  }
0xe9: {  	s1 =	simm.s32 $0x6200;
	s13 =	sadd.s32 s23, s8;
	[sflag:s3] =	ssyncadd.s32 $0xFFFFFFC0  }
0xea: {  	[tilespmem:s1], [sflag:$0x2] =	stream.indirect.gather [hbm4b:s17+s0], $0x80, s12, s0, $0xb8;
	[tilespmem:$0x1FA80] =	vst v63  }
0xeb: {  	s1 =	sshll.u32 s13, $0xA  }
0xec: {  	s1 =	sand.u32 $0x1FFFFC00, s1  }
0xed: {  	[tilespmem:s5], [sflag:$0x2] =	stream.indirect.gather [hbm4b:s17+s0], $0x80, s31, s0, $0xb8;
	[tilespmem:$0x1FA80] =	vst v63  }
0xee: {  	s4 =	simm.s32 $0x0;
	s1 =	sadd.s32 s18, s1  }
0xef: {  	[tilespmem:s6], [sflag:$0x2] =	stream.linear.gather [hbm4b:s1+s4], $0x2000, $0x38;
	[tilespmem:$0x1FA80] =	vst v63  }
0xf0: {  	_ =	swait.ge [sflag:s19], $0x2000  }
0xf1: {  	[sflag:s19] =	ssyncset.done $0x0  }
0xf2: {  	[sflag:s19] =	ssyncadd.s32 $0xFFFFE000  }
0xf3: {  	_ =	swait.ge [sflag:s19], $0x2000  }
0xf4: {  	[sflag:s19] =	ssyncset.done $0x0  }
0xf5: {  	[sflag:s19] =	ssyncadd.s32 $0xFFFFE000  }
0xf6: {  	_ =	swait.ge [sflag:s19], $0x2000  }
0xf7: {  	[sflag:s19] =	ssyncset.done $0x0  }
0xf8: {  	s21 =	simm.s32 $0x200;
	[sflag:s19] =	ssyncadd.s32 $0xFFFFE000  }
0xf9: {  	s24 =	simm.s32 $0x4200;
	v2 =	vld [tilespmem:s21+$0x80]  }
0xfa: {  	s7 =	simm.s32 $0x2200;
	v3 =	vld [tilespmem:s24+$0xC0]  }
0xfb: {  	v4 =	vld [tilespmem:s7+$0x80]  }
0xfc: {  	v5 =	vld [tilespmem:s21+$0xFFFFFF80]  }
0xfd: {  	v6 =	vld [tilespmem:s21+$0xFFFFFF00]  }
0xfe: {  	v7 =	vld [tilespmem:s7+$0xFFFFFF00]  }
0xff: {  	v9 =	vld [tilespmem:s21+$0x0]  }
0x100: {  	v10 =	vld [tilespmem:s24+$0x40]  }
0x101: {  	v11 =	vld [tilespmem:s7+$0xFFFFFF80];
	v2 =	vadd.f32 v3, v2  }
0x102: {  	v13 =	vld [tilespmem:s24+$0xFFFFFFF0]  }
0x103: {  	v3 =	vld [tilespmem:s24+$0xFFFFFF40];
	v2 =	vadd.f32 v4, v2  }
0x104: {  	s28 =	simm.s32 $0x2400;
	v14 =	vld [tilespmem:s24+$0x70]  }
0x105: {  	v15 =	vld [tilespmem:s28+$0x80];
	v2 =	vmax.f32 v2, $0.0e+00  }
0x106: {  	[tilespmem:s24+$0x80] =	vst v2;
	v2 =	vld [tilespmem:s24+$0xD0]  }
0x107: {  	v8 =	vld [tilespmem:s21+$0x90]  }
0x108: {  	v4 =	vld [tilespmem:s24+$0xFFFFFFC0];
	v3 =	vadd.f32 v3, v6  }
0x109: {  	s26 =	simm.s32 $0x4400;
	v6 =	vld [tilespmem:s7+$0x90]  }
0x10a: {  	s25 =	simm.s32 $0x400;
	v18 =	vld [tilespmem:s26+$0xFFFFFFC0];
	v3 =	vadd.f32 v7, v3  }
0x10b: {  	v46 =	vld [tilespmem:s25+$0x0]  }
0x10c: {  	v7 =	vld [tilespmem:s7+$0x0];
	v3 =	vmax.f32 v3, $0.0e+00;
	v2 =	vadd.f32 v2, v8  }
0x10d: {  	v4 =	vadd.f32 v4, v5;
	[tilespmem:s24+$0xFFFFFF00] =	vst v3;
	v8 =	vld [tilespmem:s24+$0xFFFFFF50]  }
0x10e: {  	v3 =	vld [tilespmem:s21+$0xFFFFFF10];
	v2 =	vadd.f32 v6, v2  }
0x10f: {  	v5 =	vld [tilespmem:s24+$0xFFFFFFD0];
	v4 =	vadd.f32 v11, v4  }
0x110: {  	v6 =	vadd.f32 v10, v9;
	v10 =	vld [tilespmem:s7+$0xFFFFFF10];
	v2 =	vmax.f32 v2, $0.0e+00  }
0x111: {  	v9 =	vld [tilespmem:s24+$0x50];
	[tilespmem:s24+$0x90] =	vst v2;
	v2 =	vmax.f32 v4, $0.0e+00  }
0x112: {  	v4 =	vadd.f32 v7, v6;
	v6 =	vld [tilespmem:s24+$0xE0];
	[tilespmem:s24+$0xFFFFFF80] =	vst v2  }
0x113: {  	v3 =	vadd.f32 v8, v3;
	v7 =	vld [tilespmem:s21+$0xFFFFFF90]  }
0x114: {  	v2 =	vld [tilespmem:s21+$0xA0]  }
0x115: {  	v4 =	vmax.f32 v4, $0.0e+00;
	v3 =	vadd.f32 v10, v3;
	v10 =	vld [tilespmem:s7+$0xFFFFFF90]  }
0x116: {  	[tilespmem:s24+$0x0] =	vst v4;
	v4 =	vld [tilespmem:s7+$0xA0]  }
0x117: {  	v8 =	vld [tilespmem:s21+$0x10];
	v3 =	vmax.f32 v3, $0.0e+00  }
0x118: {  	v19 =	vld [tilespmem:s25+$0xFFFFFF00];
	[tilespmem:s24+$0xFFFFFF10] =	vst v3;
	v3 =	vadd.f32 v5, v7  }
0x119: {  	v2 =	vadd.f32 v6, v2;
	v6 =	vld [tilespmem:s7+$0x10]  }
0x11a: {  	v20 =	vld [tilespmem:s28+$0xFFFFFF00];
	v3 =	vadd.f32 v10, v3  }
0x11b: {  	v22 =	vld [tilespmem:s26+$0x40];
	v2 =	vadd.f32 v4, v2  }
0x11c: {  	v23 =	vld [tilespmem:s28+$0xFFFFFF80];
	v7 =	vadd.f32 v9, v8;
	v3 =	vmax.f32 v3, $0.0e+00  }
0x11d: {  	v4 =	vld [tilespmem:s24+$0xFFFFFFE0];
	v2 =	vmax.f32 v2, $0.0e+00;
	[tilespmem:s24+$0xFFFFFF90] =	vst v3  }
0x11e: {  	[tilespmem:s24+$0xA0] =	vst v2;
	v2 =	vadd.f32 v6, v7;
	v7 =	vld [tilespmem:s21+$0xFFFFFFA0]  }
0x11f: {  	v24 =	vld [tilespmem:s28+$0x0]  }
0x120: {  	v10 =	vld [tilespmem:s7+$0xFFFFFFA0]  }
0x121: {  	v48 =	vld [tilespmem:s26+$0xFFFFFF50]  }
0x122: {  	v49 =	vld [tilespmem:s26+$0xFFFFFFD0]  }
0x123: {  	v51 =	vld [tilespmem:s26+$0xFFFFFF60];
	v4 =	vadd.f32 v4, v7  }
0x124: {  	v7 =	vld [tilespmem:s25+$0x80]  }
0x125: {  	v4 =	vadd.f32 v10, v4;
	v10 =	vld [tilespmem:s26+$0xC0]  }
0x126: {  	v52 =	vld [tilespmem:s26+$0xE0]  }
0x127: {  	v58 =	vld [tilespmem:s26+$0x60]  }
0x128: {  	v11 =	vld [tilespmem:s24+$0xFFFFFF60]  }
0x129: {  	v5 =	vld [tilespmem:s21+$0xFFFFFF20]  }
0x12a: {  	v8 =	vld [tilespmem:s7+$0xFFFFFF20];
	v7 =	vadd.f32 v10, v7  }
0x12b: {  	v9 =	vld [tilespmem:s24+$0x60]  }
0x12c: {  	v6 =	vld [tilespmem:s24+$0xF0];
	v4 =	vmax.f32 v4, $0.0e+00;
	v7 =	vadd.f32 v15, v7  }
0x12d: {  	[tilespmem:s24+$0xFFFFFFA0] =	vst v4;
	v4 =	vld [tilespmem:s26+$0xFFFFFF40]  }
0x12e: {  	v3 =	vld [tilespmem:s21+$0xB0];
	v7 =	vmax.f32 v7, $0.0e+00  }
0x12f: {  	[tilespmem:s26+$0x80] =	vst v7;
	v7 =	vld [tilespmem:s26+$0xD0]  }
0x130: {  	v21 =	vld [tilespmem:s25+$0x90]  }
0x131: {  	v5 =	vadd.f32 v11, v5;
	v10 =	vld [tilespmem:s25+$0xFFFFFF80]  }
0x132: {  	v2 =	vmax.f32 v2, $0.0e+00;
	v4 =	vadd.f32 v4, v19;
	v47 =	vld [tilespmem:s28+$0x90]  }
0x133: {  	[tilespmem:s24+$0x10] =	vst v2;
	v2 =	vld [tilespmem:s7+$0xB0];
	v5 =	vadd.f32 v8, v5  }
0x134: {  	v8 =	vld [tilespmem:s21+$0x20];
	v15 =	vadd.f32 v22, v46;
	v4 =	vadd.f32 v20, v4  }
0x135: {  	v11 =	vld [tilespmem:s7+$0x20];
	v5 =	vmax.f32 v5, $0.0e+00;
	v7 =	vadd.f32 v7, v21  }
0x136: {  	[tilespmem:s24+$0xFFFFFF20] =	vst v5;
	v5 =	vld [tilespmem:s24+$0xFFFFFF70];
	v15 =	vadd.f32 v24, v15;
	v4 =	vmax.f32 v4, $0.0e+00  }
0x137: {  	v12 =	vld [tilespmem:s21+$0xFFFFFF30];
	v10 =	vadd.f32 v18, v10;
	[tilespmem:s26+$0xFFFFFF00] =	vst v4;
	v7 =	vadd.f32 v47, v7  }
0x138: {  	v15 =	vmax.f32 v15, $0.0e+00;
	v50 =	vld [tilespmem:s25+$0xFFFFFF10]  }
0x139: {  	v10 =	vadd.f32 v23, v10;
	[tilespmem:s26+$0x0] =	vst v15;
	v4 =	vld [tilespmem:s26+$0x50];
	v7 =	vmax.f32 v7, $0.0e+00  }
0x13a: {  	[tilespmem:s26+$0x90] =	vst v7;
	v7 =	vld [tilespmem:s28+$0xFFFFFF10]  }
0x13b: {  	v55 =	vld [tilespmem:s25+$0x10];
	v10 =	vmax.f32 v10, $0.0e+00  }
0x13c: {  	v3 =	vadd.f32 v6, v3;
	v56 =	vld [tilespmem:s28+$0x10];
	[tilespmem:s26+$0xFFFFFF80] =	vst v10  }
0x13d: {  	v53 =	vld [tilespmem:s25+$0xFFFFFF90];
	v18 =	vadd.f32 v48, v50  }
0x13e: {  	v2 =	vadd.f32 v2, v3;
	v10 =	vld [tilespmem:s25+$0xA0]  }
0x13f: {  	v8 =	vadd.f32 v9, v8;
	v9 =	vld [tilespmem:s28+$0xFFFFFF90];
	v7 =	vadd.f32 v7, v18  }
0x140: {  	v2 =	vmax.f32 v2, $0.0e+00;
	v54 =	vld [tilespmem:s28+$0xA0]  }
0x141: {  	v16 =	vld [tilespmem:s7+$0xFFFFFF30];
	v8 =	vadd.f32 v11, v8;
	[tilespmem:s24+$0xB0] =	vst v2;
	v4 =	vadd.f32 v4, v55;
	v7 =	vmax.f32 v7, $0.0e+00  }
0x142: {  	v2 =	vld [tilespmem:s26+$0x70];
	v11 =	vadd.f32 v49, v53;
	[tilespmem:s26+$0xFFFFFF10] =	vst v7  }
0x143: {  	v8 =	vmax.f32 v8, $0.0e+00;
	v4 =	vadd.f32 v56, v4;
	v10 =	vadd.f32 v52, v10;
	v57 =	vld [tilespmem:s25+$0xFFFFFF20]  }
0x144: {  	v17 =	vld [tilespmem:s21+$0xFFFFFFB0];
	[tilespmem:s24+$0x20] =	vst v8;
	v8 =	vadd.f32 v9, v11  }
0x145: {  	v4 =	vmax.f32 v4, $0.0e+00;
	v10 =	vadd.f32 v54, v10;
	v9 =	vld [tilespmem:s28+$0xFFFFFF20]  }
0x146: {  	v11 =	vld [tilespmem:s26+$0xF0];
	[tilespmem:s26+$0x10] =	vst v4;
	v8 =	vmax.f32 v8, $0.0e+00  }
0x147: {  	v61 =	vld [tilespmem:s25+$0x20];
	[tilespmem:s26+$0xFFFFFF90] =	vst v8;
	v10 =	vmax.f32 v10, $0.0e+00  }
0x148: {  	v60 =	vld [tilespmem:s25+$0xFFFFFFA0];
	[tilespmem:s26+$0xA0] =	vst v10;
	v59 =	vadd.f32 v51, v57  }
0x149: {  	v8 =	vld [tilespmem:s25+$0xB0]  }
0x14a: {  	v7 =	vld [tilespmem:s26+$0xFFFFFFE0];
	v9 =	vadd.f32 v9, v59  }
0x14b: {  	v4 =	vld [tilespmem:s28+$0xB0]  }
0x14c: {  	v6 =	vld [tilespmem:s28+$0xFFFFFFA0];
	v9 =	vmax.f32 v9, $0.0e+00  }
0x14d: {  	v5 =	vadd.f32 v5, v12;
	[tilespmem:s26+$0xFFFFFF20] =	vst v9;
	v9 =	vld [tilespmem:s28+$0x20]  }
0x14e: {  	v10 =	vld [tilespmem:s21+$0x30];
	v3 =	vadd.f32 v11, v8  }
0x14f: {  	v5 =	vadd.f32 v16, v5;
	v7 =	vadd.f32 v7, v60;
	v11 =	vld [tilespmem:s26+$0xFFFFFF70]  }
0x150: {  	v8 =	vadd.f32 v58, v61;
	v3 =	vadd.f32 v4, v3;
	v62 =	vld [tilespmem:s25+$0xFFFFFF30]  }
0x151: {  	v5 =	vmax.f32 v5, $0.0e+00;
	v7 =	vadd.f32 v6, v7;
	v4 =	vld [tilespmem:s26+$0xFFFFFFF0]  }
0x152: {  	[tilespmem:s24+$0xFFFFFF30] =	vst v5;
	v6 =	vld [tilespmem:s28+$0xFFFFFF30];
	v3 =	vmax.f32 v3, $0.0e+00;
	v5 =	vadd.f32 v9, v8  }
0x153: {  	[tilespmem:s26+$0xB0] =	vst v3;
	v8 =	vmax.f32 v7, $0.0e+00;
	v7 =	vld [tilespmem:s7+$0xFFFFFFB0]  }
0x154: {  	s30 =	simm.s32 $0x4340;
	s13 =	simm.s32 $0x4;
	v3 =	vadd.f32 v13, v17;
	[tilespmem:s26+$0xFFFFFFA0] =	vst v8;
	v8 =	vld [tilespmem:s7+$0x30];
	v63 =	vmax.f32 v5, $0.0e+00  }
0x155: {  	s1 =	simm.s32 $0x600;
	s21 =	simm.s32 $0x2400;
	s7 =	simm.s32 $0x4400;
	v5 =	vadd.f32 v14, v10;
	v10 =	vadd.f32 v11, v62;
	v9 =	vld [tilespmem:s25+$0xFFFFFFB0];
	[tilespmem:s26+$0x20] =	vst v63  }
.LBB2_5:
0x156: {  	v11 =	vld [tilespmem:s1+$0x80];
	s26 =	sadd.s32 $0x200, s26  }
0x157: {  	s13 =	sadd.s32 $0x4, s13;
	v12 =	vld [tilespmem:s26+$0xC0];
	v6 =	vadd.f32 v6, v10  }
0x158: {  	s28 =	sadd.s32 $0x200, s28;
	p2 =	slt.u32 s13, $0x3C;
	v10 =	vld [tilespmem:s26+$0xFFFFFF40];
	v7 =	vadd.f32 v7, v3  }
0x159: {  	v13 =	vld [tilespmem:s28+$0x80];
	v3 =	vmax.f32 v6, $0.0e+00;
	v5 =	vadd.f32 v8, v5  }
0x15a: {  	v6 =	vld [tilespmem:s1+$0xFFFFFF80];
	[tilespmem:s7+$0xFFFFFF30] =	vst v3;
	v3 =	vadd.f32 v4, v9;
	v4 =	vmax.f32 v7, $0.0e+00  }
0x15b: {  	v7 =	vld [tilespmem:s26+$0xFFFFFFC0];
	[tilespmem:s24+$0xFFFFFFB0] =	vst v4;
	v4 =	vmax.f32 v5, $0.0e+00  }
0x15c: {  	v5 =	vld [tilespmem:s1+$0x0];
	v8 =	vadd.f32 v12, v11;
	[tilespmem:s24+$0x30] =	vst v4;
	s24 =	smov.u32 s7;
	s7 =	smov.u32 s26  }
0x15d: {  	v4 =	vld [tilespmem:s26+$0x40]  }
0x15e: {  	v9 =	vld [tilespmem:s1+$0xFFFFFF00];
	v8 =	vadd.f32 v13, v8  }
0x15f: {  	v11 =	vld [tilespmem:s28+$0xFFFFFF00]  }
0x160: {  	v6 =	vadd.f32 v7, v6;
	v7 =	vld [tilespmem:s28+$0xFFFFFF80];
	v8 =	vmax.f32 v8, $0.0e+00  }
0x161: {  	[tilespmem:s26+$0x80] =	vst v8;
	v8 =	vld [tilespmem:s26+$0xD0]  }
0x162: {  	v4 =	vadd.f32 v4, v5;
	v5 =	vld [tilespmem:s1+$0x90]  }
0x163: {  	v9 =	vadd.f32 v10, v9;
	v10 =	vld [tilespmem:s28+$0x0]  }
0x164: {  	v12 =	vld [tilespmem:s28+$0x90]  }
0x165: {  	v9 =	vadd.f32 v11, v9;
	v11 =	vld [tilespmem:s26+$0xFFFFFF50];
	v6 =	vadd.f32 v7, v6  }
0x166: {  	v7 =	vld [tilespmem:s26+$0xFFFFFFD0]  }
0x167: {  	v9 =	vmax.f32 v9, $0.0e+00;
	v6 =	vmax.f32 v6, $0.0e+00;
	v13 =	vld [tilespmem:s26+$0x50];
	v5 =	vadd.f32 v8, v5  }
0x168: {  	[tilespmem:s26+$0xFFFFFF00] =	vst v9;
	v8 =	vld [tilespmem:s26+$0xFFFFFF60];
	v4 =	vadd.f32 v10, v4  }
0x169: {  	v9 =	vld [tilespmem:s1+$0xFFFFFF10];
	[tilespmem:s26+$0xFFFFFF80] =	vst v6;
	v5 =	vadd.f32 v12, v5  }
0x16a: {  	v6 =	vld [tilespmem:s1+$0xFFFFFF90];
	v4 =	vmax.f32 v4, $0.0e+00  }
0x16b: {  	v10 =	vld [tilespmem:s28+$0xFFFFFF10];
	[tilespmem:s26+$0x0] =	vst v4;
	v4 =	vmax.f32 v5, $0.0e+00  }
0x16c: {  	[tilespmem:s26+$0x90] =	vst v4;
	v4 =	vld [tilespmem:s26+$0xE0]  }
0x16d: {  	v5 =	vld [tilespmem:s1+$0xA0]  }
0x16e: {  	v9 =	vadd.f32 v11, v9;
	v11 =	vld [tilespmem:s1+$0x10]  }
0x16f: {  	v6 =	vadd.f32 v7, v6;
	v7 =	vld [tilespmem:s28+$0xA0]  }
0x170: {  	v9 =	vadd.f32 v10, v9;
	v10 =	vld [tilespmem:s28+$0xFFFFFF90]  }
0x171: {  	v12 =	vld [tilespmem:s28+$0x10]  }
0x172: {  	v9 =	vmax.f32 v9, $0.0e+00;
	v14 =	vld [tilespmem:s26+$0xFFFFFFE0];
	v4 =	vadd.f32 v4, v5  }
0x173: {  	[tilespmem:s26+$0xFFFFFF10] =	vst v9;
	v5 =	vadd.f32 v13, v11;
	v9 =	vld [tilespmem:s26+$0x60]  }
0x174: {  	v11 =	vld [tilespmem:s1+$0xFFFFFF20];
	v4 =	vadd.f32 v7, v4  }
0x175: {  	v7 =	vld [tilespmem:s28+$0xFFFFFF20];
	v6 =	vadd.f32 v10, v6  }
0x176: {  	v5 =	vadd.f32 v12, v5;
	v4 =	vmax.f32 v4, $0.0e+00;
	v10 =	vld [tilespmem:s25+$0x30];
	s25 =	smov.u32 s1  }
0x177: {  	v6 =	vmax.f32 v6, $0.0e+00;
	[tilespmem:s26+$0xA0] =	vst v4;
	v4 =	vld [tilespmem:s26+$0xF0]  }
0x178: {  	[tilespmem:s26+$0xFFFFFF90] =	vst v6;
	v5 =	vmax.f32 v5, $0.0e+00;
	v6 =	vld [tilespmem:s1+$0xB0]  }
0x179: {  	v8 =	vadd.f32 v8, v11;
	v11 =	vld [tilespmem:s1+$0xFFFFFFA0];
	[tilespmem:s26+$0x10] =	vst v5  }
0x17a: {  	v12 =	vld [tilespmem:s28+$0xB0]  }
0x17b: {  	v7 =	vadd.f32 v7, v8;
	v8 =	vld [tilespmem:s1+$0x20];
	v5 =	vadd.f32 v2, v10  }
0x17c: {  	v2 =	vld [tilespmem:s28+$0xFFFFFFA0]  }
0x17d: {  	v7 =	vmax.f32 v7, $0.0e+00;
	v10 =	vld [tilespmem:s28+$0x20];
	v4 =	vadd.f32 v4, v6  }
0x17e: {  	[tilespmem:s26+$0xFFFFFF20] =	vst v7;
	v13 =	vld [tilespmem:s26+$0xFFFFFF70];
	v6 =	vadd.f32 v14, v11  }
0x17f: {  	v11 =	vld [tilespmem:s1+$0xFFFFFF30];
	v7 =	vadd.f32 v12, v4  }
0x180: {  	v4 =	vld [tilespmem:s26+$0xFFFFFFF0];
	v8 =	vadd.f32 v9, v8  }
.Ltmp3:
0x181: {  	v9 =	vadd.f32 v2, v6;
	v2 =	vld [tilespmem:s26+$0x70];
	v7 =	vmax.f32 v7, $0.0e+00;
	(pc) =	sbr.rel @p2 .LBB2_5-.Ltmp3, $4  }
0x182: {  	v6 =	vld [tilespmem:s28+$0xFFFFFF30];
	v8 =	vadd.f32 v10, v8;
	[tilespmem:s26+$0xB0] =	vst v7  }
0x183: {  	v9 =	vmax.f32 v9, $0.0e+00;
	v7 =	vld [tilespmem:s21+$0xFFFFFFB0]  }
0x184: {  	v10 =	vadd.f32 v13, v11;
	[tilespmem:s26+$0xFFFFFFA0] =	vst v9;
	v11 =	vmax.f32 v8, $0.0e+00;
	v8 =	vld [tilespmem:s21+$0x30];
	s21 =	smov.u32 s28  }
0x185: {  	s1 =	sadd.s32 $0x200, s1;
	v9 =	vld [tilespmem:s25+$0xFFFFFFB0];
	[tilespmem:s26+$0x20] =	vst v11  }
0x186: {  	v11 =	vld [tilespmem:s25+$0x30]  }
0x187: {  	v12 =	vld [tilespmem:s21+$0xFFFFFFB0]  }
0x188: {  	v13 =	vld [tilespmem:s21+$0x30]  }
0x189: {  	v6 =	vadd.f32 v6, v10  }
0x18a: {  	v3 =	vadd.f32 v7, v3;
	v4 =	vadd.f32 v4, v9  }
0x18b: {  	v6 =	vmax.f32 v6, $0.0e+00;
	v5 =	vadd.f32 v8, v5;
	v2 =	vadd.f32 v2, v11  }
0x18c: {  	[tilespmem:s7+$0xFFFFFF30] =	vst v6;
	v3 =	vmax.f32 v3, $0.0e+00;
	v4 =	vadd.f32 v12, v4  }
0x18d: {  	[tilespmem:s24+$0xFFFFFFB0] =	vst v3;
	v3 =	vmax.f32 v5, $0.0e+00;
	v2 =	vadd.f32 v13, v2  }
0x18e: {  	[tilespmem:s24+$0x30] =	vst v3;
	v3 =	vmax.f32 v4, $0.0e+00  }
0x18f: {  	[tilespmem:s7+$0xFFFFFFB0] =	vst v3;
	v2 =	vmax.f32 v2, $0.0e+00  }
0x190: {  	[tilespmem:s7+$0x30] =	vst v2  }
0x191: {  	[tilespmem:s30+$0xFFFFFE00] =	vst v1  }
0x192: {  	[tilespmem:s30+$0x180] =	vst v1  }
0x193: {  	[tilespmem:s30+$0x100] =	vst v1  }
0x194: {  	[tilespmem:s30+$0x80] =	vst v1  }
0x195: {  	[tilespmem:s30+$0x0] =	vst v1  }
0x196: {  	[tilespmem:s30+$0xFFFFFF80] =	vst v1  }
0x197: {  	s1 =	simm.s32 $0x0;
	[tilespmem:s30+$0xFFFFFF00] =	vst v1  }
.LBB2_7:
0x198: {  	s1 =	sadd.s32 $0x8, s1;
	[tilespmem:s30+$0xFFFFFE80] =	vst v1;
	s30 =	sadd.s32 $0x400, s30  }
0x199: {  	[tilespmem:s30+$0xFFFFFE00] =	vst v1;
	p2 =	slt.u32 s1, $0x38  }
0x19a: {  	[tilespmem:s30+$0x180] =	vst v1  }
.Ltmp4:
0x19b: {  	[tilespmem:s30+$0x100] =	vst v1;
	(pc) =	sbr.rel @p2 .LBB2_7-.Ltmp4, $4  }
0x19c: {  	[tilespmem:s30+$0x80] =	vst v1  }
0x19d: {  	[tilespmem:s30+$0x0] =	vst v1  }
0x19e: {  	[tilespmem:s30+$0xFFFFFF80] =	vst v1  }
0x19f: {  	[tilespmem:s30+$0xFFFFFF00] =	vst v1  }
0x1a0: {  	[tilespmem:s30+$0xFFFFFE80] =	vst v1;
	s1 =	sadd.s32 $0x2, s23  }
0x1a1: {  	[spmem:s14] =	stream.indirect.scatter.add.f32 [tilespmem:s9], [sflag:$0x5], $0x80, s11, s0, $0xb8;
	[tilespmem:$0x1FA80] =	vst v63  }
0x1a2: {  	p2 =	sge.u32 s1, s29  }
0x1a3: {  	s24 =	sadd.s32 @!p2 s2, s1  }
0x1a4: {  	_ =	swait.ge [sflag:s10], $0x2000;
	s1 =	sshll.u32 @!p2 s24, $0x3  }
0x1a5: {  	[sflag:s10] =	ssyncset.done $0x0;
	s1 =	sand.u32 @!p2 $0x1FFFFFF8, s1  }
0x1a6: {  	s7 =	simm.s32 @!p2 $0x0;
	[sflag:s10] =	ssyncadd.s32 $0xFFFFE000;
	s4 =	sadd.s32 @!p2 s15, s1  }
0x1a7: {  	[tilespmem:s7], [sflag:$0x3] =	stream.linear.gather @!p2 [hbm4b:s4+s7], $0x40, $0x38;
	[tilespmem:$0x1FA80] =	vst v63  }
0x1a8: {  	s1 =	sadd.s32 @!p2 s16, s1;
	s4 =	simm.s32 @!p2 $0x80  }
0x1a9: {  	[tilespmem:s4], [sflag:$0x3] =	stream.linear.gather @!p2 [hbm4b:s1+s7], $0x40, $0x38;
	[tilespmem:$0x1FA80] =	vst v63  }
0x1aa: {  	_ =	swait.ge [sflag:s20], $0x2000  }
0x1ab: {  	[sflag:s20] =	ssyncset.done $0x0  }
0x1ac: {  	[sflag:s20] =	ssyncadd.s32 $0xFFFFE000  }
0x1ad: {  	_ =	swait.ge [sflag:s20], $0x2000  }
0x1ae: {  	[sflag:s20] =	ssyncset.done $0x0  }
0x1af: {  	[sflag:s20] =	ssyncadd.s32 $0xFFFFE000  }
0x1b0: {  	_ =	swait.ge [sflag:s20], $0x2000  }
0x1b1: {  	[sflag:s20] =	ssyncset.done $0x0  }
0x1b2: {  	s21 =	simm.s32 $0x6300;
	[sflag:s20] =	ssyncadd.s32 $0xFFFFE000  }
0x1b3: {  	s25 =	simm.s32 $0xA300;
	v2 =	vld [tilespmem:s21+$0x80]  }
0x1b4: {  	s13 =	simm.s32 $0x8300;
	v3 =	vld [tilespmem:s25+$0xC0]  }
0x1b5: {  	v4 =	vld [tilespmem:s13+$0x80]  }
0x1b6: {  	v5 =	vld [tilespmem:s21+$0xFFFFFF80]  }
0x1b7: {  	v6 =	vld [tilespmem:s21+$0xFFFFFF00]  }
0x1b8: {  	v7 =	vld [tilespmem:s13+$0xFFFFFF00]  }
0x1b9: {  	v9 =	vld [tilespmem:s21+$0x0]  }
0x1ba: {  	v10 =	vld [tilespmem:s25+$0x40]  }
0x1bb: {  	v11 =	vld [tilespmem:s13+$0xFFFFFF80];
	v2 =	vadd.f32 v3, v2  }
0x1bc: {  	v13 =	vld [tilespmem:s25+$0xFFFFFFF0]  }
0x1bd: {  	v3 =	vld [tilespmem:s25+$0xFFFFFF40];
	v2 =	vadd.f32 v4, v2  }
0x1be: {  	s30 =	simm.s32 $0x8500;
	v14 =	vld [tilespmem:s25+$0x70]  }
0x1bf: {  	v15 =	vld [tilespmem:s30+$0x80];
	v2 =	vmax.f32 v2, $0.0e+00  }
0x1c0: {  	[tilespmem:s25+$0x80] =	vst v2;
	v2 =	vld [tilespmem:s25+$0xD0]  }
0x1c1: {  	v8 =	vld [tilespmem:s21+$0x90]  }
0x1c2: {  	v4 =	vld [tilespmem:s25+$0xFFFFFFC0];
	v3 =	vadd.f32 v3, v6  }
0x1c3: {  	s28 =	simm.s32 $0xA500;
	v6 =	vld [tilespmem:s13+$0x90]  }
0x1c4: {  	s26 =	simm.s32 $0x6500;
	v18 =	vld [tilespmem:s28+$0xFFFFFFC0];
	v3 =	vadd.f32 v7, v3  }
0x1c5: {  	v46 =	vld [tilespmem:s26+$0x0]  }
0x1c6: {  	v7 =	vld [tilespmem:s13+$0x0];
	v3 =	vmax.f32 v3, $0.0e+00;
	v2 =	vadd.f32 v2, v8  }
0x1c7: {  	v4 =	vadd.f32 v4, v5;
	[tilespmem:s25+$0xFFFFFF00] =	vst v3;
	v8 =	vld [tilespmem:s25+$0xFFFFFF50]  }
0x1c8: {  	v3 =	vld [tilespmem:s21+$0xFFFFFF10];
	v2 =	vadd.f32 v6, v2  }
0x1c9: {  	v5 =	vld [tilespmem:s25+$0xFFFFFFD0];
	v4 =	vadd.f32 v11, v4  }
0x1ca: {  	v6 =	vadd.f32 v10, v9;
	v10 =	vld [tilespmem:s13+$0xFFFFFF10];
	v2 =	vmax.f32 v2, $0.0e+00  }
0x1cb: {  	v9 =	vld [tilespmem:s25+$0x50];
	[tilespmem:s25+$0x90] =	vst v2;
	v2 =	vmax.f32 v4, $0.0e+00  }
0x1cc: {  	v4 =	vadd.f32 v7, v6;
	v6 =	vld [tilespmem:s25+$0xE0];
	[tilespmem:s25+$0xFFFFFF80] =	vst v2  }
0x1cd: {  	v3 =	vadd.f32 v8, v3;
	v7 =	vld [tilespmem:s21+$0xFFFFFF90]  }
0x1ce: {  	v2 =	vld [tilespmem:s21+$0xA0]  }
0x1cf: {  	v4 =	vmax.f32 v4, $0.0e+00;
	v3 =	vadd.f32 v10, v3;
	v10 =	vld [tilespmem:s13+$0xFFFFFF90]  }
0x1d0: {  	[tilespmem:s25+$0x0] =	vst v4;
	v4 =	vld [tilespmem:s13+$0xA0]  }
0x1d1: {  	v8 =	vld [tilespmem:s21+$0x10];
	v3 =	vmax.f32 v3, $0.0e+00  }
0x1d2: {  	v19 =	vld [tilespmem:s26+$0xFFFFFF00];
	[tilespmem:s25+$0xFFFFFF10] =	vst v3;
	v3 =	vadd.f32 v5, v7  }
0x1d3: {  	v2 =	vadd.f32 v6, v2;
	v6 =	vld [tilespmem:s13+$0x10]  }
0x1d4: {  	v20 =	vld [tilespmem:s30+$0xFFFFFF00];
	v3 =	vadd.f32 v10, v3  }
0x1d5: {  	v22 =	vld [tilespmem:s28+$0x40];
	v2 =	vadd.f32 v4, v2  }
0x1d6: {  	v23 =	vld [tilespmem:s30+$0xFFFFFF80];
	v7 =	vadd.f32 v9, v8;
	v3 =	vmax.f32 v3, $0.0e+00  }
0x1d7: {  	v4 =	vld [tilespmem:s25+$0xFFFFFFE0];
	v2 =	vmax.f32 v2, $0.0e+00;
	[tilespmem:s25+$0xFFFFFF90] =	vst v3  }
0x1d8: {  	[tilespmem:s25+$0xA0] =	vst v2;
	v2 =	vadd.f32 v6, v7;
	v7 =	vld [tilespmem:s21+$0xFFFFFFA0]  }
0x1d9: {  	v24 =	vld [tilespmem:s30+$0x0]  }
0x1da: {  	v10 =	vld [tilespmem:s13+$0xFFFFFFA0]  }
0x1db: {  	v48 =	vld [tilespmem:s28+$0xFFFFFF50]  }
0x1dc: {  	v49 =	vld [tilespmem:s28+$0xFFFFFFD0]  }
0x1dd: {  	v51 =	vld [tilespmem:s28+$0xFFFFFF60];
	v4 =	vadd.f32 v4, v7  }
0x1de: {  	v7 =	vld [tilespmem:s26+$0x80]  }
0x1df: {  	v4 =	vadd.f32 v10, v4;
	v10 =	vld [tilespmem:s28+$0xC0]  }
0x1e0: {  	v52 =	vld [tilespmem:s28+$0xE0]  }
0x1e1: {  	v58 =	vld [tilespmem:s28+$0x60]  }
0x1e2: {  	v11 =	vld [tilespmem:s25+$0xFFFFFF60]  }
0x1e3: {  	v5 =	vld [tilespmem:s21+$0xFFFFFF20]  }
0x1e4: {  	v8 =	vld [tilespmem:s13+$0xFFFFFF20];
	v7 =	vadd.f32 v10, v7  }
0x1e5: {  	v9 =	vld [tilespmem:s25+$0x60]  }
0x1e6: {  	v6 =	vld [tilespmem:s25+$0xF0];
	v4 =	vmax.f32 v4, $0.0e+00;
	v7 =	vadd.f32 v15, v7  }
0x1e7: {  	[tilespmem:s25+$0xFFFFFFA0] =	vst v4;
	v4 =	vld [tilespmem:s28+$0xFFFFFF40]  }
0x1e8: {  	v3 =	vld [tilespmem:s21+$0xB0];
	v7 =	vmax.f32 v7, $0.0e+00  }
0x1e9: {  	[tilespmem:s28+$0x80] =	vst v7;
	v7 =	vld [tilespmem:s28+$0xD0]  }
0x1ea: {  	v21 =	vld [tilespmem:s26+$0x90]  }
0x1eb: {  	v5 =	vadd.f32 v11, v5;
	v10 =	vld [tilespmem:s26+$0xFFFFFF80]  }
0x1ec: {  	v2 =	vmax.f32 v2, $0.0e+00;
	v4 =	vadd.f32 v4, v19;
	v47 =	vld [tilespmem:s30+$0x90]  }
0x1ed: {  	[tilespmem:s25+$0x10] =	vst v2;
	v2 =	vld [tilespmem:s13+$0xB0];
	v5 =	vadd.f32 v8, v5  }
0x1ee: {  	v8 =	vld [tilespmem:s21+$0x20];
	v15 =	vadd.f32 v22, v46;
	v4 =	vadd.f32 v20, v4  }
0x1ef: {  	v11 =	vld [tilespmem:s13+$0x20];
	v5 =	vmax.f32 v5, $0.0e+00;
	v7 =	vadd.f32 v7, v21  }
0x1f0: {  	[tilespmem:s25+$0xFFFFFF20] =	vst v5;
	v5 =	vld [tilespmem:s25+$0xFFFFFF70];
	v15 =	vadd.f32 v24, v15;
	v4 =	vmax.f32 v4, $0.0e+00  }
0x1f1: {  	v12 =	vld [tilespmem:s21+$0xFFFFFF30];
	v10 =	vadd.f32 v18, v10;
	[tilespmem:s28+$0xFFFFFF00] =	vst v4;
	v7 =	vadd.f32 v47, v7  }
0x1f2: {  	v15 =	vmax.f32 v15, $0.0e+00;
	v50 =	vld [tilespmem:s26+$0xFFFFFF10]  }
0x1f3: {  	v10 =	vadd.f32 v23, v10;
	[tilespmem:s28+$0x0] =	vst v15;
	v4 =	vld [tilespmem:s28+$0x50];
	v7 =	vmax.f32 v7, $0.0e+00  }
0x1f4: {  	[tilespmem:s28+$0x90] =	vst v7;
	v7 =	vld [tilespmem:s30+$0xFFFFFF10]  }
0x1f5: {  	v55 =	vld [tilespmem:s26+$0x10];
	v10 =	vmax.f32 v10, $0.0e+00  }
0x1f6: {  	v3 =	vadd.f32 v6, v3;
	v56 =	vld [tilespmem:s30+$0x10];
	[tilespmem:s28+$0xFFFFFF80] =	vst v10  }
0x1f7: {  	v53 =	vld [tilespmem:s26+$0xFFFFFF90];
	v18 =	vadd.f32 v48, v50  }
0x1f8: {  	v2 =	vadd.f32 v2, v3;
	v10 =	vld [tilespmem:s26+$0xA0]  }
0x1f9: {  	v8 =	vadd.f32 v9, v8;
	v9 =	vld [tilespmem:s30+$0xFFFFFF90];
	v7 =	vadd.f32 v7, v18  }
0x1fa: {  	v2 =	vmax.f32 v2, $0.0e+00;
	v54 =	vld [tilespmem:s30+$0xA0]  }
0x1fb: {  	v16 =	vld [tilespmem:s13+$0xFFFFFF30];
	v8 =	vadd.f32 v11, v8;
	[tilespmem:s25+$0xB0] =	vst v2;
	v4 =	vadd.f32 v4, v55;
	v7 =	vmax.f32 v7, $0.0e+00  }
0x1fc: {  	v2 =	vld [tilespmem:s28+$0x70];
	v11 =	vadd.f32 v49, v53;
	[tilespmem:s28+$0xFFFFFF10] =	vst v7  }
0x1fd: {  	v8 =	vmax.f32 v8, $0.0e+00;
	v4 =	vadd.f32 v56, v4;
	v10 =	vadd.f32 v52, v10;
	v57 =	vld [tilespmem:s26+$0xFFFFFF20]  }
0x1fe: {  	v17 =	vld [tilespmem:s21+$0xFFFFFFB0];
	[tilespmem:s25+$0x20] =	vst v8;
	v8 =	vadd.f32 v9, v11  }
0x1ff: {  	v4 =	vmax.f32 v4, $0.0e+00;
	v10 =	vadd.f32 v54, v10;
	v9 =	vld [tilespmem:s30+$0xFFFFFF20]  }
0x200: {  	v11 =	vld [tilespmem:s28+$0xF0];
	[tilespmem:s28+$0x10] =	vst v4;
	v8 =	vmax.f32 v8, $0.0e+00  }
0x201: {  	v61 =	vld [tilespmem:s26+$0x20];
	[tilespmem:s28+$0xFFFFFF90] =	vst v8;
	v10 =	vmax.f32 v10, $0.0e+00  }
0x202: {  	v60 =	vld [tilespmem:s26+$0xFFFFFFA0];
	[tilespmem:s28+$0xA0] =	vst v10;
	v59 =	vadd.f32 v51, v57  }
0x203: {  	v8 =	vld [tilespmem:s26+$0xB0]  }
0x204: {  	v7 =	vld [tilespmem:s28+$0xFFFFFFE0];
	v9 =	vadd.f32 v9, v59  }
0x205: {  	v4 =	vld [tilespmem:s30+$0xB0]  }
0x206: {  	v6 =	vld [tilespmem:s30+$0xFFFFFFA0];
	v9 =	vmax.f32 v9, $0.0e+00  }
0x207: {  	v5 =	vadd.f32 v5, v12;
	[tilespmem:s28+$0xFFFFFF20] =	vst v9;
	v9 =	vld [tilespmem:s30+$0x20]  }
0x208: {  	v10 =	vld [tilespmem:s21+$0x30];
	v3 =	vadd.f32 v11, v8  }
0x209: {  	v5 =	vadd.f32 v16, v5;
	v7 =	vadd.f32 v7, v60;
	v11 =	vld [tilespmem:s28+$0xFFFFFF70]  }
0x20a: {  	v8 =	vadd.f32 v58, v61;
	v3 =	vadd.f32 v4, v3;
	v62 =	vld [tilespmem:s26+$0xFFFFFF30]  }
0x20b: {  	v5 =	vmax.f32 v5, $0.0e+00;
	v7 =	vadd.f32 v6, v7;
	v4 =	vld [tilespmem:s28+$0xFFFFFFF0]  }
0x20c: {  	[tilespmem:s25+$0xFFFFFF30] =	vst v5;
	v6 =	vld [tilespmem:s30+$0xFFFFFF30];
	v3 =	vmax.f32 v3, $0.0e+00;
	v5 =	vadd.f32 v9, v8  }
0x20d: {  	[tilespmem:s28+$0xB0] =	vst v3;
	v8 =	vmax.f32 v7, $0.0e+00;
	v7 =	vld [tilespmem:s13+$0xFFFFFFB0]  }
0x20e: {  	s7 =	simm.s32 $0xA440;
	s4 =	simm.s32 $0x6700;
	v3 =	vadd.f32 v13, v17;
	[tilespmem:s28+$0xFFFFFFA0] =	vst v8;
	v8 =	vld [tilespmem:s13+$0x30];
	v63 =	vmax.f32 v5, $0.0e+00  }
0x20f: {  	s1 =	simm.s32 $0x8500;
	s21 =	simm.s32 $0x4;
	s13 =	simm.s32 $0xA500;
	v5 =	vadd.f32 v14, v10;
	v10 =	vadd.f32 v11, v62;
	v9 =	vld [tilespmem:s26+$0xFFFFFFB0];
	[tilespmem:s28+$0x20] =	vst v63  }
.LBB2_9:
0x210: {  	v11 =	vld [tilespmem:s4+$0x80];
	s28 =	sadd.s32 $0x200, s28  }
0x211: {  	s21 =	sadd.s32 $0x4, s21;
	v12 =	vld [tilespmem:s28+$0xC0];
	v6 =	vadd.f32 v6, v10  }
0x212: {  	s30 =	sadd.s32 $0x200, s30;
	p3 =	slt.u32 s21, $0x3C;
	v10 =	vld [tilespmem:s28+$0xFFFFFF40];
	v7 =	vadd.f32 v7, v3  }
0x213: {  	v13 =	vld [tilespmem:s30+$0x80];
	v3 =	vmax.f32 v6, $0.0e+00;
	v5 =	vadd.f32 v8, v5  }
0x214: {  	v6 =	vld [tilespmem:s4+$0xFFFFFF80];
	[tilespmem:s13+$0xFFFFFF30] =	vst v3;
	v3 =	vadd.f32 v4, v9;
	v4 =	vmax.f32 v7, $0.0e+00  }
0x215: {  	v7 =	vld [tilespmem:s28+$0xFFFFFFC0];
	[tilespmem:s25+$0xFFFFFFB0] =	vst v4;
	v4 =	vmax.f32 v5, $0.0e+00  }
0x216: {  	v5 =	vld [tilespmem:s4+$0x0];
	v8 =	vadd.f32 v12, v11;
	[tilespmem:s25+$0x30] =	vst v4;
	s25 =	smov.u32 s13;
	s13 =	smov.u32 s28  }
0x217: {  	v4 =	vld [tilespmem:s28+$0x40]  }
0x218: {  	v9 =	vld [tilespmem:s4+$0xFFFFFF00];
	v8 =	vadd.f32 v13, v8  }
0x219: {  	v11 =	vld [tilespmem:s30+$0xFFFFFF00]  }
0x21a: {  	v6 =	vadd.f32 v7, v6;
	v7 =	vld [tilespmem:s30+$0xFFFFFF80];
	v8 =	vmax.f32 v8, $0.0e+00  }
0x21b: {  	[tilespmem:s28+$0x80] =	vst v8;
	v8 =	vld [tilespmem:s28+$0xD0]  }
0x21c: {  	v4 =	vadd.f32 v4, v5;
	v5 =	vld [tilespmem:s4+$0x90]  }
0x21d: {  	v9 =	vadd.f32 v10, v9;
	v10 =	vld [tilespmem:s30+$0x0]  }
0x21e: {  	v12 =	vld [tilespmem:s30+$0x90]  }
0x21f: {  	v9 =	vadd.f32 v11, v9;
	v11 =	vld [tilespmem:s28+$0xFFFFFF50];
	v6 =	vadd.f32 v7, v6  }
0x220: {  	v7 =	vld [tilespmem:s28+$0xFFFFFFD0]  }
0x221: {  	v9 =	vmax.f32 v9, $0.0e+00;
	v6 =	vmax.f32 v6, $0.0e+00;
	v13 =	vld [tilespmem:s28+$0x50];
	v5 =	vadd.f32 v8, v5  }
0x222: {  	[tilespmem:s28+$0xFFFFFF00] =	vst v9;
	v8 =	vld [tilespmem:s28+$0xFFFFFF60];
	v4 =	vadd.f32 v10, v4  }
0x223: {  	v9 =	vld [tilespmem:s4+$0xFFFFFF10];
	[tilespmem:s28+$0xFFFFFF80] =	vst v6;
	v5 =	vadd.f32 v12, v5  }
0x224: {  	v6 =	vld [tilespmem:s4+$0xFFFFFF90];
	v4 =	vmax.f32 v4, $0.0e+00  }
0x225: {  	v10 =	vld [tilespmem:s30+$0xFFFFFF10];
	[tilespmem:s28+$0x0] =	vst v4;
	v4 =	vmax.f32 v5, $0.0e+00  }
0x226: {  	[tilespmem:s28+$0x90] =	vst v4;
	v4 =	vld [tilespmem:s28+$0xE0]  }
0x227: {  	v5 =	vld [tilespmem:s4+$0xA0]  }
0x228: {  	v9 =	vadd.f32 v11, v9;
	v11 =	vld [tilespmem:s4+$0x10]  }
0x229: {  	v6 =	vadd.f32 v7, v6;
	v7 =	vld [tilespmem:s30+$0xA0]  }
0x22a: {  	v9 =	vadd.f32 v10, v9;
	v10 =	vld [tilespmem:s30+$0xFFFFFF90]  }
0x22b: {  	v12 =	vld [tilespmem:s30+$0x10]  }
0x22c: {  	v9 =	vmax.f32 v9, $0.0e+00;
	v14 =	vld [tilespmem:s28+$0xFFFFFFE0];
	v4 =	vadd.f32 v4, v5  }
0x22d: {  	[tilespmem:s28+$0xFFFFFF10] =	vst v9;
	v5 =	vadd.f32 v13, v11;
	v9 =	vld [tilespmem:s28+$0x60]  }
0x22e: {  	v11 =	vld [tilespmem:s4+$0xFFFFFF20];
	v4 =	vadd.f32 v7, v4  }
0x22f: {  	v7 =	vld [tilespmem:s30+$0xFFFFFF20];
	v6 =	vadd.f32 v10, v6  }
0x230: {  	v5 =	vadd.f32 v12, v5;
	v4 =	vmax.f32 v4, $0.0e+00;
	v10 =	vld [tilespmem:s26+$0x30];
	s26 =	smov.u32 s4  }
0x231: {  	v6 =	vmax.f32 v6, $0.0e+00;
	[tilespmem:s28+$0xA0] =	vst v4;
	v4 =	vld [tilespmem:s28+$0xF0]  }
0x232: {  	[tilespmem:s28+$0xFFFFFF90] =	vst v6;
	v5 =	vmax.f32 v5, $0.0e+00;
	v6 =	vld [tilespmem:s4+$0xB0]  }
0x233: {  	v8 =	vadd.f32 v8, v11;
	v11 =	vld [tilespmem:s4+$0xFFFFFFA0];
	[tilespmem:s28+$0x10] =	vst v5  }
0x234: {  	v12 =	vld [tilespmem:s30+$0xB0]  }
0x235: {  	v7 =	vadd.f32 v7, v8;
	v8 =	vld [tilespmem:s4+$0x20];
	v5 =	vadd.f32 v2, v10  }
0x236: {  	v2 =	vld [tilespmem:s30+$0xFFFFFFA0]  }
0x237: {  	v7 =	vmax.f32 v7, $0.0e+00;
	v10 =	vld [tilespmem:s30+$0x20];
	v4 =	vadd.f32 v4, v6  }
0x238: {  	[tilespmem:s28+$0xFFFFFF20] =	vst v7;
	v13 =	vld [tilespmem:s28+$0xFFFFFF70];
	v6 =	vadd.f32 v14, v11  }
0x239: {  	v11 =	vld [tilespmem:s4+$0xFFFFFF30];
	v7 =	vadd.f32 v12, v4  }
0x23a: {  	v4 =	vld [tilespmem:s28+$0xFFFFFFF0];
	v8 =	vadd.f32 v9, v8  }
.Ltmp5:
0x23b: {  	v9 =	vadd.f32 v2, v6;
	v2 =	vld [tilespmem:s28+$0x70];
	v7 =	vmax.f32 v7, $0.0e+00;
	(pc) =	sbr.rel @p3 .LBB2_9-.Ltmp5, $4  }
0x23c: {  	v6 =	vld [tilespmem:s30+$0xFFFFFF30];
	v8 =	vadd.f32 v10, v8;
	[tilespmem:s28+$0xB0] =	vst v7  }
0x23d: {  	v9 =	vmax.f32 v9, $0.0e+00;
	v7 =	vld [tilespmem:s1+$0xFFFFFFB0]  }
0x23e: {  	v10 =	vadd.f32 v13, v11;
	[tilespmem:s28+$0xFFFFFFA0] =	vst v9;
	v11 =	vmax.f32 v8, $0.0e+00;
	v8 =	vld [tilespmem:s1+$0x30];
	s1 =	smov.u32 s30  }
0x23f: {  	s4 =	sadd.s32 $0x200, s4;
	v9 =	vld [tilespmem:s26+$0xFFFFFFB0];
	[tilespmem:s28+$0x20] =	vst v11  }
0x240: {  	v11 =	vld [tilespmem:s26+$0x30]  }
0x241: {  	v12 =	vld [tilespmem:s1+$0xFFFFFFB0]  }
0x242: {  	v13 =	vld [tilespmem:s1+$0x30]  }
0x243: {  	v6 =	vadd.f32 v6, v10  }
0x244: {  	v3 =	vadd.f32 v7, v3;
	v4 =	vadd.f32 v4, v9  }
0x245: {  	v6 =	vmax.f32 v6, $0.0e+00;
	v5 =	vadd.f32 v8, v5;
	v2 =	vadd.f32 v2, v11  }
0x246: {  	[tilespmem:s13+$0xFFFFFF30] =	vst v6;
	v3 =	vmax.f32 v3, $0.0e+00;
	v4 =	vadd.f32 v12, v4  }
0x247: {  	[tilespmem:s25+$0xFFFFFFB0] =	vst v3;
	v3 =	vmax.f32 v5, $0.0e+00;
	v2 =	vadd.f32 v13, v2  }
0x248: {  	[tilespmem:s25+$0x30] =	vst v3;
	v3 =	vmax.f32 v4, $0.0e+00  }
0x249: {  	[tilespmem:s13+$0xFFFFFFB0] =	vst v3;
	v2 =	vmax.f32 v2, $0.0e+00  }
0x24a: {  	[tilespmem:s13+$0x30] =	vst v2  }
0x24b: {  	[tilespmem:s7+$0xFFFFFE00] =	vst v1  }
0x24c: {  	[tilespmem:s7+$0x180] =	vst v1  }
0x24d: {  	[tilespmem:s7+$0x100] =	vst v1  }
0x24e: {  	[tilespmem:s7+$0x80] =	vst v1  }
0x24f: {  	[tilespmem:s7+$0x0] =	vst v1  }
0x250: {  	[tilespmem:s7+$0xFFFFFF80] =	vst v1  }
0x251: {  	s1 =	simm.s32 $0x0;
	[tilespmem:s7+$0xFFFFFF00] =	vst v1  }
.LBB2_11:
0x252: {  	s1 =	sadd.s32 $0x8, s1;
	[tilespmem:s7+$0xFFFFFE80] =	vst v1;
	s7 =	sadd.s32 $0x400, s7  }
0x253: {  	[tilespmem:s7+$0xFFFFFE00] =	vst v1;
	p3 =	slt.u32 s1, $0x38  }
0x254: {  	[tilespmem:s7+$0x180] =	vst v1  }
.Ltmp6:
0x255: {  	[tilespmem:s7+$0x100] =	vst v1;
	(pc) =	sbr.rel @p3 .LBB2_11-.Ltmp6, $4  }
0x256: {  	[tilespmem:s7+$0x80] =	vst v1  }
0x257: {  	[tilespmem:s7+$0x0] =	vst v1  }
0x258: {  	[tilespmem:s7+$0xFFFFFF80] =	vst v1  }
0x259: {  	[tilespmem:s7+$0xFFFFFF00] =	vst v1  }
0x25a: {  	[tilespmem:s7+$0xFFFFFE80] =	vst v1;
	s1 =	sadd.s32 $0x3, s23  }
0x25b: {  	[spmem:s14] =	stream.indirect.scatter.add.f32 [tilespmem:s5], [sflag:$0x5], $0x80, s31, s0, $0xb8;
	[tilespmem:$0x1FA80] =	vst v63  }
0x25c: {  	p3 =	sge.u32 s1, s29  }
0x25d: {  	s1 =	sadd.s32 @!p3 s2, s1  }
0x25e: {  	_ =	swait.ge [sflag:s10], $0x2000;
	s1 =	sshll.u32 @!p3 s1, $0x3  }
0x25f: {  	s7 =	simm.s32 @!p3 $0x0;
	[sflag:s10] =	ssyncset.done $0x0;
	s1 =	sand.u32 @!p3 $0x1FFFFFF8, s1  }
0x260: {  	s13 =	simm.s32 @!p3 $0x6100;
	[sflag:s10] =	ssyncadd.s32 $0xFFFFE000;
	s4 =	sadd.s32 @!p3 s15, s1  }
0x261: {  	[tilespmem:s13], [sflag:$0x4] =	stream.linear.gather @!p3 [hbm4b:s4+s7], $0x40, $0x38;
	[tilespmem:$0x1FA80] =	vst v63  }
0x262: {  	s1 =	sadd.s32 @!p3 s16, s1;
	s4 =	simm.s32 @!p3 $0x6180  }
0x263: {  	[tilespmem:s4], [sflag:$0x4] =	stream.linear.gather @!p3 [hbm4b:s1+s7], $0x40, $0x38;
	[tilespmem:$0x1FA80] =	vst v63  }
0x264: {  	s1 =	simm.s32 @!p2 $0x3  }
0x265: {  	_ =	swait.ge @!p2 [sflag:s1], $0x40  }
0x266: {  	[sflag:s1] =	ssyncset.done @!p2 $0x0  }
0x267: {  	[sflag:s1] =	ssyncadd.s32 @!p2 $0xFFFFFFC0  }
0x268: {  	_ =	swait.ge @!p2 [sflag:s1], $0x40  }
0x269: {  	s4 =	simm.s32 @!p2 $0x0;
	[sflag:s1] =	ssyncset.done @!p2 $0x0  }
0x26a: {  	s7 =	simm.s32 @!p2 $0x100;
	[sflag:s1] =	ssyncadd.s32 @!p2 $0xFFFFFFC0;
	s1 =	simm.s32 @!p2 $0x40  }
0x26b: {  	[tilespmem:s7], [sflag:$0x1] =	stream.indirect.gather @!p2 [hbm4b:s17+s1], $0x80, s4, s1, $0xb8;
	[tilespmem:$0x1FA80] =	vst v63  }
0x26c: {  	s13 =	simm.s32 @!p2 $0x4100;
	s7 =	simm.s32 @!p2 $0x80  }
0x26d: {  	[tilespmem:s13], [sflag:$0x1] =	stream.indirect.gather @!p2 [hbm4b:s17+s1], $0x80, s7, s1, $0xb8;
	[tilespmem:$0x1FA80] =	vst v63  }
0x26e: {  	s1 =	sshll.u32 @!p2 s24, $0xA  }
0x26f: {  	s1 =	sand.u32 @!p2 $0x1FFFFC00, s1  }
0x270: {  	s22 =	sadd.s32 $0x1, s22;
	s7 =	simm.s32 @!p2 $0x2100;
	s1 =	sadd.s32 @!p2 s18, s1  }
0x271: {  	[tilespmem:s7], [sflag:$0x1] =	stream.linear.gather @!p2 [hbm4b:s1+s4], $0x2000, $0x38;
	[tilespmem:$0x1FA80] =	vst v63  }
0x272: {  	p2 =	sne.s32 s22, $0x4E  }
.Ltmp7:
0x273: {  	_ = 	snop;
	(pc) =	sbr.rel @p2 .LBB2_4-.Ltmp7, $1  }
0x274: {  	_ =	sdelay $0x3  }
.Ltmp8:
0x275: {  	(pc) =	sbr.rel @p0 .LBB2_19-.Ltmp8, $3  }
0x276: {  	_ =	sdelay $0x1  }
0x277: {  	s28 =	rddreg [dreg:$0x14]  }
0x278: {  	s30 =	sld [smem:$0x7FD]  }
0x279: {  	_ =	swait.ge [sflag:s19], $0x2000  }
0x27a: {  	[sflag:s19] =	ssyncset.done $0x0  }
0x27b: {  	[sflag:s19] =	ssyncadd.s32 $0xFFFFE000  }
0x27c: {  	_ =	swait.ge [sflag:s19], $0x2000  }
0x27d: {  	[sflag:s19] =	ssyncset.done $0x0  }
0x27e: {  	[sflag:s19] =	ssyncadd.s32 $0xFFFFE000  }
0x27f: {  	_ =	swait.ge [sflag:s19], $0x2000  }
0x280: {  	[sflag:s19] =	ssyncset.done $0x0  }
0x281: {  	s1 =	simm.s32 $0x200;
	[sflag:s19] =	ssyncadd.s32 $0xFFFFE000  }
0x282: {  	s22 =	simm.s32 $0x4200;
	v2 =	vld [tilespmem:s1+$0x80]  }
0x283: {  	s7 =	simm.s32 $0x2200;
	v3 =	vld [tilespmem:s22+$0xC0]  }
0x284: {  	v4 =	vld [tilespmem:s7+$0x80]  }
0x285: {  	v5 =	vld [tilespmem:s1+$0xFFFFFF80]  }
0x286: {  	v6 =	vld [tilespmem:s1+$0xFFFFFF00]  }
0x287: {  	v7 =	vld [tilespmem:s7+$0xFFFFFF00]  }
0x288: {  	v9 =	vld [tilespmem:s1+$0x0]  }
0x289: {  	v10 =	vld [tilespmem:s22+$0x40]  }
0x28a: {  	v11 =	vld [tilespmem:s7+$0xFFFFFF80];
	v2 =	vadd.f32 v3, v2  }
0x28b: {  	v13 =	vld [tilespmem:s22+$0xFFFFFFF0]  }
0x28c: {  	v3 =	vld [tilespmem:s22+$0xFFFFFF40];
	v2 =	vadd.f32 v4, v2  }
0x28d: {  	s25 =	simm.s32 $0x2400;
	v14 =	vld [tilespmem:s22+$0x70]  }
0x28e: {  	v15 =	vld [tilespmem:s25+$0x80];
	v2 =	vmax.f32 v2, $0.0e+00  }
0x28f: {  	[tilespmem:s22+$0x80] =	vst v2;
	v2 =	vld [tilespmem:s22+$0xD0]  }
0x290: {  	v8 =	vld [tilespmem:s1+$0x90]  }
0x291: {  	v4 =	vld [tilespmem:s22+$0xFFFFFFC0];
	v3 =	vadd.f32 v3, v6  }
0x292: {  	s24 =	simm.s32 $0x4400;
	v6 =	vld [tilespmem:s7+$0x90]  }
0x293: {  	s23 =	simm.s32 $0x400;
	v18 =	vld [tilespmem:s24+$0xFFFFFFC0];
	v3 =	vadd.f32 v7, v3  }
0x294: {  	v46 =	vld [tilespmem:s23+$0x0]  }
0x295: {  	v7 =	vld [tilespmem:s7+$0x0];
	v3 =	vmax.f32 v3, $0.0e+00;
	v2 =	vadd.f32 v2, v8  }
0x296: {  	v4 =	vadd.f32 v4, v5;
	[tilespmem:s22+$0xFFFFFF00] =	vst v3;
	v8 =	vld [tilespmem:s22+$0xFFFFFF50]  }
0x297: {  	v3 =	vld [tilespmem:s1+$0xFFFFFF10];
	v2 =	vadd.f32 v6, v2  }
0x298: {  	v5 =	vld [tilespmem:s22+$0xFFFFFFD0];
	v4 =	vadd.f32 v11, v4  }
0x299: {  	v6 =	vadd.f32 v10, v9;
	v10 =	vld [tilespmem:s7+$0xFFFFFF10];
	v2 =	vmax.f32 v2, $0.0e+00  }
0x29a: {  	v9 =	vld [tilespmem:s22+$0x50];
	[tilespmem:s22+$0x90] =	vst v2;
	v2 =	vmax.f32 v4, $0.0e+00  }
0x29b: {  	v4 =	vadd.f32 v7, v6;
	v6 =	vld [tilespmem:s22+$0xE0];
	[tilespmem:s22+$0xFFFFFF80] =	vst v2  }
0x29c: {  	v3 =	vadd.f32 v8, v3;
	v7 =	vld [tilespmem:s1+$0xFFFFFF90]  }
0x29d: {  	v2 =	vld [tilespmem:s1+$0xA0]  }
0x29e: {  	v4 =	vmax.f32 v4, $0.0e+00;
	v3 =	vadd.f32 v10, v3;
	v10 =	vld [tilespmem:s7+$0xFFFFFF90]  }
0x29f: {  	[tilespmem:s22+$0x0] =	vst v4;
	v4 =	vld [tilespmem:s7+$0xA0]  }
0x2a0: {  	v8 =	vld [tilespmem:s1+$0x10];
	v3 =	vmax.f32 v3, $0.0e+00  }
0x2a1: {  	v19 =	vld [tilespmem:s23+$0xFFFFFF00];
	[tilespmem:s22+$0xFFFFFF10] =	vst v3;
	v3 =	vadd.f32 v5, v7  }
0x2a2: {  	v2 =	vadd.f32 v6, v2;
	v6 =	vld [tilespmem:s7+$0x10]  }
0x2a3: {  	v20 =	vld [tilespmem:s25+$0xFFFFFF00];
	v3 =	vadd.f32 v10, v3  }
0x2a4: {  	v22 =	vld [tilespmem:s24+$0x40];
	v2 =	vadd.f32 v4, v2  }
0x2a5: {  	v23 =	vld [tilespmem:s25+$0xFFFFFF80];
	v7 =	vadd.f32 v9, v8;
	v3 =	vmax.f32 v3, $0.0e+00  }
0x2a6: {  	v4 =	vld [tilespmem:s22+$0xFFFFFFE0];
	v2 =	vmax.f32 v2, $0.0e+00;
	[tilespmem:s22+$0xFFFFFF90] =	vst v3  }
0x2a7: {  	[tilespmem:s22+$0xA0] =	vst v2;
	v2 =	vadd.f32 v6, v7;
	v7 =	vld [tilespmem:s1+$0xFFFFFFA0]  }
0x2a8: {  	v24 =	vld [tilespmem:s25+$0x0]  }
0x2a9: {  	v10 =	vld [tilespmem:s7+$0xFFFFFFA0]  }
0x2aa: {  	v48 =	vld [tilespmem:s24+$0xFFFFFF50]  }
0x2ab: {  	v49 =	vld [tilespmem:s24+$0xFFFFFFD0]  }
0x2ac: {  	v51 =	vld [tilespmem:s24+$0xFFFFFF60];
	v4 =	vadd.f32 v4, v7  }
0x2ad: {  	v7 =	vld [tilespmem:s23+$0x80]  }
0x2ae: {  	v4 =	vadd.f32 v10, v4;
	v10 =	vld [tilespmem:s24+$0xC0]  }
0x2af: {  	v52 =	vld [tilespmem:s24+$0xE0]  }
0x2b0: {  	v58 =	vld [tilespmem:s24+$0x60]  }
0x2b1: {  	v11 =	vld [tilespmem:s22+$0xFFFFFF60]  }
0x2b2: {  	v5 =	vld [tilespmem:s1+$0xFFFFFF20]  }
0x2b3: {  	v8 =	vld [tilespmem:s7+$0xFFFFFF20];
	v7 =	vadd.f32 v10, v7  }
0x2b4: {  	v9 =	vld [tilespmem:s22+$0x60]  }
0x2b5: {  	v6 =	vld [tilespmem:s22+$0xF0];
	v4 =	vmax.f32 v4, $0.0e+00;
	v7 =	vadd.f32 v15, v7  }
0x2b6: {  	[tilespmem:s22+$0xFFFFFFA0] =	vst v4;
	v4 =	vld [tilespmem:s24+$0xFFFFFF40]  }
0x2b7: {  	v3 =	vld [tilespmem:s1+$0xB0];
	v7 =	vmax.f32 v7, $0.0e+00  }
0x2b8: {  	[tilespmem:s24+$0x80] =	vst v7;
	v7 =	vld [tilespmem:s24+$0xD0]  }
0x2b9: {  	v21 =	vld [tilespmem:s23+$0x90]  }
0x2ba: {  	v5 =	vadd.f32 v11, v5;
	v10 =	vld [tilespmem:s23+$0xFFFFFF80]  }
0x2bb: {  	v2 =	vmax.f32 v2, $0.0e+00;
	v4 =	vadd.f32 v4, v19;
	v47 =	vld [tilespmem:s25+$0x90]  }
0x2bc: {  	[tilespmem:s22+$0x10] =	vst v2;
	v2 =	vld [tilespmem:s7+$0xB0];
	v5 =	vadd.f32 v8, v5  }
0x2bd: {  	v8 =	vld [tilespmem:s1+$0x20];
	v15 =	vadd.f32 v22, v46;
	v4 =	vadd.f32 v20, v4  }
0x2be: {  	v11 =	vld [tilespmem:s7+$0x20];
	v5 =	vmax.f32 v5, $0.0e+00;
	v7 =	vadd.f32 v7, v21  }
0x2bf: {  	[tilespmem:s22+$0xFFFFFF20] =	vst v5;
	v5 =	vld [tilespmem:s22+$0xFFFFFF70];
	v15 =	vadd.f32 v24, v15;
	v4 =	vmax.f32 v4, $0.0e+00  }
0x2c0: {  	v12 =	vld [tilespmem:s1+$0xFFFFFF30];
	v10 =	vadd.f32 v18, v10;
	[tilespmem:s24+$0xFFFFFF00] =	vst v4;
	v7 =	vadd.f32 v47, v7  }
0x2c1: {  	v15 =	vmax.f32 v15, $0.0e+00;
	v50 =	vld [tilespmem:s23+$0xFFFFFF10]  }
0x2c2: {  	v10 =	vadd.f32 v23, v10;
	[tilespmem:s24+$0x0] =	vst v15;
	v4 =	vld [tilespmem:s24+$0x50];
	v7 =	vmax.f32 v7, $0.0e+00  }
0x2c3: {  	[tilespmem:s24+$0x90] =	vst v7;
	v7 =	vld [tilespmem:s25+$0xFFFFFF10]  }
0x2c4: {  	v55 =	vld [tilespmem:s23+$0x10];
	v10 =	vmax.f32 v10, $0.0e+00  }
0x2c5: {  	v3 =	vadd.f32 v6, v3;
	v56 =	vld [tilespmem:s25+$0x10];
	[tilespmem:s24+$0xFFFFFF80] =	vst v10  }
0x2c6: {  	v53 =	vld [tilespmem:s23+$0xFFFFFF90];
	v18 =	vadd.f32 v48, v50  }
0x2c7: {  	v2 =	vadd.f32 v2, v3;
	v10 =	vld [tilespmem:s23+$0xA0]  }
0x2c8: {  	v8 =	vadd.f32 v9, v8;
	v9 =	vld [tilespmem:s25+$0xFFFFFF90];
	v7 =	vadd.f32 v7, v18  }
0x2c9: {  	v2 =	vmax.f32 v2, $0.0e+00;
	v54 =	vld [tilespmem:s25+$0xA0]  }
0x2ca: {  	v16 =	vld [tilespmem:s7+$0xFFFFFF30];
	v8 =	vadd.f32 v11, v8;
	[tilespmem:s22+$0xB0] =	vst v2;
	v4 =	vadd.f32 v4, v55;
	v7 =	vmax.f32 v7, $0.0e+00  }
0x2cb: {  	v2 =	vld [tilespmem:s24+$0x70];
	v11 =	vadd.f32 v49, v53;
	[tilespmem:s24+$0xFFFFFF10] =	vst v7  }
0x2cc: {  	v8 =	vmax.f32 v8, $0.0e+00;
	v4 =	vadd.f32 v56, v4;
	v10 =	vadd.f32 v52, v10;
	v57 =	vld [tilespmem:s23+$0xFFFFFF20]  }
0x2cd: {  	v17 =	vld [tilespmem:s1+$0xFFFFFFB0];
	[tilespmem:s22+$0x20] =	vst v8;
	v8 =	vadd.f32 v9, v11  }
0x2ce: {  	v4 =	vmax.f32 v4, $0.0e+00;
	v10 =	vadd.f32 v54, v10;
	v9 =	vld [tilespmem:s25+$0xFFFFFF20]  }
0x2cf: {  	v11 =	vld [tilespmem:s24+$0xF0];
	[tilespmem:s24+$0x10] =	vst v4;
	v8 =	vmax.f32 v8, $0.0e+00  }
0x2d0: {  	v61 =	vld [tilespmem:s23+$0x20];
	[tilespmem:s24+$0xFFFFFF90] =	vst v8;
	v10 =	vmax.f32 v10, $0.0e+00  }
0x2d1: {  	v60 =	vld [tilespmem:s23+$0xFFFFFFA0];
	[tilespmem:s24+$0xA0] =	vst v10;
	v59 =	vadd.f32 v51, v57  }
0x2d2: {  	v8 =	vld [tilespmem:s23+$0xB0]  }
0x2d3: {  	v7 =	vld [tilespmem:s24+$0xFFFFFFE0];
	v9 =	vadd.f32 v9, v59  }
0x2d4: {  	v4 =	vld [tilespmem:s25+$0xB0]  }
0x2d5: {  	v6 =	vld [tilespmem:s25+$0xFFFFFFA0];
	v9 =	vmax.f32 v9, $0.0e+00  }
0x2d6: {  	v5 =	vadd.f32 v5, v12;
	[tilespmem:s24+$0xFFFFFF20] =	vst v9;
	v9 =	vld [tilespmem:s25+$0x20]  }
0x2d7: {  	v10 =	vld [tilespmem:s1+$0x30];
	v3 =	vadd.f32 v11, v8  }
0x2d8: {  	v5 =	vadd.f32 v16, v5;
	v7 =	vadd.f32 v7, v60;
	v11 =	vld [tilespmem:s24+$0xFFFFFF70]  }
0x2d9: {  	v8 =	vadd.f32 v58, v61;
	v3 =	vadd.f32 v4, v3;
	v62 =	vld [tilespmem:s23+$0xFFFFFF30]  }
0x2da: {  	v5 =	vmax.f32 v5, $0.0e+00;
	v7 =	vadd.f32 v6, v7;
	v4 =	vld [tilespmem:s24+$0xFFFFFFF0]  }
0x2db: {  	[tilespmem:s22+$0xFFFFFF30] =	vst v5;
	v6 =	vld [tilespmem:s25+$0xFFFFFF30];
	v3 =	vmax.f32 v3, $0.0e+00;
	v5 =	vadd.f32 v9, v8  }
0x2dc: {  	[tilespmem:s24+$0xB0] =	vst v3;
	v8 =	vmax.f32 v7, $0.0e+00;
	v7 =	vld [tilespmem:s7+$0xFFFFFFB0]  }
0x2dd: {  	s13 =	simm.s32 $0x4;
	v3 =	vadd.f32 v13, v17;
	[tilespmem:s24+$0xFFFFFFA0] =	vst v8;
	v8 =	vld [tilespmem:s7+$0x30];
	v63 =	vmax.f32 v5, $0.0e+00  }
0x2de: {  	s26 =	simm.s32 $0x600;
	s21 =	simm.s32 $0x2400;
	s7 =	simm.s32 $0x4400;
	v5 =	vadd.f32 v14, v10;
	v10 =	vadd.f32 v11, v62;
	v9 =	vld [tilespmem:s23+$0xFFFFFFB0];
	[tilespmem:s24+$0x20] =	vst v63  }
.LBB2_15:
0x2df: {  	v11 =	vld [tilespmem:s26+$0x80];
	s24 =	sadd.s32 $0x200, s24  }
0x2e0: {  	s13 =	sadd.s32 $0x4, s13;
	v12 =	vld [tilespmem:s24+$0xC0];
	v6 =	vadd.f32 v6, v10  }
0x2e1: {  	s25 =	sadd.s32 $0x200, s25;
	p2 =	slt.u32 s13, $0x3C;
	v10 =	vld [tilespmem:s24+$0xFFFFFF40];
	v7 =	vadd.f32 v7, v3  }
0x2e2: {  	v13 =	vld [tilespmem:s25+$0x80];
	v3 =	vmax.f32 v6, $0.0e+00;
	v5 =	vadd.f32 v8, v5  }
0x2e3: {  	v6 =	vld [tilespmem:s26+$0xFFFFFF80];
	[tilespmem:s7+$0xFFFFFF30] =	vst v3;
	v3 =	vadd.f32 v4, v9;
	v4 =	vmax.f32 v7, $0.0e+00  }
0x2e4: {  	v7 =	vld [tilespmem:s24+$0xFFFFFFC0];
	[tilespmem:s22+$0xFFFFFFB0] =	vst v4;
	v4 =	vmax.f32 v5, $0.0e+00  }
0x2e5: {  	v5 =	vld [tilespmem:s26+$0x0];
	v8 =	vadd.f32 v12, v11;
	[tilespmem:s22+$0x30] =	vst v4;
	s22 =	smov.u32 s7;
	s7 =	smov.u32 s24  }
0x2e6: {  	v4 =	vld [tilespmem:s24+$0x40]  }
0x2e7: {  	v9 =	vld [tilespmem:s26+$0xFFFFFF00];
	v8 =	vadd.f32 v13, v8  }
0x2e8: {  	v11 =	vld [tilespmem:s25+$0xFFFFFF00]  }
0x2e9: {  	v6 =	vadd.f32 v7, v6;
	v7 =	vld [tilespmem:s25+$0xFFFFFF80];
	v8 =	vmax.f32 v8, $0.0e+00  }
0x2ea: {  	[tilespmem:s24+$0x80] =	vst v8;
	v8 =	vld [tilespmem:s24+$0xD0]  }
0x2eb: {  	v4 =	vadd.f32 v4, v5;
	v5 =	vld [tilespmem:s26+$0x90]  }
0x2ec: {  	v9 =	vadd.f32 v10, v9;
	v10 =	vld [tilespmem:s25+$0x0]  }
0x2ed: {  	v12 =	vld [tilespmem:s25+$0x90]  }
0x2ee: {  	v9 =	vadd.f32 v11, v9;
	v11 =	vld [tilespmem:s24+$0xFFFFFF50];
	v6 =	vadd.f32 v7, v6  }
0x2ef: {  	v7 =	vld [tilespmem:s24+$0xFFFFFFD0]  }
0x2f0: {  	v9 =	vmax.f32 v9, $0.0e+00;
	v6 =	vmax.f32 v6, $0.0e+00;
	v13 =	vld [tilespmem:s24+$0x50];
	v5 =	vadd.f32 v8, v5  }
0x2f1: {  	[tilespmem:s24+$0xFFFFFF00] =	vst v9;
	v8 =	vld [tilespmem:s24+$0xFFFFFF60];
	v4 =	vadd.f32 v10, v4  }
0x2f2: {  	v9 =	vld [tilespmem:s26+$0xFFFFFF10];
	[tilespmem:s24+$0xFFFFFF80] =	vst v6;
	v5 =	vadd.f32 v12, v5  }
0x2f3: {  	v6 =	vld [tilespmem:s26+$0xFFFFFF90];
	v4 =	vmax.f32 v4, $0.0e+00  }
0x2f4: {  	v10 =	vld [tilespmem:s25+$0xFFFFFF10];
	[tilespmem:s24+$0x0] =	vst v4;
	v4 =	vmax.f32 v5, $0.0e+00  }
0x2f5: {  	[tilespmem:s24+$0x90] =	vst v4;
	v4 =	vld [tilespmem:s24+$0xE0]  }
0x2f6: {  	v5 =	vld [tilespmem:s26+$0xA0]  }
0x2f7: {  	v9 =	vadd.f32 v11, v9;
	v11 =	vld [tilespmem:s26+$0x10]  }
0x2f8: {  	v6 =	vadd.f32 v7, v6;
	v7 =	vld [tilespmem:s25+$0xA0]  }
0x2f9: {  	v9 =	vadd.f32 v10, v9;
	v10 =	vld [tilespmem:s25+$0xFFFFFF90]  }
0x2fa: {  	v12 =	vld [tilespmem:s25+$0x10]  }
0x2fb: {  	v9 =	vmax.f32 v9, $0.0e+00;
	v14 =	vld [tilespmem:s24+$0xFFFFFFE0];
	v4 =	vadd.f32 v4, v5  }
0x2fc: {  	[tilespmem:s24+$0xFFFFFF10] =	vst v9;
	v5 =	vadd.f32 v13, v11;
	v9 =	vld [tilespmem:s24+$0x60]  }
0x2fd: {  	v11 =	vld [tilespmem:s26+$0xFFFFFF20];
	v4 =	vadd.f32 v7, v4  }
0x2fe: {  	v7 =	vld [tilespmem:s25+$0xFFFFFF20];
	v6 =	vadd.f32 v10, v6  }
0x2ff: {  	v5 =	vadd.f32 v12, v5;
	v4 =	vmax.f32 v4, $0.0e+00;
	v10 =	vld [tilespmem:s23+$0x30];
	s23 =	smov.u32 s26  }
0x300: {  	v6 =	vmax.f32 v6, $0.0e+00;
	[tilespmem:s24+$0xA0] =	vst v4;
	v4 =	vld [tilespmem:s24+$0xF0]  }
0x301: {  	[tilespmem:s24+$0xFFFFFF90] =	vst v6;
	v5 =	vmax.f32 v5, $0.0e+00;
	v6 =	vld [tilespmem:s26+$0xB0]  }
0x302: {  	v8 =	vadd.f32 v8, v11;
	v11 =	vld [tilespmem:s26+$0xFFFFFFA0];
	[tilespmem:s24+$0x10] =	vst v5  }
0x303: {  	v12 =	vld [tilespmem:s25+$0xB0]  }
0x304: {  	v7 =	vadd.f32 v7, v8;
	v8 =	vld [tilespmem:s26+$0x20];
	v5 =	vadd.f32 v2, v10  }
0x305: {  	v2 =	vld [tilespmem:s25+$0xFFFFFFA0]  }
0x306: {  	v7 =	vmax.f32 v7, $0.0e+00;
	v10 =	vld [tilespmem:s25+$0x20];
	v4 =	vadd.f32 v4, v6  }
0x307: {  	[tilespmem:s24+$0xFFFFFF20] =	vst v7;
	v13 =	vld [tilespmem:s24+$0xFFFFFF70];
	v6 =	vadd.f32 v14, v11  }
0x308: {  	v11 =	vld [tilespmem:s26+$0xFFFFFF30];
	v7 =	vadd.f32 v12, v4  }
0x309: {  	v4 =	vld [tilespmem:s24+$0xFFFFFFF0];
	v8 =	vadd.f32 v9, v8  }
.Ltmp9:
0x30a: {  	v9 =	vadd.f32 v2, v6;
	v2 =	vld [tilespmem:s24+$0x70];
	v7 =	vmax.f32 v7, $0.0e+00;
	(pc) =	sbr.rel @p2 .LBB2_15-.Ltmp9, $4  }
0x30b: {  	s1 =	simm.s32 $0x4340;
	v6 =	vld [tilespmem:s25+$0xFFFFFF30];
	v8 =	vadd.f32 v10, v8;
	[tilespmem:s24+$0xB0] =	vst v7  }
0x30c: {  	v9 =	vmax.f32 v9, $0.0e+00;
	v7 =	vld [tilespmem:s21+$0xFFFFFFB0]  }
0x30d: {  	v10 =	vadd.f32 v13, v11;
	[tilespmem:s24+$0xFFFFFFA0] =	vst v9;
	v11 =	vmax.f32 v8, $0.0e+00;
	v8 =	vld [tilespmem:s21+$0x30];
	s21 =	smov.u32 s25  }
0x30e: {  	s26 =	sadd.s32 $0x200, s26;
	v9 =	vld [tilespmem:s23+$0xFFFFFFB0];
	[tilespmem:s24+$0x20] =	vst v11  }
0x30f: {  	v11 =	vld [tilespmem:s23+$0x30]  }
0x310: {  	v12 =	vld [tilespmem:s21+$0xFFFFFFB0]  }
0x311: {  	v13 =	vld [tilespmem:s21+$0x30]  }
0x312: {  	v6 =	vadd.f32 v6, v10  }
0x313: {  	v3 =	vadd.f32 v7, v3;
	v4 =	vadd.f32 v4, v9  }
0x314: {  	v6 =	vmax.f32 v6, $0.0e+00;
	v5 =	vadd.f32 v8, v5;
	v2 =	vadd.f32 v2, v11  }
0x315: {  	[tilespmem:s7+$0xFFFFFF30] =	vst v6;
	v3 =	vmax.f32 v3, $0.0e+00;
	v4 =	vadd.f32 v12, v4  }
0x316: {  	[tilespmem:s22+$0xFFFFFFB0] =	vst v3;
	v3 =	vmax.f32 v5, $0.0e+00;
	v2 =	vadd.f32 v13, v2  }
0x317: {  	[tilespmem:s22+$0x30] =	vst v3;
	v3 =	vmax.f32 v4, $0.0e+00  }
0x318: {  	[tilespmem:s7+$0xFFFFFFB0] =	vst v3;
	v2 =	vmax.f32 v2, $0.0e+00  }
0x319: {  	[tilespmem:s7+$0x30] =	vst v2  }
0x31a: {  	[tilespmem:s1+$0xFFFFFE00] =	vst v1  }
0x31b: {  	[tilespmem:s1+$0x180] =	vst v1  }
0x31c: {  	[tilespmem:s1+$0x100] =	vst v1  }
0x31d: {  	[tilespmem:s1+$0x80] =	vst v1  }
0x31e: {  	[tilespmem:s1+$0x0] =	vst v1  }
0x31f: {  	[tilespmem:s1+$0xFFFFFF80] =	vst v1  }
0x320: {  	s4 =	simm.s32 $0x0;
	[tilespmem:s1+$0xFFFFFF00] =	vst v1  }
.LBB2_17:
0x321: {  	s4 =	sadd.s32 $0x8, s4;
	[tilespmem:s1+$0xFFFFFE80] =	vst v1;
	s1 =	sadd.s32 $0x400, s1  }
0x322: {  	[tilespmem:s1+$0xFFFFFE00] =	vst v1;
	p2 =	slt.u32 s4, $0x38  }
0x323: {  	[tilespmem:s1+$0x180] =	vst v1  }
.Ltmp10:
0x324: {  	[tilespmem:s1+$0x100] =	vst v1;
	(pc) =	sbr.rel @p2 .LBB2_17-.Ltmp10, $4  }
0x325: {  	[tilespmem:s1+$0x80] =	vst v1  }
0x326: {  	[tilespmem:s1+$0x0] =	vst v1  }
0x327: {  	[tilespmem:s1+$0xFFFFFF80] =	vst v1  }
0x328: {  	[tilespmem:s1+$0xFFFFFF00] =	vst v1  }
.Ltmp11:
0x329: {  	[tilespmem:s1+$0xFFFFFE80] =	vst v1;
	(pc) =	sbr.rel .LBB2_19-.Ltmp11, $4  }
0x32a: {  	[spmem:s14] =	stream.indirect.scatter.add.f32 [tilespmem:s9], [sflag:$0x5], $0x80, s11, s0, $0xb8;
	[tilespmem:$0x1FA80] =	vst v63  }
0x32b: {  	_ =	swait.ge [sflag:s10], $0x2000  }
0x32c: {  	[sflag:s10] =	ssyncset.done $0x0  }
0x32d: {  	s30 =	sld [smem:$0x7FD];
	[sflag:s10] =	ssyncadd.s32 $0xFFFFE000  }
.LBB2_20:
0x32e: {  	_ =	sfence.sel $0x180000  }
0x32f: {  	[bflag:$0x0] =	sbarrier.arrive $0xFFFF  }
0x330: {  	_ =	strace $0x90000047  }
0x331: {  	s0 =	stileid.u32;
	[bflag:$0x2] =	sbarrier.arrive $0xFFFF  }
0x332: {  	p0 =	sne.s32 s0, $0x0;
	s0 =	rddreg [dreg:$0x3]  }
0x333: {  	s0 =	sadd.s32 @!p0 $0x100000, s0  }
0x334: {  	[sflag:s0] =	ssyncadd.tile.s32 @!p0 $0x1;
	_ =	shalt  }
.Lfunc_end2:
_tile_overlayer_lowered:
.L_overlay_start_2:
0x335: {  	(tag) =	ssettag $0x2  }
0x336: {  	s0 =	rddreg [dreg:$0x0];
	s2 =	stileid.u32  }
0x337: {  	s1 =	rddreg [dreg:$0x1];
	p0 =	sne.s32 s2, $0x0  }
0x338: {  	s3 =	rddreg [dreg:$0x2];
	[bflag:$0x3] =	sbarrier.arrive $0xFFFF;
	s2 =	simm.s32 @!p0 $0x1C05  }
0x339: {  	[timem:s3], [sflag:s2] =	dma.local @!p0 [hbm:s0], s1  }
0x33a: {  	s0 =	simm.s32 @!p0 $0x5  }
0x33b: {  	_ =	swait.ge @!p0 [sflag:s0], s1  }
0x33c: {  	s1 =	ssub.s32 @!p0 $0x0, s1;
	[sflag:s0] =	ssyncset.done @!p0 $0x0  }
0x33d: {  	[sflag:s0] =	ssyncadd.s32 @!p0 s1  }
0x33e: {  	[bflag:$0x3] =	sbarrier.arrive $0xFFFF  }
0x33f: {  	_ =	shalt  }

// kernel: sparse-core-data-format-call.cloned.1.call-start
scs
called_computation_lowered:
.L_overlay_start_0:
0x0: {  	s2 =	sld [smem:$0x3FD9]  }
0x1: {  	s3 =	sld [smem:$0x3FFE];
	_ =	sdelay $0x1  }
0x2: {  	s1 =	srdreg.scid  }
0x3: {  	s0 =	sand.u32 $0x1, s1  }
0x4: {  	s18 =	sshll.u32 s0, $0xA;
	s2 =	sadd.s32 s3, s2  }
0x5: {  	s2 =	sadd.s32 s2, s18  }
0x6: {  	[smem:$0x3FB0] =	sst s2  }
0x7: {  	_ = 	snop  }
0x8: {  	s2 =	sld [smem:$0x3FD0];
	(tm) =	ssettm $0x1  }
0x9: {  	s19 =	sld [smem:$0x3FFB];
	_ =	sdelay $0x3  }
0xa: {  	_ =	strace s19  }
0xb: {  	s3 =	sld [smem:$0x3FFC];
	_ =	sdelay $0x3  }
0xc: {  	_ =	strace s3  }
0xd: {  	s3 =	sld [smem:$0x3FFD];
	_ =	sdelay $0x3  }
0xe: {  	_ =	strace s3  }
0xf: {  	_ =	strace $0x8FFFFFFF  }
0x10: {  	s20 =	sld [smem:$0x3FDB];
	_ =	sdelay $0x1  }
0x11: {  	s4 =	simm.s32 $_scs_section_size  }
0x12: {  	s5 =	simm.s32 $_size__tile_overlayer_lowered;
	s6 =	simm.s32 $_tile_overlayer_lowered  }
0x13: {  	s23 =	simm.s32 $0x1BFF;
	s22 =	sshll.u32 s6, $0x1;
	s3 =	sadd.s32 s4, s20  }
0x14: {  	s7 =	simm.s32 $0x0;
	s21 =	sshll.u32 s5, $0x1;
	s5 =	sadd.s32 s22, s3  }
0x15: {  	[timem:s7], [sflag:s23] =	dma.local [hbm:s5], s21  }
0x16: {  	_ =	swait.ge [sflag:s23], s21  }
0x17: {  	s4 =	ssub.s32 $0x0, s21;
	[sflag:s23] =	ssyncset.done $0x0  }
0x18: {  	[sflag:s23] =	ssyncadd.s32 s4;
	_ =	sdelay $0x1  }
0x19: {  	s24 =	simm.s32 $0x1B8B  }
0x1a: {  	_ =	swait.ge [sflag:s24], $0x1  }
0x1b: {  	[sflag:s24] =	ssyncset.done $0x0  }
0x1c: {  	s26 =	simm.s32 $0x1B8E;
	s25 =	sld [smem:$0x3FFE];
	[sflag:s24] =	ssyncadd.s32 $0xFFFFFFFF  }
0x1d: {  	s27 =	simm.s32 $execute0_lowered;
	[smem:$0x3FD2] =	sst s26  }
0x1e: {  	s5 =	sshll.u32 s27, $0x1;
	_ =	strace $0x8000004C;
	[dreg:$0x1] =	wrdreg $0xFFFFFFFF  }
0x1f: {  	s28 =	simm.s32 $_size_execute0_lowered;
	s3 =	sadd.s32 s3, s5;
	[dreg:$0x0] =	wrdreg $0x0  }
0x20: {  	s5 =	sshll.u32 s28, $0x1;
	[dreg:$0x2] =	wrdreg s3  }
0x21: {  	[dreg:$0x3] =	wrdreg s5  }
0x22: {  	[dreg:$0x4] =	wrdreg $0xC0  }
0x23: {  	_ =	task [dreg:s7], $0x5FFFF  }
0x24: {  	[dreg:$0x1] =	wrdreg $0xFFFFFFFF  }
0x25: {  	[dreg:$0x0] =	wrdreg $0x60  }
0x26: {  	[dreg:$0x2] =	wrdreg s25  }
0x27: {  	[dreg:$0x3] =	wrdreg s2  }
0x28: {  	[dreg:$0x4] =	wrdreg $0x9  }
0x29: {  	_ =	task.clear_ibuf [dreg:s7], $0x5FFFF;
	_ =	strace $0x9000004C  }
0x2a: {  	s29 =	simm.s32 $0x9;
	_ =	strace $0x8000004E  }
0x2b: {  	_ =	swait.ge [sflag:s29], $0x1  }
0x2c: {  	[sflag:s29] =	ssyncadd.s32 $0xFFFFFFFF  }
0x2d: {  	_ =	strace $0x9000004E  }
0x2e: {  	_ =	sfence  }
0x2f: {  	s30 =	sld [smem:$0x0];
	_ =	sdelay $0x2  }
0x30: {  	s31 =	sshll.u32 s1, $0xD;
	s1 =	sshrl.u32 s1, $0x2  }
0x31: {  	s3 =	sand.u32 $0x4000, s31;
	s1 =	sadd.s32 s1, s30  }
0x32: {  	s0 =	sor.u32 s3, s0;
	s1 =	sshll.u32 s1, $0x11  }
0x33: {  	s0 =	sor.u32 s1, s0  }
0x34: {  	s0 =	sadd.s32 $0x8F2B, s0  }
0x35: {  	[sflag:s0] =	ssyncadd.remote.s32 $0x1  }
0x36: {  	_ =	sfence.sel $0xFFFF  }
0x37: {  	[dreg:$0x0] =	wrdreg $0xFFFFFFFF;
	(pc) =	sbr.abs _section_cstart, $3  }
0x38: {  	[dreg:$0x1] =	wrdreg $0xFFFFFFFF  }
0x39: {  	_ =	task.clear_ibuf [dreg:s7], $0x2FFFF;
	_ =	strace $0x9FFFFFFF  }
0x3a: {  	(tm) =	ssettm $0x7FFFFFFF  }
0x3b: {  	_ =	shalt  }
tec
execute0_lowered:
.L_overlay_start_1:
0x0: {  	(tag) =	ssettag $0x1  }
0x1: {  	s0 =	srdreg.scid  }
0x2: {  	s5 =	rddreg [dreg:$0x0];
	s1 =	sshll.u32 s0, $0x4  }
0x3: {  	s2 =	rddreg [dreg:$0x1];
	s0 =	stileid.u32;
	s1 =	sand.u32 $0x10, s1  }
0x4: {  	s4 =	simm.s32 $0x1;
	s8 =	simm.s32 $0x2;
	s1 =	sor.u32 s0, s1  }
0x5: {  	s12 =	simm.s32 $0x0;
	s9 =	simm.s32 $0x0;
	s3 =	sshll.u32 s1, $0x7  }
0x6: {  	s11 =	simm.s32 $0x0;
	s5 =	sadd.s32 $0x17800, s5;
	s6 =	ssub.s32 $0x4E200, s3  }
.Ltmp0:
0x7: {  	s1 =	rddreg [dreg:$0x2];
	s7 =	sand.u32 $0xF80, s6;
	(pc) =	sbr.rel .LBB1_1-.Ltmp0, $4  }
0x8: {  	_ =	strace $0x8000004D;
	p0 =	sne.s32 s7, $0x0;
	s7 =	simm.s32 $0x1  }
0x9: {  	[sflag:s4] =	ssyncpa.u1 $0x0;
	s6 =	sshrl.u32 s6, $0xC;
	s7 =	simm.s32 @!p0 $0x0  }
0xa: {  	s10 =	smov.u32 s3;
	[sflag:s8] =	ssyncpa.u1 $0x0;
	s6 =	sadd.s32 s7, s6  }
0xb: {  	s8 =	simm.s32 $0x271000;
	p0 =	por $0x0, $0x0;
	s7 =	sadd.s32 $0x1, s6  }
.LBB1_4:
0xc: {  	s15 =	sshll.u32 s9, $0x3  }
0xd: {  	s16 =	sand.u32 $0x7F, s9;
	s15 =	sand.u32 $0xFFFFFC00, s15  }
0xe: {  	s16 =	sor.u32 s16, s15;
	s15 =	smulhi.u32 $0xD1B71759, s15;
	_ =	sdelay $0x1  }
0xf: {  	s17 =	smulhi.u32 $0xD1B71759, s16;
	s15 =	sshrl.u32 s15, $0x12  }
0x10: {  	p1 =	sgt.s32 s9, $0x4E180;
	s19 =	smov.u32 s9;
	s18 =	smul.u32 $0x4925, s15  }
0x11: {  	s20 =	sshra.s32 s9, $0x1F;
	s19 =	simm.s32 @!p1 $0x4E180;
	s17 =	sshrl.u32 s17, $0x12  }
0x12: {  	s20 =	sand.u32 s20, s9;
	s17 =	smul.u32 $0x4E200, s17;
	s18 =	sshrl.u32 s18, $0x14  }
0x13: {  	s27 =	ssub.s32 s19, s20;
	s18 =	smul.u32 $0x38, s18  }
0x14: {  	s28 =	sadd.s32 $0xFFFB1E80, s27  }
0x15: {  	s16 =	ssub.s32 s16, s17;
	s17 =	ssub.s32 $0x4E200, s27;
	s15 =	ssub.s32 s15, s18  }
0x16: {  	p1 =	sgt.s32 s28, $0x7F;
	s17 =	smul.u32 $0xE0, s17;
	s15 =	sand.u32 $0xFFFF, s15  }
0x17: {  	[tilespmem:s14+$0x810 ss:$0x81] =	vst.msk $0xffff, v2;
	s29 =	sshrl.u32 s16, $0x3;
	s16 =	sand.u32 $0x7, s16;
	s15 =	smul.u32 $0x9C40, s15  }
0x18: {  	[tilespmem:s14+$0x1020 ss:$0x81] =	vst.msk $0xffff, v0;
	s18 =	sadd.s32 s2, s29;
	s16 =	sshll.u32 s16, $0x12;
	s17 =	sshrl.u32 s17, $0x2  }
0x19: {  	[tilespmem:s14+$0x0 ss:$0x81] =	vst.msk $0xffff, v1;
	s31 =	sor.u32 $0x400, s16;
	s17 =	simm.s32 @p1 $0x0;
	s30 =	sadd.s32 s15, s18  }
0x1a: {  	[hbm4b:s30+s31] =	stream.strided.scatter [tilespmem:s13], [sflag:$0x2], s17, s8, s31, $0x20;
	[tilespmem:$0x8080] =	vst v63  }
.LBB1_5:
0x1b: {  	p1 =	slt.u32 s11, $0x2  }
0x1c: {  	p2 =	sgt.s32 @!p1 s12, $0x4E180  }
0x1d: {  	s13 =	smov.u32 s12;
	s14 =	sshra.s32 @!p1 s12, $0x1F;
	p2 =	por !p2, p1  }
0x1e: {  	s12 =	sand.u32 @!p1 s14, s12;
	s13 =	simm.s32 @p2 $0x4E180  }
0x1f: {  	s12 =	ssub.s32 @!p1 s13, s12  }
0x20: {  	s13 =	ssub.s32 @!p1 $0x4E200, s12  }
0x21: {  	s12 =	sadd.s32 @!p1 $0xFFFB1E80, s12;
	s13 =	smul.u32 @!p1 $0xE0, s13  }
0x22: {  	p2 =	sgt.s32 @!p1 s12, $0x7F  }
0x23: {  	s14 =	sadd.s32 $0x1000, s10;
	p2 =	por !p2, p1;
	s12 =	sshrl.u32 @!p1 s13, $0x2  }
0x24: {  	s12 =	simm.s32 @!p2 $0x0;
	p2 =	sgt.s32 s14, $0x4E1FF  }
0x25: {  	s14 =	smov.u32 @p2 s3;
	p2 =	sne.s32 s11, s7  }
.Ltmp1:
0x26: {  	_ = 	snop;
	(pc) =	sbr.rel @!p2 .LBB1_6-.Ltmp1, $4  }
0x27: {  	s13 =	simm.s32 @!p1 $0x2  }
0x28: {  	p0 =	por !p0, !p0;
	_ =	swait.ge @!p1 [sflag:s13], s12;
	s15 =	ssub.s32 @!p1 $0x0, s12  }
0x29: {  	s12 =	smov.u32 s9;
	s11 =	sadd.s32 $0x1, s11;
	[sflag:s13] =	ssyncset.done @!p1 $0x0  }
0x2a: {  	s9 =	smov.u32 s10;
	s10 =	smov.u32 s14;
	[sflag:s13] =	ssyncadd.s32 @!p1 s15  }
.LBB1_1:
0x2b: {  	p1 =	sge.u32 s11, s6  }
0x2c: {  	s13 =	sand.u32 @!p1 $0x1FFFFFF, s10  }
0x2d: {  	s14 =	smulhi.u32 @!p1 $0x1A36E2F, s13;
	_ =	sdelay $0x1  }
0x2e: {  	s14 =	sshrl.u32 @!p1 s14, $0xB  }
0x2f: {  	s14 =	smul.u32 @!p1 $0x4E200, s14;
	_ =	sdelay $0x1  }
0x30: {  	s31 =	sadd.s32 $0xFFFFFFFF, s11;
	s15 =	sxor.u32 @!p1 $0xFFFFFFFF, s11;
	s13 =	ssub.s32 @!p1 s13, s14  }
0x31: {  	s16 =	simm.s32 @!p1 $0x80;
	s15 =	sshll.u32 @!p1 s15, $0xD;
	s13 =	sshll.u32 @!p1 s13, $0x4  }
0x32: {  	s14 =	sand.u32 @!p1 $0x2000, s15;
	s15 =	simm.s32 @!p1 $0x40;
	s13 =	sadd.s32 @!p1 s5, s13  }
0x33: {  	[tilespmem:s14], [sflag:$0x1] =	stream.strided.gather @!p1 [hbm4b:s13+s15], $0x2000, s16, s15, $0x38;
	[tilespmem:$0x8080] =	vst v63  }
0x34: {  	p1 =	sge.u32 s31, s6  }
.Ltmp2:
0x35: {  	_ = 	snop;
	(pc) =	sbr.rel @p1 .LBB1_5-.Ltmp2, $1  }
0x36: {  	_ =	sdelay $0x3  }
0x37: {  	s13 =	simm.s32 $0x1  }
0x38: {  	_ =	swait.ge [sflag:s4], $0x2000;
	s13 =	simm.s32 @!p0 $0x0  }
0x39: {  	[sflag:s4] =	ssyncset.done $0x0;
	s14 =	sshll.u32 s13, $0xD  }
0x3a: {  	[sflag:s4] =	ssyncadd.s32 $0xFFFFE000;
	s17 =	sor.u32 $0x20, s14  }
0x3b: {  	s13 =	smul.u32 $0x8100, s13;
	v3 =	vld [tilespmem:s17+$0x10]  }
0x3c: {  	s30 =	sand.u32 $0x1, s11;
	v2 =	vld [tilespmem:s17+$0xFFFFFFF0]  }
0x3d: {  	s14 =	smul.u32 $0x8100, s30;
	s13 =	sshrl.u32 s13, $0x2;
	v0 =	vld [tilespmem:s17+$0x0]  }
0x3e: {  	v1 =	vld [tilespmem:s17+$0xFFFFFFE0];
	s15 =	sor.u32 $0x4000, s13  }
0x3f: {  	s31 =	sshrl.u32 s14, $0x2;
	s14 =	sadd.s32 $0x0, s15  }
0x40: {  	s16 =	simm.s32 $0x4;
	s17 =	sadd.s32 $0x40, s17;
	s13 =	sor.u32 $0x4000, s31;
	[tilespmem:s14+$0x1830 ss:$0x81] =	vst.msk $0xffff, v3  }
.LBB1_3:
0x41: {  	v3 =	vld [tilespmem:s17+$0x10];
	p1 =	sne.s32 s16, $0x1FC;
	[tilespmem:s14+$0x810 ss:$0x81] =	vst.msk $0xffff, v2;
	s18 =	smov.u32 s16;
	s16 =	sadd.s32 $0x4, s16  }
.Ltmp3:
0x42: {  	v2 =	vld [tilespmem:s17+$0xFFFFFFF0];
	[tilespmem:s14+$0x1020 ss:$0x81] =	vst.msk $0xffff, v0;
	(pc) =	sbr.rel @p1 .LBB1_3-.Ltmp3, $4  }
0x43: {  	v0 =	vld [tilespmem:s17+$0x0];
	[tilespmem:s14+$0x0 ss:$0x81] =	vst.msk $0xffff, v1  }
0x44: {  	s14 =	sshra.s32 s18, $0x2;
	v1 =	vld [tilespmem:s17+$0xFFFFFFE0]  }
0x45: {  	s14 =	sadd.s32 s14, s15  }
0x46: {  	s17 =	sadd.s32 $0x40, s17;
	[tilespmem:s14+$0x1830 ss:$0x81] =	vst.msk $0xffff, v3  }
.Ltmp4:
0x47: {  	_ = 	snop;
	(pc) =	sbr.rel .LBB1_4-.Ltmp4, $1  }
0x48: {  	_ =	sdelay $0x3  }
.LBB1_6:
0x49: {  	_ =	sfence.sel $0x180000  }
0x4a: {  	s2 =	simm.s32 $0x1;
	[bflag:$0x0] =	sbarrier.arrive $0xFFFF  }
0x4b: {  	s31 =	simm.s32 $0x2;
	[sflag:s2] =	ssyncpa.u1 $0x1  }
0x4c: {  	[sflag:s31] =	ssyncpa.u1 $0x1  }
0x4d: {  	p0 =	sne.s32 s0, $0x0;
	_ =	strace $0x9000004D  }
0x4e: {  	s0 =	sadd.s32 @!p0 $0x100000, s1;
	[bflag:$0x2] =	sbarrier.arrive $0xFFFF  }
0x4f: {  	[sflag:s0] =	ssyncadd.tile.s32 @!p0 $0x1;
	_ =	shalt  }
.Lfunc_end1:
_tile_overlayer_lowered:
.L_overlay_start_2:
0x50: {  	(tag) =	ssettag $0x2  }
0x51: {  	s0 =	rddreg [dreg:$0x0];
	s2 =	stileid.u32  }
0x52: {  	s1 =	rddreg [dreg:$0x1];
	p0 =	sne.s32 s2, $0x0  }
0x53: {  	s3 =	rddreg [dreg:$0x2];
	[bflag:$0x3] =	sbarrier.arrive $0xFFFF;
	s2 =	simm.s32 @!p0 $0x1C01  }
0x54: {  	[timem:s3], [sflag:s2] =	dma.local @!p0 [hbm:s0], s1  }
0x55: {  	s0 =	simm.s32 @!p0 $0x1  }
0x56: {  	_ =	swait.ge @!p0 [sflag:s0], s1  }
0x57: {  	s1 =	ssub.s32 @!p0 $0x0, s1;
	[sflag:s0] =	ssyncset.done @!p0 $0x0  }
0x58: {  	[sflag:s0] =	ssyncadd.s32 @!p0 s1  }
0x59: {  	[bflag:$0x3] =	sbarrier.arrive $0xFFFF  }
0x5a: {  	_ =	shalt  }

</sc_bundles>
